<compile_context>
chip_gen: v7x
topology: tpu7x:2x2x1
jax: 0.10.2.dev20260603
libtpu: 0.0.44.dev20260713+nightly
codegen_flags: <defaults>
</compile_context>

<pallas_src>
import functools

import jax
import jax.numpy as jnp
from jax import lax
from jax.experimental import pallas as pl
from jax.experimental.pallas import tpu as pltpu
from jax.experimental.pallas import tpu_sc as plsc

N = 10000
E = 320000
D = 128
H = 128
C = 2

NC = 2
NS = 16
NW = NC * NS

_MESH = dict(core_axis_name="c", subcore_axis_name="s", num_cores=NC,
             num_subcores=NS)

ROWS_PER_TILE = 640
LAST_ROWS = N - 15 * ROWS_PER_TILE


CB = 128
NCHUNK = E // CB
ITERS = (NCHUNK + NW - 1) // NW


def _edge_agg_kernel(dw: int, tc_tiling: bool = True, sb: int = 1):

  nstep = E // (CB * sb)
  iters = (nstep + NW - 1) // NW

  @functools.partial(
      pl.kernel,
      out_type=jax.ShapeDtypeStruct((NC, N, dw), jnp.float32),
      mesh=plsc.VectorSubcoreMesh(**_MESH),
      compiler_params=pltpu.CompilerParams(use_tc_tiling_on_sc=tc_tiling),
      scratch_types=[
          pltpu.VMEM((4, sb, CB), jnp.int32),
          pltpu.VMEM((4, sb, CB), jnp.int32),
          pltpu.VMEM((2, sb, CB, dw), jnp.float32),
          pltpu.VMEM_SHARED((N, dw), jnp.float32),
          pltpu.SemaphoreType.DMA((4,)),
          pltpu.SemaphoreType.DMA((2,)),
          pltpu.SemaphoreType.DMA((2,)),
      ],
  )
  def agg(h_hbm, edge_hbm, out_hbm, src_v, dst_v, rows_v,
          acc_sh, isem, gsem, ssem):
    c = lax.axis_index("c")
    s = lax.axis_index("s")
    wid = s * NC + c
    row0 = s * ROWS_PER_TILE

    def chunk_ix(i):
      return wid + i * NW

    def valid(i):
      return chunk_ix(i) < nstep

    def issue_idx(i):
      slot = lax.rem(i, 4)
      for j in range(sb):
        base = (chunk_ix(i) * sb + j) * CB
        pltpu.async_copy(edge_hbm.at[0, pl.ds(base, CB)],
                         src_v.at[slot, j], isem.at[slot])
        pltpu.async_copy(edge_hbm.at[1, pl.ds(base, CB)],
                         dst_v.at[slot, j], isem.at[slot])

    def wait_idx(i):
      slot = lax.rem(i, 4)
      for j in range(sb):
        pltpu.make_async_copy(edge_hbm.at[0, pl.ds(0, CB)],
                              src_v.at[slot, j], isem.at[slot]).wait()
        pltpu.make_async_copy(edge_hbm.at[1, pl.ds(0, CB)],
                              dst_v.at[slot, j], isem.at[slot]).wait()

    def issue_gather(i):
      slot = lax.rem(i, 4)
      p = lax.rem(i, 2)
      for j in range(sb):
        pltpu.async_copy(h_hbm.at[src_v.at[slot, j]], rows_v.at[p, j],
                         gsem.at[p])

    def wait_gather(i):
      slot = lax.rem(i, 4)
      p = lax.rem(i, 2)
      for j in range(sb):
        pltpu.make_async_copy(h_hbm.at[src_v.at[slot, j]], rows_v.at[p, j],
                              gsem.at[p]).wait()

    def issue_scatter(i):
      slot = lax.rem(i, 4)
      p = lax.rem(i, 2)
      for j in range(sb):
        pltpu.async_copy(rows_v.at[p, j], acc_sh.at[dst_v.at[slot, j]],
                         ssem.at[p], add=True)

    def wait_scatter(i):
      slot = lax.rem(i, 4)
      p = lax.rem(i, 2)
      for j in range(sb):
        pltpu.make_async_copy(rows_v.at[p, j], acc_sh.at[dst_v.at[slot, j]],
                              ssem.at[p]).wait()

    @pl.when(valid(0))
    def _():
      issue_idx(0)

    @pl.when(valid(1))
    def _():
      issue_idx(1)

    def zrow(r, carry):
      for j in range(dw // 16):
        rows_v[0, 0, r, pl.ds(j * 16, 16)] = jnp.zeros((16,), jnp.float32)
      return carry

    lax.fori_loop(0, CB, zrow, 0)

    @pl.when(s < NS - 1)
    def _():
      for k in range(ROWS_PER_TILE // CB):
        pltpu.sync_copy(rows_v.at[0, 0],
                        acc_sh.at[pl.ds(row0 + k * CB, CB)])

    @pl.when(s == NS - 1)
    def _():
      for k in range(LAST_ROWS // CB):
        pltpu.sync_copy(rows_v.at[0, 0],
                        acc_sh.at[pl.ds(row0 + k * CB, CB)])
      rem = LAST_ROWS % CB
      if rem:
        pltpu.sync_copy(rows_v.at[0, 0, pl.ds(0, rem)],
                        acc_sh.at[pl.ds(row0 + (LAST_ROWS // CB) * CB, rem)])

    plsc.subcore_barrier()

    def body(i, carry):
      @pl.when((i >= 2) & valid(i - 2))
      def _():
        wait_scatter(i - 2)

      @pl.when(valid(i + 2))
      def _():
        issue_idx(i + 2)

      @pl.when(valid(i))
      def _():
        wait_idx(i)
        issue_gather(i)

      @pl.when((i >= 1) & valid(i - 1))
      def _():
        wait_gather(i - 1)
        issue_scatter(i - 1)

      return carry

    lax.fori_loop(0, iters + 1, body, 0)

    @pl.when(valid(iters - 1))
    def _():
      wait_scatter(iters - 1)

    plsc.subcore_barrier()

    @pl.when(s < NS - 1)
    def _():
      pltpu.sync_copy(acc_sh.at[pl.ds(row0, ROWS_PER_TILE)],
                      out_hbm.at[c, pl.ds(row0, ROWS_PER_TILE)])

    @pl.when(s == NS - 1)
    def _():
      pltpu.sync_copy(acc_sh.at[pl.ds(row0, LAST_ROWS)],
                      out_hbm.at[c, pl.ds(row0, LAST_ROWS)])

  return agg


_agg128 = _edge_agg_kernel(128)
_agg16 = _edge_agg_kernel(16, tc_tiling=False, sb=2)


@functools.partial(
    pl.kernel,
    out_type=jax.ShapeDtypeStruct((NC, 2, N), jnp.float32),
    mesh=plsc.VectorSubcoreMesh(**_MESH),
    scratch_types=[
        pltpu.VMEM((4, CB), jnp.int32),
        pltpu.VMEM((4, CB), jnp.int32),
        pltpu.VMEM((CB,), jnp.float32),
        pltpu.VMEM((CB,), jnp.float32),
        pltpu.VMEM_SHARED((N,), jnp.float32),
        pltpu.VMEM_SHARED((N,), jnp.float32),
        pltpu.SemaphoreType.DMA((4,)),
        pltpu.SemaphoreType.DMA((2,)),
    ],
)
def _deg_kernel(edge_hbm, out_hbm, src_v, dst_v, ones_v, zero_v,
                dego_sh, degi_sh, isem, ssem):
  c = lax.axis_index("c")
  s = lax.axis_index("s")
  wid = s * NC + c
  for j in range(CB // 16):
    ones_v[pl.ds(j * 16, 16)] = jnp.ones((16,), jnp.float32)
    zero_v[pl.ds(j * 16, 16)] = jnp.zeros((16,), jnp.float32)

  def chunk_ix(i):
    return wid + i * NW

  def valid(i):
    return chunk_ix(i) < NCHUNK

  def issue_idx(i):
    slot = lax.rem(i, 4)
    base = chunk_ix(i) * CB
    pltpu.async_copy(edge_hbm.at[0, pl.ds(base, CB)], src_v.at[slot],
                     isem.at[slot])
    pltpu.async_copy(edge_hbm.at[1, pl.ds(base, CB)], dst_v.at[slot],
                     isem.at[slot])

  def wait_idx(i):
    slot = lax.rem(i, 4)
    pltpu.make_async_copy(edge_hbm.at[0, pl.ds(0, CB)], src_v.at[slot],
                          isem.at[slot]).wait()
    pltpu.make_async_copy(edge_hbm.at[1, pl.ds(0, CB)], dst_v.at[slot],
                          isem.at[slot]).wait()

  def issue_scatter(i):
    slot = lax.rem(i, 4)
    p = lax.rem(i, 2)
    pltpu.async_copy(ones_v, dego_sh.at[src_v.at[slot]], ssem.at[p],
                     add=True)
    pltpu.async_copy(ones_v, degi_sh.at[dst_v.at[slot]], ssem.at[p],
                     add=True)

  def wait_scatter(i):
    slot = lax.rem(i, 4)
    p = lax.rem(i, 2)
    pltpu.make_async_copy(ones_v, dego_sh.at[src_v.at[slot]],
                          ssem.at[p]).wait()
    pltpu.make_async_copy(ones_v, degi_sh.at[dst_v.at[slot]],
                          ssem.at[p]).wait()

  @pl.when(s < NS - 1)
  def _():
    for k in range(ROWS_PER_TILE // CB):
      pltpu.sync_copy(zero_v, dego_sh.at[pl.ds(s * ROWS_PER_TILE + k * CB, CB)])
      pltpu.sync_copy(zero_v, degi_sh.at[pl.ds(s * ROWS_PER_TILE + k * CB, CB)])

  @pl.when(s == NS - 1)
  def _():
    base0 = (NS - 1) * ROWS_PER_TILE
    for k in range(LAST_ROWS // CB):
      pltpu.sync_copy(zero_v, dego_sh.at[pl.ds(base0 + k * CB, CB)])
      pltpu.sync_copy(zero_v, degi_sh.at[pl.ds(base0 + k * CB, CB)])
    rem = LAST_ROWS % CB
    if rem:
      pltpu.sync_copy(zero_v.at[pl.ds(0, rem)],
                      dego_sh.at[pl.ds(base0 + (LAST_ROWS // CB) * CB, rem)])
      pltpu.sync_copy(zero_v.at[pl.ds(0, rem)],
                      degi_sh.at[pl.ds(base0 + (LAST_ROWS // CB) * CB, rem)])

  plsc.subcore_barrier()

  @pl.when(valid(0))
  def _():
    issue_idx(0)

  @pl.when(valid(1))
  def _():
    issue_idx(1)

  def body(i, carry):
    @pl.when((i >= 2) & valid(i - 2))
    def _():
      wait_scatter(i - 2)

    @pl.when(valid(i + 2))
    def _():
      issue_idx(i + 2)

    @pl.when(valid(i))
    def _():
      wait_idx(i)
      issue_scatter(i)

    return carry

  lax.fori_loop(0, ITERS, body, 0)

  @pl.when(valid(ITERS - 2))
  def _():
    wait_scatter(ITERS - 2)

  @pl.when(valid(ITERS - 1))
  def _():
    wait_scatter(ITERS - 1)

  plsc.subcore_barrier()

  @pl.when(s == 0)
  def _():
    pltpu.sync_copy(dego_sh, out_hbm.at[c, 0])
    pltpu.sync_copy(degi_sh, out_hbm.at[c, 1])


def _tc1_body(x_ref, degp_ref, w1_ref, h1_ref, norms_ref):
  dp = degp_ref[...]
  deg_out = dp[:, 0:1] + dp[:, 2:3]
  deg_in = dp[:, 1:2] + dp[:, 3:4]
  ns = lax.rsqrt(jnp.maximum(deg_out, 1.0))
  nd = lax.rsqrt(jnp.maximum(deg_in, 1.0))
  h1_ref[...] = jnp.dot(x_ref[...] * ns, w1_ref[...],
                        preferred_element_type=jnp.float32)
  norms_ref[...] = jnp.concatenate([ns, nd], axis=1)


def _tc2_body(aggp_ref, norms_ref, b1_ref, w2_ref, h2_ref):
  nrm = norms_ref[...]
  o1 = jnp.maximum((aggp_ref[0] + aggp_ref[1]) * nrm[:, 1:2] + b1_ref[...],
                   0.0)
  h2_ref[...] = jnp.dot(o1 * nrm[:, 0:1], w2_ref[...],
                        preferred_element_type=jnp.float32)


def _tc3_body(qp_ref, norms_ref, b2_ref, out_ref):
  nrm = norms_ref[...]
  q = (qp_ref[0] + qp_ref[1]) * nrm[:, 1:2]
  out_ref[...] = q[:, 0:C] + b2_ref[...]


@jax.jit
def kernel(x, edge_index, W1, b1, W2, b2):
  degp = _deg_kernel(edge_index)
  degp4 = degp.reshape(NC * 2, N).transpose(1, 0)

  h1, norms = pl.pallas_call(
      _tc1_body,
      out_shape=[
          jax.ShapeDtypeStruct((N, H), jnp.float32),
          jax.ShapeDtypeStruct((N, 2), jnp.float32),
      ],
  )(x, degp4, W1)

  aggp = _agg128(h1, edge_index)

  w2p = jnp.pad(W2, ((0, 0), (0, 16 - C)))
  h2 = pl.pallas_call(
      _tc2_body,
      out_shape=jax.ShapeDtypeStruct((N, 16), jnp.float32),
  )(aggp, norms, b1.reshape(1, H), w2p)

  qp = _agg16(h2, edge_index)

  out = pl.pallas_call(
      _tc3_body,
      out_shape=jax.ShapeDtypeStruct((N, C), jnp.float32),
  )(qp, norms, b2.reshape(1, C))
  return out

# --- scband reference (transcript-rebuilt; emitter-appended) ---
"""Pipeline reference for scband-gcn-46952582480547 (READ-ONLY COPY).

The authoritative reference and input builder live on the scoring server;
editing this copy changes nothing except your own understanding.
"""

import jax, jax.numpy as jnp
import numpy as np

N = 10000
E = 320000
D = 128
H = 128
C = 2


def setup_inputs(seed: int = 0) -> dict:
    key = jax.random.key(seed)
    k1, k2, k3, k4 = jax.random.split(key, 4)
    x = jax.random.normal(k1, (N, D), dtype=jnp.float32)
    edge_index = jax.random.randint(k2, (2, E), 0, N, dtype=jnp.int32)
    W1 = jax.random.normal(k3, (D, H), dtype=jnp.float32) * (1.0 / np.sqrt(D))
    b1 = jnp.zeros((H,), dtype=jnp.float32)
    W2 = jax.random.normal(k4, (H, C), dtype=jnp.float32) * (1.0 / np.sqrt(H))
    b2 = jnp.zeros((C,), dtype=jnp.float32)
    return {"x": x, "edge_index": edge_index, "W1": W1, "b1": b1, "W2": W2, "b2": b2}


def _graph_conv(x, src, dst, W, b):
    # DGL GraphConv with norm='both': D_src^{-1/2} A D_dst^{-1/2}, degrees clamped to min 1
    n = x.shape[0]
    ones = jnp.ones((src.shape[0],), dtype=x.dtype)
    deg_out = jnp.zeros((n,), dtype=x.dtype).at[src].add(ones)
    deg_in = jnp.zeros((n,), dtype=x.dtype).at[dst].add(ones)
    norm_src = jnp.power(jnp.clip(deg_out, 1.0, None), -0.5)
    norm_dst = jnp.power(jnp.clip(deg_in, 1.0, None), -0.5)
    h = x * norm_src[:, None]
    h = h @ W  # mult W first (in_feats >= out_feats path); math equivalent either way
    msg = jnp.take(h, src, axis=0)
    agg = jnp.zeros((n, h.shape[1]), dtype=x.dtype).at[dst].add(msg)
    agg = agg * norm_dst[:, None]
    return agg + b


def reference(x, edge_index, W1, b1, W2, b2):
    src = edge_index[0]
    dst = edge_index[1]
    h = _graph_conv(x, src, dst, W1, b1)
    h = jax.nn.relu(h)
    h = _graph_conv(h, src, dst, W2, b2)
    return h

if __name__ == "__main__":
    import jax
    _d = setup_inputs()
    print(jax.jit(kernel)(*tuple(_d.values())))

</pallas_src>

<mosaic_0001>
#map = affine_map<(d0, d1) -> (0, 0)>
#map1 = affine_map<(d0, d1) -> (0, 0, 0)>
module attributes {stable_mosaic.version = 14 : i64} {
  func.func @_deg_kernel(%arg0: i32, %arg1: i32, %arg2: memref<2x320000xi32, #tpu.memory_space<hbm>>, %arg3: memref<2x2x10000xf32, #tpu.memory_space<hbm>>, %arg4: memref<4x128xi32, #tpu.memory_space<vmem>>, %arg5: memref<4x128xi32, #tpu.memory_space<vmem>>, %arg6: memref<128xf32, #tpu.memory_space<vmem>>, %arg7: memref<128xf32, #tpu.memory_space<vmem>>, %arg8: memref<10000xf32, #tpu.memory_space<vmem_shared>>, %arg9: memref<10000xf32, #tpu.memory_space<vmem_shared>>, %arg10: memref<4x!tpu.dma_semaphore, #tpu.memory_space<semaphore_mem>>, %arg11: memref<2x!tpu.dma_semaphore, #tpu.memory_space<semaphore_mem>>) attributes {dimension_semantics = [#tpu.dimension_semantics<core_parallel>, #tpu.dimension_semantics<subcore_parallel>], iteration_bounds = array<i64: 2, 16>, scalar_prefetch = 0 : i64, scratch_operands = 8 : i64, tpu.core_type = #tpu.core_type<sc_vector_subcore>, window_params = [{transform_indices = #map}, {transform_indices = #map1}]} {
    %mul3A = arith.constant 2 : i32
    %mul3A_0 = arith.muli %arg1, %mul3A : i32
    %add3A = arith.addi %mul3A_0, %arg0 : i32
    %broadcast_in_dim3A = arith.constant 1.000000e+00 : f32
    %broadcast_in_dim3A_1 = vector.broadcast %broadcast_in_dim3A : f32 to vector<16xf32>
    %swap3A = arith.constant 0 : index
    %swap3A_2 = tpu.vector_load %arg6[%swap3A] {strides = array<i32>} : memref<128xf32, #tpu.memory_space<vmem>>, vector<16xf32>,
    %swap3A_3 = vector.shape_cast %swap3A_2 : vector<16xf32> to vector<16xf32>
    %swap3A_4 = vector.shape_cast %broadcast_in_dim3A_1 : vector<16xf32> to vector<16xf32>
    tpu.vector_store %arg6[%swap3A], %swap3A_4 {strides = array<i32>} : memref<128xf32, #tpu.memory_space<vmem>>, vector<16xf32>,
    %broadcast_in_dim3A_5 = arith.constant 0.000000e+00 : f32
    %broadcast_in_dim3A_6 = vector.broadcast %broadcast_in_dim3A_5 : f32 to vector<16xf32>
    %swap3A_7 = arith.constant 0 : index
    %swap3A_8 = tpu.vector_load %arg7[%swap3A_7] {strides = array<i32>} : memref<128xf32, #tpu.memory_space<vmem>>, vector<16xf32>,
    %swap3A_9 = vector.shape_cast %swap3A_8 : vector<16xf32> to vector<16xf32>
    %swap3A_10 = vector.shape_cast %broadcast_in_dim3A_6 : vector<16xf32> to vector<16xf32>
    tpu.vector_store %arg7[%swap3A_7], %swap3A_10 {strides = array<i32>} : memref<128xf32, #tpu.memory_space<vmem>>, vector<16xf32>,
    %broadcast_in_dim3A_11 = arith.constant 1.000000e+00 : f32
    %broadcast_in_dim3A_12 = vector.broadcast %broadcast_in_dim3A_11 : f32 to vector<16xf32>
    %swap3A_13 = arith.constant 16 : index
    %swap3A_14 = tpu.vector_load %arg6[%swap3A_13] {strides = array<i32>} : memref<128xf32, #tpu.memory_space<vmem>>, vector<16xf32>,
    %swap3A_15 = vector.shape_cast %swap3A_14 : vector<16xf32> to vector<16xf32>
    %swap3A_16 = vector.shape_cast %broadcast_in_dim3A_12 : vector<16xf32> to vector<16xf32>
    tpu.vector_store %arg6[%swap3A_13], %swap3A_16 {strides = array<i32>} : memref<128xf32, #tpu.memory_space<vmem>>, vector<16xf32>,
    %broadcast_in_dim3A_17 = arith.constant 0.000000e+00 : f32
    %broadcast_in_dim3A_18 = vector.broadcast %broadcast_in_dim3A_17 : f32 to vector<16xf32>
    %swap3A_19 = arith.constant 16 : index
    %swap3A_20 = tpu.vector_load %arg7[%swap3A_19] {strides = array<i32>} : memref<128xf32, #tpu.memory_space<vmem>>, vector<16xf32>,
    %swap3A_21 = vector.shape_cast %swap3A_20 : vector<16xf32> to vector<16xf32>
    %swap3A_22 = vector.shape_cast %broadcast_in_dim3A_18 : vector<16xf32> to vector<16xf32>
    tpu.vector_store %arg7[%swap3A_19], %swap3A_22 {strides = array<i32>} : memref<128xf32, #tpu.memory_space<vmem>>, vector<16xf32>,
    %broadcast_in_dim3A_23 = arith.constant 1.000000e+00 : f32
    %broadcast_in_dim3A_24 = vector.broadcast %broadcast_in_dim3A_23 : f32 to vector<16xf32>
    %swap3A_25 = arith.constant 32 : index
    %swap3A_26 = tpu.vector_load %arg6[%swap3A_25] {strides = array<i32>} : memref<128xf32, #tpu.memory_space<vmem>>, vector<16xf32>,
    %swap3A_27 = vector.shape_cast %swap3A_26 : vector<16xf32> to vector<16xf32>
    %swap3A_28 = vector.shape_cast %broadcast_in_dim3A_24 : vector<16xf32> to vector<16xf32>
    tpu.vector_store %arg6[%swap3A_25], %swap3A_28 {strides = array<i32>} : memref<128xf32, #tpu.memory_space<vmem>>, vector<16xf32>,
    %broadcast_in_dim3A_29 = arith.constant 0.000000e+00 : f32
    %broadcast_in_dim3A_30 = vector.broadcast %broadcast_in_dim3A_29 : f32 to vector<16xf32>
    %swap3A_31 = arith.constant 32 : index
    %swap3A_32 = tpu.vector_load %arg7[%swap3A_31] {strides = array<i32>} : memref<128xf32, #tpu.memory_space<vmem>>, vector<16xf32>,
    %swap3A_33 = vector.shape_cast %swap3A_32 : vector<16xf32> to vector<16xf32>
    %swap3A_34 = vector.shape_cast %broadcast_in_dim3A_30 : vector<16xf32> to vector<16xf32>
    tpu.vector_store %arg7[%swap3A_31], %swap3A_34 {strides = array<i32>} : memref<128xf32, #tpu.memory_space<vmem>>, vector<16xf32>,
    %broadcast_in_dim3A_35 = arith.constant 1.000000e+00 : f32
    %broadcast_in_dim3A_36 = vector.broadcast %broadcast_in_dim3A_35 : f32 to vector<16xf32>
    %swap3A_37 = arith.constant 48 : index
    %swap3A_38 = tpu.vector_load %arg6[%swap3A_37] {strides = array<i32>} : memref<128xf32, #tpu.memory_space<vmem>>, vector<16xf32>,
    %swap3A_39 = vector.shape_cast %swap3A_38 : vector<16xf32> to vector<16xf32>
    %swap3A_40 = vector.shape_cast %broadcast_in_dim3A_36 : vector<16xf32> to vector<16xf32>
    tpu.vector_store %arg6[%swap3A_37], %swap3A_40 {strides = array<i32>} : memref<128xf32, #tpu.memory_space<vmem>>, vector<16xf32>,
    %broadcast_in_dim3A_41 = arith.constant 0.000000e+00 : f32
    %broadcast_in_dim3A_42 = vector.broadcast %broadcast_in_dim3A_41 : f32 to vector<16xf32>
    %swap3A_43 = arith.constant 48 : index
    %swap3A_44 = tpu.vector_load %arg7[%swap3A_43] {strides = array<i32>} : memref<128xf32, #tpu.memory_space<vmem>>, vector<16xf32>,
    %swap3A_45 = vector.shape_cast %swap3A_44 : vector<16xf32> to vector<16xf32>
    %swap3A_46 = vector.shape_cast %broadcast_in_dim3A_42 : vector<16xf32> to vector<16xf32>
    tpu.vector_store %arg7[%swap3A_43], %swap3A_46 {strides = array<i32>} : memref<128xf32, #tpu.memory_space<vmem>>, vector<16xf32>,
    %broadcast_in_dim3A_47 = arith.constant 1.000000e+00 : f32
    %broadcast_in_dim3A_48 = vector.broadcast %broadcast_in_dim3A_47 : f32 to vector<16xf32>
    %swap3A_49 = arith.constant 64 : index
    %swap3A_50 = tpu.vector_load %arg6[%swap3A_49] {strides = array<i32>} : memref<128xf32, #tpu.memory_space<vmem>>, vector<16xf32>,
    %swap3A_51 = vector.shape_cast %swap3A_50 : vector<16xf32> to vector<16xf32>
    %swap3A_52 = vector.shape_cast %broadcast_in_dim3A_48 : vector<16xf32> to vector<16xf32>
    tpu.vector_store %arg6[%swap3A_49], %swap3A_52 {strides = array<i32>} : memref<128xf32, #tpu.memory_space<vmem>>, vector<16xf32>,
    %broadcast_in_dim3A_53 = arith.constant 0.000000e+00 : f32
    %broadcast_in_dim3A_54 = vector.broadcast %broadcast_in_dim3A_53 : f32 to vector<16xf32>
    %swap3A_55 = arith.constant 64 : index
    %swap3A_56 = tpu.vector_load %arg7[%swap3A_55] {strides = array<i32>} : memref<128xf32, #tpu.memory_space<vmem>>, vector<16xf32>,
    %swap3A_57 = vector.shape_cast %swap3A_56 : vector<16xf32> to vector<16xf32>
    %swap3A_58 = vector.shape_cast %broadcast_in_dim3A_54 : vector<16xf32> to vector<16xf32>
    tpu.vector_store %arg7[%swap3A_55], %swap3A_58 {strides = array<i32>} : memref<128xf32, #tpu.memory_space<vmem>>, vector<16xf32>,
    %broadcast_in_dim3A_59 = arith.constant 1.000000e+00 : f32
    %broadcast_in_dim3A_60 = vector.broadcast %broadcast_in_dim3A_59 : f32 to vector<16xf32>
    %swap3A_61 = arith.constant 80 : index
    %swap3A_62 = tpu.vector_load %arg6[%swap3A_61] {strides = array<i32>} : memref<128xf32, #tpu.memory_space<vmem>>, vector<16xf32>,
    %swap3A_63 = vector.shape_cast %swap3A_62 : vector<16xf32> to vector<16xf32>
    %swap3A_64 = vector.shape_cast %broadcast_in_dim3A_60 : vector<16xf32> to vector<16xf32>
    tpu.vector_store %arg6[%swap3A_61], %swap3A_64 {strides = array<i32>} : memref<128xf32, #tpu.memory_space<vmem>>, vector<16xf32>,
    %broadcast_in_dim3A_65 = arith.constant 0.000000e+00 : f32
    %broadcast_in_dim3A_66 = vector.broadcast %broadcast_in_dim3A_65 : f32 to vector<16xf32>
    %swap3A_67 = arith.constant 80 : index
    %swap3A_68 = tpu.vector_load %arg7[%swap3A_67] {strides = array<i32>} : memref<128xf32, #tpu.memory_space<vmem>>, vector<16xf32>,
    %swap3A_69 = vector.shape_cast %swap3A_68 : vector<16xf32> to vector<16xf32>
    %swap3A_70 = vector.shape_cast %broadcast_in_dim3A_66 : vector<16xf32> to vector<16xf32>
    tpu.vector_store %arg7[%swap3A_67], %swap3A_70 {strides = array<i32>} : memref<128xf32, #tpu.memory_space<vmem>>, vector<16xf32>,
    %broadcast_in_dim3A_71 = arith.constant 1.000000e+00 : f32
    %broadcast_in_dim3A_72 = vector.broadcast %broadcast_in_dim3A_71 : f32 to vector<16xf32>
    %swap3A_73 = arith.constant 96 : index
    %swap3A_74 = tpu.vector_load %arg6[%swap3A_73] {strides = array<i32>} : memref<128xf32, #tpu.memory_space<vmem>>, vector<16xf32>,
    %swap3A_75 = vector.shape_cast %swap3A_74 : vector<16xf32> to vector<16xf32>
    %swap3A_76 = vector.shape_cast %broadcast_in_dim3A_72 : vector<16xf32> to vector<16xf32>
    tpu.vector_store %arg6[%swap3A_73], %swap3A_76 {strides = array<i32>} : memref<128xf32, #tpu.memory_space<vmem>>, vector<16xf32>,
    %broadcast_in_dim3A_77 = arith.constant 0.000000e+00 : f32
    %broadcast_in_dim3A_78 = vector.broadcast %broadcast_in_dim3A_77 : f32 to vector<16xf32>
    %swap3A_79 = arith.constant 96 : index
    %swap3A_80 = tpu.vector_load %arg7[%swap3A_79] {strides = array<i32>} : memref<128xf32, #tpu.memory_space<vmem>>, vector<16xf32>,
    %swap3A_81 = vector.shape_cast %swap3A_80 : vector<16xf32> to vector<16xf32>
    %swap3A_82 = vector.shape_cast %broadcast_in_dim3A_78 : vector<16xf32> to vector<16xf32>
    tpu.vector_store %arg7[%swap3A_79], %swap3A_82 {strides = array<i32>} : memref<128xf32, #tpu.memory_space<vmem>>, vector<16xf32>,
    %broadcast_in_dim3A_83 = arith.constant 1.000000e+00 : f32
    %broadcast_in_dim3A_84 = vector.broadcast %broadcast_in_dim3A_83 : f32 to vector<16xf32>
    %swap3A_85 = arith.constant 112 : index
    %swap3A_86 = tpu.vector_load %arg6[%swap3A_85] {strides = array<i32>} : memref<128xf32, #tpu.memory_space<vmem>>, vector<16xf32>,
    %swap3A_87 = vector.shape_cast %swap3A_86 : vector<16xf32> to vector<16xf32>
    %swap3A_88 = vector.shape_cast %broadcast_in_dim3A_84 : vector<16xf32> to vector<16xf32>
    tpu.vector_store %arg6[%swap3A_85], %swap3A_88 {strides = array<i32>} : memref<128xf32, #tpu.memory_space<vmem>>, vector<16xf32>,
    %broadcast_in_dim3A_89 = arith.constant 0.000000e+00 : f32
    %broadcast_in_dim3A_90 = vector.broadcast %broadcast_in_dim3A_89 : f32 to vector<16xf32>
    %swap3A_91 = arith.constant 112 : index
    %swap3A_92 = tpu.vector_load %arg7[%swap3A_91] {strides = array<i32>} : memref<128xf32, #tpu.memory_space<vmem>>, vector<16xf32>,
    %swap3A_93 = vector.shape_cast %swap3A_92 : vector<16xf32> to vector<16xf32>
    %swap3A_94 = vector.shape_cast %broadcast_in_dim3A_90 : vector<16xf32> to vector<16xf32>
    tpu.vector_store %arg7[%swap3A_91], %swap3A_94 {strides = array<i32>} : memref<128xf32, #tpu.memory_space<vmem>>, vector<16xf32>,
    %lt3A = arith.constant 15 : i32
    %lt3A_95 = arith.cmpi slt, %arg1, %lt3A : i32
    %convert_element_type3A = arith.extui %lt3A_95 : i1 to i32
    %cond3A = arith.constant 0 : i32
    %cond3A_96 = arith.cmpi ne, %convert_element_type3A, %cond3A : i32
    scf.if %cond3A_96 {
      %mul3A_140 = arith.constant 640 : i32
      %mul3A_141 = arith.muli %arg1, %mul3A_140 : i32
      %add3A_142 = arith.constant 0 : i32
      %add3A_143 = arith.addi %mul3A_141, %add3A_142 : i32
      "tpu.region"() ({
        %run_scoped3A = tpu.sem_alloc : memref<!tpu.dma_semaphore, #tpu.memory_space<semaphore_mem>>
        %dma_start3A = tpu.memref_slice %arg8[%add3A_143] : memref<10000xf32, #tpu.memory_space<vmem_shared>> -> memref<128xf32, #tpu.memory_space<vmem_shared>>
        %dma_start3A_180 = tpu.memref_slice %arg8[%add3A_143] : memref<10000xf32, #tpu.memory_space<vmem_shared>> -> memref<128xf32, #tpu.memory_space<vmem_shared>>
        tpu.enqueue_dma source(%arg7 : memref<128xf32, #tpu.memory_space<vmem>>) target(%dma_start3A_180 : memref<128xf32, #tpu.memory_space<vmem_shared>>) target_semaphore(%run_scoped3A : memref<!tpu.dma_semaphore, #tpu.memory_space<semaphore_mem>>)
        %dma_wait3A = tpu.memref_slice %arg8[%add3A_143] : memref<10000xf32, #tpu.memory_space<vmem_shared>> -> memref<128xf32, #tpu.memory_space<vmem_shared>>
        %dma_wait3A_181 = tpu.memref_slice %arg8[%add3A_143] : memref<10000xf32, #tpu.memory_space<vmem_shared>> -> memref<128xf32, #tpu.memory_space<vmem_shared>>
        tpu.wait_dma2 semaphore(%run_scoped3A : memref<!tpu.dma_semaphore, #tpu.memory_space<semaphore_mem>>) src(%arg7 : memref<128xf32, #tpu.memory_space<vmem>>) dst(%dma_wait3A_181 : memref<128xf32, #tpu.memory_space<vmem_shared>>)
        tpu.yield
      }) : () -> ()
      %mul3A_144 = arith.constant 640 : i32
      %mul3A_145 = arith.muli %arg1, %mul3A_144 : i32
      %add3A_146 = arith.constant 0 : i32
      %add3A_147 = arith.addi %mul3A_145, %add3A_146 : i32
      "tpu.region"() ({
        %run_scoped3A = tpu.sem_alloc : memref<!tpu.dma_semaphore, #tpu.memory_space<semaphore_mem>>
        %dma_start3A = tpu.memref_slice %arg9[%add3A_147] : memref<10000xf32, #tpu.memory_space<vmem_shared>> -> memref<128xf32, #tpu.memory_space<vmem_shared>>
        %dma_start3A_180 = tpu.memref_slice %arg9[%add3A_147] : memref<10000xf32, #tpu.memory_space<vmem_shared>> -> memref<128xf32, #tpu.memory_space<vmem_shared>>
        tpu.enqueue_dma source(%arg7 : memref<128xf32, #tpu.memory_space<vmem>>) target(%dma_start3A_180 : memref<128xf32, #tpu.memory_space<vmem_shared>>) target_semaphore(%run_scoped3A : memref<!tpu.dma_semaphore, #tpu.memory_space<semaphore_mem>>)
        %dma_wait3A = tpu.memref_slice %arg9[%add3A_147] : memref<10000xf32, #tpu.memory_space<vmem_shared>> -> memref<128xf32, #tpu.memory_space<vmem_shared>>
        %dma_wait3A_181 = tpu.memref_slice %arg9[%add3A_147] : memref<10000xf32, #tpu.memory_space<vmem_shared>> -> memref<128xf32, #tpu.memory_space<vmem_shared>>
        tpu.wait_dma2 semaphore(%run_scoped3A : memref<!tpu.dma_semaphore, #tpu.memory_space<semaphore_mem>>) src(%arg7 : memref<128xf32, #tpu.memory_space<vmem>>) dst(%dma_wait3A_181 : memref<128xf32, #tpu.memory_space<vmem_shared>>)
        tpu.yield
      }) : () -> ()
      %mul3A_148 = arith.constant 640 : i32
      %mul3A_149 = arith.muli %arg1, %mul3A_148 : i32
      %add3A_150 = arith.constant 128 : i32
      %add3A_151 = arith.addi %mul3A_149, %add3A_150 : i32
      "tpu.region"() ({
        %run_scoped3A = tpu.sem_alloc : memref<!tpu.dma_semaphore, #tpu.memory_space<semaphore_mem>>
        %dma_start3A = tpu.memref_slice %arg8[%add3A_151] : memref<10000xf32, #tpu.memory_space<vmem_shared>> -> memref<128xf32, #tpu.memory_space<vmem_shared>>
        %dma_start3A_180 = tpu.memref_slice %arg8[%add3A_151] : memref<10000xf32, #tpu.memory_space<vmem_shared>> -> memref<128xf32, #tpu.memory_space<vmem_shared>>
        tpu.enqueue_dma source(%arg7 : memref<128xf32, #tpu.memory_space<vmem>>) target(%dma_start3A_180 : memref<128xf32, #tpu.memory_space<vmem_shared>>) target_semaphore(%run_scoped3A : memref<!tpu.dma_semaphore, #tpu.memory_space<semaphore_mem>>)
        %dma_wait3A = tpu.memref_slice %arg8[%add3A_151] : memref<10000xf32, #tpu.memory_space<vmem_shared>> -> memref<128xf32, #tpu.memory_space<vmem_shared>>
        %dma_wait3A_181 = tpu.memref_slice %arg8[%add3A_151] : memref<10000xf32, #tpu.memory_space<vmem_shared>> -> memref<128xf32, #tpu.memory_space<vmem_shared>>
        tpu.wait_dma2 semaphore(%run_scoped3A : memref<!tpu.dma_semaphore, #tpu.memory_space<semaphore_mem>>) src(%arg7 : memref<128xf32, #tpu.memory_space<vmem>>) dst(%dma_wait3A_181 : memref<128xf32, #tpu.memory_space<vmem_shared>>)
        tpu.yield
      }) : () -> ()
      %mul3A_152 = arith.constant 640 : i32
      %mul3A_153 = arith.muli %arg1, %mul3A_152 : i32
      %add3A_154 = arith.constant 128 : i32
      %add3A_155 = arith.addi %mul3A_153, %add3A_154 : i32
      "tpu.region"() ({
        %run_scoped3A = tpu.sem_alloc : memref<!tpu.dma_semaphore, #tpu.memory_space<semaphore_mem>>
        %dma_start3A = tpu.memref_slice %arg9[%add3A_155] : memref<10000xf32, #tpu.memory_space<vmem_shared>> -> memref<128xf32, #tpu.memory_space<vmem_shared>>
        %dma_start3A_180 = tpu.memref_slice %arg9[%add3A_155] : memref<10000xf32, #tpu.memory_space<vmem_shared>> -> memref<128xf32, #tpu.memory_space<vmem_shared>>
        tpu.enqueue_dma source(%arg7 : memref<128xf32, #tpu.memory_space<vmem>>) target(%dma_start3A_180 : memref<128xf32, #tpu.memory_space<vmem_shared>>) target_semaphore(%run_scoped3A : memref<!tpu.dma_semaphore, #tpu.memory_space<semaphore_mem>>)
        %dma_wait3A = tpu.memref_slice %arg9[%add3A_155] : memref<10000xf32, #tpu.memory_space<vmem_shared>> -> memref<128xf32, #tpu.memory_space<vmem_shared>>
        %dma_wait3A_181 = tpu.memref_slice %arg9[%add3A_155] : memref<10000xf32, #tpu.memory_space<vmem_shared>> -> memref<128xf32, #tpu.memory_space<vmem_shared>>
        tpu.wait_dma2 semaphore(%run_scoped3A : memref<!tpu.dma_semaphore, #tpu.memory_space<semaphore_mem>>) src(%arg7 : memref<128xf32, #tpu.memory_space<vmem>>) dst(%dma_wait3A_181 : memref<128xf32, #tpu.memory_space<vmem_shared>>)
        tpu.yield
      }) : () -> ()
      %mul3A_156 = arith.constant 640 : i32
      %mul3A_157 = arith.muli %arg1, %mul3A_156 : i32
      %add3A_158 = arith.constant 256 : i32
      %add3A_159 = arith.addi %mul3A_157, %add3A_158 : i32
      "tpu.region"() ({
        %run_scoped3A = tpu.sem_alloc : memref<!tpu.dma_semaphore, #tpu.memory_space<semaphore_mem>>
        %dma_start3A = tpu.memref_slice %arg8[%add3A_159] : memref<10000xf32, #tpu.memory_space<vmem_shared>> -> memref<128xf32, #tpu.memory_space<vmem_shared>>
        %dma_start3A_180 = tpu.memref_slice %arg8[%add3A_159] : memref<10000xf32, #tpu.memory_space<vmem_shared>> -> memref<128xf32, #tpu.memory_space<vmem_shared>>
        tpu.enqueue_dma source(%arg7 : memref<128xf32, #tpu.memory_space<vmem>>) target(%dma_start3A_180 : memref<128xf32, #tpu.memory_space<vmem_shared>>) target_semaphore(%run_scoped3A : memref<!tpu.dma_semaphore, #tpu.memory_space<semaphore_mem>>)
        %dma_wait3A = tpu.memref_slice %arg8[%add3A_159] : memref<10000xf32, #tpu.memory_space<vmem_shared>> -> memref<128xf32, #tpu.memory_space<vmem_shared>>
        %dma_wait3A_181 = tpu.memref_slice %arg8[%add3A_159] : memref<10000xf32, #tpu.memory_space<vmem_shared>> -> memref<128xf32, #tpu.memory_space<vmem_shared>>
        tpu.wait_dma2 semaphore(%run_scoped3A : memref<!tpu.dma_semaphore, #tpu.memory_space<semaphore_mem>>) src(%arg7 : memref<128xf32, #tpu.memory_space<vmem>>) dst(%dma_wait3A_181 : memref<128xf32, #tpu.memory_space<vmem_shared>>)
        tpu.yield
      }) : () -> ()
      %mul3A_160 = arith.constant 640 : i32
      %mul3A_161 = arith.muli %arg1, %mul3A_160 : i32
      %add3A_162 = arith.constant 256 : i32
      %add3A_163 = arith.addi %mul3A_161, %add3A_162 : i32
      "tpu.region"() ({
        %run_scoped3A = tpu.sem_alloc : memref<!tpu.dma_semaphore, #tpu.memory_space<semaphore_mem>>
        %dma_start3A = tpu.memref_slice %arg9[%add3A_163] : memref<10000xf32, #tpu.memory_space<vmem_shared>> -> memref<128xf32, #tpu.memory_space<vmem_shared>>
        %dma_start3A_180 = tpu.memref_slice %arg9[%add3A_163] : memref<10000xf32, #tpu.memory_space<vmem_shared>> -> memref<128xf32, #tpu.memory_space<vmem_shared>>
        tpu.enqueue_dma source(%arg7 : memref<128xf32, #tpu.memory_space<vmem>>) target(%dma_start3A_180 : memref<128xf32, #tpu.memory_space<vmem_shared>>) target_semaphore(%run_scoped3A : memref<!tpu.dma_semaphore, #tpu.memory_space<semaphore_mem>>)
        %dma_wait3A = tpu.memref_slice %arg9[%add3A_163] : memref<10000xf32, #tpu.memory_space<vmem_shared>> -> memref<128xf32, #tpu.memory_space<vmem_shared>>
        %dma_wait3A_181 = tpu.memref_slice %arg9[%add3A_163] : memref<10000xf32, #tpu.memory_space<vmem_shared>> -> memref<128xf32, #tpu.memory_space<vmem_shared>>
        tpu.wait_dma2 semaphore(%run_scoped3A : memref<!tpu.dma_semaphore, #tpu.memory_space<semaphore_mem>>) src(%arg7 : memref<128xf32, #tpu.memory_space<vmem>>) dst(%dma_wait3A_181 : memref<128xf32, #tpu.memory_space<vmem_shared>>)
        tpu.yield
      }) : () -> ()
      %mul3A_164 = arith.constant 640 : i32
      %mul3A_165 = arith.muli %arg1, %mul3A_164 : i32
      %add3A_166 = arith.constant 384 : i32
      %add3A_167 = arith.addi %mul3A_165, %add3A_166 : i32
      "tpu.region"() ({
        %run_scoped3A = tpu.sem_alloc : memref<!tpu.dma_semaphore, #tpu.memory_space<semaphore_mem>>
        %dma_start3A = tpu.memref_slice %arg8[%add3A_167] : memref<10000xf32, #tpu.memory_space<vmem_shared>> -> memref<128xf32, #tpu.memory_space<vmem_shared>>
        %dma_start3A_180 = tpu.memref_slice %arg8[%add3A_167] : memref<10000xf32, #tpu.memory_space<vmem_shared>> -> memref<128xf32, #tpu.memory_space<vmem_shared>>
        tpu.enqueue_dma source(%arg7 : memref<128xf32, #tpu.memory_space<vmem>>) target(%dma_start3A_180 : memref<128xf32, #tpu.memory_space<vmem_shared>>) target_semaphore(%run_scoped3A : memref<!tpu.dma_semaphore, #tpu.memory_space<semaphore_mem>>)
        %dma_wait3A = tpu.memref_slice %arg8[%add3A_167] : memref<10000xf32, #tpu.memory_space<vmem_shared>> -> memref<128xf32, #tpu.memory_space<vmem_shared>>
        %dma_wait3A_181 = tpu.memref_slice %arg8[%add3A_167] : memref<10000xf32, #tpu.memory_space<vmem_shared>> -> memref<128xf32, #tpu.memory_space<vmem_shared>>
        tpu.wait_dma2 semaphore(%run_scoped3A : memref<!tpu.dma_semaphore, #tpu.memory_space<semaphore_mem>>) src(%arg7 : memref<128xf32, #tpu.memory_space<vmem>>) dst(%dma_wait3A_181 : memref<128xf32, #tpu.memory_space<vmem_shared>>)
        tpu.yield
      }) : () -> ()
      %mul3A_168 = arith.constant 640 : i32
      %mul3A_169 = arith.muli %arg1, %mul3A_168 : i32
      %add3A_170 = arith.constant 384 : i32
      %add3A_171 = arith.addi %mul3A_169, %add3A_170 : i32
      "tpu.region"() ({
        %run_scoped3A = tpu.sem_alloc : memref<!tpu.dma_semaphore, #tpu.memory_space<semaphore_mem>>
        %dma_start3A = tpu.memref_slice %arg9[%add3A_171] : memref<10000xf32, #tpu.memory_space<vmem_shared>> -> memref<128xf32, #tpu.memory_space<vmem_shared>>
        %dma_start3A_180 = tpu.memref_slice %arg9[%add3A_171] : memref<10000xf32, #tpu.memory_space<vmem_shared>> -> memref<128xf32, #tpu.memory_space<vmem_shared>>
        tpu.enqueue_dma source(%arg7 : memref<128xf32, #tpu.memory_space<vmem>>) target(%dma_start3A_180 : memref<128xf32, #tpu.memory_space<vmem_shared>>) target_semaphore(%run_scoped3A : memref<!tpu.dma_semaphore, #tpu.memory_space<semaphore_mem>>)
        %dma_wait3A = tpu.memref_slice %arg9[%add3A_171] : memref<10000xf32, #tpu.memory_space<vmem_shared>> -> memref<128xf32, #tpu.memory_space<vmem_shared>>
        %dma_wait3A_181 = tpu.memref_slice %arg9[%add3A_171] : memref<10000xf32, #tpu.memory_space<vmem_shared>> -> memref<128xf32, #tpu.memory_space<vmem_shared>>
        tpu.wait_dma2 semaphore(%run_scoped3A : memref<!tpu.dma_semaphore, #tpu.memory_space<semaphore_mem>>) src(%arg7 : memref<128xf32, #tpu.memory_space<vmem>>) dst(%dma_wait3A_181 : memref<128xf32, #tpu.memory_space<vmem_shared>>)
        tpu.yield
      }) : () -> ()
      %mul3A_172 = arith.constant 640 : i32
      %mul3A_173 = arith.muli %arg1, %mul3A_172 : i32
      %add3A_174 = arith.constant 512 : i32
      %add3A_175 = arith.addi %mul3A_173, %add3A_174 : i32
      "tpu.region"() ({
        %run_scoped3A = tpu.sem_alloc : memref<!tpu.dma_semaphore, #tpu.memory_space<semaphore_mem>>
        %dma_start3A = tpu.memref_slice %arg8[%add3A_175] : memref<10000xf32, #tpu.memory_space<vmem_shared>> -> memref<128xf32, #tpu.memory_space<vmem_shared>>
        %dma_start3A_180 = tpu.memref_slice %arg8[%add3A_175] : memref<10000xf32, #tpu.memory_space<vmem_shared>> -> memref<128xf32, #tpu.memory_space<vmem_shared>>
        tpu.enqueue_dma source(%arg7 : memref<128xf32, #tpu.memory_space<vmem>>) target(%dma_start3A_180 : memref<128xf32, #tpu.memory_space<vmem_shared>>) target_semaphore(%run_scoped3A : memref<!tpu.dma_semaphore, #tpu.memory_space<semaphore_mem>>)
        %dma_wait3A = tpu.memref_slice %arg8[%add3A_175] : memref<10000xf32, #tpu.memory_space<vmem_shared>> -> memref<128xf32, #tpu.memory_space<vmem_shared>>
        %dma_wait3A_181 = tpu.memref_slice %arg8[%add3A_175] : memref<10000xf32, #tpu.memory_space<vmem_shared>> -> memref<128xf32, #tpu.memory_space<vmem_shared>>
        tpu.wait_dma2 semaphore(%run_scoped3A : memref<!tpu.dma_semaphore, #tpu.memory_space<semaphore_mem>>) src(%arg7 : memref<128xf32, #tpu.memory_space<vmem>>) dst(%dma_wait3A_181 : memref<128xf32, #tpu.memory_space<vmem_shared>>)
        tpu.yield
      }) : () -> ()
      %mul3A_176 = arith.constant 640 : i32
      %mul3A_177 = arith.muli %arg1, %mul3A_176 : i32
      %add3A_178 = arith.constant 512 : i32
      %add3A_179 = arith.addi %mul3A_177, %add3A_178 : i32
      "tpu.region"() ({
        %run_scoped3A = tpu.sem_alloc : memref<!tpu.dma_semaphore, #tpu.memory_space<semaphore_mem>>
        %dma_start3A = tpu.memref_slice %arg9[%add3A_179] : memref<10000xf32, #tpu.memory_space<vmem_shared>> -> memref<128xf32, #tpu.memory_space<vmem_shared>>
        %dma_start3A_180 = tpu.memref_slice %arg9[%add3A_179] : memref<10000xf32, #tpu.memory_space<vmem_shared>> -> memref<128xf32, #tpu.memory_space<vmem_shared>>
        tpu.enqueue_dma source(%arg7 : memref<128xf32, #tpu.memory_space<vmem>>) target(%dma_start3A_180 : memref<128xf32, #tpu.memory_space<vmem_shared>>) target_semaphore(%run_scoped3A : memref<!tpu.dma_semaphore, #tpu.memory_space<semaphore_mem>>)
        %dma_wait3A = tpu.memref_slice %arg9[%add3A_179] : memref<10000xf32, #tpu.memory_space<vmem_shared>> -> memref<128xf32, #tpu.memory_space<vmem_shared>>
        %dma_wait3A_181 = tpu.memref_slice %arg9[%add3A_179] : memref<10000xf32, #tpu.memory_space<vmem_shared>> -> memref<128xf32, #tpu.memory_space<vmem_shared>>
        tpu.wait_dma2 semaphore(%run_scoped3A : memref<!tpu.dma_semaphore, #tpu.memory_space<semaphore_mem>>) src(%arg7 : memref<128xf32, #tpu.memory_space<vmem>>) dst(%dma_wait3A_181 : memref<128xf32, #tpu.memory_space<vmem_shared>>)
        tpu.yield
      }) : () -> ()
    } else {
    }
    %eq3A = arith.constant 15 : i32
    %eq3A_97 = arith.cmpi eq, %arg1, %eq3A : i32
    %convert_element_type3A_98 = arith.extui %eq3A_97 : i1 to i32
    %cond3A_99 = arith.constant 0 : i32
    %cond3A_100 = arith.cmpi ne, %convert_element_type3A_98, %cond3A_99 : i32
    scf.if %cond3A_100 {
      "tpu.region"() ({
        %run_scoped3A = tpu.sem_alloc : memref<!tpu.dma_semaphore, #tpu.memory_space<semaphore_mem>>
        %dma_start3A = arith.constant 9600 : i32
        %dma_start3A_140 = tpu.memref_slice %arg8[%dma_start3A] : memref<10000xf32, #tpu.memory_space<vmem_shared>> -> memref<128xf32, #tpu.memory_space<vmem_shared>>
        %dma_start3A_141 = arith.constant 9600 : i32
        %dma_start3A_142 = tpu.memref_slice %arg8[%dma_start3A_141] : memref<10000xf32, #tpu.memory_space<vmem_shared>> -> memref<128xf32, #tpu.memory_space<vmem_shared>>
        tpu.enqueue_dma source(%arg7 : memref<128xf32, #tpu.memory_space<vmem>>) target(%dma_start3A_142 : memref<128xf32, #tpu.memory_space<vmem_shared>>) target_semaphore(%run_scoped3A : memref<!tpu.dma_semaphore, #tpu.memory_space<semaphore_mem>>)
        %dma_wait3A = arith.constant 9600 : i32
        %dma_wait3A_143 = tpu.memref_slice %arg8[%dma_wait3A] : memref<10000xf32, #tpu.memory_space<vmem_shared>> -> memref<128xf32, #tpu.memory_space<vmem_shared>>
        %dma_wait3A_144 = arith.constant 9600 : i32
        %dma_wait3A_145 = tpu.memref_slice %arg8[%dma_wait3A_144] : memref<10000xf32, #tpu.memory_space<vmem_shared>> -> memref<128xf32, #tpu.memory_space<vmem_shared>>
        tpu.wait_dma2 semaphore(%run_scoped3A : memref<!tpu.dma_semaphore, #tpu.memory_space<semaphore_mem>>) src(%arg7 : memref<128xf32, #tpu.memory_space<vmem>>) dst(%dma_wait3A_145 : memref<128xf32, #tpu.memory_space<vmem_shared>>)
        tpu.yield
      }) : () -> ()
      "tpu.region"() ({
        %run_scoped3A = tpu.sem_alloc : memref<!tpu.dma_semaphore, #tpu.memory_space<semaphore_mem>>
        %dma_start3A = arith.constant 9600 : i32
        %dma_start3A_140 = tpu.memref_slice %arg9[%dma_start3A] : memref<10000xf32, #tpu.memory_space<vmem_shared>> -> memref<128xf32, #tpu.memory_space<vmem_shared>>
        %dma_start3A_141 = arith.constant 9600 : i32
        %dma_start3A_142 = tpu.memref_slice %arg9[%dma_start3A_141] : memref<10000xf32, #tpu.memory_space<vmem_shared>> -> memref<128xf32, #tpu.memory_space<vmem_shared>>
        tpu.enqueue_dma source(%arg7 : memref<128xf32, #tpu.memory_space<vmem>>) target(%dma_start3A_142 : memref<128xf32, #tpu.memory_space<vmem_shared>>) target_semaphore(%run_scoped3A : memref<!tpu.dma_semaphore, #tpu.memory_space<semaphore_mem>>)
        %dma_wait3A = arith.constant 9600 : i32
        %dma_wait3A_143 = tpu.memref_slice %arg9[%dma_wait3A] : memref<10000xf32, #tpu.memory_space<vmem_shared>> -> memref<128xf32, #tpu.memory_space<vmem_shared>>
        %dma_wait3A_144 = arith.constant 9600 : i32
        %dma_wait3A_145 = tpu.memref_slice %arg9[%dma_wait3A_144] : memref<10000xf32, #tpu.memory_space<vmem_shared>> -> memref<128xf32, #tpu.memory_space<vmem_shared>>
        tpu.wait_dma2 semaphore(%run_scoped3A : memref<!tpu.dma_semaphore, #tpu.memory_space<semaphore_mem>>) src(%arg7 : memref<128xf32, #tpu.memory_space<vmem>>) dst(%dma_wait3A_145 : memref<128xf32, #tpu.memory_space<vmem_shared>>)
        tpu.yield
      }) : () -> ()
      "tpu.region"() ({
        %run_scoped3A = tpu.sem_alloc : memref<!tpu.dma_semaphore, #tpu.memory_space<semaphore_mem>>
        %dma_start3A = arith.constant 9728 : i32
        %dma_start3A_140 = tpu.memref_slice %arg8[%dma_start3A] : memref<10000xf32, #tpu.memory_space<vmem_shared>> -> memref<128xf32, #tpu.memory_space<vmem_shared>>
        %dma_start3A_141 = arith.constant 9728 : i32
        %dma_start3A_142 = tpu.memref_slice %arg8[%dma_start3A_141] : memref<10000xf32, #tpu.memory_space<vmem_shared>> -> memref<128xf32, #tpu.memory_space<vmem_shared>>
        tpu.enqueue_dma source(%arg7 : memref<128xf32, #tpu.memory_space<vmem>>) target(%dma_start3A_142 : memref<128xf32, #tpu.memory_space<vmem_shared>>) target_semaphore(%run_scoped3A : memref<!tpu.dma_semaphore, #tpu.memory_space<semaphore_mem>>)
        %dma_wait3A = arith.constant 9728 : i32
        %dma_wait3A_143 = tpu.memref_slice %arg8[%dma_wait3A] : memref<10000xf32, #tpu.memory_space<vmem_shared>> -> memref<128xf32, #tpu.memory_space<vmem_shared>>
        %dma_wait3A_144 = arith.constant 9728 : i32
        %dma_wait3A_145 = tpu.memref_slice %arg8[%dma_wait3A_144] : memref<10000xf32, #tpu.memory_space<vmem_shared>> -> memref<128xf32, #tpu.memory_space<vmem_shared>>
        tpu.wait_dma2 semaphore(%run_scoped3A : memref<!tpu.dma_semaphore, #tpu.memory_space<semaphore_mem>>) src(%arg7 : memref<128xf32, #tpu.memory_space<vmem>>) dst(%dma_wait3A_145 : memref<128xf32, #tpu.memory_space<vmem_shared>>)
        tpu.yield
      }) : () -> ()
      "tpu.region"() ({
        %run_scoped3A = tpu.sem_alloc : memref<!tpu.dma_semaphore, #tpu.memory_space<semaphore_mem>>
        %dma_start3A = arith.constant 9728 : i32
        %dma_start3A_140 = tpu.memref_slice %arg9[%dma_start3A] : memref<10000xf32, #tpu.memory_space<vmem_shared>> -> memref<128xf32, #tpu.memory_space<vmem_shared>>
        %dma_start3A_141 = arith.constant 9728 : i32
        %dma_start3A_142 = tpu.memref_slice %arg9[%dma_start3A_141] : memref<10000xf32, #tpu.memory_space<vmem_shared>> -> memref<128xf32, #tpu.memory_space<vmem_shared>>
        tpu.enqueue_dma source(%arg7 : memref<128xf32, #tpu.memory_space<vmem>>) target(%dma_start3A_142 : memref<128xf32, #tpu.memory_space<vmem_shared>>) target_semaphore(%run_scoped3A : memref<!tpu.dma_semaphore, #tpu.memory_space<semaphore_mem>>)
        %dma_wait3A = arith.constant 9728 : i32
        %dma_wait3A_143 = tpu.memref_slice %arg9[%dma_wait3A] : memref<10000xf32, #tpu.memory_space<vmem_shared>> -> memref<128xf32, #tpu.memory_space<vmem_shared>>
        %dma_wait3A_144 = arith.constant 9728 : i32
        %dma_wait3A_145 = tpu.memref_slice %arg9[%dma_wait3A_144] : memref<10000xf32, #tpu.memory_space<vmem_shared>> -> memref<128xf32, #tpu.memory_space<vmem_shared>>
        tpu.wait_dma2 semaphore(%run_scoped3A : memref<!tpu.dma_semaphore, #tpu.memory_space<semaphore_mem>>) src(%arg7 : memref<128xf32, #tpu.memory_space<vmem>>) dst(%dma_wait3A_145 : memref<128xf32, #tpu.memory_space<vmem_shared>>)
        tpu.yield
      }) : () -> ()
      "tpu.region"() ({
        %run_scoped3A = tpu.sem_alloc : memref<!tpu.dma_semaphore, #tpu.memory_space<semaphore_mem>>
        %dma_start3A = arith.constant 9856 : i32
        %dma_start3A_140 = tpu.memref_slice %arg8[%dma_start3A] : memref<10000xf32, #tpu.memory_space<vmem_shared>> -> memref<128xf32, #tpu.memory_space<vmem_shared>>
        %dma_start3A_141 = arith.constant 9856 : i32
        %dma_start3A_142 = tpu.memref_slice %arg8[%dma_start3A_141] : memref<10000xf32, #tpu.memory_space<vmem_shared>> -> memref<128xf32, #tpu.memory_space<vmem_shared>>
        tpu.enqueue_dma source(%arg7 : memref<128xf32, #tpu.memory_space<vmem>>) target(%dma_start3A_142 : memref<128xf32, #tpu.memory_space<vmem_shared>>) target_semaphore(%run_scoped3A : memref<!tpu.dma_semaphore, #tpu.memory_space<semaphore_mem>>)
        %dma_wait3A = arith.constant 9856 : i32
        %dma_wait3A_143 = tpu.memref_slice %arg8[%dma_wait3A] : memref<10000xf32, #tpu.memory_space<vmem_shared>> -> memref<128xf32, #tpu.memory_space<vmem_shared>>
        %dma_wait3A_144 = arith.constant 9856 : i32
        %dma_wait3A_145 = tpu.memref_slice %arg8[%dma_wait3A_144] : memref<10000xf32, #tpu.memory_space<vmem_shared>> -> memref<128xf32, #tpu.memory_space<vmem_shared>>
        tpu.wait_dma2 semaphore(%run_scoped3A : memref<!tpu.dma_semaphore, #tpu.memory_space<semaphore_mem>>) src(%arg7 : memref<128xf32, #tpu.memory_space<vmem>>) dst(%dma_wait3A_145 : memref<128xf32, #tpu.memory_space<vmem_shared>>)
        tpu.yield
      }) : () -> ()
      "tpu.region"() ({
        %run_scoped3A = tpu.sem_alloc : memref<!tpu.dma_semaphore, #tpu.memory_space<semaphore_mem>>
        %dma_start3A = arith.constant 9856 : i32
        %dma_start3A_140 = tpu.memref_slice %arg9[%dma_start3A] : memref<10000xf32, #tpu.memory_space<vmem_shared>> -> memref<128xf32, #tpu.memory_space<vmem_shared>>
        %dma_start3A_141 = arith.constant 9856 : i32
        %dma_start3A_142 = tpu.memref_slice %arg9[%dma_start3A_141] : memref<10000xf32, #tpu.memory_space<vmem_shared>> -> memref<128xf32, #tpu.memory_space<vmem_shared>>
        tpu.enqueue_dma source(%arg7 : memref<128xf32, #tpu.memory_space<vmem>>) target(%dma_start3A_142 : memref<128xf32, #tpu.memory_space<vmem_shared>>) target_semaphore(%run_scoped3A : memref<!tpu.dma_semaphore, #tpu.memory_space<semaphore_mem>>)
        %dma_wait3A = arith.constant 9856 : i32
        %dma_wait3A_143 = tpu.memref_slice %arg9[%dma_wait3A] : memref<10000xf32, #tpu.memory_space<vmem_shared>> -> memref<128xf32, #tpu.memory_space<vmem_shared>>
        %dma_wait3A_144 = arith.constant 9856 : i32
        %dma_wait3A_145 = tpu.memref_slice %arg9[%dma_wait3A_144] : memref<10000xf32, #tpu.memory_space<vmem_shared>> -> memref<128xf32, #tpu.memory_space<vmem_shared>>
        tpu.wait_dma2 semaphore(%run_scoped3A : memref<!tpu.dma_semaphore, #tpu.memory_space<semaphore_mem>>) src(%arg7 : memref<128xf32, #tpu.memory_space<vmem>>) dst(%dma_wait3A_145 : memref<128xf32, #tpu.memory_space<vmem_shared>>)
        tpu.yield
      }) : () -> ()
      "tpu.region"() ({
        %run_scoped3A = tpu.sem_alloc : memref<!tpu.dma_semaphore, #tpu.memory_space<semaphore_mem>>
        %dma_start3A = arith.constant 0 : i32
        %dma_start3A_140 = tpu.memref_slice %arg7[%dma_start3A] : memref<128xf32, #tpu.memory_space<vmem>> -> memref<16xf32, #tpu.memory_space<vmem>>
        %dma_start3A_141 = arith.constant 9984 : i32
        %dma_start3A_142 = tpu.memref_slice %arg8[%dma_start3A_141] : memref<10000xf32, #tpu.memory_space<vmem_shared>> -> memref<16xf32, #tpu.memory_space<vmem_shared>>
        %dma_start3A_143 = arith.constant 9984 : i32
        %dma_start3A_144 = tpu.memref_slice %arg8[%dma_start3A_143] : memref<10000xf32, #tpu.memory_space<vmem_shared>> -> memref<16xf32, #tpu.memory_space<vmem_shared>>
        %dma_start3A_145 = arith.constant 0 : i32
        %dma_start3A_146 = tpu.memref_slice %arg7[%dma_start3A_145] : memref<128xf32, #tpu.memory_space<vmem>> -> memref<16xf32, #tpu.memory_space<vmem>>
        tpu.enqueue_dma source(%dma_start3A_146 : memref<16xf32, #tpu.memory_space<vmem>>) target(%dma_start3A_144 : memref<16xf32, #tpu.memory_space<vmem_shared>>) target_semaphore(%run_scoped3A : memref<!tpu.dma_semaphore, #tpu.memory_space<semaphore_mem>>)
        %dma_wait3A = arith.constant 0 : i32
        %dma_wait3A_147 = tpu.memref_slice %arg7[%dma_wait3A] : memref<128xf32, #tpu.memory_space<vmem>> -> memref<16xf32, #tpu.memory_space<vmem>>
        %dma_wait3A_148 = arith.constant 9984 : i32
        %dma_wait3A_149 = tpu.memref_slice %arg8[%dma_wait3A_148] : memref<10000xf32, #tpu.memory_space<vmem_shared>> -> memref<16xf32, #tpu.memory_space<vmem_shared>>
        %dma_wait3A_150 = arith.constant 9984 : i32
        %dma_wait3A_151 = tpu.memref_slice %arg8[%dma_wait3A_150] : memref<10000xf32, #tpu.memory_space<vmem_shared>> -> memref<16xf32, #tpu.memory_space<vmem_shared>>
        %dma_wait3A_152 = arith.constant 0 : i32
        %dma_wait3A_153 = tpu.memref_slice %arg7[%dma_wait3A_152] : memref<128xf32, #tpu.memory_space<vmem>> -> memref<16xf32, #tpu.memory_space<vmem>>
        tpu.wait_dma2 semaphore(%run_scoped3A : memref<!tpu.dma_semaphore, #tpu.memory_space<semaphore_mem>>) src(%dma_wait3A_153 : memref<16xf32, #tpu.memory_space<vmem>>) dst(%dma_wait3A_151 : memref<16xf32, #tpu.memory_space<vmem_shared>>)
        tpu.yield
      }) : () -> ()
      "tpu.region"() ({
        %run_scoped3A = tpu.sem_alloc : memref<!tpu.dma_semaphore, #tpu.memory_space<semaphore_mem>>
        %dma_start3A = arith.constant 0 : i32
        %dma_start3A_140 = tpu.memref_slice %arg7[%dma_start3A] : memref<128xf32, #tpu.memory_space<vmem>> -> memref<16xf32, #tpu.memory_space<vmem>>
        %dma_start3A_141 = arith.constant 9984 : i32
        %dma_start3A_142 = tpu.memref_slice %arg9[%dma_start3A_141] : memref<10000xf32, #tpu.memory_space<vmem_shared>> -> memref<16xf32, #tpu.memory_space<vmem_shared>>
        %dma_start3A_143 = arith.constant 9984 : i32
        %dma_start3A_144 = tpu.memref_slice %arg9[%dma_start3A_143] : memref<10000xf32, #tpu.memory_space<vmem_shared>> -> memref<16xf32, #tpu.memory_space<vmem_shared>>
        %dma_start3A_145 = arith.constant 0 : i32
        %dma_start3A_146 = tpu.memref_slice %arg7[%dma_start3A_145] : memref<128xf32, #tpu.memory_space<vmem>> -> memref<16xf32, #tpu.memory_space<vmem>>
        tpu.enqueue_dma source(%dma_start3A_146 : memref<16xf32, #tpu.memory_space<vmem>>) target(%dma_start3A_144 : memref<16xf32, #tpu.memory_space<vmem_shared>>) target_semaphore(%run_scoped3A : memref<!tpu.dma_semaphore, #tpu.memory_space<semaphore_mem>>)
        %dma_wait3A = arith.constant 0 : i32
        %dma_wait3A_147 = tpu.memref_slice %arg7[%dma_wait3A] : memref<128xf32, #tpu.memory_space<vmem>> -> memref<16xf32, #tpu.memory_space<vmem>>
        %dma_wait3A_148 = arith.constant 9984 : i32
        %dma_wait3A_149 = tpu.memref_slice %arg9[%dma_wait3A_148] : memref<10000xf32, #tpu.memory_space<vmem_shared>> -> memref<16xf32, #tpu.memory_space<vmem_shared>>
        %dma_wait3A_150 = arith.constant 9984 : i32
        %dma_wait3A_151 = tpu.memref_slice %arg9[%dma_wait3A_150] : memref<10000xf32, #tpu.memory_space<vmem_shared>> -> memref<16xf32, #tpu.memory_space<vmem_shared>>
        %dma_wait3A_152 = arith.constant 0 : i32
        %dma_wait3A_153 = tpu.memref_slice %arg7[%dma_wait3A_152] : memref<128xf32, #tpu.memory_space<vmem>> -> memref<16xf32, #tpu.memory_space<vmem>>
        tpu.wait_dma2 semaphore(%run_scoped3A : memref<!tpu.dma_semaphore, #tpu.memory_space<semaphore_mem>>) src(%dma_wait3A_153 : memref<16xf32, #tpu.memory_space<vmem>>) dst(%dma_wait3A_151 : memref<16xf32, #tpu.memory_space<vmem_shared>>)
        tpu.yield
      }) : () -> ()
    } else {
    }
    %barrier3A = arith.constant 0 : index
    tpu.barrier barrier_id(%barrier3A)
    %add3A_101 = arith.constant 0 : i32
    %add3A_102 = arith.addi %add3A, %add3A_101 : i32
    %lt3A_103 = arith.constant 2500 : i32
    %lt3A_104 = arith.cmpi slt, %add3A_102, %lt3A_103 : i32
    %convert_element_type3A_105 = arith.extui %lt3A_104 : i1 to i32
    %cond3A_106 = arith.constant 0 : i32
    %cond3A_107 = arith.cmpi ne, %convert_element_type3A_105, %cond3A_106 : i32
    scf.if %cond3A_107 {
      %rem3A = arith.constant 0 : i32
      %rem3A_140 = arith.constant 4 : i32
      %rem3A_141 = arith.remsi %rem3A, %rem3A_140 : i32
      %add3A_142 = arith.constant 0 : i32
      %add3A_143 = arith.addi %add3A, %add3A_142 : i32
      %mul3A_144 = arith.constant 128 : i32
      %mul3A_145 = arith.muli %add3A_143, %mul3A_144 : i32
      %dma_start3A = arith.constant 0 : i32
      %dma_start3A_146 = arith.constant 0 : i32
      %dma_start3A_147 = tpu.memref_slice %arg4[%rem3A_141, %dma_start3A_146] : memref<4x128xi32, #tpu.memory_space<vmem>> -> memref<1x128xi32, #tpu.memory_space<vmem>>
      %dma_start3A_148 = tpu.memref_squeeze %dma_start3A_147 : memref<1x128xi32, #tpu.memory_space<vmem>> -> memref<128xi32, #tpu.memory_space<vmem>>
      %dma_start3A_149 = tpu.memref_slice %arg2[%dma_start3A, %mul3A_145] : memref<2x320000xi32, #tpu.memory_space<hbm>> -> memref<1x128xi32, #tpu.memory_space<hbm>>
      %dma_start3A_150 = tpu.memref_squeeze %dma_start3A_149 : memref<1x128xi32, #tpu.memory_space<hbm>> -> memref<128xi32, #tpu.memory_space<hbm>>
      %dma_start3A_151 = tpu.memref_slice %arg10[%rem3A_141] : memref<4x!tpu.dma_semaphore, #tpu.memory_space<semaphore_mem>> -> memref<1x!tpu.dma_semaphore, #tpu.memory_space<semaphore_mem>>
      %dma_start3A_152 = tpu.memref_squeeze %dma_start3A_151 : memref<1x!tpu.dma_semaphore, #tpu.memory_space<semaphore_mem>> -> memref<!tpu.dma_semaphore, #tpu.memory_space<semaphore_mem>>
      %dma_start3A_153 = arith.constant 0 : i32
      %dma_start3A_154 = tpu.memref_slice %arg4[%rem3A_141, %dma_start3A_153] : memref<4x128xi32, #tpu.memory_space<vmem>> -> memref<1x128xi32, #tpu.memory_space<vmem>>
      %dma_start3A_155 = tpu.memref_squeeze %dma_start3A_154 : memref<1x128xi32, #tpu.memory_space<vmem>> -> memref<128xi32, #tpu.memory_space<vmem>>
      %dma_start3A_156 = tpu.memref_slice %arg2[%dma_start3A, %mul3A_145] : memref<2x320000xi32, #tpu.memory_space<hbm>> -> memref<1x128xi32, #tpu.memory_space<hbm>>
      %dma_start3A_157 = tpu.memref_squeeze %dma_start3A_156 : memref<1x128xi32, #tpu.memory_space<hbm>> -> memref<128xi32, #tpu.memory_space<hbm>>
      tpu.enqueue_dma source(%dma_start3A_157 : memref<128xi32, #tpu.memory_space<hbm>>) target(%dma_start3A_155 : memref<128xi32, #tpu.memory_space<vmem>>) target_semaphore(%dma_start3A_152 : memref<!tpu.dma_semaphore, #tpu.memory_space<semaphore_mem>>)
      %dma_start3A_158 = arith.constant 1 : i32
      %dma_start3A_159 = arith.constant 0 : i32
      %dma_start3A_160 = tpu.memref_slice %arg5[%rem3A_141, %dma_start3A_159] : memref<4x128xi32, #tpu.memory_space<vmem>> -> memref<1x128xi32, #tpu.memory_space<vmem>>
      %dma_start3A_161 = tpu.memref_squeeze %dma_start3A_160 : memref<1x128xi32, #tpu.memory_space<vmem>> -> memref<128xi32, #tpu.memory_space<vmem>>
      %dma_start3A_162 = tpu.memref_slice %arg2[%dma_start3A_158, %mul3A_145] : memref<2x320000xi32, #tpu.memory_space<hbm>> -> memref<1x128xi32, #tpu.memory_space<hbm>>
      %dma_start3A_163 = tpu.memref_squeeze %dma_start3A_162 : memref<1x128xi32, #tpu.memory_space<hbm>> -> memref<128xi32, #tpu.memory_space<hbm>>
      %dma_start3A_164 = tpu.memref_slice %arg10[%rem3A_141] : memref<4x!tpu.dma_semaphore, #tpu.memory_space<semaphore_mem>> -> memref<1x!tpu.dma_semaphore, #tpu.memory_space<semaphore_mem>>
      %dma_start3A_165 = tpu.memref_squeeze %dma_start3A_164 : memref<1x!tpu.dma_semaphore, #tpu.memory_space<semaphore_mem>> -> memref<!tpu.dma_semaphore, #tpu.memory_space<semaphore_mem>>
      %dma_start3A_166 = arith.constant 0 : i32
      %dma_start3A_167 = tpu.memref_slice %arg5[%rem3A_141, %dma_start3A_166] : memref<4x128xi32, #tpu.memory_space<vmem>> -> memref<1x128xi32, #tpu.memory_space<vmem>>
      %dma_start3A_168 = tpu.memref_squeeze %dma_start3A_167 : memref<1x128xi32, #tpu.memory_space<vmem>> -> memref<128xi32, #tpu.memory_space<vmem>>
      %dma_start3A_169 = tpu.memref_slice %arg2[%dma_start3A_158, %mul3A_145] : memref<2x320000xi32, #tpu.memory_space<hbm>> -> memref<1x128xi32, #tpu.memory_space<hbm>>
      %dma_start3A_170 = tpu.memref_squeeze %dma_start3A_169 : memref<1x128xi32, #tpu.memory_space<hbm>> -> memref<128xi32, #tpu.memory_space<hbm>>
      tpu.enqueue_dma source(%dma_start3A_170 : memref<128xi32, #tpu.memory_space<hbm>>) target(%dma_start3A_168 : memref<128xi32, #tpu.memory_space<vmem>>) target_semaphore(%dma_start3A_165 : memref<!tpu.dma_semaphore, #tpu.memory_space<semaphore_mem>>)
    } else {
    }
    %add3A_108 = arith.constant 32 : i32
    %add3A_109 = arith.addi %add3A, %add3A_108 : i32
    %lt3A_110 = arith.constant 2500 : i32
    %lt3A_111 = arith.cmpi slt, %add3A_109, %lt3A_110 : i32
    %convert_element_type3A_112 = arith.extui %lt3A_111 : i1 to i32
    %cond3A_113 = arith.constant 0 : i32
    %cond3A_114 = arith.cmpi ne, %convert_element_type3A_112, %cond3A_113 : i32
    scf.if %cond3A_114 {
      %rem3A = arith.constant 1 : i32
      %rem3A_140 = arith.constant 4 : i32
      %rem3A_141 = arith.remsi %rem3A, %rem3A_140 : i32
      %add3A_142 = arith.constant 32 : i32
      %add3A_143 = arith.addi %add3A, %add3A_142 : i32
      %mul3A_144 = arith.constant 128 : i32
      %mul3A_145 = arith.muli %add3A_143, %mul3A_144 : i32
      %dma_start3A = arith.constant 0 : i32
      %dma_start3A_146 = arith.constant 0 : i32
      %dma_start3A_147 = tpu.memref_slice %arg4[%rem3A_141, %dma_start3A_146] : memref<4x128xi32, #tpu.memory_space<vmem>> -> memref<1x128xi32, #tpu.memory_space<vmem>>
      %dma_start3A_148 = tpu.memref_squeeze %dma_start3A_147 : memref<1x128xi32, #tpu.memory_space<vmem>> -> memref<128xi32, #tpu.memory_space<vmem>>
      %dma_start3A_149 = tpu.memref_slice %arg2[%dma_start3A, %mul3A_145] : memref<2x320000xi32, #tpu.memory_space<hbm>> -> memref<1x128xi32, #tpu.memory_space<hbm>>
      %dma_start3A_150 = tpu.memref_squeeze %dma_start3A_149 : memref<1x128xi32, #tpu.memory_space<hbm>> -> memref<128xi32, #tpu.memory_space<hbm>>
      %dma_start3A_151 = tpu.memref_slice %arg10[%rem3A_141] : memref<4x!tpu.dma_semaphore, #tpu.memory_space<semaphore_mem>> -> memref<1x!tpu.dma_semaphore, #tpu.memory_space<semaphore_mem>>
      %dma_start3A_152 = tpu.memref_squeeze %dma_start3A_151 : memref<1x!tpu.dma_semaphore, #tpu.memory_space<semaphore_mem>> -> memref<!tpu.dma_semaphore, #tpu.memory_space<semaphore_mem>>
      %dma_start3A_153 = arith.constant 0 : i32
      %dma_start3A_154 = tpu.memref_slice %arg4[%rem3A_141, %dma_start3A_153] : memref<4x128xi32, #tpu.memory_space<vmem>> -> memref<1x128xi32, #tpu.memory_space<vmem>>
      %dma_start3A_155 = tpu.memref_squeeze %dma_start3A_154 : memref<1x128xi32, #tpu.memory_space<vmem>> -> memref<128xi32, #tpu.memory_space<vmem>>
      %dma_start3A_156 = tpu.memref_slice %arg2[%dma_start3A, %mul3A_145] : memref<2x320000xi32, #tpu.memory_space<hbm>> -> memref<1x128xi32, #tpu.memory_space<hbm>>
      %dma_start3A_157 = tpu.memref_squeeze %dma_start3A_156 : memref<1x128xi32, #tpu.memory_space<hbm>> -> memref<128xi32, #tpu.memory_space<hbm>>
      tpu.enqueue_dma source(%dma_start3A_157 : memref<128xi32, #tpu.memory_space<hbm>>) target(%dma_start3A_155 : memref<128xi32, #tpu.memory_space<vmem>>) target_semaphore(%dma_start3A_152 : memref<!tpu.dma_semaphore, #tpu.memory_space<semaphore_mem>>)
      %dma_start3A_158 = arith.constant 1 : i32
      %dma_start3A_159 = arith.constant 0 : i32
      %dma_start3A_160 = tpu.memref_slice %arg5[%rem3A_141, %dma_start3A_159] : memref<4x128xi32, #tpu.memory_space<vmem>> -> memref<1x128xi32, #tpu.memory_space<vmem>>
      %dma_start3A_161 = tpu.memref_squeeze %dma_start3A_160 : memref<1x128xi32, #tpu.memory_space<vmem>> -> memref<128xi32, #tpu.memory_space<vmem>>
      %dma_start3A_162 = tpu.memref_slice %arg2[%dma_start3A_158, %mul3A_145] : memref<2x320000xi32, #tpu.memory_space<hbm>> -> memref<1x128xi32, #tpu.memory_space<hbm>>
      %dma_start3A_163 = tpu.memref_squeeze %dma_start3A_162 : memref<1x128xi32, #tpu.memory_space<hbm>> -> memref<128xi32, #tpu.memory_space<hbm>>
      %dma_start3A_164 = tpu.memref_slice %arg10[%rem3A_141] : memref<4x!tpu.dma_semaphore, #tpu.memory_space<semaphore_mem>> -> memref<1x!tpu.dma_semaphore, #tpu.memory_space<semaphore_mem>>
      %dma_start3A_165 = tpu.memref_squeeze %dma_start3A_164 : memref<1x!tpu.dma_semaphore, #tpu.memory_space<semaphore_mem>> -> memref<!tpu.dma_semaphore, #tpu.memory_space<semaphore_mem>>
      %dma_start3A_166 = arith.constant 0 : i32
      %dma_start3A_167 = tpu.memref_slice %arg5[%rem3A_141, %dma_start3A_166] : memref<4x128xi32, #tpu.memory_space<vmem>> -> memref<1x128xi32, #tpu.memory_space<vmem>>
      %dma_start3A_168 = tpu.memref_squeeze %dma_start3A_167 : memref<1x128xi32, #tpu.memory_space<vmem>> -> memref<128xi32, #tpu.memory_space<vmem>>
      %dma_start3A_169 = tpu.memref_slice %arg2[%dma_start3A_158, %mul3A_145] : memref<2x320000xi32, #tpu.memory_space<hbm>> -> memref<1x128xi32, #tpu.memory_space<hbm>>
      %dma_start3A_170 = tpu.memref_squeeze %dma_start3A_169 : memref<1x128xi32, #tpu.memory_space<hbm>> -> memref<128xi32, #tpu.memory_space<hbm>>
      tpu.enqueue_dma source(%dma_start3A_170 : memref<128xi32, #tpu.memory_space<hbm>>) target(%dma_start3A_168 : memref<128xi32, #tpu.memory_space<vmem>>) target_semaphore(%dma_start3A_165 : memref<!tpu.dma_semaphore, #tpu.memory_space<semaphore_mem>>)
    } else {
    }
    %scan3A = arith.constant 0 : i32
    %scan3A_115 = arith.constant 0 : i32
    %scan3A_116 = arith.constant 79 : i32
    %scan3A_117 = arith.addi %scan3A_115, %scan3A_116 : i32
    %scan3A_118 = arith.constant 1 : i32
    scf.for %scan3A_140 = %scan3A_115 to %scan3A_117 step %scan3A_118  : i32 {
      %ge3A = arith.constant 2 : i32
      %ge3A_141 = arith.cmpi sge, %scan3A_140, %ge3A : i32
      %sub3A = arith.constant 2 : i32
      %sub3A_142 = arith.subi %scan3A_140, %sub3A : i32
      %mul3A_143 = arith.constant 32 : i32
      %mul3A_144 = arith.muli %sub3A_142, %mul3A_143 : i32
      %add3A_145 = arith.addi %add3A, %mul3A_144 : i32
      %lt3A_146 = arith.constant 2500 : i32
      %lt3A_147 = arith.cmpi slt, %add3A_145, %lt3A_146 : i32
      %and3A = arith.andi %ge3A_141, %lt3A_147 : i1
      %convert_element_type3A_148 = arith.extui %and3A : i1 to i32
      %cond3A_149 = arith.constant 0 : i32
      %cond3A_150 = arith.cmpi ne, %convert_element_type3A_148, %cond3A_149 : i32
      scf.if %cond3A_150 {
        %sub3A_169 = arith.constant 2 : i32
        %sub3A_170 = arith.subi %scan3A_140, %sub3A_169 : i32
        %rem3A = arith.constant 4 : i32
        %rem3A_171 = arith.remsi %sub3A_170, %rem3A : i32
        %rem3A_172 = arith.constant 2 : i32
        %rem3A_173 = arith.remsi %sub3A_170, %rem3A_172 : i32
        %dma_wait3A = arith.constant 0 : i32
        %dma_wait3A_174 = tpu.memref_slice %arg4[%rem3A_171, %dma_wait3A] : memref<4x128xi32, #tpu.memory_space<vmem>> -> memref<1x128xi32, #tpu.memory_space<vmem>>
        %dma_wait3A_175 = tpu.memref_squeeze %dma_wait3A_174 : memref<1x128xi32, #tpu.memory_space<vmem>> -> memref<128xi32, #tpu.memory_space<vmem>>
        %dma_wait3A_176 = arith.constant 0 : i32
        %dma_wait3A_177 = tpu.memref_slice %arg8[%dma_wait3A_176] : memref<10000xf32, #tpu.memory_space<vmem_shared>> -> memref<10000xf32, #tpu.memory_space<vmem_shared>>
        %dma_wait3A_178 = tpu.memref_slice %arg11[%rem3A_173] : memref<2x!tpu.dma_semaphore, #tpu.memory_space<semaphore_mem>> -> memref<1x!tpu.dma_semaphore, #tpu.memory_space<semaphore_mem>>
        %dma_wait3A_179 = tpu.memref_squeeze %dma_wait3A_178 : memref<1x!tpu.dma_semaphore, #tpu.memory_space<semaphore_mem>> -> memref<!tpu.dma_semaphore, #tpu.memory_space<semaphore_mem>>
        tpu.wait_indirect_dma semaphore(%dma_wait3A_179 : memref<!tpu.dma_semaphore, #tpu.memory_space<semaphore_mem>>) src(%arg6 : memref<128xf32, #tpu.memory_space<vmem>>) dst(%dma_wait3A_177 : memref<10000xf32, #tpu.memory_space<vmem_shared>>)
        %dma_wait3A_180 = arith.constant 0 : i32
        %dma_wait3A_181 = tpu.memref_slice %arg5[%rem3A_171, %dma_wait3A_180] : memref<4x128xi32, #tpu.memory_space<vmem>> -> memref<1x128xi32, #tpu.memory_space<vmem>>
        %dma_wait3A_182 = tpu.memref_squeeze %dma_wait3A_181 : memref<1x128xi32, #tpu.memory_space<vmem>> -> memref<128xi32, #tpu.memory_space<vmem>>
        %dma_wait3A_183 = arith.constant 0 : i32
        %dma_wait3A_184 = tpu.memref_slice %arg9[%dma_wait3A_183] : memref<10000xf32, #tpu.memory_space<vmem_shared>> -> memref<10000xf32, #tpu.memory_space<vmem_shared>>
        %dma_wait3A_185 = tpu.memref_slice %arg11[%rem3A_173] : memref<2x!tpu.dma_semaphore, #tpu.memory_space<semaphore_mem>> -> memref<1x!tpu.dma_semaphore, #tpu.memory_space<semaphore_mem>>
        %dma_wait3A_186 = tpu.memref_squeeze %dma_wait3A_185 : memref<1x!tpu.dma_semaphore, #tpu.memory_space<semaphore_mem>> -> memref<!tpu.dma_semaphore, #tpu.memory_space<semaphore_mem>>
        tpu.wait_indirect_dma semaphore(%dma_wait3A_186 : memref<!tpu.dma_semaphore, #tpu.memory_space<semaphore_mem>>) src(%arg6 : memref<128xf32, #tpu.memory_space<vmem>>) dst(%dma_wait3A_184 : memref<10000xf32, #tpu.memory_space<vmem_shared>>)
      } else {
      }
      %add3A_151 = arith.constant 2 : i32
      %add3A_152 = arith.addi %scan3A_140, %add3A_151 : i32
      %mul3A_153 = arith.constant 32 : i32
      %mul3A_154 = arith.muli %add3A_152, %mul3A_153 : i32
      %add3A_155 = arith.addi %add3A, %mul3A_154 : i32
      %lt3A_156 = arith.constant 2500 : i32
      %lt3A_157 = arith.cmpi slt, %add3A_155, %lt3A_156 : i32
      %convert_element_type3A_158 = arith.extui %lt3A_157 : i1 to i32
      %cond3A_159 = arith.constant 0 : i32
      %cond3A_160 = arith.cmpi ne, %convert_element_type3A_158, %cond3A_159 : i32
      scf.if %cond3A_160 {
        %add3A_169 = arith.constant 2 : i32
        %add3A_170 = arith.addi %scan3A_140, %add3A_169 : i32
        %rem3A = arith.constant 4 : i32
        %rem3A_171 = arith.remsi %add3A_170, %rem3A : i32
        %mul3A_172 = arith.constant 32 : i32
        %mul3A_173 = arith.muli %add3A_170, %mul3A_172 : i32
        %add3A_174 = arith.addi %add3A, %mul3A_173 : i32
        %mul3A_175 = arith.constant 128 : i32
        %mul3A_176 = arith.muli %add3A_174, %mul3A_175 : i32
        %dma_start3A = arith.constant 0 : i32
        %dma_start3A_177 = arith.constant 0 : i32
        %dma_start3A_178 = tpu.memref_slice %arg4[%rem3A_171, %dma_start3A_177] : memref<4x128xi32, #tpu.memory_space<vmem>> -> memref<1x128xi32, #tpu.memory_space<vmem>>
        %dma_start3A_179 = tpu.memref_squeeze %dma_start3A_178 : memref<1x128xi32, #tpu.memory_space<vmem>> -> memref<128xi32, #tpu.memory_space<vmem>>
        %dma_start3A_180 = tpu.memref_slice %arg2[%dma_start3A, %mul3A_176] : memref<2x320000xi32, #tpu.memory_space<hbm>> -> memref<1x128xi32, #tpu.memory_space<hbm>>
        %dma_start3A_181 = tpu.memref_squeeze %dma_start3A_180 : memref<1x128xi32, #tpu.memory_space<hbm>> -> memref<128xi32, #tpu.memory_space<hbm>>
        %dma_start3A_182 = tpu.memref_slice %arg10[%rem3A_171] : memref<4x!tpu.dma_semaphore, #tpu.memory_space<semaphore_mem>> -> memref<1x!tpu.dma_semaphore, #tpu.memory_space<semaphore_mem>>
        %dma_start3A_183 = tpu.memref_squeeze %dma_start3A_182 : memref<1x!tpu.dma_semaphore, #tpu.memory_space<semaphore_mem>> -> memref<!tpu.dma_semaphore, #tpu.memory_space<semaphore_mem>>
        %dma_start3A_184 = arith.constant 0 : i32
        %dma_start3A_185 = tpu.memref_slice %arg4[%rem3A_171, %dma_start3A_184] : memref<4x128xi32, #tpu.memory_space<vmem>> -> memref<1x128xi32, #tpu.memory_space<vmem>>
        %dma_start3A_186 = tpu.memref_squeeze %dma_start3A_185 : memref<1x128xi32, #tpu.memory_space<vmem>> -> memref<128xi32, #tpu.memory_space<vmem>>
        %dma_start3A_187 = tpu.memref_slice %arg2[%dma_start3A, %mul3A_176] : memref<2x320000xi32, #tpu.memory_space<hbm>> -> memref<1x128xi32, #tpu.memory_space<hbm>>
        %dma_start3A_188 = tpu.memref_squeeze %dma_start3A_187 : memref<1x128xi32, #tpu.memory_space<hbm>> -> memref<128xi32, #tpu.memory_space<hbm>>
        tpu.enqueue_dma source(%dma_start3A_188 : memref<128xi32, #tpu.memory_space<hbm>>) target(%dma_start3A_186 : memref<128xi32, #tpu.memory_space<vmem>>) target_semaphore(%dma_start3A_183 : memref<!tpu.dma_semaphore, #tpu.memory_space<semaphore_mem>>)
        %dma_start3A_189 = arith.constant 1 : i32
        %dma_start3A_190 = arith.constant 0 : i32
        %dma_start3A_191 = tpu.memref_slice %arg5[%rem3A_171, %dma_start3A_190] : memref<4x128xi32, #tpu.memory_space<vmem>> -> memref<1x128xi32, #tpu.memory_space<vmem>>
        %dma_start3A_192 = tpu.memref_squeeze %dma_start3A_191 : memref<1x128xi32, #tpu.memory_space<vmem>> -> memref<128xi32, #tpu.memory_space<vmem>>
        %dma_start3A_193 = tpu.memref_slice %arg2[%dma_start3A_189, %mul3A_176] : memref<2x320000xi32, #tpu.memory_space<hbm>> -> memref<1x128xi32, #tpu.memory_space<hbm>>
        %dma_start3A_194 = tpu.memref_squeeze %dma_start3A_193 : memref<1x128xi32, #tpu.memory_space<hbm>> -> memref<128xi32, #tpu.memory_space<hbm>>
        %dma_start3A_195 = tpu.memref_slice %arg10[%rem3A_171] : memref<4x!tpu.dma_semaphore, #tpu.memory_space<semaphore_mem>> -> memref<1x!tpu.dma_semaphore, #tpu.memory_space<semaphore_mem>>
        %dma_start3A_196 = tpu.memref_squeeze %dma_start3A_195 : memref<1x!tpu.dma_semaphore, #tpu.memory_space<semaphore_mem>> -> memref<!tpu.dma_semaphore, #tpu.memory_space<semaphore_mem>>
        %dma_start3A_197 = arith.constant 0 : i32
        %dma_start3A_198 = tpu.memref_slice %arg5[%rem3A_171, %dma_start3A_197] : memref<4x128xi32, #tpu.memory_space<vmem>> -> memref<1x128xi32, #tpu.memory_space<vmem>>
        %dma_start3A_199 = tpu.memref_squeeze %dma_start3A_198 : memref<1x128xi32, #tpu.memory_space<vmem>> -> memref<128xi32, #tpu.memory_space<vmem>>
        %dma_start3A_200 = tpu.memref_slice %arg2[%dma_start3A_189, %mul3A_176] : memref<2x320000xi32, #tpu.memory_space<hbm>> -> memref<1x128xi32, #tpu.memory_space<hbm>>
        %dma_start3A_201 = tpu.memref_squeeze %dma_start3A_200 : memref<1x128xi32, #tpu.memory_space<hbm>> -> memref<128xi32, #tpu.memory_space<hbm>>
        tpu.enqueue_dma source(%dma_start3A_201 : memref<128xi32, #tpu.memory_space<hbm>>) target(%dma_start3A_199 : memref<128xi32, #tpu.memory_space<vmem>>) target_semaphore(%dma_start3A_196 : memref<!tpu.dma_semaphore, #tpu.memory_space<semaphore_mem>>)
      } else {
      }
      %mul3A_161 = arith.constant 32 : i32
      %mul3A_162 = arith.muli %scan3A_140, %mul3A_161 : i32
      %add3A_163 = arith.addi %add3A, %mul3A_162 : i32
      %lt3A_164 = arith.constant 2500 : i32
      %lt3A_165 = arith.cmpi slt, %add3A_163, %lt3A_164 : i32
      %convert_element_type3A_166 = arith.extui %lt3A_165 : i1 to i32
      %cond3A_167 = arith.constant 0 : i32
      %cond3A_168 = arith.cmpi ne, %convert_element_type3A_166, %cond3A_167 : i32
      scf.if %cond3A_168 {
        %rem3A = arith.constant 4 : i32
        %rem3A_169 = arith.remsi %scan3A_140, %rem3A : i32
        %dma_wait3A = arith.constant 0 : i32
        %dma_wait3A_170 = arith.constant 0 : i32
        %dma_wait3A_171 = tpu.memref_slice %arg4[%rem3A_169, %dma_wait3A_170] : memref<4x128xi32, #tpu.memory_space<vmem>> -> memref<1x128xi32, #tpu.memory_space<vmem>>
        %dma_wait3A_172 = tpu.memref_squeeze %dma_wait3A_171 : memref<1x128xi32, #tpu.memory_space<vmem>> -> memref<128xi32, #tpu.memory_space<vmem>>
        %dma_wait3A_173 = arith.constant 0 : i32
        %dma_wait3A_174 = tpu.memref_slice %arg2[%dma_wait3A, %dma_wait3A_173] : memref<2x320000xi32, #tpu.memory_space<hbm>> -> memref<1x128xi32, #tpu.memory_space<hbm>>
        %dma_wait3A_175 = tpu.memref_squeeze %dma_wait3A_174 : memref<1x128xi32, #tpu.memory_space<hbm>> -> memref<128xi32, #tpu.memory_space<hbm>>
        %dma_wait3A_176 = tpu.memref_slice %arg10[%rem3A_169] : memref<4x!tpu.dma_semaphore, #tpu.memory_space<semaphore_mem>> -> memref<1x!tpu.dma_semaphore, #tpu.memory_space<semaphore_mem>>
        %dma_wait3A_177 = tpu.memref_squeeze %dma_wait3A_176 : memref<1x!tpu.dma_semaphore, #tpu.memory_space<semaphore_mem>> -> memref<!tpu.dma_semaphore, #tpu.memory_space<semaphore_mem>>
        %dma_wait3A_178 = arith.constant 0 : i32
        %dma_wait3A_179 = tpu.memref_slice %arg4[%rem3A_169, %dma_wait3A_178] : memref<4x128xi32, #tpu.memory_space<vmem>> -> memref<1x128xi32, #tpu.memory_space<vmem>>
        %dma_wait3A_180 = tpu.memref_squeeze %dma_wait3A_179 : memref<1x128xi32, #tpu.memory_space<vmem>> -> memref<128xi32, #tpu.memory_space<vmem>>
        %dma_wait3A_181 = arith.constant 0 : i32
        %dma_wait3A_182 = tpu.memref_slice %arg2[%dma_wait3A, %dma_wait3A_181] : memref<2x320000xi32, #tpu.memory_space<hbm>> -> memref<1x128xi32, #tpu.memory_space<hbm>>
        %dma_wait3A_183 = tpu.memref_squeeze %dma_wait3A_182 : memref<1x128xi32, #tpu.memory_space<hbm>> -> memref<128xi32, #tpu.memory_space<hbm>>
        tpu.wait_dma2 semaphore(%dma_wait3A_177 : memref<!tpu.dma_semaphore, #tpu.memory_space<semaphore_mem>>) src(%dma_wait3A_183 : memref<128xi32, #tpu.memory_space<hbm>>) dst(%dma_wait3A_180 : memref<128xi32, #tpu.memory_space<vmem>>)
        %dma_wait3A_184 = arith.constant 1 : i32
        %dma_wait3A_185 = arith.constant 0 : i32
        %dma_wait3A_186 = tpu.memref_slice %arg5[%rem3A_169, %dma_wait3A_185] : memref<4x128xi32, #tpu.memory_space<vmem>> -> memref<1x128xi32, #tpu.memory_space<vmem>>
        %dma_wait3A_187 = tpu.memref_squeeze %dma_wait3A_186 : memref<1x128xi32, #tpu.memory_space<vmem>> -> memref<128xi32, #tpu.memory_space<vmem>>
        %dma_wait3A_188 = arith.constant 0 : i32
        %dma_wait3A_189 = tpu.memref_slice %arg2[%dma_wait3A_184, %dma_wait3A_188] : memref<2x320000xi32, #tpu.memory_space<hbm>> -> memref<1x128xi32, #tpu.memory_space<hbm>>
        %dma_wait3A_190 = tpu.memref_squeeze %dma_wait3A_189 : memref<1x128xi32, #tpu.memory_space<hbm>> -> memref<128xi32, #tpu.memory_space<hbm>>
        %dma_wait3A_191 = tpu.memref_slice %arg10[%rem3A_169] : memref<4x!tpu.dma_semaphore, #tpu.memory_space<semaphore_mem>> -> memref<1x!tpu.dma_semaphore, #tpu.memory_space<semaphore_mem>>
        %dma_wait3A_192 = tpu.memref_squeeze %dma_wait3A_191 : memref<1x!tpu.dma_semaphore, #tpu.memory_space<semaphore_mem>> -> memref<!tpu.dma_semaphore, #tpu.memory_space<semaphore_mem>>
        %dma_wait3A_193 = arith.constant 0 : i32
        %dma_wait3A_194 = tpu.memref_slice %arg5[%rem3A_169, %dma_wait3A_193] : memref<4x128xi32, #tpu.memory_space<vmem>> -> memref<1x128xi32, #tpu.memory_space<vmem>>
        %dma_wait3A_195 = tpu.memref_squeeze %dma_wait3A_194 : memref<1x128xi32, #tpu.memory_space<vmem>> -> memref<128xi32, #tpu.memory_space<vmem>>
        %dma_wait3A_196 = arith.constant 0 : i32
        %dma_wait3A_197 = tpu.memref_slice %arg2[%dma_wait3A_184, %dma_wait3A_196] : memref<2x320000xi32, #tpu.memory_space<hbm>> -> memref<1x128xi32, #tpu.memory_space<hbm>>
        %dma_wait3A_198 = tpu.memref_squeeze %dma_wait3A_197 : memref<1x128xi32, #tpu.memory_space<hbm>> -> memref<128xi32, #tpu.memory_space<hbm>>
        tpu.wait_dma2 semaphore(%dma_wait3A_192 : memref<!tpu.dma_semaphore, #tpu.memory_space<semaphore_mem>>) src(%dma_wait3A_198 : memref<128xi32, #tpu.memory_space<hbm>>) dst(%dma_wait3A_195 : memref<128xi32, #tpu.memory_space<vmem>>)
        %rem3A_199 = arith.constant 4 : i32
        %rem3A_200 = arith.remsi %scan3A_140, %rem3A_199 : i32
        %rem3A_201 = arith.constant 2 : i32
        %rem3A_202 = arith.remsi %scan3A_140, %rem3A_201 : i32
        %dma_start3A = arith.constant 0 : i32
        %dma_start3A_203 = tpu.memref_slice %arg4[%rem3A_200, %dma_start3A] : memref<4x128xi32, #tpu.memory_space<vmem>> -> memref<1x128xi32, #tpu.memory_space<vmem>>
        %dma_start3A_204 = tpu.memref_squeeze %dma_start3A_203 : memref<1x128xi32, #tpu.memory_space<vmem>> -> memref<128xi32, #tpu.memory_space<vmem>>
        %dma_start3A_205 = arith.constant 0 : i32
        %dma_start3A_206 = tpu.memref_slice %arg8[%dma_start3A_205] : memref<10000xf32, #tpu.memory_space<vmem_shared>> -> memref<10000xf32, #tpu.memory_space<vmem_shared>>
        %dma_start3A_207 = tpu.memref_slice %arg11[%rem3A_202] : memref<2x!tpu.dma_semaphore, #tpu.memory_space<semaphore_mem>> -> memref<1x!tpu.dma_semaphore, #tpu.memory_space<semaphore_mem>>
        %dma_start3A_208 = tpu.memref_squeeze %dma_start3A_207 : memref<1x!tpu.dma_semaphore, #tpu.memory_space<semaphore_mem>> -> memref<!tpu.dma_semaphore, #tpu.memory_space<semaphore_mem>>
        tpu.enqueue_indirect_dma source(%arg6 : memref<128xf32, #tpu.memory_space<vmem>>) target(%dma_start3A_206 : memref<10000xf32, #tpu.memory_space<vmem_shared>>) offsets(%dma_start3A_204 : memref<128xi32, #tpu.memory_space<vmem>>) semaphore(%dma_start3A_208 : memref<!tpu.dma_semaphore, #tpu.memory_space<semaphore_mem>>) {add = true}
        %dma_start3A_209 = arith.constant 0 : i32
        %dma_start3A_210 = tpu.memref_slice %arg5[%rem3A_200, %dma_start3A_209] : memref<4x128xi32, #tpu.memory_space<vmem>> -> memref<1x128xi32, #tpu.memory_space<vmem>>
        %dma_start3A_211 = tpu.memref_squeeze %dma_start3A_210 : memref<1x128xi32, #tpu.memory_space<vmem>> -> memref<128xi32, #tpu.memory_space<vmem>>
        %dma_start3A_212 = arith.constant 0 : i32
        %dma_start3A_213 = tpu.memref_slice %arg9[%dma_start3A_212] : memref<10000xf32, #tpu.memory_space<vmem_shared>> -> memref<10000xf32, #tpu.memory_space<vmem_shared>>
        %dma_start3A_214 = tpu.memref_slice %arg11[%rem3A_202] : memref<2x!tpu.dma_semaphore, #tpu.memory_space<semaphore_mem>> -> memref<1x!tpu.dma_semaphore, #tpu.memory_space<semaphore_mem>>
        %dma_start3A_215 = tpu.memref_squeeze %dma_start3A_214 : memref<1x!tpu.dma_semaphore, #tpu.memory_space<semaphore_mem>> -> memref<!tpu.dma_semaphore, #tpu.memory_space<semaphore_mem>>
        tpu.enqueue_indirect_dma source(%arg6 : memref<128xf32, #tpu.memory_space<vmem>>) target(%dma_start3A_213 : memref<10000xf32, #tpu.memory_space<vmem_shared>>) offsets(%dma_start3A_211 : memref<128xi32, #tpu.memory_space<vmem>>) semaphore(%dma_start3A_215 : memref<!tpu.dma_semaphore, #tpu.memory_space<semaphore_mem>>) {add = true}
      } else {
      }
    }
    %scan3A_119 = arith.constant 79 : i32
    %add3A_120 = arith.constant 2464 : i32
    %add3A_121 = arith.addi %add3A, %add3A_120 : i32
    %lt3A_122 = arith.constant 2500 : i32
    %lt3A_123 = arith.cmpi slt, %add3A_121, %lt3A_122 : i32
    %convert_element_type3A_124 = arith.extui %lt3A_123 : i1 to i32
    %cond3A_125 = arith.constant 0 : i32
    %cond3A_126 = arith.cmpi ne, %convert_element_type3A_124, %cond3A_125 : i32
    scf.if %cond3A_126 {
      %rem3A = arith.constant 77 : i32
      %rem3A_140 = arith.constant 4 : i32
      %rem3A_141 = arith.remsi %rem3A, %rem3A_140 : i32
      %rem3A_142 = arith.constant 77 : i32
      %rem3A_143 = arith.constant 2 : i32
      %rem3A_144 = arith.remsi %rem3A_142, %rem3A_143 : i32
      %dma_wait3A = arith.constant 0 : i32
      %dma_wait3A_145 = tpu.memref_slice %arg4[%rem3A_141, %dma_wait3A] : memref<4x128xi32, #tpu.memory_space<vmem>> -> memref<1x128xi32, #tpu.memory_space<vmem>>
      %dma_wait3A_146 = tpu.memref_squeeze %dma_wait3A_145 : memref<1x128xi32, #tpu.memory_space<vmem>> -> memref<128xi32, #tpu.memory_space<vmem>>
      %dma_wait3A_147 = arith.constant 0 : i32
      %dma_wait3A_148 = tpu.memref_slice %arg8[%dma_wait3A_147] : memref<10000xf32, #tpu.memory_space<vmem_shared>> -> memref<10000xf32, #tpu.memory_space<vmem_shared>>
      %dma_wait3A_149 = tpu.memref_slice %arg11[%rem3A_144] : memref<2x!tpu.dma_semaphore, #tpu.memory_space<semaphore_mem>> -> memref<1x!tpu.dma_semaphore, #tpu.memory_space<semaphore_mem>>
      %dma_wait3A_150 = tpu.memref_squeeze %dma_wait3A_149 : memref<1x!tpu.dma_semaphore, #tpu.memory_space<semaphore_mem>> -> memref<!tpu.dma_semaphore, #tpu.memory_space<semaphore_mem>>
      tpu.wait_indirect_dma semaphore(%dma_wait3A_150 : memref<!tpu.dma_semaphore, #tpu.memory_space<semaphore_mem>>) src(%arg6 : memref<128xf32, #tpu.memory_space<vmem>>) dst(%dma_wait3A_148 : memref<10000xf32, #tpu.memory_space<vmem_shared>>)
      %dma_wait3A_151 = arith.constant 0 : i32
      %dma_wait3A_152 = tpu.memref_slice %arg5[%rem3A_141, %dma_wait3A_151] : memref<4x128xi32, #tpu.memory_space<vmem>> -> memref<1x128xi32, #tpu.memory_space<vmem>>
      %dma_wait3A_153 = tpu.memref_squeeze %dma_wait3A_152 : memref<1x128xi32, #tpu.memory_space<vmem>> -> memref<128xi32, #tpu.memory_space<vmem>>
      %dma_wait3A_154 = arith.constant 0 : i32
      %dma_wait3A_155 = tpu.memref_slice %arg9[%dma_wait3A_154] : memref<10000xf32, #tpu.memory_space<vmem_shared>> -> memref<10000xf32, #tpu.memory_space<vmem_shared>>
      %dma_wait3A_156 = tpu.memref_slice %arg11[%rem3A_144] : memref<2x!tpu.dma_semaphore, #tpu.memory_space<semaphore_mem>> -> memref<1x!tpu.dma_semaphore, #tpu.memory_space<semaphore_mem>>
      %dma_wait3A_157 = tpu.memref_squeeze %dma_wait3A_156 : memref<1x!tpu.dma_semaphore, #tpu.memory_space<semaphore_mem>> -> memref<!tpu.dma_semaphore, #tpu.memory_space<semaphore_mem>>
      tpu.wait_indirect_dma semaphore(%dma_wait3A_157 : memref<!tpu.dma_semaphore, #tpu.memory_space<semaphore_mem>>) src(%arg6 : memref<128xf32, #tpu.memory_space<vmem>>) dst(%dma_wait3A_155 : memref<10000xf32, #tpu.memory_space<vmem_shared>>)
    } else {
    }
    %add3A_127 = arith.constant 2496 : i32
    %add3A_128 = arith.addi %add3A, %add3A_127 : i32
    %lt3A_129 = arith.constant 2500 : i32
    %lt3A_130 = arith.cmpi slt, %add3A_128, %lt3A_129 : i32
    %convert_element_type3A_131 = arith.extui %lt3A_130 : i1 to i32
    %cond3A_132 = arith.constant 0 : i32
    %cond3A_133 = arith.cmpi ne, %convert_element_type3A_131, %cond3A_132 : i32
    scf.if %cond3A_133 {
      %rem3A = arith.constant 78 : i32
      %rem3A_140 = arith.constant 4 : i32
      %rem3A_141 = arith.remsi %rem3A, %rem3A_140 : i32
      %rem3A_142 = arith.constant 78 : i32
      %rem3A_143 = arith.constant 2 : i32
      %rem3A_144 = arith.remsi %rem3A_142, %rem3A_143 : i32
      %dma_wait3A = arith.constant 0 : i32
      %dma_wait3A_145 = tpu.memref_slice %arg4[%rem3A_141, %dma_wait3A] : memref<4x128xi32, #tpu.memory_space<vmem>> -> memref<1x128xi32, #tpu.memory_space<vmem>>
      %dma_wait3A_146 = tpu.memref_squeeze %dma_wait3A_145 : memref<1x128xi32, #tpu.memory_space<vmem>> -> memref<128xi32, #tpu.memory_space<vmem>>
      %dma_wait3A_147 = arith.constant 0 : i32
      %dma_wait3A_148 = tpu.memref_slice %arg8[%dma_wait3A_147] : memref<10000xf32, #tpu.memory_space<vmem_shared>> -> memref<10000xf32, #tpu.memory_space<vmem_shared>>
      %dma_wait3A_149 = tpu.memref_slice %arg11[%rem3A_144] : memref<2x!tpu.dma_semaphore, #tpu.memory_space<semaphore_mem>> -> memref<1x!tpu.dma_semaphore, #tpu.memory_space<semaphore_mem>>
      %dma_wait3A_150 = tpu.memref_squeeze %dma_wait3A_149 : memref<1x!tpu.dma_semaphore, #tpu.memory_space<semaphore_mem>> -> memref<!tpu.dma_semaphore, #tpu.memory_space<semaphore_mem>>
      tpu.wait_indirect_dma semaphore(%dma_wait3A_150 : memref<!tpu.dma_semaphore, #tpu.memory_space<semaphore_mem>>) src(%arg6 : memref<128xf32, #tpu.memory_space<vmem>>) dst(%dma_wait3A_148 : memref<10000xf32, #tpu.memory_space<vmem_shared>>)
      %dma_wait3A_151 = arith.constant 0 : i32
      %dma_wait3A_152 = tpu.memref_slice %arg5[%rem3A_141, %dma_wait3A_151] : memref<4x128xi32, #tpu.memory_space<vmem>> -> memref<1x128xi32, #tpu.memory_space<vmem>>
      %dma_wait3A_153 = tpu.memref_squeeze %dma_wait3A_152 : memref<1x128xi32, #tpu.memory_space<vmem>> -> memref<128xi32, #tpu.memory_space<vmem>>
      %dma_wait3A_154 = arith.constant 0 : i32
      %dma_wait3A_155 = tpu.memref_slice %arg9[%dma_wait3A_154] : memref<10000xf32, #tpu.memory_space<vmem_shared>> -> memref<10000xf32, #tpu.memory_space<vmem_shared>>
      %dma_wait3A_156 = tpu.memref_slice %arg11[%rem3A_144] : memref<2x!tpu.dma_semaphore, #tpu.memory_space<semaphore_mem>> -> memref<1x!tpu.dma_semaphore, #tpu.memory_space<semaphore_mem>>
      %dma_wait3A_157 = tpu.memref_squeeze %dma_wait3A_156 : memref<1x!tpu.dma_semaphore, #tpu.memory_space<semaphore_mem>> -> memref<!tpu.dma_semaphore, #tpu.memory_space<semaphore_mem>>
      tpu.wait_indirect_dma semaphore(%dma_wait3A_157 : memref<!tpu.dma_semaphore, #tpu.memory_space<semaphore_mem>>) src(%arg6 : memref<128xf32, #tpu.memory_space<vmem>>) dst(%dma_wait3A_155 : memref<10000xf32, #tpu.memory_space<vmem_shared>>)
    } else {
    }
    %barrier3A_134 = arith.constant 0 : index
    tpu.barrier barrier_id(%barrier3A_134)
    %eq3A_135 = arith.constant 0 : i32
    %eq3A_136 = arith.cmpi eq, %arg1, %eq3A_135 : i32
    %convert_element_type3A_137 = arith.extui %eq3A_136 : i1 to i32
    %cond3A_138 = arith.constant 0 : i32
    %cond3A_139 = arith.cmpi ne, %convert_element_type3A_137, %cond3A_138 : i32
    scf.if %cond3A_139 {
      %run_scoped3A = arith.constant 0 : i32
      "tpu.region"() ({
        %run_scoped3A_141 = tpu.sem_alloc : memref<!tpu.dma_semaphore, #tpu.memory_space<semaphore_mem>>
        %dma_start3A = arith.constant 0 : i32
        %dma_start3A_142 = tpu.memref_slice %arg3[%arg0, %run_scoped3A, %dma_start3A] : memref<2x2x10000xf32, #tpu.memory_space<hbm>> -> memref<1x1x10000xf32, #tpu.memory_space<hbm>>
        %dma_start3A_143 = tpu.memref_squeeze %dma_start3A_142 : memref<1x1x10000xf32, #tpu.memory_space<hbm>> -> memref<10000xf32, #tpu.memory_space<hbm>>
        tpu.enqueue_dma source(%arg8 : memref<10000xf32, #tpu.memory_space<vmem_shared>>) target(%dma_start3A_143 : memref<10000xf32, #tpu.memory_space<hbm>>) target_semaphore(%run_scoped3A_141 : memref<!tpu.dma_semaphore, #tpu.memory_space<semaphore_mem>>)
        %dma_wait3A = arith.constant 0 : i32
        %dma_wait3A_144 = tpu.memref_slice %arg3[%arg0, %run_scoped3A, %dma_wait3A] : memref<2x2x10000xf32, #tpu.memory_space<hbm>> -> memref<1x1x10000xf32, #tpu.memory_space<hbm>>
        %dma_wait3A_145 = tpu.memref_squeeze %dma_wait3A_144 : memref<1x1x10000xf32, #tpu.memory_space<hbm>> -> memref<10000xf32, #tpu.memory_space<hbm>>
        tpu.wait_dma2 semaphore(%run_scoped3A_141 : memref<!tpu.dma_semaphore, #tpu.memory_space<semaphore_mem>>) src(%arg8 : memref<10000xf32, #tpu.memory_space<vmem_shared>>) dst(%dma_wait3A_145 : memref<10000xf32, #tpu.memory_space<hbm>>)
        tpu.yield
      }) : () -> ()
      %run_scoped3A_140 = arith.constant 1 : i32
      "tpu.region"() ({
        %run_scoped3A_141 = tpu.sem_alloc : memref<!tpu.dma_semaphore, #tpu.memory_space<semaphore_mem>>
        %dma_start3A = arith.constant 0 : i32
        %dma_start3A_142 = tpu.memref_slice %arg3[%arg0, %run_scoped3A_140, %dma_start3A] : memref<2x2x10000xf32, #tpu.memory_space<hbm>> -> memref<1x1x10000xf32, #tpu.memory_space<hbm>>
        %dma_start3A_143 = tpu.memref_squeeze %dma_start3A_142 : memref<1x1x10000xf32, #tpu.memory_space<hbm>> -> memref<10000xf32, #tpu.memory_space<hbm>>
        tpu.enqueue_dma source(%arg9 : memref<10000xf32, #tpu.memory_space<vmem_shared>>) target(%dma_start3A_143 : memref<10000xf32, #tpu.memory_space<hbm>>) target_semaphore(%run_scoped3A_141 : memref<!tpu.dma_semaphore, #tpu.memory_space<semaphore_mem>>)
        %dma_wait3A = arith.constant 0 : i32
        %dma_wait3A_144 = tpu.memref_slice %arg3[%arg0, %run_scoped3A_140, %dma_wait3A] : memref<2x2x10000xf32, #tpu.memory_space<hbm>> -> memref<1x1x10000xf32, #tpu.memory_space<hbm>>
        %dma_wait3A_145 = tpu.memref_squeeze %dma_wait3A_144 : memref<1x1x10000xf32, #tpu.memory_space<hbm>> -> memref<10000xf32, #tpu.memory_space<hbm>>
        tpu.wait_dma2 semaphore(%run_scoped3A_141 : memref<!tpu.dma_semaphore, #tpu.memory_space<semaphore_mem>>) src(%arg9 : memref<10000xf32, #tpu.memory_space<vmem_shared>>) dst(%dma_wait3A_145 : memref<10000xf32, #tpu.memory_space<hbm>>)
        tpu.yield
      }) : () -> ()
    } else {
    }
    return
  }
}

#map = affine_map<(d0, d1) -> (0, 0)>
#map1 = affine_map<(d0, d1) -> (0, 0, 0)>
module attributes {stable_mosaic.version = 14 : i64} {
  func.func @agg(%arg0: i32, %arg1: i32, %arg2: memref<10000x128xf32, #tpu.memory_space<hbm>>, %arg3: memref<2x320000xi32, #tpu.memory_space<hbm>>, %arg4: memref<2x10000x128xf32, #tpu.memory_space<hbm>>, %arg5: memref<4x1x128xi32, #tpu.memory_space<vmem>>, %arg6: memref<4x1x128xi32, #tpu.memory_space<vmem>>, %arg7: memref<2x1x128x128xf32, #tpu.memory_space<vmem>>, %arg8: memref<10000x128xf32, #tpu.memory_space<vmem_shared>>, %arg9: memref<4x!tpu.dma_semaphore, #tpu.memory_space<semaphore_mem>>, %arg10: memref<2x!tpu.dma_semaphore, #tpu.memory_space<semaphore_mem>>, %arg11: memref<2x!tpu.dma_semaphore, #tpu.memory_space<semaphore_mem>>) attributes {dimension_semantics = [#tpu.dimension_semantics<core_parallel>, #tpu.dimension_semantics<subcore_parallel>], iteration_bounds = array<i64: 2, 16>, scalar_prefetch = 0 : i64, scratch_operands = 7 : i64, tpu.core_type = #tpu.core_type<sc_vector_subcore>, window_params = [{transform_indices = #map}, {transform_indices = #map}, {transform_indices = #map1}]} {
    %mul3A = arith.constant 2 : i32
    %mul3A_0 = arith.muli %arg1, %mul3A : i32
    %add3A = arith.addi %mul3A_0, %arg0 : i32
    %mul3A_1 = arith.constant 640 : i32
    %mul3A_2 = arith.muli %arg1, %mul3A_1 : i32
    %add3A_3 = arith.constant 0 : i32
    %add3A_4 = arith.addi %add3A, %add3A_3 : i32
    %lt3A = arith.constant 2500 : i32
    %lt3A_5 = arith.cmpi slt, %add3A_4, %lt3A : i32
    %convert_element_type3A = arith.extui %lt3A_5 : i1 to i32
    %cond3A = arith.constant 0 : i32
    %cond3A_6 = arith.cmpi ne, %convert_element_type3A, %cond3A : i32
    scf.if %cond3A_6 {
      %rem3A = arith.constant 0 : i32
      %rem3A_52 = arith.constant 4 : i32
      %rem3A_53 = arith.remsi %rem3A, %rem3A_52 : i32
      %add3A_54 = arith.constant 0 : i32
      %add3A_55 = arith.addi %add3A, %add3A_54 : i32
      %mul3A_56 = arith.constant 1 : i32
      %mul3A_57 = arith.muli %add3A_55, %mul3A_56 : i32
      %add3A_58 = arith.constant 0 : i32
      %add3A_59 = arith.addi %mul3A_57, %add3A_58 : i32
      %mul3A_60 = arith.constant 128 : i32
      %mul3A_61 = arith.muli %add3A_59, %mul3A_60 : i32
      %dma_start3A = arith.constant 0 : i32
      %dma_start3A_62 = arith.constant 0 : i32
      %dma_start3A_63 = arith.constant 0 : i32
      %dma_start3A_64 = tpu.memref_slice %arg5[%rem3A_53, %dma_start3A_62, %dma_start3A_63] : memref<4x1x128xi32, #tpu.memory_space<vmem>> -> memref<1x1x128xi32, #tpu.memory_space<vmem>>
      %dma_start3A_65 = tpu.memref_squeeze %dma_start3A_64 : memref<1x1x128xi32, #tpu.memory_space<vmem>> -> memref<128xi32, #tpu.memory_space<vmem>>
      %dma_start3A_66 = tpu.memref_slice %arg3[%dma_start3A, %mul3A_61] : memref<2x320000xi32, #tpu.memory_space<hbm>> -> memref<1x128xi32, #tpu.memory_space<hbm>>
      %dma_start3A_67 = tpu.memref_squeeze %dma_start3A_66 : memref<1x128xi32, #tpu.memory_space<hbm>> -> memref<128xi32, #tpu.memory_space<hbm>>
      %dma_start3A_68 = tpu.memref_slice %arg9[%rem3A_53] : memref<4x!tpu.dma_semaphore, #tpu.memory_space<semaphore_mem>> -> memref<1x!tpu.dma_semaphore, #tpu.memory_space<semaphore_mem>>
      %dma_start3A_69 = tpu.memref_squeeze %dma_start3A_68 : memref<1x!tpu.dma_semaphore, #tpu.memory_space<semaphore_mem>> -> memref<!tpu.dma_semaphore, #tpu.memory_space<semaphore_mem>>
      %dma_start3A_70 = arith.constant 0 : i32
      %dma_start3A_71 = tpu.memref_slice %arg5[%rem3A_53, %dma_start3A_62, %dma_start3A_70] : memref<4x1x128xi32, #tpu.memory_space<vmem>> -> memref<1x1x128xi32, #tpu.memory_space<vmem>>
      %dma_start3A_72 = tpu.memref_squeeze %dma_start3A_71 : memref<1x1x128xi32, #tpu.memory_space<vmem>> -> memref<128xi32, #tpu.memory_space<vmem>>
      %dma_start3A_73 = tpu.memref_slice %arg3[%dma_start3A, %mul3A_61] : memref<2x320000xi32, #tpu.memory_space<hbm>> -> memref<1x128xi32, #tpu.memory_space<hbm>>
      %dma_start3A_74 = tpu.memref_squeeze %dma_start3A_73 : memref<1x128xi32, #tpu.memory_space<hbm>> -> memref<128xi32, #tpu.memory_space<hbm>>
      tpu.enqueue_dma source(%dma_start3A_74 : memref<128xi32, #tpu.memory_space<hbm>>) target(%dma_start3A_72 : memref<128xi32, #tpu.memory_space<vmem>>) target_semaphore(%dma_start3A_69 : memref<!tpu.dma_semaphore, #tpu.memory_space<semaphore_mem>>)
      %dma_start3A_75 = arith.constant 1 : i32
      %dma_start3A_76 = arith.constant 0 : i32
      %dma_start3A_77 = arith.constant 0 : i32
      %dma_start3A_78 = tpu.memref_slice %arg6[%rem3A_53, %dma_start3A_76, %dma_start3A_77] : memref<4x1x128xi32, #tpu.memory_space<vmem>> -> memref<1x1x128xi32, #tpu.memory_space<vmem>>
      %dma_start3A_79 = tpu.memref_squeeze %dma_start3A_78 : memref<1x1x128xi32, #tpu.memory_space<vmem>> -> memref<128xi32, #tpu.memory_space<vmem>>
      %dma_start3A_80 = tpu.memref_slice %arg3[%dma_start3A_75, %mul3A_61] : memref<2x320000xi32, #tpu.memory_space<hbm>> -> memref<1x128xi32, #tpu.memory_space<hbm>>
      %dma_start3A_81 = tpu.memref_squeeze %dma_start3A_80 : memref<1x128xi32, #tpu.memory_space<hbm>> -> memref<128xi32, #tpu.memory_space<hbm>>
      %dma_start3A_82 = tpu.memref_slice %arg9[%rem3A_53] : memref<4x!tpu.dma_semaphore, #tpu.memory_space<semaphore_mem>> -> memref<1x!tpu.dma_semaphore, #tpu.memory_space<semaphore_mem>>
      %dma_start3A_83 = tpu.memref_squeeze %dma_start3A_82 : memref<1x!tpu.dma_semaphore, #tpu.memory_space<semaphore_mem>> -> memref<!tpu.dma_semaphore, #tpu.memory_space<semaphore_mem>>
      %dma_start3A_84 = arith.constant 0 : i32
      %dma_start3A_85 = tpu.memref_slice %arg6[%rem3A_53, %dma_start3A_76, %dma_start3A_84] : memref<4x1x128xi32, #tpu.memory_space<vmem>> -> memref<1x1x128xi32, #tpu.memory_space<vmem>>
      %dma_start3A_86 = tpu.memref_squeeze %dma_start3A_85 : memref<1x1x128xi32, #tpu.memory_space<vmem>> -> memref<128xi32, #tpu.memory_space<vmem>>
      %dma_start3A_87 = tpu.memref_slice %arg3[%dma_start3A_75, %mul3A_61] : memref<2x320000xi32, #tpu.memory_space<hbm>> -> memref<1x128xi32, #tpu.memory_space<hbm>>
      %dma_start3A_88 = tpu.memref_squeeze %dma_start3A_87 : memref<1x128xi32, #tpu.memory_space<hbm>> -> memref<128xi32, #tpu.memory_space<hbm>>
      tpu.enqueue_dma source(%dma_start3A_88 : memref<128xi32, #tpu.memory_space<hbm>>) target(%dma_start3A_86 : memref<128xi32, #tpu.memory_space<vmem>>) target_semaphore(%dma_start3A_83 : memref<!tpu.dma_semaphore, #tpu.memory_space<semaphore_mem>>)
    } else {
    }
    %add3A_7 = arith.constant 32 : i32
    %add3A_8 = arith.addi %add3A, %add3A_7 : i32
    %lt3A_9 = arith.constant 2500 : i32
    %lt3A_10 = arith.cmpi slt, %add3A_8, %lt3A_9 : i32
    %convert_element_type3A_11 = arith.extui %lt3A_10 : i1 to i32
    %cond3A_12 = arith.constant 0 : i32
    %cond3A_13 = arith.cmpi ne, %convert_element_type3A_11, %cond3A_12 : i32
    scf.if %cond3A_13 {
      %rem3A = arith.constant 1 : i32
      %rem3A_52 = arith.constant 4 : i32
      %rem3A_53 = arith.remsi %rem3A, %rem3A_52 : i32
      %add3A_54 = arith.constant 32 : i32
      %add3A_55 = arith.addi %add3A, %add3A_54 : i32
      %mul3A_56 = arith.constant 1 : i32
      %mul3A_57 = arith.muli %add3A_55, %mul3A_56 : i32
      %add3A_58 = arith.constant 0 : i32
      %add3A_59 = arith.addi %mul3A_57, %add3A_58 : i32
      %mul3A_60 = arith.constant 128 : i32
      %mul3A_61 = arith.muli %add3A_59, %mul3A_60 : i32
      %dma_start3A = arith.constant 0 : i32
      %dma_start3A_62 = arith.constant 0 : i32
      %dma_start3A_63 = arith.constant 0 : i32
      %dma_start3A_64 = tpu.memref_slice %arg5[%rem3A_53, %dma_start3A_62, %dma_start3A_63] : memref<4x1x128xi32, #tpu.memory_space<vmem>> -> memref<1x1x128xi32, #tpu.memory_space<vmem>>
      %dma_start3A_65 = tpu.memref_squeeze %dma_start3A_64 : memref<1x1x128xi32, #tpu.memory_space<vmem>> -> memref<128xi32, #tpu.memory_space<vmem>>
      %dma_start3A_66 = tpu.memref_slice %arg3[%dma_start3A, %mul3A_61] : memref<2x320000xi32, #tpu.memory_space<hbm>> -> memref<1x128xi32, #tpu.memory_space<hbm>>
      %dma_start3A_67 = tpu.memref_squeeze %dma_start3A_66 : memref<1x128xi32, #tpu.memory_space<hbm>> -> memref<128xi32, #tpu.memory_space<hbm>>
      %dma_start3A_68 = tpu.memref_slice %arg9[%rem3A_53] : memref<4x!tpu.dma_semaphore, #tpu.memory_space<semaphore_mem>> -> memref<1x!tpu.dma_semaphore, #tpu.memory_space<semaphore_mem>>
      %dma_start3A_69 = tpu.memref_squeeze %dma_start3A_68 : memref<1x!tpu.dma_semaphore, #tpu.memory_space<semaphore_mem>> -> memref<!tpu.dma_semaphore, #tpu.memory_space<semaphore_mem>>
      %dma_start3A_70 = arith.constant 0 : i32
      %dma_start3A_71 = tpu.memref_slice %arg5[%rem3A_53, %dma_start3A_62, %dma_start3A_70] : memref<4x1x128xi32, #tpu.memory_space<vmem>> -> memref<1x1x128xi32, #tpu.memory_space<vmem>>
      %dma_start3A_72 = tpu.memref_squeeze %dma_start3A_71 : memref<1x1x128xi32, #tpu.memory_space<vmem>> -> memref<128xi32, #tpu.memory_space<vmem>>
      %dma_start3A_73 = tpu.memref_slice %arg3[%dma_start3A, %mul3A_61] : memref<2x320000xi32, #tpu.memory_space<hbm>> -> memref<1x128xi32, #tpu.memory_space<hbm>>
      %dma_start3A_74 = tpu.memref_squeeze %dma_start3A_73 : memref<1x128xi32, #tpu.memory_space<hbm>> -> memref<128xi32, #tpu.memory_space<hbm>>
      tpu.enqueue_dma source(%dma_start3A_74 : memref<128xi32, #tpu.memory_space<hbm>>) target(%dma_start3A_72 : memref<128xi32, #tpu.memory_space<vmem>>) target_semaphore(%dma_start3A_69 : memref<!tpu.dma_semaphore, #tpu.memory_space<semaphore_mem>>)
      %dma_start3A_75 = arith.constant 1 : i32
      %dma_start3A_76 = arith.constant 0 : i32
      %dma_start3A_77 = arith.constant 0 : i32
      %dma_start3A_78 = tpu.memref_slice %arg6[%rem3A_53, %dma_start3A_76, %dma_start3A_77] : memref<4x1x128xi32, #tpu.memory_space<vmem>> -> memref<1x1x128xi32, #tpu.memory_space<vmem>>
      %dma_start3A_79 = tpu.memref_squeeze %dma_start3A_78 : memref<1x1x128xi32, #tpu.memory_space<vmem>> -> memref<128xi32, #tpu.memory_space<vmem>>
      %dma_start3A_80 = tpu.memref_slice %arg3[%dma_start3A_75, %mul3A_61] : memref<2x320000xi32, #tpu.memory_space<hbm>> -> memref<1x128xi32, #tpu.memory_space<hbm>>
      %dma_start3A_81 = tpu.memref_squeeze %dma_start3A_80 : memref<1x128xi32, #tpu.memory_space<hbm>> -> memref<128xi32, #tpu.memory_space<hbm>>
      %dma_start3A_82 = tpu.memref_slice %arg9[%rem3A_53] : memref<4x!tpu.dma_semaphore, #tpu.memory_space<semaphore_mem>> -> memref<1x!tpu.dma_semaphore, #tpu.memory_space<semaphore_mem>>
      %dma_start3A_83 = tpu.memref_squeeze %dma_start3A_82 : memref<1x!tpu.dma_semaphore, #tpu.memory_space<semaphore_mem>> -> memref<!tpu.dma_semaphore, #tpu.memory_space<semaphore_mem>>
      %dma_start3A_84 = arith.constant 0 : i32
      %dma_start3A_85 = tpu.memref_slice %arg6[%rem3A_53, %dma_start3A_76, %dma_start3A_84] : memref<4x1x128xi32, #tpu.memory_space<vmem>> -> memref<1x1x128xi32, #tpu.memory_space<vmem>>
      %dma_start3A_86 = tpu.memref_squeeze %dma_start3A_85 : memref<1x1x128xi32, #tpu.memory_space<vmem>> -> memref<128xi32, #tpu.memory_space<vmem>>
      %dma_start3A_87 = tpu.memref_slice %arg3[%dma_start3A_75, %mul3A_61] : memref<2x320000xi32, #tpu.memory_space<hbm>> -> memref<1x128xi32, #tpu.memory_space<hbm>>
      %dma_start3A_88 = tpu.memref_squeeze %dma_start3A_87 : memref<1x128xi32, #tpu.memory_space<hbm>> -> memref<128xi32, #tpu.memory_space<hbm>>
      tpu.enqueue_dma source(%dma_start3A_88 : memref<128xi32, #tpu.memory_space<hbm>>) target(%dma_start3A_86 : memref<128xi32, #tpu.memory_space<vmem>>) target_semaphore(%dma_start3A_83 : memref<!tpu.dma_semaphore, #tpu.memory_space<semaphore_mem>>)
    } else {
    }
    %scan3A = arith.constant 0 : i32
    %scan3A_14 = arith.constant 0 : i32
    %scan3A_15 = arith.constant 128 : i32
    %scan3A_16 = arith.addi %scan3A_14, %scan3A_15 : i32
    %scan3A_17 = arith.constant 1 : i32
    scf.for %scan3A_52 = %scan3A_14 to %scan3A_16 step %scan3A_17  : i32 {
      %broadcast_in_dim3A = arith.constant 0.000000e+00 : f32
      %broadcast_in_dim3A_53 = vector.broadcast %broadcast_in_dim3A : f32 to vector<16xf32>
      %swap3A = arith.constant 0 : i32
      %swap3A_54 = arith.constant 0 : i32
      %swap3A_55 = arith.index_cast %swap3A : i32 to index
      %swap3A_56 = arith.index_cast %swap3A_54 : i32 to index
      %swap3A_57 = arith.index_cast %scan3A_52 : i32 to index
      %swap3A_58 = arith.constant 0 : index
      %swap3A_59 = tpu.vector_load %arg7[%swap3A_55, %swap3A_56, %swap3A_57, %swap3A_58] {strides = array<i32>} : memref<2x1x128x128xf32, #tpu.memory_space<vmem>>, vector<1x1x1x16xf32>,
      %swap3A_60 = vector.shape_cast %swap3A_59 : vector<1x1x1x16xf32> to vector<16xf32>
      %swap3A_61 = vector.shape_cast %broadcast_in_dim3A_53 : vector<16xf32> to vector<1x1x1x16xf32>
      tpu.vector_store %arg7[%swap3A_55, %swap3A_56, %swap3A_57, %swap3A_58], %swap3A_61 {strides = array<i32>} : memref<2x1x128x128xf32, #tpu.memory_space<vmem>>, vector<1x1x1x16xf32>,
      %broadcast_in_dim3A_62 = arith.constant 0.000000e+00 : f32
      %broadcast_in_dim3A_63 = vector.broadcast %broadcast_in_dim3A_62 : f32 to vector<16xf32>
      %swap3A_64 = arith.constant 0 : i32
      %swap3A_65 = arith.constant 0 : i32
      %swap3A_66 = arith.index_cast %swap3A_64 : i32 to index
      %swap3A_67 = arith.index_cast %swap3A_65 : i32 to index
      %swap3A_68 = arith.index_cast %scan3A_52 : i32 to index
      %swap3A_69 = arith.constant 16 : index
      %swap3A_70 = tpu.vector_load %arg7[%swap3A_66, %swap3A_67, %swap3A_68, %swap3A_69] {strides = array<i32>} : memref<2x1x128x128xf32, #tpu.memory_space<vmem>>, vector<1x1x1x16xf32>,
      %swap3A_71 = vector.shape_cast %swap3A_70 : vector<1x1x1x16xf32> to vector<16xf32>
      %swap3A_72 = vector.shape_cast %broadcast_in_dim3A_63 : vector<16xf32> to vector<1x1x1x16xf32>
      tpu.vector_store %arg7[%swap3A_66, %swap3A_67, %swap3A_68, %swap3A_69], %swap3A_72 {strides = array<i32>} : memref<2x1x128x128xf32, #tpu.memory_space<vmem>>, vector<1x1x1x16xf32>,
      %broadcast_in_dim3A_73 = arith.constant 0.000000e+00 : f32
      %broadcast_in_dim3A_74 = vector.broadcast %broadcast_in_dim3A_73 : f32 to vector<16xf32>
      %swap3A_75 = arith.constant 0 : i32
      %swap3A_76 = arith.constant 0 : i32
      %swap3A_77 = arith.index_cast %swap3A_75 : i32 to index
      %swap3A_78 = arith.index_cast %swap3A_76 : i32 to index
      %swap3A_79 = arith.index_cast %scan3A_52 : i32 to index
      %swap3A_80 = arith.constant 32 : index
      %swap3A_81 = tpu.vector_load %arg7[%swap3A_77, %swap3A_78, %swap3A_79, %swap3A_80] {strides = array<i32>} : memref<2x1x128x128xf32, #tpu.memory_space<vmem>>, vector<1x1x1x16xf32>,
      %swap3A_82 = vector.shape_cast %swap3A_81 : vector<1x1x1x16xf32> to vector<16xf32>
      %swap3A_83 = vector.shape_cast %broadcast_in_dim3A_74 : vector<16xf32> to vector<1x1x1x16xf32>
      tpu.vector_store %arg7[%swap3A_77, %swap3A_78, %swap3A_79, %swap3A_80], %swap3A_83 {strides = array<i32>} : memref<2x1x128x128xf32, #tpu.memory_space<vmem>>, vector<1x1x1x16xf32>,
      %broadcast_in_dim3A_84 = arith.constant 0.000000e+00 : f32
      %broadcast_in_dim3A_85 = vector.broadcast %broadcast_in_dim3A_84 : f32 to vector<16xf32>
      %swap3A_86 = arith.constant 0 : i32
      %swap3A_87 = arith.constant 0 : i32
      %swap3A_88 = arith.index_cast %swap3A_86 : i32 to index
      %swap3A_89 = arith.index_cast %swap3A_87 : i32 to index
      %swap3A_90 = arith.index_cast %scan3A_52 : i32 to index
      %swap3A_91 = arith.constant 48 : index
      %swap3A_92 = tpu.vector_load %arg7[%swap3A_88, %swap3A_89, %swap3A_90, %swap3A_91] {strides = array<i32>} : memref<2x1x128x128xf32, #tpu.memory_space<vmem>>, vector<1x1x1x16xf32>,
      %swap3A_93 = vector.shape_cast %swap3A_92 : vector<1x1x1x16xf32> to vector<16xf32>
      %swap3A_94 = vector.shape_cast %broadcast_in_dim3A_85 : vector<16xf32> to vector<1x1x1x16xf32>
      tpu.vector_store %arg7[%swap3A_88, %swap3A_89, %swap3A_90, %swap3A_91], %swap3A_94 {strides = array<i32>} : memref<2x1x128x128xf32, #tpu.memory_space<vmem>>, vector<1x1x1x16xf32>,
      %broadcast_in_dim3A_95 = arith.constant 0.000000e+00 : f32
      %broadcast_in_dim3A_96 = vector.broadcast %broadcast_in_dim3A_95 : f32 to vector<16xf32>
      %swap3A_97 = arith.constant 0 : i32
      %swap3A_98 = arith.constant 0 : i32
      %swap3A_99 = arith.index_cast %swap3A_97 : i32 to index
      %swap3A_100 = arith.index_cast %swap3A_98 : i32 to index
      %swap3A_101 = arith.index_cast %scan3A_52 : i32 to index
      %swap3A_102 = arith.constant 64 : index
      %swap3A_103 = tpu.vector_load %arg7[%swap3A_99, %swap3A_100, %swap3A_101, %swap3A_102] {strides = array<i32>} : memref<2x1x128x128xf32, #tpu.memory_space<vmem>>, vector<1x1x1x16xf32>,
      %swap3A_104 = vector.shape_cast %swap3A_103 : vector<1x1x1x16xf32> to vector<16xf32>
      %swap3A_105 = vector.shape_cast %broadcast_in_dim3A_96 : vector<16xf32> to vector<1x1x1x16xf32>
      tpu.vector_store %arg7[%swap3A_99, %swap3A_100, %swap3A_101, %swap3A_102], %swap3A_105 {strides = array<i32>} : memref<2x1x128x128xf32, #tpu.memory_space<vmem>>, vector<1x1x1x16xf32>,
      %broadcast_in_dim3A_106 = arith.constant 0.000000e+00 : f32
      %broadcast_in_dim3A_107 = vector.broadcast %broadcast_in_dim3A_106 : f32 to vector<16xf32>
      %swap3A_108 = arith.constant 0 : i32
      %swap3A_109 = arith.constant 0 : i32
      %swap3A_110 = arith.index_cast %swap3A_108 : i32 to index
      %swap3A_111 = arith.index_cast %swap3A_109 : i32 to index
      %swap3A_112 = arith.index_cast %scan3A_52 : i32 to index
      %swap3A_113 = arith.constant 80 : index
      %swap3A_114 = tpu.vector_load %arg7[%swap3A_110, %swap3A_111, %swap3A_112, %swap3A_113] {strides = array<i32>} : memref<2x1x128x128xf32, #tpu.memory_space<vmem>>, vector<1x1x1x16xf32>,
      %swap3A_115 = vector.shape_cast %swap3A_114 : vector<1x1x1x16xf32> to vector<16xf32>
      %swap3A_116 = vector.shape_cast %broadcast_in_dim3A_107 : vector<16xf32> to vector<1x1x1x16xf32>
      tpu.vector_store %arg7[%swap3A_110, %swap3A_111, %swap3A_112, %swap3A_113], %swap3A_116 {strides = array<i32>} : memref<2x1x128x128xf32, #tpu.memory_space<vmem>>, vector<1x1x1x16xf32>,
      %broadcast_in_dim3A_117 = arith.constant 0.000000e+00 : f32
      %broadcast_in_dim3A_118 = vector.broadcast %broadcast_in_dim3A_117 : f32 to vector<16xf32>
      %swap3A_119 = arith.constant 0 : i32
      %swap3A_120 = arith.constant 0 : i32
      %swap3A_121 = arith.index_cast %swap3A_119 : i32 to index
      %swap3A_122 = arith.index_cast %swap3A_120 : i32 to index
      %swap3A_123 = arith.index_cast %scan3A_52 : i32 to index
      %swap3A_124 = arith.constant 96 : index
      %swap3A_125 = tpu.vector_load %arg7[%swap3A_121, %swap3A_122, %swap3A_123, %swap3A_124] {strides = array<i32>} : memref<2x1x128x128xf32, #tpu.memory_space<vmem>>, vector<1x1x1x16xf32>,
      %swap3A_126 = vector.shape_cast %swap3A_125 : vector<1x1x1x16xf32> to vector<16xf32>
      %swap3A_127 = vector.shape_cast %broadcast_in_dim3A_118 : vector<16xf32> to vector<1x1x1x16xf32>
      tpu.vector_store %arg7[%swap3A_121, %swap3A_122, %swap3A_123, %swap3A_124], %swap3A_127 {strides = array<i32>} : memref<2x1x128x128xf32, #tpu.memory_space<vmem>>, vector<1x1x1x16xf32>,
      %broadcast_in_dim3A_128 = arith.constant 0.000000e+00 : f32
      %broadcast_in_dim3A_129 = vector.broadcast %broadcast_in_dim3A_128 : f32 to vector<16xf32>
      %swap3A_130 = arith.constant 0 : i32
      %swap3A_131 = arith.constant 0 : i32
      %swap3A_132 = arith.index_cast %swap3A_130 : i32 to index
      %swap3A_133 = arith.index_cast %swap3A_131 : i32 to index
      %swap3A_134 = arith.index_cast %scan3A_52 : i32 to index
      %swap3A_135 = arith.constant 112 : index
      %swap3A_136 = tpu.vector_load %arg7[%swap3A_132, %swap3A_133, %swap3A_134, %swap3A_135] {strides = array<i32>} : memref<2x1x128x128xf32, #tpu.memory_space<vmem>>, vector<1x1x1x16xf32>,
      %swap3A_137 = vector.shape_cast %swap3A_136 : vector<1x1x1x16xf32> to vector<16xf32>
      %swap3A_138 = vector.shape_cast %broadcast_in_dim3A_129 : vector<16xf32> to vector<1x1x1x16xf32>
      tpu.vector_store %arg7[%swap3A_132, %swap3A_133, %swap3A_134, %swap3A_135], %swap3A_138 {strides = array<i32>} : memref<2x1x128x128xf32, #tpu.memory_space<vmem>>, vector<1x1x1x16xf32>,
    }
    %scan3A_18 = arith.constant 128 : i32
    %lt3A_19 = arith.constant 15 : i32
    %lt3A_20 = arith.cmpi slt, %arg1, %lt3A_19 : i32
    %convert_element_type3A_21 = arith.extui %lt3A_20 : i1 to i32
    %cond3A_22 = arith.constant 0 : i32
    %cond3A_23 = arith.cmpi ne, %convert_element_type3A_21, %cond3A_22 : i32
    scf.if %cond3A_23 {
      %add3A_52 = arith.constant 0 : i32
      %add3A_53 = arith.addi %mul3A_2, %add3A_52 : i32
      %run_scoped3A = arith.constant 0 : i32
      %run_scoped3A_54 = arith.constant 0 : i32
      "tpu.region"() ({
        %run_scoped3A_71 = tpu.sem_alloc : memref<!tpu.dma_semaphore, #tpu.memory_space<semaphore_mem>>
        %dma_start3A = arith.constant 0 : i32
        %dma_start3A_72 = arith.constant 0 : i32
        %dma_start3A_73 = tpu.memref_slice %arg7[%run_scoped3A, %run_scoped3A_54, %dma_start3A, %dma_start3A_72] : memref<2x1x128x128xf32, #tpu.memory_space<vmem>> -> memref<1x1x128x128xf32, #tpu.memory_space<vmem>>
        %dma_start3A_74 = tpu.memref_squeeze %dma_start3A_73 : memref<1x1x128x128xf32, #tpu.memory_space<vmem>> -> memref<128x128xf32, #tpu.memory_space<vmem>>
        %dma_start3A_75 = arith.constant 0 : i32
        %dma_start3A_76 = tpu.memref_slice %arg8[%add3A_53, %dma_start3A_75] : memref<10000x128xf32, #tpu.memory_space<vmem_shared>> -> memref<128x128xf32, #tpu.memory_space<vmem_shared>>
        %dma_start3A_77 = arith.constant 0 : i32
        %dma_start3A_78 = tpu.memref_slice %arg8[%add3A_53, %dma_start3A_77] : memref<10000x128xf32, #tpu.memory_space<vmem_shared>> -> memref<128x128xf32, #tpu.memory_space<vmem_shared>>
        %dma_start3A_79 = arith.constant 0 : i32
        %dma_start3A_80 = arith.constant 0 : i32
        %dma_start3A_81 = tpu.memref_slice %arg7[%run_scoped3A, %run_scoped3A_54, %dma_start3A_79, %dma_start3A_80] : memref<2x1x128x128xf32, #tpu.memory_space<vmem>> -> memref<1x1x128x128xf32, #tpu.memory_space<vmem>>
        %dma_start3A_82 = tpu.memref_squeeze %dma_start3A_81 : memref<1x1x128x128xf32, #tpu.memory_space<vmem>> -> memref<128x128xf32, #tpu.memory_space<vmem>>
        tpu.enqueue_dma source(%dma_start3A_82 : memref<128x128xf32, #tpu.memory_space<vmem>>) target(%dma_start3A_78 : memref<128x128xf32, #tpu.memory_space<vmem_shared>>) target_semaphore(%run_scoped3A_71 : memref<!tpu.dma_semaphore, #tpu.memory_space<semaphore_mem>>)
        %dma_wait3A = arith.constant 0 : i32
        %dma_wait3A_83 = arith.constant 0 : i32
        %dma_wait3A_84 = tpu.memref_slice %arg7[%run_scoped3A, %run_scoped3A_54, %dma_wait3A, %dma_wait3A_83] : memref<2x1x128x128xf32, #tpu.memory_space<vmem>> -> memref<1x1x128x128xf32, #tpu.memory_space<vmem>>
        %dma_wait3A_85 = tpu.memref_squeeze %dma_wait3A_84 : memref<1x1x128x128xf32, #tpu.memory_space<vmem>> -> memref<128x128xf32, #tpu.memory_space<vmem>>
        %dma_wait3A_86 = arith.constant 0 : i32
        %dma_wait3A_87 = tpu.memref_slice %arg8[%add3A_53, %dma_wait3A_86] : memref<10000x128xf32, #tpu.memory_space<vmem_shared>> -> memref<128x128xf32, #tpu.memory_space<vmem_shared>>
        %dma_wait3A_88 = arith.constant 0 : i32
        %dma_wait3A_89 = tpu.memref_slice %arg8[%add3A_53, %dma_wait3A_88] : memref<10000x128xf32, #tpu.memory_space<vmem_shared>> -> memref<128x128xf32, #tpu.memory_space<vmem_shared>>
        %dma_wait3A_90 = arith.constant 0 : i32
        %dma_wait3A_91 = arith.constant 0 : i32
        %dma_wait3A_92 = tpu.memref_slice %arg7[%run_scoped3A, %run_scoped3A_54, %dma_wait3A_90, %dma_wait3A_91] : memref<2x1x128x128xf32, #tpu.memory_space<vmem>> -> memref<1x1x128x128xf32, #tpu.memory_space<vmem>>
        %dma_wait3A_93 = tpu.memref_squeeze %dma_wait3A_92 : memref<1x1x128x128xf32, #tpu.memory_space<vmem>> -> memref<128x128xf32, #tpu.memory_space<vmem>>
        tpu.wait_dma2 semaphore(%run_scoped3A_71 : memref<!tpu.dma_semaphore, #tpu.memory_space<semaphore_mem>>) src(%dma_wait3A_93 : memref<128x128xf32, #tpu.memory_space<vmem>>) dst(%dma_wait3A_89 : memref<128x128xf32, #tpu.memory_space<vmem_shared>>)
        tpu.yield
      }) : () -> ()
      %add3A_55 = arith.constant 128 : i32
      %add3A_56 = arith.addi %mul3A_2, %add3A_55 : i32
      %run_scoped3A_57 = arith.constant 0 : i32
      %run_scoped3A_58 = arith.constant 0 : i32
      "tpu.region"() ({
        %run_scoped3A_71 = tpu.sem_alloc : memref<!tpu.dma_semaphore, #tpu.memory_space<semaphore_mem>>
        %dma_start3A = arith.constant 0 : i32
        %dma_start3A_72 = arith.constant 0 : i32
        %dma_start3A_73 = tpu.memref_slice %arg7[%run_scoped3A_57, %run_scoped3A_58, %dma_start3A, %dma_start3A_72] : memref<2x1x128x128xf32, #tpu.memory_space<vmem>> -> memref<1x1x128x128xf32, #tpu.memory_space<vmem>>
        %dma_start3A_74 = tpu.memref_squeeze %dma_start3A_73 : memref<1x1x128x128xf32, #tpu.memory_space<vmem>> -> memref<128x128xf32, #tpu.memory_space<vmem>>
        %dma_start3A_75 = arith.constant 0 : i32
        %dma_start3A_76 = tpu.memref_slice %arg8[%add3A_56, %dma_start3A_75] : memref<10000x128xf32, #tpu.memory_space<vmem_shared>> -> memref<128x128xf32, #tpu.memory_space<vmem_shared>>
        %dma_start3A_77 = arith.constant 0 : i32
        %dma_start3A_78 = tpu.memref_slice %arg8[%add3A_56, %dma_start3A_77] : memref<10000x128xf32, #tpu.memory_space<vmem_shared>> -> memref<128x128xf32, #tpu.memory_space<vmem_shared>>
        %dma_start3A_79 = arith.constant 0 : i32
        %dma_start3A_80 = arith.constant 0 : i32
        %dma_start3A_81 = tpu.memref_slice %arg7[%run_scoped3A_57, %run_scoped3A_58, %dma_start3A_79, %dma_start3A_80] : memref<2x1x128x128xf32, #tpu.memory_space<vmem>> -> memref<1x1x128x128xf32, #tpu.memory_space<vmem>>
        %dma_start3A_82 = tpu.memref_squeeze %dma_start3A_81 : memref<1x1x128x128xf32, #tpu.memory_space<vmem>> -> memref<128x128xf32, #tpu.memory_space<vmem>>
        tpu.enqueue_dma source(%dma_start3A_82 : memref<128x128xf32, #tpu.memory_space<vmem>>) target(%dma_start3A_78 : memref<128x128xf32, #tpu.memory_space<vmem_shared>>) target_semaphore(%run_scoped3A_71 : memref<!tpu.dma_semaphore, #tpu.memory_space<semaphore_mem>>)
        %dma_wait3A = arith.constant 0 : i32
        %dma_wait3A_83 = arith.constant 0 : i32
        %dma_wait3A_84 = tpu.memref_slice %arg7[%run_scoped3A_57, %run_scoped3A_58, %dma_wait3A, %dma_wait3A_83] : memref<2x1x128x128xf32, #tpu.memory_space<vmem>> -> memref<1x1x128x128xf32, #tpu.memory_space<vmem>>
        %dma_wait3A_85 = tpu.memref_squeeze %dma_wait3A_84 : memref<1x1x128x128xf32, #tpu.memory_space<vmem>> -> memref<128x128xf32, #tpu.memory_space<vmem>>
        %dma_wait3A_86 = arith.constant 0 : i32
        %dma_wait3A_87 = tpu.memref_slice %arg8[%add3A_56, %dma_wait3A_86] : memref<10000x128xf32, #tpu.memory_space<vmem_shared>> -> memref<128x128xf32, #tpu.memory_space<vmem_shared>>
        %dma_wait3A_88 = arith.constant 0 : i32
        %dma_wait3A_89 = tpu.memref_slice %arg8[%add3A_56, %dma_wait3A_88] : memref<10000x128xf32, #tpu.memory_space<vmem_shared>> -> memref<128x128xf32, #tpu.memory_space<vmem_shared>>
        %dma_wait3A_90 = arith.constant 0 : i32
        %dma_wait3A_91 = arith.constant 0 : i32
        %dma_wait3A_92 = tpu.memref_slice %arg7[%run_scoped3A_57, %run_scoped3A_58, %dma_wait3A_90, %dma_wait3A_91] : memref<2x1x128x128xf32, #tpu.memory_space<vmem>> -> memref<1x1x128x128xf32, #tpu.memory_space<vmem>>
        %dma_wait3A_93 = tpu.memref_squeeze %dma_wait3A_92 : memref<1x1x128x128xf32, #tpu.memory_space<vmem>> -> memref<128x128xf32, #tpu.memory_space<vmem>>
        tpu.wait_dma2 semaphore(%run_scoped3A_71 : memref<!tpu.dma_semaphore, #tpu.memory_space<semaphore_mem>>) src(%dma_wait3A_93 : memref<128x128xf32, #tpu.memory_space<vmem>>) dst(%dma_wait3A_89 : memref<128x128xf32, #tpu.memory_space<vmem_shared>>)
        tpu.yield
      }) : () -> ()
      %add3A_59 = arith.constant 256 : i32
      %add3A_60 = arith.addi %mul3A_2, %add3A_59 : i32
      %run_scoped3A_61 = arith.constant 0 : i32
      %run_scoped3A_62 = arith.constant 0 : i32
      "tpu.region"() ({
        %run_scoped3A_71 = tpu.sem_alloc : memref<!tpu.dma_semaphore, #tpu.memory_space<semaphore_mem>>
        %dma_start3A = arith.constant 0 : i32
        %dma_start3A_72 = arith.constant 0 : i32
        %dma_start3A_73 = tpu.memref_slice %arg7[%run_scoped3A_61, %run_scoped3A_62, %dma_start3A, %dma_start3A_72] : memref<2x1x128x128xf32, #tpu.memory_space<vmem>> -> memref<1x1x128x128xf32, #tpu.memory_space<vmem>>
        %dma_start3A_74 = tpu.memref_squeeze %dma_start3A_73 : memref<1x1x128x128xf32, #tpu.memory_space<vmem>> -> memref<128x128xf32, #tpu.memory_space<vmem>>
        %dma_start3A_75 = arith.constant 0 : i32
        %dma_start3A_76 = tpu.memref_slice %arg8[%add3A_60, %dma_start3A_75] : memref<10000x128xf32, #tpu.memory_space<vmem_shared>> -> memref<128x128xf32, #tpu.memory_space<vmem_shared>>
        %dma_start3A_77 = arith.constant 0 : i32
        %dma_start3A_78 = tpu.memref_slice %arg8[%add3A_60, %dma_start3A_77] : memref<10000x128xf32, #tpu.memory_space<vmem_shared>> -> memref<128x128xf32, #tpu.memory_space<vmem_shared>>
        %dma_start3A_79 = arith.constant 0 : i32
        %dma_start3A_80 = arith.constant 0 : i32
        %dma_start3A_81 = tpu.memref_slice %arg7[%run_scoped3A_61, %run_scoped3A_62, %dma_start3A_79, %dma_start3A_80] : memref<2x1x128x128xf32, #tpu.memory_space<vmem>> -> memref<1x1x128x128xf32, #tpu.memory_space<vmem>>
        %dma_start3A_82 = tpu.memref_squeeze %dma_start3A_81 : memref<1x1x128x128xf32, #tpu.memory_space<vmem>> -> memref<128x128xf32, #tpu.memory_space<vmem>>
        tpu.enqueue_dma source(%dma_start3A_82 : memref<128x128xf32, #tpu.memory_space<vmem>>) target(%dma_start3A_78 : memref<128x128xf32, #tpu.memory_space<vmem_shared>>) target_semaphore(%run_scoped3A_71 : memref<!tpu.dma_semaphore, #tpu.memory_space<semaphore_mem>>)
        %dma_wait3A = arith.constant 0 : i32
        %dma_wait3A_83 = arith.constant 0 : i32
        %dma_wait3A_84 = tpu.memref_slice %arg7[%run_scoped3A_61, %run_scoped3A_62, %dma_wait3A, %dma_wait3A_83] : memref<2x1x128x128xf32, #tpu.memory_space<vmem>> -> memref<1x1x128x128xf32, #tpu.memory_space<vmem>>
        %dma_wait3A_85 = tpu.memref_squeeze %dma_wait3A_84 : memref<1x1x128x128xf32, #tpu.memory_space<vmem>> -> memref<128x128xf32, #tpu.memory_space<vmem>>
        %dma_wait3A_86 = arith.constant 0 : i32
        %dma_wait3A_87 = tpu.memref_slice %arg8[%add3A_60, %dma_wait3A_86] : memref<10000x128xf32, #tpu.memory_space<vmem_shared>> -> memref<128x128xf32, #tpu.memory_space<vmem_shared>>
        %dma_wait3A_88 = arith.constant 0 : i32
        %dma_wait3A_89 = tpu.memref_slice %arg8[%add3A_60, %dma_wait3A_88] : memref<10000x128xf32, #tpu.memory_space<vmem_shared>> -> memref<128x128xf32, #tpu.memory_space<vmem_shared>>
        %dma_wait3A_90 = arith.constant 0 : i32
        %dma_wait3A_91 = arith.constant 0 : i32
        %dma_wait3A_92 = tpu.memref_slice %arg7[%run_scoped3A_61, %run_scoped3A_62, %dma_wait3A_90, %dma_wait3A_91] : memref<2x1x128x128xf32, #tpu.memory_space<vmem>> -> memref<1x1x128x128xf32, #tpu.memory_space<vmem>>
        %dma_wait3A_93 = tpu.memref_squeeze %dma_wait3A_92 : memref<1x1x128x128xf32, #tpu.memory_space<vmem>> -> memref<128x128xf32, #tpu.memory_space<vmem>>
        tpu.wait_dma2 semaphore(%run_scoped3A_71 : memref<!tpu.dma_semaphore, #tpu.memory_space<semaphore_mem>>) src(%dma_wait3A_93 : memref<128x128xf32, #tpu.memory_space<vmem>>) dst(%dma_wait3A_89 : memref<128x128xf32, #tpu.memory_space<vmem_shared>>)
        tpu.yield
      }) : () -> ()
      %add3A_63 = arith.constant 384 : i32
      %add3A_64 = arith.addi %mul3A_2, %add3A_63 : i32
      %run_scoped3A_65 = arith.constant 0 : i32
      %run_scoped3A_66 = arith.constant 0 : i32
      "tpu.region"() ({
        %run_scoped3A_71 = tpu.sem_alloc : memref<!tpu.dma_semaphore, #tpu.memory_space<semaphore_mem>>
        %dma_start3A = arith.constant 0 : i32
        %dma_start3A_72 = arith.constant 0 : i32
        %dma_start3A_73 = tpu.memref_slice %arg7[%run_scoped3A_65, %run_scoped3A_66, %dma_start3A, %dma_start3A_72] : memref<2x1x128x128xf32, #tpu.memory_space<vmem>> -> memref<1x1x128x128xf32, #tpu.memory_space<vmem>>
        %dma_start3A_74 = tpu.memref_squeeze %dma_start3A_73 : memref<1x1x128x128xf32, #tpu.memory_space<vmem>> -> memref<128x128xf32, #tpu.memory_space<vmem>>
        %dma_start3A_75 = arith.constant 0 : i32
        %dma_start3A_76 = tpu.memref_slice %arg8[%add3A_64, %dma_start3A_75] : memref<10000x128xf32, #tpu.memory_space<vmem_shared>> -> memref<128x128xf32, #tpu.memory_space<vmem_shared>>
        %dma_start3A_77 = arith.constant 0 : i32
        %dma_start3A_78 = tpu.memref_slice %arg8[%add3A_64, %dma_start3A_77] : memref<10000x128xf32, #tpu.memory_space<vmem_shared>> -> memref<128x128xf32, #tpu.memory_space<vmem_shared>>
        %dma_start3A_79 = arith.constant 0 : i32
        %dma_start3A_80 = arith.constant 0 : i32
        %dma_start3A_81 = tpu.memref_slice %arg7[%run_scoped3A_65, %run_scoped3A_66, %dma_start3A_79, %dma_start3A_80] : memref<2x1x128x128xf32, #tpu.memory_space<vmem>> -> memref<1x1x128x128xf32, #tpu.memory_space<vmem>>
        %dma_start3A_82 = tpu.memref_squeeze %dma_start3A_81 : memref<1x1x128x128xf32, #tpu.memory_space<vmem>> -> memref<128x128xf32, #tpu.memory_space<vmem>>
        tpu.enqueue_dma source(%dma_start3A_82 : memref<128x128xf32, #tpu.memory_space<vmem>>) target(%dma_start3A_78 : memref<128x128xf32, #tpu.memory_space<vmem_shared>>) target_semaphore(%run_scoped3A_71 : memref<!tpu.dma_semaphore, #tpu.memory_space<semaphore_mem>>)
        %dma_wait3A = arith.constant 0 : i32
        %dma_wait3A_83 = arith.constant 0 : i32
        %dma_wait3A_84 = tpu.memref_slice %arg7[%run_scoped3A_65, %run_scoped3A_66, %dma_wait3A, %dma_wait3A_83] : memref<2x1x128x128xf32, #tpu.memory_space<vmem>> -> memref<1x1x128x128xf32, #tpu.memory_space<vmem>>
        %dma_wait3A_85 = tpu.memref_squeeze %dma_wait3A_84 : memref<1x1x128x128xf32, #tpu.memory_space<vmem>> -> memref<128x128xf32, #tpu.memory_space<vmem>>
        %dma_wait3A_86 = arith.constant 0 : i32
        %dma_wait3A_87 = tpu.memref_slice %arg8[%add3A_64, %dma_wait3A_86] : memref<10000x128xf32, #tpu.memory_space<vmem_shared>> -> memref<128x128xf32, #tpu.memory_space<vmem_shared>>
        %dma_wait3A_88 = arith.constant 0 : i32
        %dma_wait3A_89 = tpu.memref_slice %arg8[%add3A_64, %dma_wait3A_88] : memref<10000x128xf32, #tpu.memory_space<vmem_shared>> -> memref<128x128xf32, #tpu.memory_space<vmem_shared>>
        %dma_wait3A_90 = arith.constant 0 : i32
        %dma_wait3A_91 = arith.constant 0 : i32
        %dma_wait3A_92 = tpu.memref_slice %arg7[%run_scoped3A_65, %run_scoped3A_66, %dma_wait3A_90, %dma_wait3A_91] : memref<2x1x128x128xf32, #tpu.memory_space<vmem>> -> memref<1x1x128x128xf32, #tpu.memory_space<vmem>>
        %dma_wait3A_93 = tpu.memref_squeeze %dma_wait3A_92 : memref<1x1x128x128xf32, #tpu.memory_space<vmem>> -> memref<128x128xf32, #tpu.memory_space<vmem>>
        tpu.wait_dma2 semaphore(%run_scoped3A_71 : memref<!tpu.dma_semaphore, #tpu.memory_space<semaphore_mem>>) src(%dma_wait3A_93 : memref<128x128xf32, #tpu.memory_space<vmem>>) dst(%dma_wait3A_89 : memref<128x128xf32, #tpu.memory_space<vmem_shared>>)
        tpu.yield
      }) : () -> ()
      %add3A_67 = arith.constant 512 : i32
      %add3A_68 = arith.addi %mul3A_2, %add3A_67 : i32
      %run_scoped3A_69 = arith.constant 0 : i32
      %run_scoped3A_70 = arith.constant 0 : i32
      "tpu.region"() ({
        %run_scoped3A_71 = tpu.sem_alloc : memref<!tpu.dma_semaphore, #tpu.memory_space<semaphore_mem>>
        %dma_start3A = arith.constant 0 : i32
        %dma_start3A_72 = arith.constant 0 : i32
        %dma_start3A_73 = tpu.memref_slice %arg7[%run_scoped3A_69, %run_scoped3A_70, %dma_start3A, %dma_start3A_72] : memref<2x1x128x128xf32, #tpu.memory_space<vmem>> -> memref<1x1x128x128xf32, #tpu.memory_space<vmem>>
        %dma_start3A_74 = tpu.memref_squeeze %dma_start3A_73 : memref<1x1x128x128xf32, #tpu.memory_space<vmem>> -> memref<128x128xf32, #tpu.memory_space<vmem>>
        %dma_start3A_75 = arith.constant 0 : i32
        %dma_start3A_76 = tpu.memref_slice %arg8[%add3A_68, %dma_start3A_75] : memref<10000x128xf32, #tpu.memory_space<vmem_shared>> -> memref<128x128xf32, #tpu.memory_space<vmem_shared>>
        %dma_start3A_77 = arith.constant 0 : i32
        %dma_start3A_78 = tpu.memref_slice %arg8[%add3A_68, %dma_start3A_77] : memref<10000x128xf32, #tpu.memory_space<vmem_shared>> -> memref<128x128xf32, #tpu.memory_space<vmem_shared>>
        %dma_start3A_79 = arith.constant 0 : i32
        %dma_start3A_80 = arith.constant 0 : i32
        %dma_start3A_81 = tpu.memref_slice %arg7[%run_scoped3A_69, %run_scoped3A_70, %dma_start3A_79, %dma_start3A_80] : memref<2x1x128x128xf32, #tpu.memory_space<vmem>> -> memref<1x1x128x128xf32, #tpu.memory_space<vmem>>
        %dma_start3A_82 = tpu.memref_squeeze %dma_start3A_81 : memref<1x1x128x128xf32, #tpu.memory_space<vmem>> -> memref<128x128xf32, #tpu.memory_space<vmem>>
        tpu.enqueue_dma source(%dma_start3A_82 : memref<128x128xf32, #tpu.memory_space<vmem>>) target(%dma_start3A_78 : memref<128x128xf32, #tpu.memory_space<vmem_shared>>) target_semaphore(%run_scoped3A_71 : memref<!tpu.dma_semaphore, #tpu.memory_space<semaphore_mem>>)
        %dma_wait3A = arith.constant 0 : i32
        %dma_wait3A_83 = arith.constant 0 : i32
        %dma_wait3A_84 = tpu.memref_slice %arg7[%run_scoped3A_69, %run_scoped3A_70, %dma_wait3A, %dma_wait3A_83] : memref<2x1x128x128xf32, #tpu.memory_space<vmem>> -> memref<1x1x128x128xf32, #tpu.memory_space<vmem>>
        %dma_wait3A_85 = tpu.memref_squeeze %dma_wait3A_84 : memref<1x1x128x128xf32, #tpu.memory_space<vmem>> -> memref<128x128xf32, #tpu.memory_space<vmem>>
        %dma_wait3A_86 = arith.constant 0 : i32
        %dma_wait3A_87 = tpu.memref_slice %arg8[%add3A_68, %dma_wait3A_86] : memref<10000x128xf32, #tpu.memory_space<vmem_shared>> -> memref<128x128xf32, #tpu.memory_space<vmem_shared>>
        %dma_wait3A_88 = arith.constant 0 : i32
        %dma_wait3A_89 = tpu.memref_slice %arg8[%add3A_68, %dma_wait3A_88] : memref<10000x128xf32, #tpu.memory_space<vmem_shared>> -> memref<128x128xf32, #tpu.memory_space<vmem_shared>>
        %dma_wait3A_90 = arith.constant 0 : i32
        %dma_wait3A_91 = arith.constant 0 : i32
        %dma_wait3A_92 = tpu.memref_slice %arg7[%run_scoped3A_69, %run_scoped3A_70, %dma_wait3A_90, %dma_wait3A_91] : memref<2x1x128x128xf32, #tpu.memory_space<vmem>> -> memref<1x1x128x128xf32, #tpu.memory_space<vmem>>
        %dma_wait3A_93 = tpu.memref_squeeze %dma_wait3A_92 : memref<1x1x128x128xf32, #tpu.memory_space<vmem>> -> memref<128x128xf32, #tpu.memory_space<vmem>>
        tpu.wait_dma2 semaphore(%run_scoped3A_71 : memref<!tpu.dma_semaphore, #tpu.memory_space<semaphore_mem>>) src(%dma_wait3A_93 : memref<128x128xf32, #tpu.memory_space<vmem>>) dst(%dma_wait3A_89 : memref<128x128xf32, #tpu.memory_space<vmem_shared>>)
        tpu.yield
      }) : () -> ()
    } else {
    }
    %eq3A = arith.constant 15 : i32
    %eq3A_24 = arith.cmpi eq, %arg1, %eq3A : i32
    %convert_element_type3A_25 = arith.extui %eq3A_24 : i1 to i32
    %cond3A_26 = arith.constant 0 : i32
    %cond3A_27 = arith.cmpi ne, %convert_element_type3A_25, %cond3A_26 : i32
    scf.if %cond3A_27 {
      %add3A_52 = arith.constant 0 : i32
      %add3A_53 = arith.addi %mul3A_2, %add3A_52 : i32
      %run_scoped3A = arith.constant 0 : i32
      %run_scoped3A_54 = arith.constant 0 : i32
      "tpu.region"() ({
        %run_scoped3A_67 = tpu.sem_alloc : memref<!tpu.dma_semaphore, #tpu.memory_space<semaphore_mem>>
        %dma_start3A = arith.constant 0 : i32
        %dma_start3A_68 = arith.constant 0 : i32
        %dma_start3A_69 = tpu.memref_slice %arg7[%run_scoped3A, %run_scoped3A_54, %dma_start3A, %dma_start3A_68] : memref<2x1x128x128xf32, #tpu.memory_space<vmem>> -> memref<1x1x128x128xf32, #tpu.memory_space<vmem>>
        %dma_start3A_70 = tpu.memref_squeeze %dma_start3A_69 : memref<1x1x128x128xf32, #tpu.memory_space<vmem>> -> memref<128x128xf32, #tpu.memory_space<vmem>>
        %dma_start3A_71 = arith.constant 0 : i32
        %dma_start3A_72 = tpu.memref_slice %arg8[%add3A_53, %dma_start3A_71] : memref<10000x128xf32, #tpu.memory_space<vmem_shared>> -> memref<128x128xf32, #tpu.memory_space<vmem_shared>>
        %dma_start3A_73 = arith.constant 0 : i32
        %dma_start3A_74 = tpu.memref_slice %arg8[%add3A_53, %dma_start3A_73] : memref<10000x128xf32, #tpu.memory_space<vmem_shared>> -> memref<128x128xf32, #tpu.memory_space<vmem_shared>>
        %dma_start3A_75 = arith.constant 0 : i32
        %dma_start3A_76 = arith.constant 0 : i32
        %dma_start3A_77 = tpu.memref_slice %arg7[%run_scoped3A, %run_scoped3A_54, %dma_start3A_75, %dma_start3A_76] : memref<2x1x128x128xf32, #tpu.memory_space<vmem>> -> memref<1x1x128x128xf32, #tpu.memory_space<vmem>>
        %dma_start3A_78 = tpu.memref_squeeze %dma_start3A_77 : memref<1x1x128x128xf32, #tpu.memory_space<vmem>> -> memref<128x128xf32, #tpu.memory_space<vmem>>
        tpu.enqueue_dma source(%dma_start3A_78 : memref<128x128xf32, #tpu.memory_space<vmem>>) target(%dma_start3A_74 : memref<128x128xf32, #tpu.memory_space<vmem_shared>>) target_semaphore(%run_scoped3A_67 : memref<!tpu.dma_semaphore, #tpu.memory_space<semaphore_mem>>)
        %dma_wait3A = arith.constant 0 : i32
        %dma_wait3A_79 = arith.constant 0 : i32
        %dma_wait3A_80 = tpu.memref_slice %arg7[%run_scoped3A, %run_scoped3A_54, %dma_wait3A, %dma_wait3A_79] : memref<2x1x128x128xf32, #tpu.memory_space<vmem>> -> memref<1x1x128x128xf32, #tpu.memory_space<vmem>>
        %dma_wait3A_81 = tpu.memref_squeeze %dma_wait3A_80 : memref<1x1x128x128xf32, #tpu.memory_space<vmem>> -> memref<128x128xf32, #tpu.memory_space<vmem>>
        %dma_wait3A_82 = arith.constant 0 : i32
        %dma_wait3A_83 = tpu.memref_slice %arg8[%add3A_53, %dma_wait3A_82] : memref<10000x128xf32, #tpu.memory_space<vmem_shared>> -> memref<128x128xf32, #tpu.memory_space<vmem_shared>>
        %dma_wait3A_84 = arith.constant 0 : i32
        %dma_wait3A_85 = tpu.memref_slice %arg8[%add3A_53, %dma_wait3A_84] : memref<10000x128xf32, #tpu.memory_space<vmem_shared>> -> memref<128x128xf32, #tpu.memory_space<vmem_shared>>
        %dma_wait3A_86 = arith.constant 0 : i32
        %dma_wait3A_87 = arith.constant 0 : i32
        %dma_wait3A_88 = tpu.memref_slice %arg7[%run_scoped3A, %run_scoped3A_54, %dma_wait3A_86, %dma_wait3A_87] : memref<2x1x128x128xf32, #tpu.memory_space<vmem>> -> memref<1x1x128x128xf32, #tpu.memory_space<vmem>>
        %dma_wait3A_89 = tpu.memref_squeeze %dma_wait3A_88 : memref<1x1x128x128xf32, #tpu.memory_space<vmem>> -> memref<128x128xf32, #tpu.memory_space<vmem>>
        tpu.wait_dma2 semaphore(%run_scoped3A_67 : memref<!tpu.dma_semaphore, #tpu.memory_space<semaphore_mem>>) src(%dma_wait3A_89 : memref<128x128xf32, #tpu.memory_space<vmem>>) dst(%dma_wait3A_85 : memref<128x128xf32, #tpu.memory_space<vmem_shared>>)
        tpu.yield
      }) : () -> ()
      %add3A_55 = arith.constant 128 : i32
      %add3A_56 = arith.addi %mul3A_2, %add3A_55 : i32
      %run_scoped3A_57 = arith.constant 0 : i32
      %run_scoped3A_58 = arith.constant 0 : i32
      "tpu.region"() ({
        %run_scoped3A_67 = tpu.sem_alloc : memref<!tpu.dma_semaphore, #tpu.memory_space<semaphore_mem>>
        %dma_start3A = arith.constant 0 : i32
        %dma_start3A_68 = arith.constant 0 : i32
        %dma_start3A_69 = tpu.memref_slice %arg7[%run_scoped3A_57, %run_scoped3A_58, %dma_start3A, %dma_start3A_68] : memref<2x1x128x128xf32, #tpu.memory_space<vmem>> -> memref<1x1x128x128xf32, #tpu.memory_space<vmem>>
        %dma_start3A_70 = tpu.memref_squeeze %dma_start3A_69 : memref<1x1x128x128xf32, #tpu.memory_space<vmem>> -> memref<128x128xf32, #tpu.memory_space<vmem>>
        %dma_start3A_71 = arith.constant 0 : i32
        %dma_start3A_72 = tpu.memref_slice %arg8[%add3A_56, %dma_start3A_71] : memref<10000x128xf32, #tpu.memory_space<vmem_shared>> -> memref<128x128xf32, #tpu.memory_space<vmem_shared>>
        %dma_start3A_73 = arith.constant 0 : i32
        %dma_start3A_74 = tpu.memref_slice %arg8[%add3A_56, %dma_start3A_73] : memref<10000x128xf32, #tpu.memory_space<vmem_shared>> -> memref<128x128xf32, #tpu.memory_space<vmem_shared>>
        %dma_start3A_75 = arith.constant 0 : i32
        %dma_start3A_76 = arith.constant 0 : i32
        %dma_start3A_77 = tpu.memref_slice %arg7[%run_scoped3A_57, %run_scoped3A_58, %dma_start3A_75, %dma_start3A_76] : memref<2x1x128x128xf32, #tpu.memory_space<vmem>> -> memref<1x1x128x128xf32, #tpu.memory_space<vmem>>
        %dma_start3A_78 = tpu.memref_squeeze %dma_start3A_77 : memref<1x1x128x128xf32, #tpu.memory_space<vmem>> -> memref<128x128xf32, #tpu.memory_space<vmem>>
        tpu.enqueue_dma source(%dma_start3A_78 : memref<128x128xf32, #tpu.memory_space<vmem>>) target(%dma_start3A_74 : memref<128x128xf32, #tpu.memory_space<vmem_shared>>) target_semaphore(%run_scoped3A_67 : memref<!tpu.dma_semaphore, #tpu.memory_space<semaphore_mem>>)
        %dma_wait3A = arith.constant 0 : i32
        %dma_wait3A_79 = arith.constant 0 : i32
        %dma_wait3A_80 = tpu.memref_slice %arg7[%run_scoped3A_57, %run_scoped3A_58, %dma_wait3A, %dma_wait3A_79] : memref<2x1x128x128xf32, #tpu.memory_space<vmem>> -> memref<1x1x128x128xf32, #tpu.memory_space<vmem>>
        %dma_wait3A_81 = tpu.memref_squeeze %dma_wait3A_80 : memref<1x1x128x128xf32, #tpu.memory_space<vmem>> -> memref<128x128xf32, #tpu.memory_space<vmem>>
        %dma_wait3A_82 = arith.constant 0 : i32
        %dma_wait3A_83 = tpu.memref_slice %arg8[%add3A_56, %dma_wait3A_82] : memref<10000x128xf32, #tpu.memory_space<vmem_shared>> -> memref<128x128xf32, #tpu.memory_space<vmem_shared>>
        %dma_wait3A_84 = arith.constant 0 : i32
        %dma_wait3A_85 = tpu.memref_slice %arg8[%add3A_56, %dma_wait3A_84] : memref<10000x128xf32, #tpu.memory_space<vmem_shared>> -> memref<128x128xf32, #tpu.memory_space<vmem_shared>>
        %dma_wait3A_86 = arith.constant 0 : i32
        %dma_wait3A_87 = arith.constant 0 : i32
        %dma_wait3A_88 = tpu.memref_slice %arg7[%run_scoped3A_57, %run_scoped3A_58, %dma_wait3A_86, %dma_wait3A_87] : memref<2x1x128x128xf32, #tpu.memory_space<vmem>> -> memref<1x1x128x128xf32, #tpu.memory_space<vmem>>
        %dma_wait3A_89 = tpu.memref_squeeze %dma_wait3A_88 : memref<1x1x128x128xf32, #tpu.memory_space<vmem>> -> memref<128x128xf32, #tpu.memory_space<vmem>>
        tpu.wait_dma2 semaphore(%run_scoped3A_67 : memref<!tpu.dma_semaphore, #tpu.memory_space<semaphore_mem>>) src(%dma_wait3A_89 : memref<128x128xf32, #tpu.memory_space<vmem>>) dst(%dma_wait3A_85 : memref<128x128xf32, #tpu.memory_space<vmem_shared>>)
        tpu.yield
      }) : () -> ()
      %add3A_59 = arith.constant 256 : i32
      %add3A_60 = arith.addi %mul3A_2, %add3A_59 : i32
      %run_scoped3A_61 = arith.constant 0 : i32
      %run_scoped3A_62 = arith.constant 0 : i32
      "tpu.region"() ({
        %run_scoped3A_67 = tpu.sem_alloc : memref<!tpu.dma_semaphore, #tpu.memory_space<semaphore_mem>>
        %dma_start3A = arith.constant 0 : i32
        %dma_start3A_68 = arith.constant 0 : i32
        %dma_start3A_69 = tpu.memref_slice %arg7[%run_scoped3A_61, %run_scoped3A_62, %dma_start3A, %dma_start3A_68] : memref<2x1x128x128xf32, #tpu.memory_space<vmem>> -> memref<1x1x128x128xf32, #tpu.memory_space<vmem>>
        %dma_start3A_70 = tpu.memref_squeeze %dma_start3A_69 : memref<1x1x128x128xf32, #tpu.memory_space<vmem>> -> memref<128x128xf32, #tpu.memory_space<vmem>>
        %dma_start3A_71 = arith.constant 0 : i32
        %dma_start3A_72 = tpu.memref_slice %arg8[%add3A_60, %dma_start3A_71] : memref<10000x128xf32, #tpu.memory_space<vmem_shared>> -> memref<128x128xf32, #tpu.memory_space<vmem_shared>>
        %dma_start3A_73 = arith.constant 0 : i32
        %dma_start3A_74 = tpu.memref_slice %arg8[%add3A_60, %dma_start3A_73] : memref<10000x128xf32, #tpu.memory_space<vmem_shared>> -> memref<128x128xf32, #tpu.memory_space<vmem_shared>>
        %dma_start3A_75 = arith.constant 0 : i32
        %dma_start3A_76 = arith.constant 0 : i32
        %dma_start3A_77 = tpu.memref_slice %arg7[%run_scoped3A_61, %run_scoped3A_62, %dma_start3A_75, %dma_start3A_76] : memref<2x1x128x128xf32, #tpu.memory_space<vmem>> -> memref<1x1x128x128xf32, #tpu.memory_space<vmem>>
        %dma_start3A_78 = tpu.memref_squeeze %dma_start3A_77 : memref<1x1x128x128xf32, #tpu.memory_space<vmem>> -> memref<128x128xf32, #tpu.memory_space<vmem>>
        tpu.enqueue_dma source(%dma_start3A_78 : memref<128x128xf32, #tpu.memory_space<vmem>>) target(%dma_start3A_74 : memref<128x128xf32, #tpu.memory_space<vmem_shared>>) target_semaphore(%run_scoped3A_67 : memref<!tpu.dma_semaphore, #tpu.memory_space<semaphore_mem>>)
        %dma_wait3A = arith.constant 0 : i32
        %dma_wait3A_79 = arith.constant 0 : i32
        %dma_wait3A_80 = tpu.memref_slice %arg7[%run_scoped3A_61, %run_scoped3A_62, %dma_wait3A, %dma_wait3A_79] : memref<2x1x128x128xf32, #tpu.memory_space<vmem>> -> memref<1x1x128x128xf32, #tpu.memory_space<vmem>>
        %dma_wait3A_81 = tpu.memref_squeeze %dma_wait3A_80 : memref<1x1x128x128xf32, #tpu.memory_space<vmem>> -> memref<128x128xf32, #tpu.memory_space<vmem>>
        %dma_wait3A_82 = arith.constant 0 : i32
        %dma_wait3A_83 = tpu.memref_slice %arg8[%add3A_60, %dma_wait3A_82] : memref<10000x128xf32, #tpu.memory_space<vmem_shared>> -> memref<128x128xf32, #tpu.memory_space<vmem_shared>>
        %dma_wait3A_84 = arith.constant 0 : i32
        %dma_wait3A_85 = tpu.memref_slice %arg8[%add3A_60, %dma_wait3A_84] : memref<10000x128xf32, #tpu.memory_space<vmem_shared>> -> memref<128x128xf32, #tpu.memory_space<vmem_shared>>
        %dma_wait3A_86 = arith.constant 0 : i32
        %dma_wait3A_87 = arith.constant 0 : i32
        %dma_wait3A_88 = tpu.memref_slice %arg7[%run_scoped3A_61, %run_scoped3A_62, %dma_wait3A_86, %dma_wait3A_87] : memref<2x1x128x128xf32, #tpu.memory_space<vmem>> -> memref<1x1x128x128xf32, #tpu.memory_space<vmem>>
        %dma_wait3A_89 = tpu.memref_squeeze %dma_wait3A_88 : memref<1x1x128x128xf32, #tpu.memory_space<vmem>> -> memref<128x128xf32, #tpu.memory_space<vmem>>
        tpu.wait_dma2 semaphore(%run_scoped3A_67 : memref<!tpu.dma_semaphore, #tpu.memory_space<semaphore_mem>>) src(%dma_wait3A_89 : memref<128x128xf32, #tpu.memory_space<vmem>>) dst(%dma_wait3A_85 : memref<128x128xf32, #tpu.memory_space<vmem_shared>>)
        tpu.yield
      }) : () -> ()
      %add3A_63 = arith.constant 384 : i32
      %add3A_64 = arith.addi %mul3A_2, %add3A_63 : i32
      %run_scoped3A_65 = arith.constant 0 : i32
      %run_scoped3A_66 = arith.constant 0 : i32
      "tpu.region"() ({
        %run_scoped3A_67 = tpu.sem_alloc : memref<!tpu.dma_semaphore, #tpu.memory_space<semaphore_mem>>
        %dma_start3A = arith.constant 0 : i32
        %dma_start3A_68 = arith.constant 0 : i32
        %dma_start3A_69 = tpu.memref_slice %arg7[%run_scoped3A_65, %run_scoped3A_66, %dma_start3A, %dma_start3A_68] : memref<2x1x128x128xf32, #tpu.memory_space<vmem>> -> memref<1x1x16x128xf32, #tpu.memory_space<vmem>>
        %dma_start3A_70 = tpu.memref_squeeze %dma_start3A_69 : memref<1x1x16x128xf32, #tpu.memory_space<vmem>> -> memref<16x128xf32, #tpu.memory_space<vmem>>
        %dma_start3A_71 = arith.constant 0 : i32
        %dma_start3A_72 = tpu.memref_slice %arg8[%add3A_64, %dma_start3A_71] : memref<10000x128xf32, #tpu.memory_space<vmem_shared>> -> memref<16x128xf32, #tpu.memory_space<vmem_shared>>
        %dma_start3A_73 = arith.constant 0 : i32
        %dma_start3A_74 = tpu.memref_slice %arg8[%add3A_64, %dma_start3A_73] : memref<10000x128xf32, #tpu.memory_space<vmem_shared>> -> memref<16x128xf32, #tpu.memory_space<vmem_shared>>
        %dma_start3A_75 = arith.constant 0 : i32
        %dma_start3A_76 = arith.constant 0 : i32
        %dma_start3A_77 = tpu.memref_slice %arg7[%run_scoped3A_65, %run_scoped3A_66, %dma_start3A_75, %dma_start3A_76] : memref<2x1x128x128xf32, #tpu.memory_space<vmem>> -> memref<1x1x16x128xf32, #tpu.memory_space<vmem>>
        %dma_start3A_78 = tpu.memref_squeeze %dma_start3A_77 : memref<1x1x16x128xf32, #tpu.memory_space<vmem>> -> memref<16x128xf32, #tpu.memory_space<vmem>>
        tpu.enqueue_dma source(%dma_start3A_78 : memref<16x128xf32, #tpu.memory_space<vmem>>) target(%dma_start3A_74 : memref<16x128xf32, #tpu.memory_space<vmem_shared>>) target_semaphore(%run_scoped3A_67 : memref<!tpu.dma_semaphore, #tpu.memory_space<semaphore_mem>>)
        %dma_wait3A = arith.constant 0 : i32
        %dma_wait3A_79 = arith.constant 0 : i32
        %dma_wait3A_80 = tpu.memref_slice %arg7[%run_scoped3A_65, %run_scoped3A_66, %dma_wait3A, %dma_wait3A_79] : memref<2x1x128x128xf32, #tpu.memory_space<vmem>> -> memref<1x1x16x128xf32, #tpu.memory_space<vmem>>
        %dma_wait3A_81 = tpu.memref_squeeze %dma_wait3A_80 : memref<1x1x16x128xf32, #tpu.memory_space<vmem>> -> memref<16x128xf32, #tpu.memory_space<vmem>>
        %dma_wait3A_82 = arith.constant 0 : i32
        %dma_wait3A_83 = tpu.memref_slice %arg8[%add3A_64, %dma_wait3A_82] : memref<10000x128xf32, #tpu.memory_space<vmem_shared>> -> memref<16x128xf32, #tpu.memory_space<vmem_shared>>
        %dma_wait3A_84 = arith.constant 0 : i32
        %dma_wait3A_85 = tpu.memref_slice %arg8[%add3A_64, %dma_wait3A_84] : memref<10000x128xf32, #tpu.memory_space<vmem_shared>> -> memref<16x128xf32, #tpu.memory_space<vmem_shared>>
        %dma_wait3A_86 = arith.constant 0 : i32
        %dma_wait3A_87 = arith.constant 0 : i32
        %dma_wait3A_88 = tpu.memref_slice %arg7[%run_scoped3A_65, %run_scoped3A_66, %dma_wait3A_86, %dma_wait3A_87] : memref<2x1x128x128xf32, #tpu.memory_space<vmem>> -> memref<1x1x16x128xf32, #tpu.memory_space<vmem>>
        %dma_wait3A_89 = tpu.memref_squeeze %dma_wait3A_88 : memref<1x1x16x128xf32, #tpu.memory_space<vmem>> -> memref<16x128xf32, #tpu.memory_space<vmem>>
        tpu.wait_dma2 semaphore(%run_scoped3A_67 : memref<!tpu.dma_semaphore, #tpu.memory_space<semaphore_mem>>) src(%dma_wait3A_89 : memref<16x128xf32, #tpu.memory_space<vmem>>) dst(%dma_wait3A_85 : memref<16x128xf32, #tpu.memory_space<vmem_shared>>)
        tpu.yield
      }) : () -> ()
    } else {
    }
    %barrier3A = arith.constant 0 : index
    tpu.barrier barrier_id(%barrier3A)
    %scan3A_28 = arith.constant 0 : i32
    %scan3A_29 = arith.constant 0 : i32
    %scan3A_30 = arith.constant 80 : i32
    %scan3A_31 = arith.addi %scan3A_29, %scan3A_30 : i32
    %scan3A_32 = arith.constant 1 : i32
    scf.for %scan3A_52 = %scan3A_29 to %scan3A_31 step %scan3A_32  : i32 {
      %ge3A = arith.constant 2 : i32
      %ge3A_53 = arith.cmpi sge, %scan3A_52, %ge3A : i32
      %sub3A = arith.constant 2 : i32
      %sub3A_54 = arith.subi %scan3A_52, %sub3A : i32
      %mul3A_55 = arith.constant 32 : i32
      %mul3A_56 = arith.muli %sub3A_54, %mul3A_55 : i32
      %add3A_57 = arith.addi %add3A, %mul3A_56 : i32
      %lt3A_58 = arith.constant 2500 : i32
      %lt3A_59 = arith.cmpi slt, %add3A_57, %lt3A_58 : i32
      %and3A = arith.andi %ge3A_53, %lt3A_59 : i1
      %convert_element_type3A_60 = arith.extui %and3A : i1 to i32
      %cond3A_61 = arith.constant 0 : i32
      %cond3A_62 = arith.cmpi ne, %convert_element_type3A_60, %cond3A_61 : i32
      scf.if %cond3A_62 {
        %sub3A_94 = arith.constant 2 : i32
        %sub3A_95 = arith.subi %scan3A_52, %sub3A_94 : i32
        %rem3A = arith.constant 4 : i32
        %rem3A_96 = arith.remsi %sub3A_95, %rem3A : i32
        %rem3A_97 = arith.constant 2 : i32
        %rem3A_98 = arith.remsi %sub3A_95, %rem3A_97 : i32
        %dma_wait3A = arith.constant 0 : i32
        %dma_wait3A_99 = arith.constant 0 : i32
        %dma_wait3A_100 = arith.constant 0 : i32
        %dma_wait3A_101 = arith.constant 0 : i32
        %dma_wait3A_102 = tpu.memref_slice %arg7[%rem3A_98, %dma_wait3A, %dma_wait3A_100, %dma_wait3A_101] : memref<2x1x128x128xf32, #tpu.memory_space<vmem>> -> memref<1x1x128x128xf32, #tpu.memory_space<vmem>>
        %dma_wait3A_103 = tpu.memref_squeeze %dma_wait3A_102 : memref<1x1x128x128xf32, #tpu.memory_space<vmem>> -> memref<128x128xf32, #tpu.memory_space<vmem>>
        %dma_wait3A_104 = arith.constant 0 : i32
        %dma_wait3A_105 = tpu.memref_slice %arg6[%rem3A_96, %dma_wait3A_99, %dma_wait3A_104] : memref<4x1x128xi32, #tpu.memory_space<vmem>> -> memref<1x1x128xi32, #tpu.memory_space<vmem>>
        %dma_wait3A_106 = tpu.memref_squeeze %dma_wait3A_105 : memref<1x1x128xi32, #tpu.memory_space<vmem>> -> memref<128xi32, #tpu.memory_space<vmem>>
        %dma_wait3A_107 = arith.constant 0 : i32
        %dma_wait3A_108 = arith.constant 0 : i32
        %dma_wait3A_109 = tpu.memref_slice %arg8[%dma_wait3A_107, %dma_wait3A_108] : memref<10000x128xf32, #tpu.memory_space<vmem_shared>> -> memref<10000x128xf32, #tpu.memory_space<vmem_shared>>
        %dma_wait3A_110 = tpu.memref_slice %arg11[%rem3A_98] : memref<2x!tpu.dma_semaphore, #tpu.memory_space<semaphore_mem>> -> memref<1x!tpu.dma_semaphore, #tpu.memory_space<semaphore_mem>>
        %dma_wait3A_111 = tpu.memref_squeeze %dma_wait3A_110 : memref<1x!tpu.dma_semaphore, #tpu.memory_space<semaphore_mem>> -> memref<!tpu.dma_semaphore, #tpu.memory_space<semaphore_mem>>
        tpu.wait_indirect_dma semaphore(%dma_wait3A_111 : memref<!tpu.dma_semaphore, #tpu.memory_space<semaphore_mem>>) src(%dma_wait3A_103 : memref<128x128xf32, #tpu.memory_space<vmem>>) dst(%dma_wait3A_109 : memref<10000x128xf32, #tpu.memory_space<vmem_shared>>)
      } else {
      }
      %add3A_63 = arith.constant 2 : i32
      %add3A_64 = arith.addi %scan3A_52, %add3A_63 : i32
      %mul3A_65 = arith.constant 32 : i32
      %mul3A_66 = arith.muli %add3A_64, %mul3A_65 : i32
      %add3A_67 = arith.addi %add3A, %mul3A_66 : i32
      %lt3A_68 = arith.constant 2500 : i32
      %lt3A_69 = arith.cmpi slt, %add3A_67, %lt3A_68 : i32
      %convert_element_type3A_70 = arith.extui %lt3A_69 : i1 to i32
      %cond3A_71 = arith.constant 0 : i32
      %cond3A_72 = arith.cmpi ne, %convert_element_type3A_70, %cond3A_71 : i32
      scf.if %cond3A_72 {
        %add3A_94 = arith.constant 2 : i32
        %add3A_95 = arith.addi %scan3A_52, %add3A_94 : i32
        %rem3A = arith.constant 4 : i32
        %rem3A_96 = arith.remsi %add3A_95, %rem3A : i32
        %mul3A_97 = arith.constant 32 : i32
        %mul3A_98 = arith.muli %add3A_95, %mul3A_97 : i32
        %add3A_99 = arith.addi %add3A, %mul3A_98 : i32
        %mul3A_100 = arith.constant 1 : i32
        %mul3A_101 = arith.muli %add3A_99, %mul3A_100 : i32
        %add3A_102 = arith.constant 0 : i32
        %add3A_103 = arith.addi %mul3A_101, %add3A_102 : i32
        %mul3A_104 = arith.constant 128 : i32
        %mul3A_105 = arith.muli %add3A_103, %mul3A_104 : i32
        %dma_start3A = arith.constant 0 : i32
        %dma_start3A_106 = arith.constant 0 : i32
        %dma_start3A_107 = arith.constant 0 : i32
        %dma_start3A_108 = tpu.memref_slice %arg5[%rem3A_96, %dma_start3A_106, %dma_start3A_107] : memref<4x1x128xi32, #tpu.memory_space<vmem>> -> memref<1x1x128xi32, #tpu.memory_space<vmem>>
        %dma_start3A_109 = tpu.memref_squeeze %dma_start3A_108 : memref<1x1x128xi32, #tpu.memory_space<vmem>> -> memref<128xi32, #tpu.memory_space<vmem>>
        %dma_start3A_110 = tpu.memref_slice %arg3[%dma_start3A, %mul3A_105] : memref<2x320000xi32, #tpu.memory_space<hbm>> -> memref<1x128xi32, #tpu.memory_space<hbm>>
        %dma_start3A_111 = tpu.memref_squeeze %dma_start3A_110 : memref<1x128xi32, #tpu.memory_space<hbm>> -> memref<128xi32, #tpu.memory_space<hbm>>
        %dma_start3A_112 = tpu.memref_slice %arg9[%rem3A_96] : memref<4x!tpu.dma_semaphore, #tpu.memory_space<semaphore_mem>> -> memref<1x!tpu.dma_semaphore, #tpu.memory_space<semaphore_mem>>
        %dma_start3A_113 = tpu.memref_squeeze %dma_start3A_112 : memref<1x!tpu.dma_semaphore, #tpu.memory_space<semaphore_mem>> -> memref<!tpu.dma_semaphore, #tpu.memory_space<semaphore_mem>>
        %dma_start3A_114 = arith.constant 0 : i32
        %dma_start3A_115 = tpu.memref_slice %arg5[%rem3A_96, %dma_start3A_106, %dma_start3A_114] : memref<4x1x128xi32, #tpu.memory_space<vmem>> -> memref<1x1x128xi32, #tpu.memory_space<vmem>>
        %dma_start3A_116 = tpu.memref_squeeze %dma_start3A_115 : memref<1x1x128xi32, #tpu.memory_space<vmem>> -> memref<128xi32, #tpu.memory_space<vmem>>
        %dma_start3A_117 = tpu.memref_slice %arg3[%dma_start3A, %mul3A_105] : memref<2x320000xi32, #tpu.memory_space<hbm>> -> memref<1x128xi32, #tpu.memory_space<hbm>>
        %dma_start3A_118 = tpu.memref_squeeze %dma_start3A_117 : memref<1x128xi32, #tpu.memory_space<hbm>> -> memref<128xi32, #tpu.memory_space<hbm>>
        tpu.enqueue_dma source(%dma_start3A_118 : memref<128xi32, #tpu.memory_space<hbm>>) target(%dma_start3A_116 : memref<128xi32, #tpu.memory_space<vmem>>) target_semaphore(%dma_start3A_113 : memref<!tpu.dma_semaphore, #tpu.memory_space<semaphore_mem>>)
        %dma_start3A_119 = arith.constant 1 : i32
        %dma_start3A_120 = arith.constant 0 : i32
        %dma_start3A_121 = arith.constant 0 : i32
        %dma_start3A_122 = tpu.memref_slice %arg6[%rem3A_96, %dma_start3A_120, %dma_start3A_121] : memref<4x1x128xi32, #tpu.memory_space<vmem>> -> memref<1x1x128xi32, #tpu.memory_space<vmem>>
        %dma_start3A_123 = tpu.memref_squeeze %dma_start3A_122 : memref<1x1x128xi32, #tpu.memory_space<vmem>> -> memref<128xi32, #tpu.memory_space<vmem>>
        %dma_start3A_124 = tpu.memref_slice %arg3[%dma_start3A_119, %mul3A_105] : memref<2x320000xi32, #tpu.memory_space<hbm>> -> memref<1x128xi32, #tpu.memory_space<hbm>>
        %dma_start3A_125 = tpu.memref_squeeze %dma_start3A_124 : memref<1x128xi32, #tpu.memory_space<hbm>> -> memref<128xi32, #tpu.memory_space<hbm>>
        %dma_start3A_126 = tpu.memref_slice %arg9[%rem3A_96] : memref<4x!tpu.dma_semaphore, #tpu.memory_space<semaphore_mem>> -> memref<1x!tpu.dma_semaphore, #tpu.memory_space<semaphore_mem>>
        %dma_start3A_127 = tpu.memref_squeeze %dma_start3A_126 : memref<1x!tpu.dma_semaphore, #tpu.memory_space<semaphore_mem>> -> memref<!tpu.dma_semaphore, #tpu.memory_space<semaphore_mem>>
        %dma_start3A_128 = arith.constant 0 : i32
        %dma_start3A_129 = tpu.memref_slice %arg6[%rem3A_96, %dma_start3A_120, %dma_start3A_128] : memref<4x1x128xi32, #tpu.memory_space<vmem>> -> memref<1x1x128xi32, #tpu.memory_space<vmem>>
        %dma_start3A_130 = tpu.memref_squeeze %dma_start3A_129 : memref<1x1x128xi32, #tpu.memory_space<vmem>> -> memref<128xi32, #tpu.memory_space<vmem>>
        %dma_start3A_131 = tpu.memref_slice %arg3[%dma_start3A_119, %mul3A_105] : memref<2x320000xi32, #tpu.memory_space<hbm>> -> memref<1x128xi32, #tpu.memory_space<hbm>>
        %dma_start3A_132 = tpu.memref_squeeze %dma_start3A_131 : memref<1x128xi32, #tpu.memory_space<hbm>> -> memref<128xi32, #tpu.memory_space<hbm>>
        tpu.enqueue_dma source(%dma_start3A_132 : memref<128xi32, #tpu.memory_space<hbm>>) target(%dma_start3A_130 : memref<128xi32, #tpu.memory_space<vmem>>) target_semaphore(%dma_start3A_127 : memref<!tpu.dma_semaphore, #tpu.memory_space<semaphore_mem>>)
      } else {
      }
      %mul3A_73 = arith.constant 32 : i32
      %mul3A_74 = arith.muli %scan3A_52, %mul3A_73 : i32
      %add3A_75 = arith.addi %add3A, %mul3A_74 : i32
      %lt3A_76 = arith.constant 2500 : i32
      %lt3A_77 = arith.cmpi slt, %add3A_75, %lt3A_76 : i32
      %convert_element_type3A_78 = arith.extui %lt3A_77 : i1 to i32
      %cond3A_79 = arith.constant 0 : i32
      %cond3A_80 = arith.cmpi ne, %convert_element_type3A_78, %cond3A_79 : i32
      scf.if %cond3A_80 {
        %rem3A = arith.constant 4 : i32
        %rem3A_94 = arith.remsi %scan3A_52, %rem3A : i32
        %dma_wait3A = arith.constant 0 : i32
        %dma_wait3A_95 = arith.constant 0 : i32
        %dma_wait3A_96 = arith.constant 0 : i32
        %dma_wait3A_97 = tpu.memref_slice %arg5[%rem3A_94, %dma_wait3A_95, %dma_wait3A_96] : memref<4x1x128xi32, #tpu.memory_space<vmem>> -> memref<1x1x128xi32, #tpu.memory_space<vmem>>
        %dma_wait3A_98 = tpu.memref_squeeze %dma_wait3A_97 : memref<1x1x128xi32, #tpu.memory_space<vmem>> -> memref<128xi32, #tpu.memory_space<vmem>>
        %dma_wait3A_99 = arith.constant 0 : i32
        %dma_wait3A_100 = tpu.memref_slice %arg3[%dma_wait3A, %dma_wait3A_99] : memref<2x320000xi32, #tpu.memory_space<hbm>> -> memref<1x128xi32, #tpu.memory_space<hbm>>
        %dma_wait3A_101 = tpu.memref_squeeze %dma_wait3A_100 : memref<1x128xi32, #tpu.memory_space<hbm>> -> memref<128xi32, #tpu.memory_space<hbm>>
        %dma_wait3A_102 = tpu.memref_slice %arg9[%rem3A_94] : memref<4x!tpu.dma_semaphore, #tpu.memory_space<semaphore_mem>> -> memref<1x!tpu.dma_semaphore, #tpu.memory_space<semaphore_mem>>
        %dma_wait3A_103 = tpu.memref_squeeze %dma_wait3A_102 : memref<1x!tpu.dma_semaphore, #tpu.memory_space<semaphore_mem>> -> memref<!tpu.dma_semaphore, #tpu.memory_space<semaphore_mem>>
        %dma_wait3A_104 = arith.constant 0 : i32
        %dma_wait3A_105 = tpu.memref_slice %arg5[%rem3A_94, %dma_wait3A_95, %dma_wait3A_104] : memref<4x1x128xi32, #tpu.memory_space<vmem>> -> memref<1x1x128xi32, #tpu.memory_space<vmem>>
        %dma_wait3A_106 = tpu.memref_squeeze %dma_wait3A_105 : memref<1x1x128xi32, #tpu.memory_space<vmem>> -> memref<128xi32, #tpu.memory_space<vmem>>
        %dma_wait3A_107 = arith.constant 0 : i32
        %dma_wait3A_108 = tpu.memref_slice %arg3[%dma_wait3A, %dma_wait3A_107] : memref<2x320000xi32, #tpu.memory_space<hbm>> -> memref<1x128xi32, #tpu.memory_space<hbm>>
        %dma_wait3A_109 = tpu.memref_squeeze %dma_wait3A_108 : memref<1x128xi32, #tpu.memory_space<hbm>> -> memref<128xi32, #tpu.memory_space<hbm>>
        tpu.wait_dma2 semaphore(%dma_wait3A_103 : memref<!tpu.dma_semaphore, #tpu.memory_space<semaphore_mem>>) src(%dma_wait3A_109 : memref<128xi32, #tpu.memory_space<hbm>>) dst(%dma_wait3A_106 : memref<128xi32, #tpu.memory_space<vmem>>)
        %dma_wait3A_110 = arith.constant 1 : i32
        %dma_wait3A_111 = arith.constant 0 : i32
        %dma_wait3A_112 = arith.constant 0 : i32
        %dma_wait3A_113 = tpu.memref_slice %arg6[%rem3A_94, %dma_wait3A_111, %dma_wait3A_112] : memref<4x1x128xi32, #tpu.memory_space<vmem>> -> memref<1x1x128xi32, #tpu.memory_space<vmem>>
        %dma_wait3A_114 = tpu.memref_squeeze %dma_wait3A_113 : memref<1x1x128xi32, #tpu.memory_space<vmem>> -> memref<128xi32, #tpu.memory_space<vmem>>
        %dma_wait3A_115 = arith.constant 0 : i32
        %dma_wait3A_116 = tpu.memref_slice %arg3[%dma_wait3A_110, %dma_wait3A_115] : memref<2x320000xi32, #tpu.memory_space<hbm>> -> memref<1x128xi32, #tpu.memory_space<hbm>>
        %dma_wait3A_117 = tpu.memref_squeeze %dma_wait3A_116 : memref<1x128xi32, #tpu.memory_space<hbm>> -> memref<128xi32, #tpu.memory_space<hbm>>
        %dma_wait3A_118 = tpu.memref_slice %arg9[%rem3A_94] : memref<4x!tpu.dma_semaphore, #tpu.memory_space<semaphore_mem>> -> memref<1x!tpu.dma_semaphore, #tpu.memory_space<semaphore_mem>>
        %dma_wait3A_119 = tpu.memref_squeeze %dma_wait3A_118 : memref<1x!tpu.dma_semaphore, #tpu.memory_space<semaphore_mem>> -> memref<!tpu.dma_semaphore, #tpu.memory_space<semaphore_mem>>
        %dma_wait3A_120 = arith.constant 0 : i32
        %dma_wait3A_121 = tpu.memref_slice %arg6[%rem3A_94, %dma_wait3A_111, %dma_wait3A_120] : memref<4x1x128xi32, #tpu.memory_space<vmem>> -> memref<1x1x128xi32, #tpu.memory_space<vmem>>
        %dma_wait3A_122 = tpu.memref_squeeze %dma_wait3A_121 : memref<1x1x128xi32, #tpu.memory_space<vmem>> -> memref<128xi32, #tpu.memory_space<vmem>>
        %dma_wait3A_123 = arith.constant 0 : i32
        %dma_wait3A_124 = tpu.memref_slice %arg3[%dma_wait3A_110, %dma_wait3A_123] : memref<2x320000xi32, #tpu.memory_space<hbm>> -> memref<1x128xi32, #tpu.memory_space<hbm>>
        %dma_wait3A_125 = tpu.memref_squeeze %dma_wait3A_124 : memref<1x128xi32, #tpu.memory_space<hbm>> -> memref<128xi32, #tpu.memory_space<hbm>>
        tpu.wait_dma2 semaphore(%dma_wait3A_119 : memref<!tpu.dma_semaphore, #tpu.memory_space<semaphore_mem>>) src(%dma_wait3A_125 : memref<128xi32, #tpu.memory_space<hbm>>) dst(%dma_wait3A_122 : memref<128xi32, #tpu.memory_space<vmem>>)
        %rem3A_126 = arith.constant 4 : i32
        %rem3A_127 = arith.remsi %scan3A_52, %rem3A_126 : i32
        %rem3A_128 = arith.constant 2 : i32
        %rem3A_129 = arith.remsi %scan3A_52, %rem3A_128 : i32
        %dma_start3A = arith.constant 0 : i32
        %dma_start3A_130 = arith.constant 0 : i32
        %dma_start3A_131 = arith.constant 0 : i32
        %dma_start3A_132 = arith.constant 0 : i32
        %dma_start3A_133 = tpu.memref_slice %arg7[%rem3A_129, %dma_start3A_130, %dma_start3A_131, %dma_start3A_132] : memref<2x1x128x128xf32, #tpu.memory_space<vmem>> -> memref<1x1x128x128xf32, #tpu.memory_space<vmem>>
        %dma_start3A_134 = tpu.memref_squeeze %dma_start3A_133 : memref<1x1x128x128xf32, #tpu.memory_space<vmem>> -> memref<128x128xf32, #tpu.memory_space<vmem>>
        %dma_start3A_135 = arith.constant 0 : i32
        %dma_start3A_136 = tpu.memref_slice %arg5[%rem3A_127, %dma_start3A, %dma_start3A_135] : memref<4x1x128xi32, #tpu.memory_space<vmem>> -> memref<1x1x128xi32, #tpu.memory_space<vmem>>
        %dma_start3A_137 = tpu.memref_squeeze %dma_start3A_136 : memref<1x1x128xi32, #tpu.memory_space<vmem>> -> memref<128xi32, #tpu.memory_space<vmem>>
        %dma_start3A_138 = arith.constant 0 : i32
        %dma_start3A_139 = arith.constant 0 : i32
        %dma_start3A_140 = tpu.memref_slice %arg2[%dma_start3A_138, %dma_start3A_139] : memref<10000x128xf32, #tpu.memory_space<hbm>> -> memref<10000x128xf32, #tpu.memory_space<hbm>>
        %dma_start3A_141 = tpu.memref_slice %arg10[%rem3A_129] : memref<2x!tpu.dma_semaphore, #tpu.memory_space<semaphore_mem>> -> memref<1x!tpu.dma_semaphore, #tpu.memory_space<semaphore_mem>>
        %dma_start3A_142 = tpu.memref_squeeze %dma_start3A_141 : memref<1x!tpu.dma_semaphore, #tpu.memory_space<semaphore_mem>> -> memref<!tpu.dma_semaphore, #tpu.memory_space<semaphore_mem>>
        tpu.enqueue_indirect_dma source(%dma_start3A_140 : memref<10000x128xf32, #tpu.memory_space<hbm>>) target(%dma_start3A_134 : memref<128x128xf32, #tpu.memory_space<vmem>>) offsets(%dma_start3A_137 : memref<128xi32, #tpu.memory_space<vmem>>) semaphore(%dma_start3A_142 : memref<!tpu.dma_semaphore, #tpu.memory_space<semaphore_mem>>)
      } else {
      }
      %ge3A_81 = arith.constant 1 : i32
      %ge3A_82 = arith.cmpi sge, %scan3A_52, %ge3A_81 : i32
      %sub3A_83 = arith.constant 1 : i32
      %sub3A_84 = arith.subi %scan3A_52, %sub3A_83 : i32
      %mul3A_85 = arith.constant 32 : i32
      %mul3A_86 = arith.muli %sub3A_84, %mul3A_85 : i32
      %add3A_87 = arith.addi %add3A, %mul3A_86 : i32
      %lt3A_88 = arith.constant 2500 : i32
      %lt3A_89 = arith.cmpi slt, %add3A_87, %lt3A_88 : i32
      %and3A_90 = arith.andi %ge3A_82, %lt3A_89 : i1
      %convert_element_type3A_91 = arith.extui %and3A_90 : i1 to i32
      %cond3A_92 = arith.constant 0 : i32
      %cond3A_93 = arith.cmpi ne, %convert_element_type3A_91, %cond3A_92 : i32
      scf.if %cond3A_93 {
        %sub3A_94 = arith.constant 1 : i32
        %sub3A_95 = arith.subi %scan3A_52, %sub3A_94 : i32
        %rem3A = arith.constant 4 : i32
        %rem3A_96 = arith.remsi %sub3A_95, %rem3A : i32
        %rem3A_97 = arith.constant 2 : i32
        %rem3A_98 = arith.remsi %sub3A_95, %rem3A_97 : i32
        %dma_wait3A = arith.constant 0 : i32
        %dma_wait3A_99 = arith.constant 0 : i32
        %dma_wait3A_100 = arith.constant 0 : i32
        %dma_wait3A_101 = arith.constant 0 : i32
        %dma_wait3A_102 = tpu.memref_slice %arg7[%rem3A_98, %dma_wait3A_99, %dma_wait3A_100, %dma_wait3A_101] : memref<2x1x128x128xf32, #tpu.memory_space<vmem>> -> memref<1x1x128x128xf32, #tpu.memory_space<vmem>>
        %dma_wait3A_103 = tpu.memref_squeeze %dma_wait3A_102 : memref<1x1x128x128xf32, #tpu.memory_space<vmem>> -> memref<128x128xf32, #tpu.memory_space<vmem>>
        %dma_wait3A_104 = arith.constant 0 : i32
        %dma_wait3A_105 = tpu.memref_slice %arg5[%rem3A_96, %dma_wait3A, %dma_wait3A_104] : memref<4x1x128xi32, #tpu.memory_space<vmem>> -> memref<1x1x128xi32, #tpu.memory_space<vmem>>
        %dma_wait3A_106 = tpu.memref_squeeze %dma_wait3A_105 : memref<1x1x128xi32, #tpu.memory_space<vmem>> -> memref<128xi32, #tpu.memory_space<vmem>>
        %dma_wait3A_107 = arith.constant 0 : i32
        %dma_wait3A_108 = arith.constant 0 : i32
        %dma_wait3A_109 = tpu.memref_slice %arg2[%dma_wait3A_107, %dma_wait3A_108] : memref<10000x128xf32, #tpu.memory_space<hbm>> -> memref<10000x128xf32, #tpu.memory_space<hbm>>
        %dma_wait3A_110 = tpu.memref_slice %arg10[%rem3A_98] : memref<2x!tpu.dma_semaphore, #tpu.memory_space<semaphore_mem>> -> memref<1x!tpu.dma_semaphore, #tpu.memory_space<semaphore_mem>>
        %dma_wait3A_111 = tpu.memref_squeeze %dma_wait3A_110 : memref<1x!tpu.dma_semaphore, #tpu.memory_space<semaphore_mem>> -> memref<!tpu.dma_semaphore, #tpu.memory_space<semaphore_mem>>
        tpu.wait_indirect_dma semaphore(%dma_wait3A_111 : memref<!tpu.dma_semaphore, #tpu.memory_space<semaphore_mem>>) src(%dma_wait3A_109 : memref<10000x128xf32, #tpu.memory_space<hbm>>) dst(%dma_wait3A_103 : memref<128x128xf32, #tpu.memory_space<vmem>>)
        %sub3A_112 = arith.constant 1 : i32
        %sub3A_113 = arith.subi %scan3A_52, %sub3A_112 : i32
        %rem3A_114 = arith.constant 4 : i32
        %rem3A_115 = arith.remsi %sub3A_113, %rem3A_114 : i32
        %rem3A_116 = arith.constant 2 : i32
        %rem3A_117 = arith.remsi %sub3A_113, %rem3A_116 : i32
        %dma_start3A = arith.constant 0 : i32
        %dma_start3A_118 = arith.constant 0 : i32
        %dma_start3A_119 = arith.constant 0 : i32
        %dma_start3A_120 = arith.constant 0 : i32
        %dma_start3A_121 = tpu.memref_slice %arg7[%rem3A_117, %dma_start3A, %dma_start3A_119, %dma_start3A_120] : memref<2x1x128x128xf32, #tpu.memory_space<vmem>> -> memref<1x1x128x128xf32, #tpu.memory_space<vmem>>
        %dma_start3A_122 = tpu.memref_squeeze %dma_start3A_121 : memref<1x1x128x128xf32, #tpu.memory_space<vmem>> -> memref<128x128xf32, #tpu.memory_space<vmem>>
        %dma_start3A_123 = arith.constant 0 : i32
        %dma_start3A_124 = tpu.memref_slice %arg6[%rem3A_115, %dma_start3A_118, %dma_start3A_123] : memref<4x1x128xi32, #tpu.memory_space<vmem>> -> memref<1x1x128xi32, #tpu.memory_space<vmem>>
        %dma_start3A_125 = tpu.memref_squeeze %dma_start3A_124 : memref<1x1x128xi32, #tpu.memory_space<vmem>> -> memref<128xi32, #tpu.memory_space<vmem>>
        %dma_start3A_126 = arith.constant 0 : i32
        %dma_start3A_127 = arith.constant 0 : i32
        %dma_start3A_128 = tpu.memref_slice %arg8[%dma_start3A_126, %dma_start3A_127] : memref<10000x128xf32, #tpu.memory_space<vmem_shared>> -> memref<10000x128xf32, #tpu.memory_space<vmem_shared>>
        %dma_start3A_129 = tpu.memref_slice %arg11[%rem3A_117] : memref<2x!tpu.dma_semaphore, #tpu.memory_space<semaphore_mem>> -> memref<1x!tpu.dma_semaphore, #tpu.memory_space<semaphore_mem>>
        %dma_start3A_130 = tpu.memref_squeeze %dma_start3A_129 : memref<1x!tpu.dma_semaphore, #tpu.memory_space<semaphore_mem>> -> memref<!tpu.dma_semaphore, #tpu.memory_space<semaphore_mem>>
        tpu.enqueue_indirect_dma source(%dma_start3A_122 : memref<128x128xf32, #tpu.memory_space<vmem>>) target(%dma_start3A_128 : memref<10000x128xf32, #tpu.memory_space<vmem_shared>>) offsets(%dma_start3A_125 : memref<128xi32, #tpu.memory_space<vmem>>) semaphore(%dma_start3A_130 : memref<!tpu.dma_semaphore, #tpu.memory_space<semaphore_mem>>) {add = true}
      } else {
      }
    }
    %scan3A_33 = arith.constant 80 : i32
    %add3A_34 = arith.constant 2496 : i32
    %add3A_35 = arith.addi %add3A, %add3A_34 : i32
    %lt3A_36 = arith.constant 2500 : i32
    %lt3A_37 = arith.cmpi slt, %add3A_35, %lt3A_36 : i32
    %convert_element_type3A_38 = arith.extui %lt3A_37 : i1 to i32
    %cond3A_39 = arith.constant 0 : i32
    %cond3A_40 = arith.cmpi ne, %convert_element_type3A_38, %cond3A_39 : i32
    scf.if %cond3A_40 {
      %rem3A = arith.constant 78 : i32
      %rem3A_52 = arith.constant 4 : i32
      %rem3A_53 = arith.remsi %rem3A, %rem3A_52 : i32
      %rem3A_54 = arith.constant 78 : i32
      %rem3A_55 = arith.constant 2 : i32
      %rem3A_56 = arith.remsi %rem3A_54, %rem3A_55 : i32
      %dma_wait3A = arith.constant 0 : i32
      %dma_wait3A_57 = arith.constant 0 : i32
      %dma_wait3A_58 = arith.constant 0 : i32
      %dma_wait3A_59 = arith.constant 0 : i32
      %dma_wait3A_60 = tpu.memref_slice %arg7[%rem3A_56, %dma_wait3A, %dma_wait3A_58, %dma_wait3A_59] : memref<2x1x128x128xf32, #tpu.memory_space<vmem>> -> memref<1x1x128x128xf32, #tpu.memory_space<vmem>>
      %dma_wait3A_61 = tpu.memref_squeeze %dma_wait3A_60 : memref<1x1x128x128xf32, #tpu.memory_space<vmem>> -> memref<128x128xf32, #tpu.memory_space<vmem>>
      %dma_wait3A_62 = arith.constant 0 : i32
      %dma_wait3A_63 = tpu.memref_slice %arg6[%rem3A_53, %dma_wait3A_57, %dma_wait3A_62] : memref<4x1x128xi32, #tpu.memory_space<vmem>> -> memref<1x1x128xi32, #tpu.memory_space<vmem>>
      %dma_wait3A_64 = tpu.memref_squeeze %dma_wait3A_63 : memref<1x1x128xi32, #tpu.memory_space<vmem>> -> memref<128xi32, #tpu.memory_space<vmem>>
      %dma_wait3A_65 = arith.constant 0 : i32
      %dma_wait3A_66 = arith.constant 0 : i32
      %dma_wait3A_67 = tpu.memref_slice %arg8[%dma_wait3A_65, %dma_wait3A_66] : memref<10000x128xf32, #tpu.memory_space<vmem_shared>> -> memref<10000x128xf32, #tpu.memory_space<vmem_shared>>
      %dma_wait3A_68 = tpu.memref_slice %arg11[%rem3A_56] : memref<2x!tpu.dma_semaphore, #tpu.memory_space<semaphore_mem>> -> memref<1x!tpu.dma_semaphore, #tpu.memory_space<semaphore_mem>>
      %dma_wait3A_69 = tpu.memref_squeeze %dma_wait3A_68 : memref<1x!tpu.dma_semaphore, #tpu.memory_space<semaphore_mem>> -> memref<!tpu.dma_semaphore, #tpu.memory_space<semaphore_mem>>
      tpu.wait_indirect_dma semaphore(%dma_wait3A_69 : memref<!tpu.dma_semaphore, #tpu.memory_space<semaphore_mem>>) src(%dma_wait3A_61 : memref<128x128xf32, #tpu.memory_space<vmem>>) dst(%dma_wait3A_67 : memref<10000x128xf32, #tpu.memory_space<vmem_shared>>)
    } else {
    }
    %barrier3A_41 = arith.constant 0 : index
    tpu.barrier barrier_id(%barrier3A_41)
    %lt3A_42 = arith.constant 15 : i32
    %lt3A_43 = arith.cmpi slt, %arg1, %lt3A_42 : i32
    %convert_element_type3A_44 = arith.extui %lt3A_43 : i1 to i32
    %cond3A_45 = arith.constant 0 : i32
    %cond3A_46 = arith.cmpi ne, %convert_element_type3A_44, %cond3A_45 : i32
    scf.if %cond3A_46 {
      "tpu.region"() ({
        %run_scoped3A = tpu.sem_alloc : memref<!tpu.dma_semaphore, #tpu.memory_space<semaphore_mem>>
        %dma_start3A = arith.constant 0 : i32
        %dma_start3A_52 = tpu.memref_slice %arg4[%arg0, %mul3A_2, %dma_start3A] : memref<2x10000x128xf32, #tpu.memory_space<hbm>> -> memref<1x640x128xf32, #tpu.memory_space<hbm>>
        %dma_start3A_53 = tpu.memref_squeeze %dma_start3A_52 : memref<1x640x128xf32, #tpu.memory_space<hbm>> -> memref<640x128xf32, #tpu.memory_space<hbm>>
        %dma_start3A_54 = arith.constant 0 : i32
        %dma_start3A_55 = tpu.memref_slice %arg8[%mul3A_2, %dma_start3A_54] : memref<10000x128xf32, #tpu.memory_space<vmem_shared>> -> memref<640x128xf32, #tpu.memory_space<vmem_shared>>
        tpu.enqueue_dma source(%dma_start3A_55 : memref<640x128xf32, #tpu.memory_space<vmem_shared>>) target(%dma_start3A_53 : memref<640x128xf32, #tpu.memory_space<hbm>>) target_semaphore(%run_scoped3A : memref<!tpu.dma_semaphore, #tpu.memory_space<semaphore_mem>>)
        %dma_wait3A = arith.constant 0 : i32
        %dma_wait3A_56 = tpu.memref_slice %arg4[%arg0, %mul3A_2, %dma_wait3A] : memref<2x10000x128xf32, #tpu.memory_space<hbm>> -> memref<1x640x128xf32, #tpu.memory_space<hbm>>
        %dma_wait3A_57 = tpu.memref_squeeze %dma_wait3A_56 : memref<1x640x128xf32, #tpu.memory_space<hbm>> -> memref<640x128xf32, #tpu.memory_space<hbm>>
        %dma_wait3A_58 = arith.constant 0 : i32
        %dma_wait3A_59 = tpu.memref_slice %arg8[%mul3A_2, %dma_wait3A_58] : memref<10000x128xf32, #tpu.memory_space<vmem_shared>> -> memref<640x128xf32, #tpu.memory_space<vmem_shared>>
        tpu.wait_dma2 semaphore(%run_scoped3A : memref<!tpu.dma_semaphore, #tpu.memory_space<semaphore_mem>>) src(%dma_wait3A_59 : memref<640x128xf32, #tpu.memory_space<vmem_shared>>) dst(%dma_wait3A_57 : memref<640x128xf32, #tpu.memory_space<hbm>>)
        tpu.yield
      }) : () -> ()
    } else {
    }
    %eq3A_47 = arith.constant 15 : i32
    %eq3A_48 = arith.cmpi eq, %arg1, %eq3A_47 : i32
    %convert_element_type3A_49 = arith.extui %eq3A_48 : i1 to i32
    %cond3A_50 = arith.constant 0 : i32
    %cond3A_51 = arith.cmpi ne, %convert_element_type3A_49, %cond3A_50 : i32
    scf.if %cond3A_51 {
      "tpu.region"() ({
        %run_scoped3A = tpu.sem_alloc : memref<!tpu.dma_semaphore, #tpu.memory_space<semaphore_mem>>
        %dma_start3A = arith.constant 0 : i32
        %dma_start3A_52 = tpu.memref_slice %arg4[%arg0, %mul3A_2, %dma_start3A] : memref<2x10000x128xf32, #tpu.memory_space<hbm>> -> memref<1x400x128xf32, #tpu.memory_space<hbm>>
        %dma_start3A_53 = tpu.memref_squeeze %dma_start3A_52 : memref<1x400x128xf32, #tpu.memory_space<hbm>> -> memref<400x128xf32, #tpu.memory_space<hbm>>
        %dma_start3A_54 = arith.constant 0 : i32
        %dma_start3A_55 = tpu.memref_slice %arg8[%mul3A_2, %dma_start3A_54] : memref<10000x128xf32, #tpu.memory_space<vmem_shared>> -> memref<400x128xf32, #tpu.memory_space<vmem_shared>>
        tpu.enqueue_dma source(%dma_start3A_55 : memref<400x128xf32, #tpu.memory_space<vmem_shared>>) target(%dma_start3A_53 : memref<400x128xf32, #tpu.memory_space<hbm>>) target_semaphore(%run_scoped3A : memref<!tpu.dma_semaphore, #tpu.memory_space<semaphore_mem>>)
        %dma_wait3A = arith.constant 0 : i32
        %dma_wait3A_56 = tpu.memref_slice %arg4[%arg0, %mul3A_2, %dma_wait3A] : memref<2x10000x128xf32, #tpu.memory_space<hbm>> -> memref<1x400x128xf32, #tpu.memory_space<hbm>>
        %dma_wait3A_57 = tpu.memref_squeeze %dma_wait3A_56 : memref<1x400x128xf32, #tpu.memory_space<hbm>> -> memref<400x128xf32, #tpu.memory_space<hbm>>
        %dma_wait3A_58 = arith.constant 0 : i32
        %dma_wait3A_59 = tpu.memref_slice %arg8[%mul3A_2, %dma_wait3A_58] : memref<10000x128xf32, #tpu.memory_space<vmem_shared>> -> memref<400x128xf32, #tpu.memory_space<vmem_shared>>
        tpu.wait_dma2 semaphore(%run_scoped3A : memref<!tpu.dma_semaphore, #tpu.memory_space<semaphore_mem>>) src(%dma_wait3A_59 : memref<400x128xf32, #tpu.memory_space<vmem_shared>>) dst(%dma_wait3A_57 : memref<400x128xf32, #tpu.memory_space<hbm>>)
        tpu.yield
      }) : () -> ()
    } else {
    }
    return
  }
}

#map = affine_map<(d0, d1) -> (0, 0)>
#map1 = affine_map<(d0, d1) -> (0, 0, 0)>
module attributes {stable_mosaic.version = 14 : i64} {
  func.func @agg(%arg0: i32, %arg1: i32, %arg2: memref<10000x16xf32, #tpu.memory_space<hbm>>, %arg3: memref<2x320000xi32, #tpu.memory_space<hbm>>, %arg4: memref<2x10000x16xf32, #tpu.memory_space<hbm>>, %arg5: memref<4x2x128xi32, #tpu.memory_space<vmem>>, %arg6: memref<4x2x128xi32, #tpu.memory_space<vmem>>, %arg7: memref<2x2x128x16xf32, #tpu.memory_space<vmem>>, %arg8: memref<10000x16xf32, #tpu.memory_space<vmem_shared>>, %arg9: memref<4x!tpu.dma_semaphore, #tpu.memory_space<semaphore_mem>>, %arg10: memref<2x!tpu.dma_semaphore, #tpu.memory_space<semaphore_mem>>, %arg11: memref<2x!tpu.dma_semaphore, #tpu.memory_space<semaphore_mem>>) attributes {dimension_semantics = [#tpu.dimension_semantics<core_parallel>, #tpu.dimension_semantics<subcore_parallel>], iteration_bounds = array<i64: 2, 16>, scalar_prefetch = 0 : i64, scratch_operands = 7 : i64, tpu.core_type = #tpu.core_type<sc_vector_subcore>, window_params = [{transform_indices = #map}, {transform_indices = #map}, {transform_indices = #map1}]} {
    %mul3A = arith.constant 2 : i32
    %mul3A_0 = arith.muli %arg1, %mul3A : i32
    %add3A = arith.addi %mul3A_0, %arg0 : i32
    %mul3A_1 = arith.constant 640 : i32
    %mul3A_2 = arith.muli %arg1, %mul3A_1 : i32
    %add3A_3 = arith.constant 0 : i32
    %add3A_4 = arith.addi %add3A, %add3A_3 : i32
    %lt3A = arith.constant 1250 : i32
    %lt3A_5 = arith.cmpi slt, %add3A_4, %lt3A : i32
    %convert_element_type3A = arith.extui %lt3A_5 : i1 to i32
    %cond3A = arith.constant 0 : i32
    %cond3A_6 = arith.cmpi ne, %convert_element_type3A, %cond3A : i32
    scf.if %cond3A_6 {
      %rem3A = arith.constant 0 : i32
      %rem3A_52 = arith.constant 4 : i32
      %rem3A_53 = arith.remsi %rem3A, %rem3A_52 : i32
      %add3A_54 = arith.constant 0 : i32
      %add3A_55 = arith.addi %add3A, %add3A_54 : i32
      %mul3A_56 = arith.constant 2 : i32
      %mul3A_57 = arith.muli %add3A_55, %mul3A_56 : i32
      %add3A_58 = arith.constant 0 : i32
      %add3A_59 = arith.addi %mul3A_57, %add3A_58 : i32
      %mul3A_60 = arith.constant 128 : i32
      %mul3A_61 = arith.muli %add3A_59, %mul3A_60 : i32
      %dma_start3A = arith.constant 0 : i32
      %dma_start3A_62 = arith.constant 0 : i32
      %dma_start3A_63 = arith.constant 0 : i32
      %dma_start3A_64 = tpu.memref_slice %arg5[%rem3A_53, %dma_start3A_62, %dma_start3A_63] : memref<4x2x128xi32, #tpu.memory_space<vmem>> -> memref<1x1x128xi32, #tpu.memory_space<vmem>>
      %dma_start3A_65 = tpu.memref_squeeze %dma_start3A_64 : memref<1x1x128xi32, #tpu.memory_space<vmem>> -> memref<128xi32, #tpu.memory_space<vmem>>
      %dma_start3A_66 = tpu.memref_slice %arg3[%dma_start3A, %mul3A_61] : memref<2x320000xi32, #tpu.memory_space<hbm>> -> memref<1x128xi32, #tpu.memory_space<hbm>>
      %dma_start3A_67 = tpu.memref_squeeze %dma_start3A_66 : memref<1x128xi32, #tpu.memory_space<hbm>> -> memref<128xi32, #tpu.memory_space<hbm>>
      %dma_start3A_68 = tpu.memref_slice %arg9[%rem3A_53] : memref<4x!tpu.dma_semaphore, #tpu.memory_space<semaphore_mem>> -> memref<1x!tpu.dma_semaphore, #tpu.memory_space<semaphore_mem>>
      %dma_start3A_69 = tpu.memref_squeeze %dma_start3A_68 : memref<1x!tpu.dma_semaphore, #tpu.memory_space<semaphore_mem>> -> memref<!tpu.dma_semaphore, #tpu.memory_space<semaphore_mem>>
      %dma_start3A_70 = arith.constant 0 : i32
      %dma_start3A_71 = tpu.memref_slice %arg5[%rem3A_53, %dma_start3A_62, %dma_start3A_70] : memref<4x2x128xi32, #tpu.memory_space<vmem>> -> memref<1x1x128xi32, #tpu.memory_space<vmem>>
      %dma_start3A_72 = tpu.memref_squeeze %dma_start3A_71 : memref<1x1x128xi32, #tpu.memory_space<vmem>> -> memref<128xi32, #tpu.memory_space<vmem>>
      %dma_start3A_73 = tpu.memref_slice %arg3[%dma_start3A, %mul3A_61] : memref<2x320000xi32, #tpu.memory_space<hbm>> -> memref<1x128xi32, #tpu.memory_space<hbm>>
      %dma_start3A_74 = tpu.memref_squeeze %dma_start3A_73 : memref<1x128xi32, #tpu.memory_space<hbm>> -> memref<128xi32, #tpu.memory_space<hbm>>
      tpu.enqueue_dma source(%dma_start3A_74 : memref<128xi32, #tpu.memory_space<hbm>>) target(%dma_start3A_72 : memref<128xi32, #tpu.memory_space<vmem>>) target_semaphore(%dma_start3A_69 : memref<!tpu.dma_semaphore, #tpu.memory_space<semaphore_mem>>)
      %dma_start3A_75 = arith.constant 1 : i32
      %dma_start3A_76 = arith.constant 0 : i32
      %dma_start3A_77 = arith.constant 0 : i32
      %dma_start3A_78 = tpu.memref_slice %arg6[%rem3A_53, %dma_start3A_76, %dma_start3A_77] : memref<4x2x128xi32, #tpu.memory_space<vmem>> -> memref<1x1x128xi32, #tpu.memory_space<vmem>>
      %dma_start3A_79 = tpu.memref_squeeze %dma_start3A_78 : memref<1x1x128xi32, #tpu.memory_space<vmem>> -> memref<128xi32, #tpu.memory_space<vmem>>
      %dma_start3A_80 = tpu.memref_slice %arg3[%dma_start3A_75, %mul3A_61] : memref<2x320000xi32, #tpu.memory_space<hbm>> -> memref<1x128xi32, #tpu.memory_space<hbm>>
      %dma_start3A_81 = tpu.memref_squeeze %dma_start3A_80 : memref<1x128xi32, #tpu.memory_space<hbm>> -> memref<128xi32, #tpu.memory_space<hbm>>
      %dma_start3A_82 = tpu.memref_slice %arg9[%rem3A_53] : memref<4x!tpu.dma_semaphore, #tpu.memory_space<semaphore_mem>> -> memref<1x!tpu.dma_semaphore, #tpu.memory_space<semaphore_mem>>
      %dma_start3A_83 = tpu.memref_squeeze %dma_start3A_82 : memref<1x!tpu.dma_semaphore, #tpu.memory_space<semaphore_mem>> -> memref<!tpu.dma_semaphore, #tpu.memory_space<semaphore_mem>>
      %dma_start3A_84 = arith.constant 0 : i32
      %dma_start3A_85 = tpu.memref_slice %arg6[%rem3A_53, %dma_start3A_76, %dma_start3A_84] : memref<4x2x128xi32, #tpu.memory_space<vmem>> -> memref<1x1x128xi32, #tpu.memory_space<vmem>>
      %dma_start3A_86 = tpu.memref_squeeze %dma_start3A_85 : memref<1x1x128xi32, #tpu.memory_space<vmem>> -> memref<128xi32, #tpu.memory_space<vmem>>
      %dma_start3A_87 = tpu.memref_slice %arg3[%dma_start3A_75, %mul3A_61] : memref<2x320000xi32, #tpu.memory_space<hbm>> -> memref<1x128xi32, #tpu.memory_space<hbm>>
      %dma_start3A_88 = tpu.memref_squeeze %dma_start3A_87 : memref<1x128xi32, #tpu.memory_space<hbm>> -> memref<128xi32, #tpu.memory_space<hbm>>
      tpu.enqueue_dma source(%dma_start3A_88 : memref<128xi32, #tpu.memory_space<hbm>>) target(%dma_start3A_86 : memref<128xi32, #tpu.memory_space<vmem>>) target_semaphore(%dma_start3A_83 : memref<!tpu.dma_semaphore, #tpu.memory_space<semaphore_mem>>)
      %add3A_89 = arith.constant 0 : i32
      %add3A_90 = arith.addi %add3A, %add3A_89 : i32
      %mul3A_91 = arith.constant 2 : i32
      %mul3A_92 = arith.muli %add3A_90, %mul3A_91 : i32
      %add3A_93 = arith.constant 1 : i32
      %add3A_94 = arith.addi %mul3A_92, %add3A_93 : i32
      %mul3A_95 = arith.constant 128 : i32
      %mul3A_96 = arith.muli %add3A_94, %mul3A_95 : i32
      %dma_start3A_97 = arith.constant 0 : i32
      %dma_start3A_98 = arith.constant 1 : i32
      %dma_start3A_99 = arith.constant 0 : i32
      %dma_start3A_100 = tpu.memref_slice %arg5[%rem3A_53, %dma_start3A_98, %dma_start3A_99] : memref<4x2x128xi32, #tpu.memory_space<vmem>> -> memref<1x1x128xi32, #tpu.memory_space<vmem>>
      %dma_start3A_101 = tpu.memref_squeeze %dma_start3A_100 : memref<1x1x128xi32, #tpu.memory_space<vmem>> -> memref<128xi32, #tpu.memory_space<vmem>>
      %dma_start3A_102 = tpu.memref_slice %arg3[%dma_start3A_97, %mul3A_96] : memref<2x320000xi32, #tpu.memory_space<hbm>> -> memref<1x128xi32, #tpu.memory_space<hbm>>
      %dma_start3A_103 = tpu.memref_squeeze %dma_start3A_102 : memref<1x128xi32, #tpu.memory_space<hbm>> -> memref<128xi32, #tpu.memory_space<hbm>>
      %dma_start3A_104 = tpu.memref_slice %arg9[%rem3A_53] : memref<4x!tpu.dma_semaphore, #tpu.memory_space<semaphore_mem>> -> memref<1x!tpu.dma_semaphore, #tpu.memory_space<semaphore_mem>>
      %dma_start3A_105 = tpu.memref_squeeze %dma_start3A_104 : memref<1x!tpu.dma_semaphore, #tpu.memory_space<semaphore_mem>> -> memref<!tpu.dma_semaphore, #tpu.memory_space<semaphore_mem>>
      %dma_start3A_106 = arith.constant 0 : i32
      %dma_start3A_107 = tpu.memref_slice %arg5[%rem3A_53, %dma_start3A_98, %dma_start3A_106] : memref<4x2x128xi32, #tpu.memory_space<vmem>> -> memref<1x1x128xi32, #tpu.memory_space<vmem>>
      %dma_start3A_108 = tpu.memref_squeeze %dma_start3A_107 : memref<1x1x128xi32, #tpu.memory_space<vmem>> -> memref<128xi32, #tpu.memory_space<vmem>>
      %dma_start3A_109 = tpu.memref_slice %arg3[%dma_start3A_97, %mul3A_96] : memref<2x320000xi32, #tpu.memory_space<hbm>> -> memref<1x128xi32, #tpu.memory_space<hbm>>
      %dma_start3A_110 = tpu.memref_squeeze %dma_start3A_109 : memref<1x128xi32, #tpu.memory_space<hbm>> -> memref<128xi32, #tpu.memory_space<hbm>>
      tpu.enqueue_dma source(%dma_start3A_110 : memref<128xi32, #tpu.memory_space<hbm>>) target(%dma_start3A_108 : memref<128xi32, #tpu.memory_space<vmem>>) target_semaphore(%dma_start3A_105 : memref<!tpu.dma_semaphore, #tpu.memory_space<semaphore_mem>>)
      %dma_start3A_111 = arith.constant 1 : i32
      %dma_start3A_112 = arith.constant 1 : i32
      %dma_start3A_113 = arith.constant 0 : i32
      %dma_start3A_114 = tpu.memref_slice %arg6[%rem3A_53, %dma_start3A_112, %dma_start3A_113] : memref<4x2x128xi32, #tpu.memory_space<vmem>> -> memref<1x1x128xi32, #tpu.memory_space<vmem>>
      %dma_start3A_115 = tpu.memref_squeeze %dma_start3A_114 : memref<1x1x128xi32, #tpu.memory_space<vmem>> -> memref<128xi32, #tpu.memory_space<vmem>>
      %dma_start3A_116 = tpu.memref_slice %arg3[%dma_start3A_111, %mul3A_96] : memref<2x320000xi32, #tpu.memory_space<hbm>> -> memref<1x128xi32, #tpu.memory_space<hbm>>
      %dma_start3A_117 = tpu.memref_squeeze %dma_start3A_116 : memref<1x128xi32, #tpu.memory_space<hbm>> -> memref<128xi32, #tpu.memory_space<hbm>>
      %dma_start3A_118 = tpu.memref_slice %arg9[%rem3A_53] : memref<4x!tpu.dma_semaphore, #tpu.memory_space<semaphore_mem>> -> memref<1x!tpu.dma_semaphore, #tpu.memory_space<semaphore_mem>>
      %dma_start3A_119 = tpu.memref_squeeze %dma_start3A_118 : memref<1x!tpu.dma_semaphore, #tpu.memory_space<semaphore_mem>> -> memref<!tpu.dma_semaphore, #tpu.memory_space<semaphore_mem>>
      %dma_start3A_120 = arith.constant 0 : i32
      %dma_start3A_121 = tpu.memref_slice %arg6[%rem3A_53, %dma_start3A_112, %dma_start3A_120] : memref<4x2x128xi32, #tpu.memory_space<vmem>> -> memref<1x1x128xi32, #tpu.memory_space<vmem>>
      %dma_start3A_122 = tpu.memref_squeeze %dma_start3A_121 : memref<1x1x128xi32, #tpu.memory_space<vmem>> -> memref<128xi32, #tpu.memory_space<vmem>>
      %dma_start3A_123 = tpu.memref_slice %arg3[%dma_start3A_111, %mul3A_96] : memref<2x320000xi32, #tpu.memory_space<hbm>> -> memref<1x128xi32, #tpu.memory_space<hbm>>
      %dma_start3A_124 = tpu.memref_squeeze %dma_start3A_123 : memref<1x128xi32, #tpu.memory_space<hbm>> -> memref<128xi32, #tpu.memory_space<hbm>>
      tpu.enqueue_dma source(%dma_start3A_124 : memref<128xi32, #tpu.memory_space<hbm>>) target(%dma_start3A_122 : memref<128xi32, #tpu.memory_space<vmem>>) target_semaphore(%dma_start3A_119 : memref<!tpu.dma_semaphore, #tpu.memory_space<semaphore_mem>>)
    } else {
    }
    %add3A_7 = arith.constant 32 : i32
    %add3A_8 = arith.addi %add3A, %add3A_7 : i32
    %lt3A_9 = arith.constant 1250 : i32
    %lt3A_10 = arith.cmpi slt, %add3A_8, %lt3A_9 : i32
    %convert_element_type3A_11 = arith.extui %lt3A_10 : i1 to i32
    %cond3A_12 = arith.constant 0 : i32
    %cond3A_13 = arith.cmpi ne, %convert_element_type3A_11, %cond3A_12 : i32
    scf.if %cond3A_13 {
      %rem3A = arith.constant 1 : i32
      %rem3A_52 = arith.constant 4 : i32
      %rem3A_53 = arith.remsi %rem3A, %rem3A_52 : i32
      %add3A_54 = arith.constant 32 : i32
      %add3A_55 = arith.addi %add3A, %add3A_54 : i32
      %mul3A_56 = arith.constant 2 : i32
      %mul3A_57 = arith.muli %add3A_55, %mul3A_56 : i32
      %add3A_58 = arith.constant 0 : i32
      %add3A_59 = arith.addi %mul3A_57, %add3A_58 : i32
      %mul3A_60 = arith.constant 128 : i32
      %mul3A_61 = arith.muli %add3A_59, %mul3A_60 : i32
      %dma_start3A = arith.constant 0 : i32
      %dma_start3A_62 = arith.constant 0 : i32
      %dma_start3A_63 = arith.constant 0 : i32
      %dma_start3A_64 = tpu.memref_slice %arg5[%rem3A_53, %dma_start3A_62, %dma_start3A_63] : memref<4x2x128xi32, #tpu.memory_space<vmem>> -> memref<1x1x128xi32, #tpu.memory_space<vmem>>
      %dma_start3A_65 = tpu.memref_squeeze %dma_start3A_64 : memref<1x1x128xi32, #tpu.memory_space<vmem>> -> memref<128xi32, #tpu.memory_space<vmem>>
      %dma_start3A_66 = tpu.memref_slice %arg3[%dma_start3A, %mul3A_61] : memref<2x320000xi32, #tpu.memory_space<hbm>> -> memref<1x128xi32, #tpu.memory_space<hbm>>
      %dma_start3A_67 = tpu.memref_squeeze %dma_start3A_66 : memref<1x128xi32, #tpu.memory_space<hbm>> -> memref<128xi32, #tpu.memory_space<hbm>>
      %dma_start3A_68 = tpu.memref_slice %arg9[%rem3A_53] : memref<4x!tpu.dma_semaphore, #tpu.memory_space<semaphore_mem>> -> memref<1x!tpu.dma_semaphore, #tpu.memory_space<semaphore_mem>>
      %dma_start3A_69 = tpu.memref_squeeze %dma_start3A_68 : memref<1x!tpu.dma_semaphore, #tpu.memory_space<semaphore_mem>> -> memref<!tpu.dma_semaphore, #tpu.memory_space<semaphore_mem>>
      %dma_start3A_70 = arith.constant 0 : i32
      %dma_start3A_71 = tpu.memref_slice %arg5[%rem3A_53, %dma_start3A_62, %dma_start3A_70] : memref<4x2x128xi32, #tpu.memory_space<vmem>> -> memref<1x1x128xi32, #tpu.memory_space<vmem>>
      %dma_start3A_72 = tpu.memref_squeeze %dma_start3A_71 : memref<1x1x128xi32, #tpu.memory_space<vmem>> -> memref<128xi32, #tpu.memory_space<vmem>>
      %dma_start3A_73 = tpu.memref_slice %arg3[%dma_start3A, %mul3A_61] : memref<2x320000xi32, #tpu.memory_space<hbm>> -> memref<1x128xi32, #tpu.memory_space<hbm>>
      %dma_start3A_74 = tpu.memref_squeeze %dma_start3A_73 : memref<1x128xi32, #tpu.memory_space<hbm>> -> memref<128xi32, #tpu.memory_space<hbm>>
      tpu.enqueue_dma source(%dma_start3A_74 : memref<128xi32, #tpu.memory_space<hbm>>) target(%dma_start3A_72 : memref<128xi32, #tpu.memory_space<vmem>>) target_semaphore(%dma_start3A_69 : memref<!tpu.dma_semaphore, #tpu.memory_space<semaphore_mem>>)
      %dma_start3A_75 = arith.constant 1 : i32
      %dma_start3A_76 = arith.constant 0 : i32
      %dma_start3A_77 = arith.constant 0 : i32
      %dma_start3A_78 = tpu.memref_slice %arg6[%rem3A_53, %dma_start3A_76, %dma_start3A_77] : memref<4x2x128xi32, #tpu.memory_space<vmem>> -> memref<1x1x128xi32, #tpu.memory_space<vmem>>
      %dma_start3A_79 = tpu.memref_squeeze %dma_start3A_78 : memref<1x1x128xi32, #tpu.memory_space<vmem>> -> memref<128xi32, #tpu.memory_space<vmem>>
      %dma_start3A_80 = tpu.memref_slice %arg3[%dma_start3A_75, %mul3A_61] : memref<2x320000xi32, #tpu.memory_space<hbm>> -> memref<1x128xi32, #tpu.memory_space<hbm>>
      %dma_start3A_81 = tpu.memref_squeeze %dma_start3A_80 : memref<1x128xi32, #tpu.memory_space<hbm>> -> memref<128xi32, #tpu.memory_space<hbm>>
      %dma_start3A_82 = tpu.memref_slice %arg9[%rem3A_53] : memref<4x!tpu.dma_semaphore, #tpu.memory_space<semaphore_mem>> -> memref<1x!tpu.dma_semaphore, #tpu.memory_space<semaphore_mem>>
      %dma_start3A_83 = tpu.memref_squeeze %dma_start3A_82 : memref<1x!tpu.dma_semaphore, #tpu.memory_space<semaphore_mem>> -> memref<!tpu.dma_semaphore, #tpu.memory_space<semaphore_mem>>
      %dma_start3A_84 = arith.constant 0 : i32
      %dma_start3A_85 = tpu.memref_slice %arg6[%rem3A_53, %dma_start3A_76, %dma_start3A_84] : memref<4x2x128xi32, #tpu.memory_space<vmem>> -> memref<1x1x128xi32, #tpu.memory_space<vmem>>
      %dma_start3A_86 = tpu.memref_squeeze %dma_start3A_85 : memref<1x1x128xi32, #tpu.memory_space<vmem>> -> memref<128xi32, #tpu.memory_space<vmem>>
      %dma_start3A_87 = tpu.memref_slice %arg3[%dma_start3A_75, %mul3A_61] : memref<2x320000xi32, #tpu.memory_space<hbm>> -> memref<1x128xi32, #tpu.memory_space<hbm>>
      %dma_start3A_88 = tpu.memref_squeeze %dma_start3A_87 : memref<1x128xi32, #tpu.memory_space<hbm>> -> memref<128xi32, #tpu.memory_space<hbm>>
      tpu.enqueue_dma source(%dma_start3A_88 : memref<128xi32, #tpu.memory_space<hbm>>) target(%dma_start3A_86 : memref<128xi32, #tpu.memory_space<vmem>>) target_semaphore(%dma_start3A_83 : memref<!tpu.dma_semaphore, #tpu.memory_space<semaphore_mem>>)
      %add3A_89 = arith.constant 32 : i32
      %add3A_90 = arith.addi %add3A, %add3A_89 : i32
      %mul3A_91 = arith.constant 2 : i32
      %mul3A_92 = arith.muli %add3A_90, %mul3A_91 : i32
      %add3A_93 = arith.constant 1 : i32
      %add3A_94 = arith.addi %mul3A_92, %add3A_93 : i32
      %mul3A_95 = arith.constant 128 : i32
      %mul3A_96 = arith.muli %add3A_94, %mul3A_95 : i32
      %dma_start3A_97 = arith.constant 0 : i32
      %dma_start3A_98 = arith.constant 1 : i32
      %dma_start3A_99 = arith.constant 0 : i32
      %dma_start3A_100 = tpu.memref_slice %arg5[%rem3A_53, %dma_start3A_98, %dma_start3A_99] : memref<4x2x128xi32, #tpu.memory_space<vmem>> -> memref<1x1x128xi32, #tpu.memory_space<vmem>>
      %dma_start3A_101 = tpu.memref_squeeze %dma_start3A_100 : memref<1x1x128xi32, #tpu.memory_space<vmem>> -> memref<128xi32, #tpu.memory_space<vmem>>
      %dma_start3A_102 = tpu.memref_slice %arg3[%dma_start3A_97, %mul3A_96] : memref<2x320000xi32, #tpu.memory_space<hbm>> -> memref<1x128xi32, #tpu.memory_space<hbm>>
      %dma_start3A_103 = tpu.memref_squeeze %dma_start3A_102 : memref<1x128xi32, #tpu.memory_space<hbm>> -> memref<128xi32, #tpu.memory_space<hbm>>
      %dma_start3A_104 = tpu.memref_slice %arg9[%rem3A_53] : memref<4x!tpu.dma_semaphore, #tpu.memory_space<semaphore_mem>> -> memref<1x!tpu.dma_semaphore, #tpu.memory_space<semaphore_mem>>
      %dma_start3A_105 = tpu.memref_squeeze %dma_start3A_104 : memref<1x!tpu.dma_semaphore, #tpu.memory_space<semaphore_mem>> -> memref<!tpu.dma_semaphore, #tpu.memory_space<semaphore_mem>>
      %dma_start3A_106 = arith.constant 0 : i32
      %dma_start3A_107 = tpu.memref_slice %arg5[%rem3A_53, %dma_start3A_98, %dma_start3A_106] : memref<4x2x128xi32, #tpu.memory_space<vmem>> -> memref<1x1x128xi32, #tpu.memory_space<vmem>>
      %dma_start3A_108 = tpu.memref_squeeze %dma_start3A_107 : memref<1x1x128xi32, #tpu.memory_space<vmem>> -> memref<128xi32, #tpu.memory_space<vmem>>
      %dma_start3A_109 = tpu.memref_slice %arg3[%dma_start3A_97, %mul3A_96] : memref<2x320000xi32, #tpu.memory_space<hbm>> -> memref<1x128xi32, #tpu.memory_space<hbm>>
      %dma_start3A_110 = tpu.memref_squeeze %dma_start3A_109 : memref<1x128xi32, #tpu.memory_space<hbm>> -> memref<128xi32, #tpu.memory_space<hbm>>
      tpu.enqueue_dma source(%dma_start3A_110 : memref<128xi32, #tpu.memory_space<hbm>>) target(%dma_start3A_108 : memref<128xi32, #tpu.memory_space<vmem>>) target_semaphore(%dma_start3A_105 : memref<!tpu.dma_semaphore, #tpu.memory_space<semaphore_mem>>)
      %dma_start3A_111 = arith.constant 1 : i32
      %dma_start3A_112 = arith.constant 1 : i32
      %dma_start3A_113 = arith.constant 0 : i32
      %dma_start3A_114 = tpu.memref_slice %arg6[%rem3A_53, %dma_start3A_112, %dma_start3A_113] : memref<4x2x128xi32, #tpu.memory_space<vmem>> -> memref<1x1x128xi32, #tpu.memory_space<vmem>>
      %dma_start3A_115 = tpu.memref_squeeze %dma_start3A_114 : memref<1x1x128xi32, #tpu.memory_space<vmem>> -> memref<128xi32, #tpu.memory_space<vmem>>
      %dma_start3A_116 = tpu.memref_slice %arg3[%dma_start3A_111, %mul3A_96] : memref<2x320000xi32, #tpu.memory_space<hbm>> -> memref<1x128xi32, #tpu.memory_space<hbm>>
      %dma_start3A_117 = tpu.memref_squeeze %dma_start3A_116 : memref<1x128xi32, #tpu.memory_space<hbm>> -> memref<128xi32, #tpu.memory_space<hbm>>
      %dma_start3A_118 = tpu.memref_slice %arg9[%rem3A_53] : memref<4x!tpu.dma_semaphore, #tpu.memory_space<semaphore_mem>> -> memref<1x!tpu.dma_semaphore, #tpu.memory_space<semaphore_mem>>
      %dma_start3A_119 = tpu.memref_squeeze %dma_start3A_118 : memref<1x!tpu.dma_semaphore, #tpu.memory_space<semaphore_mem>> -> memref<!tpu.dma_semaphore, #tpu.memory_space<semaphore_mem>>
      %dma_start3A_120 = arith.constant 0 : i32
      %dma_start3A_121 = tpu.memref_slice %arg6[%rem3A_53, %dma_start3A_112, %dma_start3A_120] : memref<4x2x128xi32, #tpu.memory_space<vmem>> -> memref<1x1x128xi32, #tpu.memory_space<vmem>>
      %dma_start3A_122 = tpu.memref_squeeze %dma_start3A_121 : memref<1x1x128xi32, #tpu.memory_space<vmem>> -> memref<128xi32, #tpu.memory_space<vmem>>
      %dma_start3A_123 = tpu.memref_slice %arg3[%dma_start3A_111, %mul3A_96] : memref<2x320000xi32, #tpu.memory_space<hbm>> -> memref<1x128xi32, #tpu.memory_space<hbm>>
      %dma_start3A_124 = tpu.memref_squeeze %dma_start3A_123 : memref<1x128xi32, #tpu.memory_space<hbm>> -> memref<128xi32, #tpu.memory_space<hbm>>
      tpu.enqueue_dma source(%dma_start3A_124 : memref<128xi32, #tpu.memory_space<hbm>>) target(%dma_start3A_122 : memref<128xi32, #tpu.memory_space<vmem>>) target_semaphore(%dma_start3A_119 : memref<!tpu.dma_semaphore, #tpu.memory_space<semaphore_mem>>)
    } else {
    }
    %scan3A = arith.constant 0 : i32
    %scan3A_14 = arith.constant 0 : i32
    %scan3A_15 = arith.constant 128 : i32
    %scan3A_16 = arith.addi %scan3A_14, %scan3A_15 : i32
    %scan3A_17 = arith.constant 1 : i32
    scf.for %scan3A_52 = %scan3A_14 to %scan3A_16 step %scan3A_17  : i32 {
      %broadcast_in_dim3A = arith.constant 0.000000e+00 : f32
      %broadcast_in_dim3A_53 = vector.broadcast %broadcast_in_dim3A : f32 to vector<16xf32>
      %swap3A = arith.constant 0 : i32
      %swap3A_54 = arith.constant 0 : i32
      %swap3A_55 = arith.index_cast %swap3A : i32 to index
      %swap3A_56 = arith.index_cast %swap3A_54 : i32 to index
      %swap3A_57 = arith.index_cast %scan3A_52 : i32 to index
      %swap3A_58 = arith.constant 0 : index
      %swap3A_59 = tpu.vector_load %arg7[%swap3A_55, %swap3A_56, %swap3A_57, %swap3A_58] {strides = array<i32>} : memref<2x2x128x16xf32, #tpu.memory_space<vmem>>, vector<1x1x1x16xf32>,
      %swap3A_60 = vector.shape_cast %swap3A_59 : vector<1x1x1x16xf32> to vector<16xf32>
      %swap3A_61 = vector.shape_cast %broadcast_in_dim3A_53 : vector<16xf32> to vector<1x1x1x16xf32>
      tpu.vector_store %arg7[%swap3A_55, %swap3A_56, %swap3A_57, %swap3A_58], %swap3A_61 {strides = array<i32>} : memref<2x2x128x16xf32, #tpu.memory_space<vmem>>, vector<1x1x1x16xf32>,
    }
    %scan3A_18 = arith.constant 128 : i32
    %lt3A_19 = arith.constant 15 : i32
    %lt3A_20 = arith.cmpi slt, %arg1, %lt3A_19 : i32
    %convert_element_type3A_21 = arith.extui %lt3A_20 : i1 to i32
    %cond3A_22 = arith.constant 0 : i32
    %cond3A_23 = arith.cmpi ne, %convert_element_type3A_21, %cond3A_22 : i32
    scf.if %cond3A_23 {
      %add3A_52 = arith.constant 0 : i32
      %add3A_53 = arith.addi %mul3A_2, %add3A_52 : i32
      %run_scoped3A = arith.constant 0 : i32
      %run_scoped3A_54 = arith.constant 0 : i32
      "tpu.region"() ({
        %run_scoped3A_71 = tpu.sem_alloc : memref<!tpu.dma_semaphore, #tpu.memory_space<semaphore_mem>>
        %dma_start3A = arith.constant 0 : i32
        %dma_start3A_72 = arith.constant 0 : i32
        %dma_start3A_73 = tpu.memref_slice %arg7[%run_scoped3A, %run_scoped3A_54, %dma_start3A, %dma_start3A_72] : memref<2x2x128x16xf32, #tpu.memory_space<vmem>> -> memref<1x1x128x16xf32, #tpu.memory_space<vmem>>
        %dma_start3A_74 = tpu.memref_squeeze %dma_start3A_73 : memref<1x1x128x16xf32, #tpu.memory_space<vmem>> -> memref<128x16xf32, #tpu.memory_space<vmem>>
        %dma_start3A_75 = arith.constant 0 : i32
        %dma_start3A_76 = tpu.memref_slice %arg8[%add3A_53, %dma_start3A_75] : memref<10000x16xf32, #tpu.memory_space<vmem_shared>> -> memref<128x16xf32, #tpu.memory_space<vmem_shared>>
        %dma_start3A_77 = arith.constant 0 : i32
        %dma_start3A_78 = tpu.memref_slice %arg8[%add3A_53, %dma_start3A_77] : memref<10000x16xf32, #tpu.memory_space<vmem_shared>> -> memref<128x16xf32, #tpu.memory_space<vmem_shared>>
        %dma_start3A_79 = arith.constant 0 : i32
        %dma_start3A_80 = arith.constant 0 : i32
        %dma_start3A_81 = tpu.memref_slice %arg7[%run_scoped3A, %run_scoped3A_54, %dma_start3A_79, %dma_start3A_80] : memref<2x2x128x16xf32, #tpu.memory_space<vmem>> -> memref<1x1x128x16xf32, #tpu.memory_space<vmem>>
        %dma_start3A_82 = tpu.memref_squeeze %dma_start3A_81 : memref<1x1x128x16xf32, #tpu.memory_space<vmem>> -> memref<128x16xf32, #tpu.memory_space<vmem>>
        tpu.enqueue_dma source(%dma_start3A_82 : memref<128x16xf32, #tpu.memory_space<vmem>>) target(%dma_start3A_78 : memref<128x16xf32, #tpu.memory_space<vmem_shared>>) target_semaphore(%run_scoped3A_71 : memref<!tpu.dma_semaphore, #tpu.memory_space<semaphore_mem>>)
        %dma_wait3A = arith.constant 0 : i32
        %dma_wait3A_83 = arith.constant 0 : i32
        %dma_wait3A_84 = tpu.memref_slice %arg7[%run_scoped3A, %run_scoped3A_54, %dma_wait3A, %dma_wait3A_83] : memref<2x2x128x16xf32, #tpu.memory_space<vmem>> -> memref<1x1x128x16xf32, #tpu.memory_space<vmem>>
        %dma_wait3A_85 = tpu.memref_squeeze %dma_wait3A_84 : memref<1x1x128x16xf32, #tpu.memory_space<vmem>> -> memref<128x16xf32, #tpu.memory_space<vmem>>
        %dma_wait3A_86 = arith.constant 0 : i32
        %dma_wait3A_87 = tpu.memref_slice %arg8[%add3A_53, %dma_wait3A_86] : memref<10000x16xf32, #tpu.memory_space<vmem_shared>> -> memref<128x16xf32, #tpu.memory_space<vmem_shared>>
        %dma_wait3A_88 = arith.constant 0 : i32
        %dma_wait3A_89 = tpu.memref_slice %arg8[%add3A_53, %dma_wait3A_88] : memref<10000x16xf32, #tpu.memory_space<vmem_shared>> -> memref<128x16xf32, #tpu.memory_space<vmem_shared>>
        %dma_wait3A_90 = arith.constant 0 : i32
        %dma_wait3A_91 = arith.constant 0 : i32
        %dma_wait3A_92 = tpu.memref_slice %arg7[%run_scoped3A, %run_scoped3A_54, %dma_wait3A_90, %dma_wait3A_91] : memref<2x2x128x16xf32, #tpu.memory_space<vmem>> -> memref<1x1x128x16xf32, #tpu.memory_space<vmem>>
        %dma_wait3A_93 = tpu.memref_squeeze %dma_wait3A_92 : memref<1x1x128x16xf32, #tpu.memory_space<vmem>> -> memref<128x16xf32, #tpu.memory_space<vmem>>
        tpu.wait_dma2 semaphore(%run_scoped3A_71 : memref<!tpu.dma_semaphore, #tpu.memory_space<semaphore_mem>>) src(%dma_wait3A_93 : memref<128x16xf32, #tpu.memory_space<vmem>>) dst(%dma_wait3A_89 : memref<128x16xf32, #tpu.memory_space<vmem_shared>>)
        tpu.yield
      }) : () -> ()
      %add3A_55 = arith.constant 128 : i32
      %add3A_56 = arith.addi %mul3A_2, %add3A_55 : i32
      %run_scoped3A_57 = arith.constant 0 : i32
      %run_scoped3A_58 = arith.constant 0 : i32
      "tpu.region"() ({
        %run_scoped3A_71 = tpu.sem_alloc : memref<!tpu.dma_semaphore, #tpu.memory_space<semaphore_mem>>
        %dma_start3A = arith.constant 0 : i32
        %dma_start3A_72 = arith.constant 0 : i32
        %dma_start3A_73 = tpu.memref_slice %arg7[%run_scoped3A_57, %run_scoped3A_58, %dma_start3A, %dma_start3A_72] : memref<2x2x128x16xf32, #tpu.memory_space<vmem>> -> memref<1x1x128x16xf32, #tpu.memory_space<vmem>>
        %dma_start3A_74 = tpu.memref_squeeze %dma_start3A_73 : memref<1x1x128x16xf32, #tpu.memory_space<vmem>> -> memref<128x16xf32, #tpu.memory_space<vmem>>
        %dma_start3A_75 = arith.constant 0 : i32
        %dma_start3A_76 = tpu.memref_slice %arg8[%add3A_56, %dma_start3A_75] : memref<10000x16xf32, #tpu.memory_space<vmem_shared>> -> memref<128x16xf32, #tpu.memory_space<vmem_shared>>
        %dma_start3A_77 = arith.constant 0 : i32
        %dma_start3A_78 = tpu.memref_slice %arg8[%add3A_56, %dma_start3A_77] : memref<10000x16xf32, #tpu.memory_space<vmem_shared>> -> memref<128x16xf32, #tpu.memory_space<vmem_shared>>
        %dma_start3A_79 = arith.constant 0 : i32
        %dma_start3A_80 = arith.constant 0 : i32
        %dma_start3A_81 = tpu.memref_slice %arg7[%run_scoped3A_57, %run_scoped3A_58, %dma_start3A_79, %dma_start3A_80] : memref<2x2x128x16xf32, #tpu.memory_space<vmem>> -> memref<1x1x128x16xf32, #tpu.memory_space<vmem>>
        %dma_start3A_82 = tpu.memref_squeeze %dma_start3A_81 : memref<1x1x128x16xf32, #tpu.memory_space<vmem>> -> memref<128x16xf32, #tpu.memory_space<vmem>>
        tpu.enqueue_dma source(%dma_start3A_82 : memref<128x16xf32, #tpu.memory_space<vmem>>) target(%dma_start3A_78 : memref<128x16xf32, #tpu.memory_space<vmem_shared>>) target_semaphore(%run_scoped3A_71 : memref<!tpu.dma_semaphore, #tpu.memory_space<semaphore_mem>>)
        %dma_wait3A = arith.constant 0 : i32
        %dma_wait3A_83 = arith.constant 0 : i32
        %dma_wait3A_84 = tpu.memref_slice %arg7[%run_scoped3A_57, %run_scoped3A_58, %dma_wait3A, %dma_wait3A_83] : memref<2x2x128x16xf32, #tpu.memory_space<vmem>> -> memref<1x1x128x16xf32, #tpu.memory_space<vmem>>
        %dma_wait3A_85 = tpu.memref_squeeze %dma_wait3A_84 : memref<1x1x128x16xf32, #tpu.memory_space<vmem>> -> memref<128x16xf32, #tpu.memory_space<vmem>>
        %dma_wait3A_86 = arith.constant 0 : i32
        %dma_wait3A_87 = tpu.memref_slice %arg8[%add3A_56, %dma_wait3A_86] : memref<10000x16xf32, #tpu.memory_space<vmem_shared>> -> memref<128x16xf32, #tpu.memory_space<vmem_shared>>
        %dma_wait3A_88 = arith.constant 0 : i32
        %dma_wait3A_89 = tpu.memref_slice %arg8[%add3A_56, %dma_wait3A_88] : memref<10000x16xf32, #tpu.memory_space<vmem_shared>> -> memref<128x16xf32, #tpu.memory_space<vmem_shared>>
        %dma_wait3A_90 = arith.constant 0 : i32
        %dma_wait3A_91 = arith.constant 0 : i32
        %dma_wait3A_92 = tpu.memref_slice %arg7[%run_scoped3A_57, %run_scoped3A_58, %dma_wait3A_90, %dma_wait3A_91] : memref<2x2x128x16xf32, #tpu.memory_space<vmem>> -> memref<1x1x128x16xf32, #tpu.memory_space<vmem>>
        %dma_wait3A_93 = tpu.memref_squeeze %dma_wait3A_92 : memref<1x1x128x16xf32, #tpu.memory_space<vmem>> -> memref<128x16xf32, #tpu.memory_space<vmem>>
        tpu.wait_dma2 semaphore(%run_scoped3A_71 : memref<!tpu.dma_semaphore, #tpu.memory_space<semaphore_mem>>) src(%dma_wait3A_93 : memref<128x16xf32, #tpu.memory_space<vmem>>) dst(%dma_wait3A_89 : memref<128x16xf32, #tpu.memory_space<vmem_shared>>)
        tpu.yield
      }) : () -> ()
      %add3A_59 = arith.constant 256 : i32
      %add3A_60 = arith.addi %mul3A_2, %add3A_59 : i32
      %run_scoped3A_61 = arith.constant 0 : i32
      %run_scoped3A_62 = arith.constant 0 : i32
      "tpu.region"() ({
        %run_scoped3A_71 = tpu.sem_alloc : memref<!tpu.dma_semaphore, #tpu.memory_space<semaphore_mem>>
        %dma_start3A = arith.constant 0 : i32
        %dma_start3A_72 = arith.constant 0 : i32
        %dma_start3A_73 = tpu.memref_slice %arg7[%run_scoped3A_61, %run_scoped3A_62, %dma_start3A, %dma_start3A_72] : memref<2x2x128x16xf32, #tpu.memory_space<vmem>> -> memref<1x1x128x16xf32, #tpu.memory_space<vmem>>
        %dma_start3A_74 = tpu.memref_squeeze %dma_start3A_73 : memref<1x1x128x16xf32, #tpu.memory_space<vmem>> -> memref<128x16xf32, #tpu.memory_space<vmem>>
        %dma_start3A_75 = arith.constant 0 : i32
        %dma_start3A_76 = tpu.memref_slice %arg8[%add3A_60, %dma_start3A_75] : memref<10000x16xf32, #tpu.memory_space<vmem_shared>> -> memref<128x16xf32, #tpu.memory_space<vmem_shared>>
        %dma_start3A_77 = arith.constant 0 : i32
        %dma_start3A_78 = tpu.memref_slice %arg8[%add3A_60, %dma_start3A_77] : memref<10000x16xf32, #tpu.memory_space<vmem_shared>> -> memref<128x16xf32, #tpu.memory_space<vmem_shared>>
        %dma_start3A_79 = arith.constant 0 : i32
        %dma_start3A_80 = arith.constant 0 : i32
        %dma_start3A_81 = tpu.memref_slice %arg7[%run_scoped3A_61, %run_scoped3A_62, %dma_start3A_79, %dma_start3A_80] : memref<2x2x128x16xf32, #tpu.memory_space<vmem>> -> memref<1x1x128x16xf32, #tpu.memory_space<vmem>>
        %dma_start3A_82 = tpu.memref_squeeze %dma_start3A_81 : memref<1x1x128x16xf32, #tpu.memory_space<vmem>> -> memref<128x16xf32, #tpu.memory_space<vmem>>
        tpu.enqueue_dma source(%dma_start3A_82 : memref<128x16xf32, #tpu.memory_space<vmem>>) target(%dma_start3A_78 : memref<128x16xf32, #tpu.memory_space<vmem_shared>>) target_semaphore(%run_scoped3A_71 : memref<!tpu.dma_semaphore, #tpu.memory_space<semaphore_mem>>)
        %dma_wait3A = arith.constant 0 : i32
        %dma_wait3A_83 = arith.constant 0 : i32
        %dma_wait3A_84 = tpu.memref_slice %arg7[%run_scoped3A_61, %run_scoped3A_62, %dma_wait3A, %dma_wait3A_83] : memref<2x2x128x16xf32, #tpu.memory_space<vmem>> -> memref<1x1x128x16xf32, #tpu.memory_space<vmem>>
        %dma_wait3A_85 = tpu.memref_squeeze %dma_wait3A_84 : memref<1x1x128x16xf32, #tpu.memory_space<vmem>> -> memref<128x16xf32, #tpu.memory_space<vmem>>
        %dma_wait3A_86 = arith.constant 0 : i32
        %dma_wait3A_87 = tpu.memref_slice %arg8[%add3A_60, %dma_wait3A_86] : memref<10000x16xf32, #tpu.memory_space<vmem_shared>> -> memref<128x16xf32, #tpu.memory_space<vmem_shared>>
        %dma_wait3A_88 = arith.constant 0 : i32
        %dma_wait3A_89 = tpu.memref_slice %arg8[%add3A_60, %dma_wait3A_88] : memref<10000x16xf32, #tpu.memory_space<vmem_shared>> -> memref<128x16xf32, #tpu.memory_space<vmem_shared>>
        %dma_wait3A_90 = arith.constant 0 : i32
        %dma_wait3A_91 = arith.constant 0 : i32
        %dma_wait3A_92 = tpu.memref_slice %arg7[%run_scoped3A_61, %run_scoped3A_62, %dma_wait3A_90, %dma_wait3A_91] : memref<2x2x128x16xf32, #tpu.memory_space<vmem>> -> memref<1x1x128x16xf32, #tpu.memory_space<vmem>>
        %dma_wait3A_93 = tpu.memref_squeeze %dma_wait3A_92 : memref<1x1x128x16xf32, #tpu.memory_space<vmem>> -> memref<128x16xf32, #tpu.memory_space<vmem>>
        tpu.wait_dma2 semaphore(%run_scoped3A_71 : memref<!tpu.dma_semaphore, #tpu.memory_space<semaphore_mem>>) src(%dma_wait3A_93 : memref<128x16xf32, #tpu.memory_space<vmem>>) dst(%dma_wait3A_89 : memref<128x16xf32, #tpu.memory_space<vmem_shared>>)
        tpu.yield
      }) : () -> ()
      %add3A_63 = arith.constant 384 : i32
      %add3A_64 = arith.addi %mul3A_2, %add3A_63 : i32
      %run_scoped3A_65 = arith.constant 0 : i32
      %run_scoped3A_66 = arith.constant 0 : i32
      "tpu.region"() ({
        %run_scoped3A_71 = tpu.sem_alloc : memref<!tpu.dma_semaphore, #tpu.memory_space<semaphore_mem>>
        %dma_start3A = arith.constant 0 : i32
        %dma_start3A_72 = arith.constant 0 : i32
        %dma_start3A_73 = tpu.memref_slice %arg7[%run_scoped3A_65, %run_scoped3A_66, %dma_start3A, %dma_start3A_72] : memref<2x2x128x16xf32, #tpu.memory_space<vmem>> -> memref<1x1x128x16xf32, #tpu.memory_space<vmem>>
        %dma_start3A_74 = tpu.memref_squeeze %dma_start3A_73 : memref<1x1x128x16xf32, #tpu.memory_space<vmem>> -> memref<128x16xf32, #tpu.memory_space<vmem>>
        %dma_start3A_75 = arith.constant 0 : i32
        %dma_start3A_76 = tpu.memref_slice %arg8[%add3A_64, %dma_start3A_75] : memref<10000x16xf32, #tpu.memory_space<vmem_shared>> -> memref<128x16xf32, #tpu.memory_space<vmem_shared>>
        %dma_start3A_77 = arith.constant 0 : i32
        %dma_start3A_78 = tpu.memref_slice %arg8[%add3A_64, %dma_start3A_77] : memref<10000x16xf32, #tpu.memory_space<vmem_shared>> -> memref<128x16xf32, #tpu.memory_space<vmem_shared>>
        %dma_start3A_79 = arith.constant 0 : i32
        %dma_start3A_80 = arith.constant 0 : i32
        %dma_start3A_81 = tpu.memref_slice %arg7[%run_scoped3A_65, %run_scoped3A_66, %dma_start3A_79, %dma_start3A_80] : memref<2x2x128x16xf32, #tpu.memory_space<vmem>> -> memref<1x1x128x16xf32, #tpu.memory_space<vmem>>
        %dma_start3A_82 = tpu.memref_squeeze %dma_start3A_81 : memref<1x1x128x16xf32, #tpu.memory_space<vmem>> -> memref<128x16xf32, #tpu.memory_space<vmem>>
        tpu.enqueue_dma source(%dma_start3A_82 : memref<128x16xf32, #tpu.memory_space<vmem>>) target(%dma_start3A_78 : memref<128x16xf32, #tpu.memory_space<vmem_shared>>) target_semaphore(%run_scoped3A_71 : memref<!tpu.dma_semaphore, #tpu.memory_space<semaphore_mem>>)
        %dma_wait3A = arith.constant 0 : i32
        %dma_wait3A_83 = arith.constant 0 : i32
        %dma_wait3A_84 = tpu.memref_slice %arg7[%run_scoped3A_65, %run_scoped3A_66, %dma_wait3A, %dma_wait3A_83] : memref<2x2x128x16xf32, #tpu.memory_space<vmem>> -> memref<1x1x128x16xf32, #tpu.memory_space<vmem>>
        %dma_wait3A_85 = tpu.memref_squeeze %dma_wait3A_84 : memref<1x1x128x16xf32, #tpu.memory_space<vmem>> -> memref<128x16xf32, #tpu.memory_space<vmem>>
        %dma_wait3A_86 = arith.constant 0 : i32
        %dma_wait3A_87 = tpu.memref_slice %arg8[%add3A_64, %dma_wait3A_86] : memref<10000x16xf32, #tpu.memory_space<vmem_shared>> -> memref<128x16xf32, #tpu.memory_space<vmem_shared>>
        %dma_wait3A_88 = arith.constant 0 : i32
        %dma_wait3A_89 = tpu.memref_slice %arg8[%add3A_64, %dma_wait3A_88] : memref<10000x16xf32, #tpu.memory_space<vmem_shared>> -> memref<128x16xf32, #tpu.memory_space<vmem_shared>>
        %dma_wait3A_90 = arith.constant 0 : i32
        %dma_wait3A_91 = arith.constant 0 : i32
        %dma_wait3A_92 = tpu.memref_slice %arg7[%run_scoped3A_65, %run_scoped3A_66, %dma_wait3A_90, %dma_wait3A_91] : memref<2x2x128x16xf32, #tpu.memory_space<vmem>> -> memref<1x1x128x16xf32, #tpu.memory_space<vmem>>
        %dma_wait3A_93 = tpu.memref_squeeze %dma_wait3A_92 : memref<1x1x128x16xf32, #tpu.memory_space<vmem>> -> memref<128x16xf32, #tpu.memory_space<vmem>>
        tpu.wait_dma2 semaphore(%run_scoped3A_71 : memref<!tpu.dma_semaphore, #tpu.memory_space<semaphore_mem>>) src(%dma_wait3A_93 : memref<128x16xf32, #tpu.memory_space<vmem>>) dst(%dma_wait3A_89 : memref<128x16xf32, #tpu.memory_space<vmem_shared>>)
        tpu.yield
      }) : () -> ()
      %add3A_67 = arith.constant 512 : i32
      %add3A_68 = arith.addi %mul3A_2, %add3A_67 : i32
      %run_scoped3A_69 = arith.constant 0 : i32
      %run_scoped3A_70 = arith.constant 0 : i32
      "tpu.region"() ({
        %run_scoped3A_71 = tpu.sem_alloc : memref<!tpu.dma_semaphore, #tpu.memory_space<semaphore_mem>>
        %dma_start3A = arith.constant 0 : i32
        %dma_start3A_72 = arith.constant 0 : i32
        %dma_start3A_73 = tpu.memref_slice %arg7[%run_scoped3A_69, %run_scoped3A_70, %dma_start3A, %dma_start3A_72] : memref<2x2x128x16xf32, #tpu.memory_space<vmem>> -> memref<1x1x128x16xf32, #tpu.memory_space<vmem>>
        %dma_start3A_74 = tpu.memref_squeeze %dma_start3A_73 : memref<1x1x128x16xf32, #tpu.memory_space<vmem>> -> memref<128x16xf32, #tpu.memory_space<vmem>>
        %dma_start3A_75 = arith.constant 0 : i32
        %dma_start3A_76 = tpu.memref_slice %arg8[%add3A_68, %dma_start3A_75] : memref<10000x16xf32, #tpu.memory_space<vmem_shared>> -> memref<128x16xf32, #tpu.memory_space<vmem_shared>>
        %dma_start3A_77 = arith.constant 0 : i32
        %dma_start3A_78 = tpu.memref_slice %arg8[%add3A_68, %dma_start3A_77] : memref<10000x16xf32, #tpu.memory_space<vmem_shared>> -> memref<128x16xf32, #tpu.memory_space<vmem_shared>>
        %dma_start3A_79 = arith.constant 0 : i32
        %dma_start3A_80 = arith.constant 0 : i32
        %dma_start3A_81 = tpu.memref_slice %arg7[%run_scoped3A_69, %run_scoped3A_70, %dma_start3A_79, %dma_start3A_80] : memref<2x2x128x16xf32, #tpu.memory_space<vmem>> -> memref<1x1x128x16xf32, #tpu.memory_space<vmem>>
        %dma_start3A_82 = tpu.memref_squeeze %dma_start3A_81 : memref<1x1x128x16xf32, #tpu.memory_space<vmem>> -> memref<128x16xf32, #tpu.memory_space<vmem>>
        tpu.enqueue_dma source(%dma_start3A_82 : memref<128x16xf32, #tpu.memory_space<vmem>>) target(%dma_start3A_78 : memref<128x16xf32, #tpu.memory_space<vmem_shared>>) target_semaphore(%run_scoped3A_71 : memref<!tpu.dma_semaphore, #tpu.memory_space<semaphore_mem>>)
        %dma_wait3A = arith.constant 0 : i32
        %dma_wait3A_83 = arith.constant 0 : i32
        %dma_wait3A_84 = tpu.memref_slice %arg7[%run_scoped3A_69, %run_scoped3A_70, %dma_wait3A, %dma_wait3A_83] : memref<2x2x128x16xf32, #tpu.memory_space<vmem>> -> memref<1x1x128x16xf32, #tpu.memory_space<vmem>>
        %dma_wait3A_85 = tpu.memref_squeeze %dma_wait3A_84 : memref<1x1x128x16xf32, #tpu.memory_space<vmem>> -> memref<128x16xf32, #tpu.memory_space<vmem>>
        %dma_wait3A_86 = arith.constant 0 : i32
        %dma_wait3A_87 = tpu.memref_slice %arg8[%add3A_68, %dma_wait3A_86] : memref<10000x16xf32, #tpu.memory_space<vmem_shared>> -> memref<128x16xf32, #tpu.memory_space<vmem_shared>>
        %dma_wait3A_88 = arith.constant 0 : i32
        %dma_wait3A_89 = tpu.memref_slice %arg8[%add3A_68, %dma_wait3A_88] : memref<10000x16xf32, #tpu.memory_space<vmem_shared>> -> memref<128x16xf32, #tpu.memory_space<vmem_shared>>
        %dma_wait3A_90 = arith.constant 0 : i32
        %dma_wait3A_91 = arith.constant 0 : i32
        %dma_wait3A_92 = tpu.memref_slice %arg7[%run_scoped3A_69, %run_scoped3A_70, %dma_wait3A_90, %dma_wait3A_91] : memref<2x2x128x16xf32, #tpu.memory_space<vmem>> -> memref<1x1x128x16xf32, #tpu.memory_space<vmem>>
        %dma_wait3A_93 = tpu.memref_squeeze %dma_wait3A_92 : memref<1x1x128x16xf32, #tpu.memory_space<vmem>> -> memref<128x16xf32, #tpu.memory_space<vmem>>
        tpu.wait_dma2 semaphore(%run_scoped3A_71 : memref<!tpu.dma_semaphore, #tpu.memory_space<semaphore_mem>>) src(%dma_wait3A_93 : memref<128x16xf32, #tpu.memory_space<vmem>>) dst(%dma_wait3A_89 : memref<128x16xf32, #tpu.memory_space<vmem_shared>>)
        tpu.yield
      }) : () -> ()
    } else {
    }
    %eq3A = arith.constant 15 : i32
    %eq3A_24 = arith.cmpi eq, %arg1, %eq3A : i32
    %convert_element_type3A_25 = arith.extui %eq3A_24 : i1 to i32
    %cond3A_26 = arith.constant 0 : i32
    %cond3A_27 = arith.cmpi ne, %convert_element_type3A_25, %cond3A_26 : i32
    scf.if %cond3A_27 {
      %add3A_52 = arith.constant 0 : i32
      %add3A_53 = arith.addi %mul3A_2, %add3A_52 : i32
      %run_scoped3A = arith.constant 0 : i32
      %run_scoped3A_54 = arith.constant 0 : i32
      "tpu.region"() ({
        %run_scoped3A_67 = tpu.sem_alloc : memref<!tpu.dma_semaphore, #tpu.memory_space<semaphore_mem>>
        %dma_start3A = arith.constant 0 : i32
        %dma_start3A_68 = arith.constant 0 : i32
        %dma_start3A_69 = tpu.memref_slice %arg7[%run_scoped3A, %run_scoped3A_54, %dma_start3A, %dma_start3A_68] : memref<2x2x128x16xf32, #tpu.memory_space<vmem>> -> memref<1x1x128x16xf32, #tpu.memory_space<vmem>>
        %dma_start3A_70 = tpu.memref_squeeze %dma_start3A_69 : memref<1x1x128x16xf32, #tpu.memory_space<vmem>> -> memref<128x16xf32, #tpu.memory_space<vmem>>
        %dma_start3A_71 = arith.constant 0 : i32
        %dma_start3A_72 = tpu.memref_slice %arg8[%add3A_53, %dma_start3A_71] : memref<10000x16xf32, #tpu.memory_space<vmem_shared>> -> memref<128x16xf32, #tpu.memory_space<vmem_shared>>
        %dma_start3A_73 = arith.constant 0 : i32
        %dma_start3A_74 = tpu.memref_slice %arg8[%add3A_53, %dma_start3A_73] : memref<10000x16xf32, #tpu.memory_space<vmem_shared>> -> memref<128x16xf32, #tpu.memory_space<vmem_shared>>
        %dma_start3A_75 = arith.constant 0 : i32
        %dma_start3A_76 = arith.constant 0 : i32
        %dma_start3A_77 = tpu.memref_slice %arg7[%run_scoped3A, %run_scoped3A_54, %dma_start3A_75, %dma_start3A_76] : memref<2x2x128x16xf32, #tpu.memory_space<vmem>> -> memref<1x1x128x16xf32, #tpu.memory_space<vmem>>
        %dma_start3A_78 = tpu.memref_squeeze %dma_start3A_77 : memref<1x1x128x16xf32, #tpu.memory_space<vmem>> -> memref<128x16xf32, #tpu.memory_space<vmem>>
        tpu.enqueue_dma source(%dma_start3A_78 : memref<128x16xf32, #tpu.memory_space<vmem>>) target(%dma_start3A_74 : memref<128x16xf32, #tpu.memory_space<vmem_shared>>) target_semaphore(%run_scoped3A_67 : memref<!tpu.dma_semaphore, #tpu.memory_space<semaphore_mem>>)
        %dma_wait3A = arith.constant 0 : i32
        %dma_wait3A_79 = arith.constant 0 : i32
        %dma_wait3A_80 = tpu.memref_slice %arg7[%run_scoped3A, %run_scoped3A_54, %dma_wait3A, %dma_wait3A_79] : memref<2x2x128x16xf32, #tpu.memory_space<vmem>> -> memref<1x1x128x16xf32, #tpu.memory_space<vmem>>
        %dma_wait3A_81 = tpu.memref_squeeze %dma_wait3A_80 : memref<1x1x128x16xf32, #tpu.memory_space<vmem>> -> memref<128x16xf32, #tpu.memory_space<vmem>>
        %dma_wait3A_82 = arith.constant 0 : i32
        %dma_wait3A_83 = tpu.memref_slice %arg8[%add3A_53, %dma_wait3A_82] : memref<10000x16xf32, #tpu.memory_space<vmem_shared>> -> memref<128x16xf32, #tpu.memory_space<vmem_shared>>
        %dma_wait3A_84 = arith.constant 0 : i32
        %dma_wait3A_85 = tpu.memref_slice %arg8[%add3A_53, %dma_wait3A_84] : memref<10000x16xf32, #tpu.memory_space<vmem_shared>> -> memref<128x16xf32, #tpu.memory_space<vmem_shared>>
        %dma_wait3A_86 = arith.constant 0 : i32
        %dma_wait3A_87 = arith.constant 0 : i32
        %dma_wait3A_88 = tpu.memref_slice %arg7[%run_scoped3A, %run_scoped3A_54, %dma_wait3A_86, %dma_wait3A_87] : memref<2x2x128x16xf32, #tpu.memory_space<vmem>> -> memref<1x1x128x16xf32, #tpu.memory_space<vmem>>
        %dma_wait3A_89 = tpu.memref_squeeze %dma_wait3A_88 : memref<1x1x128x16xf32, #tpu.memory_space<vmem>> -> memref<128x16xf32, #tpu.memory_space<vmem>>
        tpu.wait_dma2 semaphore(%run_scoped3A_67 : memref<!tpu.dma_semaphore, #tpu.memory_space<semaphore_mem>>) src(%dma_wait3A_89 : memref<128x16xf32, #tpu.memory_space<vmem>>) dst(%dma_wait3A_85 : memref<128x16xf32, #tpu.memory_space<vmem_shared>>)
        tpu.yield
      }) : () -> ()
      %add3A_55 = arith.constant 128 : i32
      %add3A_56 = arith.addi %mul3A_2, %add3A_55 : i32
      %run_scoped3A_57 = arith.constant 0 : i32
      %run_scoped3A_58 = arith.constant 0 : i32
      "tpu.region"() ({
        %run_scoped3A_67 = tpu.sem_alloc : memref<!tpu.dma_semaphore, #tpu.memory_space<semaphore_mem>>
        %dma_start3A = arith.constant 0 : i32
        %dma_start3A_68 = arith.constant 0 : i32
        %dma_start3A_69 = tpu.memref_slice %arg7[%run_scoped3A_57, %run_scoped3A_58, %dma_start3A, %dma_start3A_68] : memref<2x2x128x16xf32, #tpu.memory_space<vmem>> -> memref<1x1x128x16xf32, #tpu.memory_space<vmem>>
        %dma_start3A_70 = tpu.memref_squeeze %dma_start3A_69 : memref<1x1x128x16xf32, #tpu.memory_space<vmem>> -> memref<128x16xf32, #tpu.memory_space<vmem>>
        %dma_start3A_71 = arith.constant 0 : i32
        %dma_start3A_72 = tpu.memref_slice %arg8[%add3A_56, %dma_start3A_71] : memref<10000x16xf32, #tpu.memory_space<vmem_shared>> -> memref<128x16xf32, #tpu.memory_space<vmem_shared>>
        %dma_start3A_73 = arith.constant 0 : i32
        %dma_start3A_74 = tpu.memref_slice %arg8[%add3A_56, %dma_start3A_73] : memref<10000x16xf32, #tpu.memory_space<vmem_shared>> -> memref<128x16xf32, #tpu.memory_space<vmem_shared>>
        %dma_start3A_75 = arith.constant 0 : i32
        %dma_start3A_76 = arith.constant 0 : i32
        %dma_start3A_77 = tpu.memref_slice %arg7[%run_scoped3A_57, %run_scoped3A_58, %dma_start3A_75, %dma_start3A_76] : memref<2x2x128x16xf32, #tpu.memory_space<vmem>> -> memref<1x1x128x16xf32, #tpu.memory_space<vmem>>
        %dma_start3A_78 = tpu.memref_squeeze %dma_start3A_77 : memref<1x1x128x16xf32, #tpu.memory_space<vmem>> -> memref<128x16xf32, #tpu.memory_space<vmem>>
        tpu.enqueue_dma source(%dma_start3A_78 : memref<128x16xf32, #tpu.memory_space<vmem>>) target(%dma_start3A_74 : memref<128x16xf32, #tpu.memory_space<vmem_shared>>) target_semaphore(%run_scoped3A_67 : memref<!tpu.dma_semaphore, #tpu.memory_space<semaphore_mem>>)
        %dma_wait3A = arith.constant 0 : i32
        %dma_wait3A_79 = arith.constant 0 : i32
        %dma_wait3A_80 = tpu.memref_slice %arg7[%run_scoped3A_57, %run_scoped3A_58, %dma_wait3A, %dma_wait3A_79] : memref<2x2x128x16xf32, #tpu.memory_space<vmem>> -> memref<1x1x128x16xf32, #tpu.memory_space<vmem>>
        %dma_wait3A_81 = tpu.memref_squeeze %dma_wait3A_80 : memref<1x1x128x16xf32, #tpu.memory_space<vmem>> -> memref<128x16xf32, #tpu.memory_space<vmem>>
        %dma_wait3A_82 = arith.constant 0 : i32
        %dma_wait3A_83 = tpu.memref_slice %arg8[%add3A_56, %dma_wait3A_82] : memref<10000x16xf32, #tpu.memory_space<vmem_shared>> -> memref<128x16xf32, #tpu.memory_space<vmem_shared>>
        %dma_wait3A_84 = arith.constant 0 : i32
        %dma_wait3A_85 = tpu.memref_slice %arg8[%add3A_56, %dma_wait3A_84] : memref<10000x16xf32, #tpu.memory_space<vmem_shared>> -> memref<128x16xf32, #tpu.memory_space<vmem_shared>>
        %dma_wait3A_86 = arith.constant 0 : i32
        %dma_wait3A_87 = arith.constant 0 : i32
        %dma_wait3A_88 = tpu.memref_slice %arg7[%run_scoped3A_57, %run_scoped3A_58, %dma_wait3A_86, %dma_wait3A_87] : memref<2x2x128x16xf32, #tpu.memory_space<vmem>> -> memref<1x1x128x16xf32, #tpu.memory_space<vmem>>
        %dma_wait3A_89 = tpu.memref_squeeze %dma_wait3A_88 : memref<1x1x128x16xf32, #tpu.memory_space<vmem>> -> memref<128x16xf32, #tpu.memory_space<vmem>>
        tpu.wait_dma2 semaphore(%run_scoped3A_67 : memref<!tpu.dma_semaphore, #tpu.memory_space<semaphore_mem>>) src(%dma_wait3A_89 : memref<128x16xf32, #tpu.memory_space<vmem>>) dst(%dma_wait3A_85 : memref<128x16xf32, #tpu.memory_space<vmem_shared>>)
        tpu.yield
      }) : () -> ()
      %add3A_59 = arith.constant 256 : i32
      %add3A_60 = arith.addi %mul3A_2, %add3A_59 : i32
      %run_scoped3A_61 = arith.constant 0 : i32
      %run_scoped3A_62 = arith.constant 0 : i32
      "tpu.region"() ({
        %run_scoped3A_67 = tpu.sem_alloc : memref<!tpu.dma_semaphore, #tpu.memory_space<semaphore_mem>>
        %dma_start3A = arith.constant 0 : i32
        %dma_start3A_68 = arith.constant 0 : i32
        %dma_start3A_69 = tpu.memref_slice %arg7[%run_scoped3A_61, %run_scoped3A_62, %dma_start3A, %dma_start3A_68] : memref<2x2x128x16xf32, #tpu.memory_space<vmem>> -> memref<1x1x128x16xf32, #tpu.memory_space<vmem>>
        %dma_start3A_70 = tpu.memref_squeeze %dma_start3A_69 : memref<1x1x128x16xf32, #tpu.memory_space<vmem>> -> memref<128x16xf32, #tpu.memory_space<vmem>>
        %dma_start3A_71 = arith.constant 0 : i32
        %dma_start3A_72 = tpu.memref_slice %arg8[%add3A_60, %dma_start3A_71] : memref<10000x16xf32, #tpu.memory_space<vmem_shared>> -> memref<128x16xf32, #tpu.memory_space<vmem_shared>>
        %dma_start3A_73 = arith.constant 0 : i32
        %dma_start3A_74 = tpu.memref_slice %arg8[%add3A_60, %dma_start3A_73] : memref<10000x16xf32, #tpu.memory_space<vmem_shared>> -> memref<128x16xf32, #tpu.memory_space<vmem_shared>>
        %dma_start3A_75 = arith.constant 0 : i32
        %dma_start3A_76 = arith.constant 0 : i32
        %dma_start3A_77 = tpu.memref_slice %arg7[%run_scoped3A_61, %run_scoped3A_62, %dma_start3A_75, %dma_start3A_76] : memref<2x2x128x16xf32, #tpu.memory_space<vmem>> -> memref<1x1x128x16xf32, #tpu.memory_space<vmem>>
        %dma_start3A_78 = tpu.memref_squeeze %dma_start3A_77 : memref<1x1x128x16xf32, #tpu.memory_space<vmem>> -> memref<128x16xf32, #tpu.memory_space<vmem>>
        tpu.enqueue_dma source(%dma_start3A_78 : memref<128x16xf32, #tpu.memory_space<vmem>>) target(%dma_start3A_74 : memref<128x16xf32, #tpu.memory_space<vmem_shared>>) target_semaphore(%run_scoped3A_67 : memref<!tpu.dma_semaphore, #tpu.memory_space<semaphore_mem>>)
        %dma_wait3A = arith.constant 0 : i32
        %dma_wait3A_79 = arith.constant 0 : i32
        %dma_wait3A_80 = tpu.memref_slice %arg7[%run_scoped3A_61, %run_scoped3A_62, %dma_wait3A, %dma_wait3A_79] : memref<2x2x128x16xf32, #tpu.memory_space<vmem>> -> memref<1x1x128x16xf32, #tpu.memory_space<vmem>>
        %dma_wait3A_81 = tpu.memref_squeeze %dma_wait3A_80 : memref<1x1x128x16xf32, #tpu.memory_space<vmem>> -> memref<128x16xf32, #tpu.memory_space<vmem>>
        %dma_wait3A_82 = arith.constant 0 : i32
        %dma_wait3A_83 = tpu.memref_slice %arg8[%add3A_60, %dma_wait3A_82] : memref<10000x16xf32, #tpu.memory_space<vmem_shared>> -> memref<128x16xf32, #tpu.memory_space<vmem_shared>>
        %dma_wait3A_84 = arith.constant 0 : i32
        %dma_wait3A_85 = tpu.memref_slice %arg8[%add3A_60, %dma_wait3A_84] : memref<10000x16xf32, #tpu.memory_space<vmem_shared>> -> memref<128x16xf32, #tpu.memory_space<vmem_shared>>
        %dma_wait3A_86 = arith.constant 0 : i32
        %dma_wait3A_87 = arith.constant 0 : i32
        %dma_wait3A_88 = tpu.memref_slice %arg7[%run_scoped3A_61, %run_scoped3A_62, %dma_wait3A_86, %dma_wait3A_87] : memref<2x2x128x16xf32, #tpu.memory_space<vmem>> -> memref<1x1x128x16xf32, #tpu.memory_space<vmem>>
        %dma_wait3A_89 = tpu.memref_squeeze %dma_wait3A_88 : memref<1x1x128x16xf32, #tpu.memory_space<vmem>> -> memref<128x16xf32, #tpu.memory_space<vmem>>
        tpu.wait_dma2 semaphore(%run_scoped3A_67 : memref<!tpu.dma_semaphore, #tpu.memory_space<semaphore_mem>>) src(%dma_wait3A_89 : memref<128x16xf32, #tpu.memory_space<vmem>>) dst(%dma_wait3A_85 : memref<128x16xf32, #tpu.memory_space<vmem_shared>>)
        tpu.yield
      }) : () -> ()
      %add3A_63 = arith.constant 384 : i32
      %add3A_64 = arith.addi %mul3A_2, %add3A_63 : i32
      %run_scoped3A_65 = arith.constant 0 : i32
      %run_scoped3A_66 = arith.constant 0 : i32
      "tpu.region"() ({
        %run_scoped3A_67 = tpu.sem_alloc : memref<!tpu.dma_semaphore, #tpu.memory_space<semaphore_mem>>
        %dma_start3A = arith.constant 0 : i32
        %dma_start3A_68 = arith.constant 0 : i32
        %dma_start3A_69 = tpu.memref_slice %arg7[%run_scoped3A_65, %run_scoped3A_66, %dma_start3A, %dma_start3A_68] : memref<2x2x128x16xf32, #tpu.memory_space<vmem>> -> memref<1x1x16x16xf32, #tpu.memory_space<vmem>>
        %dma_start3A_70 = tpu.memref_squeeze %dma_start3A_69 : memref<1x1x16x16xf32, #tpu.memory_space<vmem>> -> memref<16x16xf32, #tpu.memory_space<vmem>>
        %dma_start3A_71 = arith.constant 0 : i32
        %dma_start3A_72 = tpu.memref_slice %arg8[%add3A_64, %dma_start3A_71] : memref<10000x16xf32, #tpu.memory_space<vmem_shared>> -> memref<16x16xf32, #tpu.memory_space<vmem_shared>>
        %dma_start3A_73 = arith.constant 0 : i32
        %dma_start3A_74 = tpu.memref_slice %arg8[%add3A_64, %dma_start3A_73] : memref<10000x16xf32, #tpu.memory_space<vmem_shared>> -> memref<16x16xf32, #tpu.memory_space<vmem_shared>>
        %dma_start3A_75 = arith.constant 0 : i32
        %dma_start3A_76 = arith.constant 0 : i32
        %dma_start3A_77 = tpu.memref_slice %arg7[%run_scoped3A_65, %run_scoped3A_66, %dma_start3A_75, %dma_start3A_76] : memref<2x2x128x16xf32, #tpu.memory_space<vmem>> -> memref<1x1x16x16xf32, #tpu.memory_space<vmem>>
        %dma_start3A_78 = tpu.memref_squeeze %dma_start3A_77 : memref<1x1x16x16xf32, #tpu.memory_space<vmem>> -> memref<16x16xf32, #tpu.memory_space<vmem>>
        tpu.enqueue_dma source(%dma_start3A_78 : memref<16x16xf32, #tpu.memory_space<vmem>>) target(%dma_start3A_74 : memref<16x16xf32, #tpu.memory_space<vmem_shared>>) target_semaphore(%run_scoped3A_67 : memref<!tpu.dma_semaphore, #tpu.memory_space<semaphore_mem>>)
        %dma_wait3A = arith.constant 0 : i32
        %dma_wait3A_79 = arith.constant 0 : i32
        %dma_wait3A_80 = tpu.memref_slice %arg7[%run_scoped3A_65, %run_scoped3A_66, %dma_wait3A, %dma_wait3A_79] : memref<2x2x128x16xf32, #tpu.memory_space<vmem>> -> memref<1x1x16x16xf32, #tpu.memory_space<vmem>>
        %dma_wait3A_81 = tpu.memref_squeeze %dma_wait3A_80 : memref<1x1x16x16xf32, #tpu.memory_space<vmem>> -> memref<16x16xf32, #tpu.memory_space<vmem>>
        %dma_wait3A_82 = arith.constant 0 : i32
        %dma_wait3A_83 = tpu.memref_slice %arg8[%add3A_64, %dma_wait3A_82] : memref<10000x16xf32, #tpu.memory_space<vmem_shared>> -> memref<16x16xf32, #tpu.memory_space<vmem_shared>>
        %dma_wait3A_84 = arith.constant 0 : i32
        %dma_wait3A_85 = tpu.memref_slice %arg8[%add3A_64, %dma_wait3A_84] : memref<10000x16xf32, #tpu.memory_space<vmem_shared>> -> memref<16x16xf32, #tpu.memory_space<vmem_shared>>
        %dma_wait3A_86 = arith.constant 0 : i32
        %dma_wait3A_87 = arith.constant 0 : i32
        %dma_wait3A_88 = tpu.memref_slice %arg7[%run_scoped3A_65, %run_scoped3A_66, %dma_wait3A_86, %dma_wait3A_87] : memref<2x2x128x16xf32, #tpu.memory_space<vmem>> -> memref<1x1x16x16xf32, #tpu.memory_space<vmem>>
        %dma_wait3A_89 = tpu.memref_squeeze %dma_wait3A_88 : memref<1x1x16x16xf32, #tpu.memory_space<vmem>> -> memref<16x16xf32, #tpu.memory_space<vmem>>
        tpu.wait_dma2 semaphore(%run_scoped3A_67 : memref<!tpu.dma_semaphore, #tpu.memory_space<semaphore_mem>>) src(%dma_wait3A_89 : memref<16x16xf32, #tpu.memory_space<vmem>>) dst(%dma_wait3A_85 : memref<16x16xf32, #tpu.memory_space<vmem_shared>>)
        tpu.yield
      }) : () -> ()
    } else {
    }
    %barrier3A = arith.constant 0 : index
    tpu.barrier barrier_id(%barrier3A)
    %scan3A_28 = arith.constant 0 : i32
    %scan3A_29 = arith.constant 0 : i32
    %scan3A_30 = arith.constant 41 : i32
    %scan3A_31 = arith.addi %scan3A_29, %scan3A_30 : i32
    %scan3A_32 = arith.constant 1 : i32
    scf.for %scan3A_52 = %scan3A_29 to %scan3A_31 step %scan3A_32  : i32 {
      %ge3A = arith.constant 2 : i32
      %ge3A_53 = arith.cmpi sge, %scan3A_52, %ge3A : i32
      %sub3A = arith.constant 2 : i32
      %sub3A_54 = arith.subi %scan3A_52, %sub3A : i32
      %mul3A_55 = arith.constant 32 : i32
      %mul3A_56 = arith.muli %sub3A_54, %mul3A_55 : i32
      %add3A_57 = arith.addi %add3A, %mul3A_56 : i32
      %lt3A_58 = arith.constant 1250 : i32
      %lt3A_59 = arith.cmpi slt, %add3A_57, %lt3A_58 : i32
      %and3A = arith.andi %ge3A_53, %lt3A_59 : i1
      %convert_element_type3A_60 = arith.extui %and3A : i1 to i32
      %cond3A_61 = arith.constant 0 : i32
      %cond3A_62 = arith.cmpi ne, %convert_element_type3A_60, %cond3A_61 : i32
      scf.if %cond3A_62 {
        %sub3A_94 = arith.constant 2 : i32
        %sub3A_95 = arith.subi %scan3A_52, %sub3A_94 : i32
        %rem3A = arith.constant 4 : i32
        %rem3A_96 = arith.remsi %sub3A_95, %rem3A : i32
        %rem3A_97 = arith.constant 2 : i32
        %rem3A_98 = arith.remsi %sub3A_95, %rem3A_97 : i32
        %dma_wait3A = arith.constant 0 : i32
        %dma_wait3A_99 = arith.constant 0 : i32
        %dma_wait3A_100 = arith.constant 0 : i32
        %dma_wait3A_101 = arith.constant 0 : i32
        %dma_wait3A_102 = tpu.memref_slice %arg7[%rem3A_98, %dma_wait3A, %dma_wait3A_100, %dma_wait3A_101] : memref<2x2x128x16xf32, #tpu.memory_space<vmem>> -> memref<1x1x128x16xf32, #tpu.memory_space<vmem>>
        %dma_wait3A_103 = tpu.memref_squeeze %dma_wait3A_102 : memref<1x1x128x16xf32, #tpu.memory_space<vmem>> -> memref<128x16xf32, #tpu.memory_space<vmem>>
        %dma_wait3A_104 = arith.constant 0 : i32
        %dma_wait3A_105 = tpu.memref_slice %arg6[%rem3A_96, %dma_wait3A_99, %dma_wait3A_104] : memref<4x2x128xi32, #tpu.memory_space<vmem>> -> memref<1x1x128xi32, #tpu.memory_space<vmem>>
        %dma_wait3A_106 = tpu.memref_squeeze %dma_wait3A_105 : memref<1x1x128xi32, #tpu.memory_space<vmem>> -> memref<128xi32, #tpu.memory_space<vmem>>
        %dma_wait3A_107 = arith.constant 0 : i32
        %dma_wait3A_108 = arith.constant 0 : i32
        %dma_wait3A_109 = tpu.memref_slice %arg8[%dma_wait3A_107, %dma_wait3A_108] : memref<10000x16xf32, #tpu.memory_space<vmem_shared>> -> memref<10000x16xf32, #tpu.memory_space<vmem_shared>>
        %dma_wait3A_110 = tpu.memref_slice %arg11[%rem3A_98] : memref<2x!tpu.dma_semaphore, #tpu.memory_space<semaphore_mem>> -> memref<1x!tpu.dma_semaphore, #tpu.memory_space<semaphore_mem>>
        %dma_wait3A_111 = tpu.memref_squeeze %dma_wait3A_110 : memref<1x!tpu.dma_semaphore, #tpu.memory_space<semaphore_mem>> -> memref<!tpu.dma_semaphore, #tpu.memory_space<semaphore_mem>>
        tpu.wait_indirect_dma semaphore(%dma_wait3A_111 : memref<!tpu.dma_semaphore, #tpu.memory_space<semaphore_mem>>) src(%dma_wait3A_103 : memref<128x16xf32, #tpu.memory_space<vmem>>) dst(%dma_wait3A_109 : memref<10000x16xf32, #tpu.memory_space<vmem_shared>>)
        %dma_wait3A_112 = arith.constant 1 : i32
        %dma_wait3A_113 = arith.constant 1 : i32
        %dma_wait3A_114 = arith.constant 0 : i32
        %dma_wait3A_115 = arith.constant 0 : i32
        %dma_wait3A_116 = tpu.memref_slice %arg7[%rem3A_98, %dma_wait3A_112, %dma_wait3A_114, %dma_wait3A_115] : memref<2x2x128x16xf32, #tpu.memory_space<vmem>> -> memref<1x1x128x16xf32, #tpu.memory_space<vmem>>
        %dma_wait3A_117 = tpu.memref_squeeze %dma_wait3A_116 : memref<1x1x128x16xf32, #tpu.memory_space<vmem>> -> memref<128x16xf32, #tpu.memory_space<vmem>>
        %dma_wait3A_118 = arith.constant 0 : i32
        %dma_wait3A_119 = tpu.memref_slice %arg6[%rem3A_96, %dma_wait3A_113, %dma_wait3A_118] : memref<4x2x128xi32, #tpu.memory_space<vmem>> -> memref<1x1x128xi32, #tpu.memory_space<vmem>>
        %dma_wait3A_120 = tpu.memref_squeeze %dma_wait3A_119 : memref<1x1x128xi32, #tpu.memory_space<vmem>> -> memref<128xi32, #tpu.memory_space<vmem>>
        %dma_wait3A_121 = arith.constant 0 : i32
        %dma_wait3A_122 = arith.constant 0 : i32
        %dma_wait3A_123 = tpu.memref_slice %arg8[%dma_wait3A_121, %dma_wait3A_122] : memref<10000x16xf32, #tpu.memory_space<vmem_shared>> -> memref<10000x16xf32, #tpu.memory_space<vmem_shared>>
        %dma_wait3A_124 = tpu.memref_slice %arg11[%rem3A_98] : memref<2x!tpu.dma_semaphore, #tpu.memory_space<semaphore_mem>> -> memref<1x!tpu.dma_semaphore, #tpu.memory_space<semaphore_mem>>
        %dma_wait3A_125 = tpu.memref_squeeze %dma_wait3A_124 : memref<1x!tpu.dma_semaphore, #tpu.memory_space<semaphore_mem>> -> memref<!tpu.dma_semaphore, #tpu.memory_space<semaphore_mem>>
        tpu.wait_indirect_dma semaphore(%dma_wait3A_125 : memref<!tpu.dma_semaphore, #tpu.memory_space<semaphore_mem>>) src(%dma_wait3A_117 : memref<128x16xf32, #tpu.memory_space<vmem>>) dst(%dma_wait3A_123 : memref<10000x16xf32, #tpu.memory_space<vmem_shared>>)
      } else {
      }
      %add3A_63 = arith.constant 2 : i32
      %add3A_64 = arith.addi %scan3A_52, %add3A_63 : i32
      %mul3A_65 = arith.constant 32 : i32
      %mul3A_66 = arith.muli %add3A_64, %mul3A_65 : i32
      %add3A_67 = arith.addi %add3A, %mul3A_66 : i32
      %lt3A_68 = arith.constant 1250 : i32
      %lt3A_69 = arith.cmpi slt, %add3A_67, %lt3A_68 : i32
      %convert_element_type3A_70 = arith.extui %lt3A_69 : i1 to i32
      %cond3A_71 = arith.constant 0 : i32
      %cond3A_72 = arith.cmpi ne, %convert_element_type3A_70, %cond3A_71 : i32
      scf.if %cond3A_72 {
        %add3A_94 = arith.constant 2 : i32
        %add3A_95 = arith.addi %scan3A_52, %add3A_94 : i32
        %rem3A = arith.constant 4 : i32
        %rem3A_96 = arith.remsi %add3A_95, %rem3A : i32
        %mul3A_97 = arith.constant 32 : i32
        %mul3A_98 = arith.muli %add3A_95, %mul3A_97 : i32
        %add3A_99 = arith.addi %add3A, %mul3A_98 : i32
        %mul3A_100 = arith.constant 2 : i32
        %mul3A_101 = arith.muli %add3A_99, %mul3A_100 : i32
        %add3A_102 = arith.constant 0 : i32
        %add3A_103 = arith.addi %mul3A_101, %add3A_102 : i32
        %mul3A_104 = arith.constant 128 : i32
        %mul3A_105 = arith.muli %add3A_103, %mul3A_104 : i32
        %dma_start3A = arith.constant 0 : i32
        %dma_start3A_106 = arith.constant 0 : i32
        %dma_start3A_107 = arith.constant 0 : i32
        %dma_start3A_108 = tpu.memref_slice %arg5[%rem3A_96, %dma_start3A_106, %dma_start3A_107] : memref<4x2x128xi32, #tpu.memory_space<vmem>> -> memref<1x1x128xi32, #tpu.memory_space<vmem>>
        %dma_start3A_109 = tpu.memref_squeeze %dma_start3A_108 : memref<1x1x128xi32, #tpu.memory_space<vmem>> -> memref<128xi32, #tpu.memory_space<vmem>>
        %dma_start3A_110 = tpu.memref_slice %arg3[%dma_start3A, %mul3A_105] : memref<2x320000xi32, #tpu.memory_space<hbm>> -> memref<1x128xi32, #tpu.memory_space<hbm>>
        %dma_start3A_111 = tpu.memref_squeeze %dma_start3A_110 : memref<1x128xi32, #tpu.memory_space<hbm>> -> memref<128xi32, #tpu.memory_space<hbm>>
        %dma_start3A_112 = tpu.memref_slice %arg9[%rem3A_96] : memref<4x!tpu.dma_semaphore, #tpu.memory_space<semaphore_mem>> -> memref<1x!tpu.dma_semaphore, #tpu.memory_space<semaphore_mem>>
        %dma_start3A_113 = tpu.memref_squeeze %dma_start3A_112 : memref<1x!tpu.dma_semaphore, #tpu.memory_space<semaphore_mem>> -> memref<!tpu.dma_semaphore, #tpu.memory_space<semaphore_mem>>
        %dma_start3A_114 = arith.constant 0 : i32
        %dma_start3A_115 = tpu.memref_slice %arg5[%rem3A_96, %dma_start3A_106, %dma_start3A_114] : memref<4x2x128xi32, #tpu.memory_space<vmem>> -> memref<1x1x128xi32, #tpu.memory_space<vmem>>
        %dma_start3A_116 = tpu.memref_squeeze %dma_start3A_115 : memref<1x1x128xi32, #tpu.memory_space<vmem>> -> memref<128xi32, #tpu.memory_space<vmem>>
        %dma_start3A_117 = tpu.memref_slice %arg3[%dma_start3A, %mul3A_105] : memref<2x320000xi32, #tpu.memory_space<hbm>> -> memref<1x128xi32, #tpu.memory_space<hbm>>
        %dma_start3A_118 = tpu.memref_squeeze %dma_start3A_117 : memref<1x128xi32, #tpu.memory_space<hbm>> -> memref<128xi32, #tpu.memory_space<hbm>>
        tpu.enqueue_dma source(%dma_start3A_118 : memref<128xi32, #tpu.memory_space<hbm>>) target(%dma_start3A_116 : memref<128xi32, #tpu.memory_space<vmem>>) target_semaphore(%dma_start3A_113 : memref<!tpu.dma_semaphore, #tpu.memory_space<semaphore_mem>>)
        %dma_start3A_119 = arith.constant 1 : i32
        %dma_start3A_120 = arith.constant 0 : i32
        %dma_start3A_121 = arith.constant 0 : i32
        %dma_start3A_122 = tpu.memref_slice %arg6[%rem3A_96, %dma_start3A_120, %dma_start3A_121] : memref<4x2x128xi32, #tpu.memory_space<vmem>> -> memref<1x1x128xi32, #tpu.memory_space<vmem>>
        %dma_start3A_123 = tpu.memref_squeeze %dma_start3A_122 : memref<1x1x128xi32, #tpu.memory_space<vmem>> -> memref<128xi32, #tpu.memory_space<vmem>>
        %dma_start3A_124 = tpu.memref_slice %arg3[%dma_start3A_119, %mul3A_105] : memref<2x320000xi32, #tpu.memory_space<hbm>> -> memref<1x128xi32, #tpu.memory_space<hbm>>
        %dma_start3A_125 = tpu.memref_squeeze %dma_start3A_124 : memref<1x128xi32, #tpu.memory_space<hbm>> -> memref<128xi32, #tpu.memory_space<hbm>>
        %dma_start3A_126 = tpu.memref_slice %arg9[%rem3A_96] : memref<4x!tpu.dma_semaphore, #tpu.memory_space<semaphore_mem>> -> memref<1x!tpu.dma_semaphore, #tpu.memory_space<semaphore_mem>>
        %dma_start3A_127 = tpu.memref_squeeze %dma_start3A_126 : memref<1x!tpu.dma_semaphore, #tpu.memory_space<semaphore_mem>> -> memref<!tpu.dma_semaphore, #tpu.memory_space<semaphore_mem>>
        %dma_start3A_128 = arith.constant 0 : i32
        %dma_start3A_129 = tpu.memref_slice %arg6[%rem3A_96, %dma_start3A_120, %dma_start3A_128] : memref<4x2x128xi32, #tpu.memory_space<vmem>> -> memref<1x1x128xi32, #tpu.memory_space<vmem>>
        %dma_start3A_130 = tpu.memref_squeeze %dma_start3A_129 : memref<1x1x128xi32, #tpu.memory_space<vmem>> -> memref<128xi32, #tpu.memory_space<vmem>>
        %dma_start3A_131 = tpu.memref_slice %arg3[%dma_start3A_119, %mul3A_105] : memref<2x320000xi32, #tpu.memory_space<hbm>> -> memref<1x128xi32, #tpu.memory_space<hbm>>
        %dma_start3A_132 = tpu.memref_squeeze %dma_start3A_131 : memref<1x128xi32, #tpu.memory_space<hbm>> -> memref<128xi32, #tpu.memory_space<hbm>>
        tpu.enqueue_dma source(%dma_start3A_132 : memref<128xi32, #tpu.memory_space<hbm>>) target(%dma_start3A_130 : memref<128xi32, #tpu.memory_space<vmem>>) target_semaphore(%dma_start3A_127 : memref<!tpu.dma_semaphore, #tpu.memory_space<semaphore_mem>>)
        %mul3A_133 = arith.constant 32 : i32
        %mul3A_134 = arith.muli %add3A_95, %mul3A_133 : i32
        %add3A_135 = arith.addi %add3A, %mul3A_134 : i32
        %mul3A_136 = arith.constant 2 : i32
        %mul3A_137 = arith.muli %add3A_135, %mul3A_136 : i32
        %add3A_138 = arith.constant 1 : i32
        %add3A_139 = arith.addi %mul3A_137, %add3A_138 : i32
        %mul3A_140 = arith.constant 128 : i32
        %mul3A_141 = arith.muli %add3A_139, %mul3A_140 : i32
        %dma_start3A_142 = arith.constant 0 : i32
        %dma_start3A_143 = arith.constant 1 : i32
        %dma_start3A_144 = arith.constant 0 : i32
        %dma_start3A_145 = tpu.memref_slice %arg5[%rem3A_96, %dma_start3A_143, %dma_start3A_144] : memref<4x2x128xi32, #tpu.memory_space<vmem>> -> memref<1x1x128xi32, #tpu.memory_space<vmem>>
        %dma_start3A_146 = tpu.memref_squeeze %dma_start3A_145 : memref<1x1x128xi32, #tpu.memory_space<vmem>> -> memref<128xi32, #tpu.memory_space<vmem>>
        %dma_start3A_147 = tpu.memref_slice %arg3[%dma_start3A_142, %mul3A_141] : memref<2x320000xi32, #tpu.memory_space<hbm>> -> memref<1x128xi32, #tpu.memory_space<hbm>>
        %dma_start3A_148 = tpu.memref_squeeze %dma_start3A_147 : memref<1x128xi32, #tpu.memory_space<hbm>> -> memref<128xi32, #tpu.memory_space<hbm>>
        %dma_start3A_149 = tpu.memref_slice %arg9[%rem3A_96] : memref<4x!tpu.dma_semaphore, #tpu.memory_space<semaphore_mem>> -> memref<1x!tpu.dma_semaphore, #tpu.memory_space<semaphore_mem>>
        %dma_start3A_150 = tpu.memref_squeeze %dma_start3A_149 : memref<1x!tpu.dma_semaphore, #tpu.memory_space<semaphore_mem>> -> memref<!tpu.dma_semaphore, #tpu.memory_space<semaphore_mem>>
        %dma_start3A_151 = arith.constant 0 : i32
        %dma_start3A_152 = tpu.memref_slice %arg5[%rem3A_96, %dma_start3A_143, %dma_start3A_151] : memref<4x2x128xi32, #tpu.memory_space<vmem>> -> memref<1x1x128xi32, #tpu.memory_space<vmem>>
        %dma_start3A_153 = tpu.memref_squeeze %dma_start3A_152 : memref<1x1x128xi32, #tpu.memory_space<vmem>> -> memref<128xi32, #tpu.memory_space<vmem>>
        %dma_start3A_154 = tpu.memref_slice %arg3[%dma_start3A_142, %mul3A_141] : memref<2x320000xi32, #tpu.memory_space<hbm>> -> memref<1x128xi32, #tpu.memory_space<hbm>>
        %dma_start3A_155 = tpu.memref_squeeze %dma_start3A_154 : memref<1x128xi32, #tpu.memory_space<hbm>> -> memref<128xi32, #tpu.memory_space<hbm>>
        tpu.enqueue_dma source(%dma_start3A_155 : memref<128xi32, #tpu.memory_space<hbm>>) target(%dma_start3A_153 : memref<128xi32, #tpu.memory_space<vmem>>) target_semaphore(%dma_start3A_150 : memref<!tpu.dma_semaphore, #tpu.memory_space<semaphore_mem>>)
        %dma_start3A_156 = arith.constant 1 : i32
        %dma_start3A_157 = arith.constant 1 : i32
        %dma_start3A_158 = arith.constant 0 : i32
        %dma_start3A_159 = tpu.memref_slice %arg6[%rem3A_96, %dma_start3A_157, %dma_start3A_158] : memref<4x2x128xi32, #tpu.memory_space<vmem>> -> memref<1x1x128xi32, #tpu.memory_space<vmem>>
        %dma_start3A_160 = tpu.memref_squeeze %dma_start3A_159 : memref<1x1x128xi32, #tpu.memory_space<vmem>> -> memref<128xi32, #tpu.memory_space<vmem>>
        %dma_start3A_161 = tpu.memref_slice %arg3[%dma_start3A_156, %mul3A_141] : memref<2x320000xi32, #tpu.memory_space<hbm>> -> memref<1x128xi32, #tpu.memory_space<hbm>>
        %dma_start3A_162 = tpu.memref_squeeze %dma_start3A_161 : memref<1x128xi32, #tpu.memory_space<hbm>> -> memref<128xi32, #tpu.memory_space<hbm>>
        %dma_start3A_163 = tpu.memref_slice %arg9[%rem3A_96] : memref<4x!tpu.dma_semaphore, #tpu.memory_space<semaphore_mem>> -> memref<1x!tpu.dma_semaphore, #tpu.memory_space<semaphore_mem>>
        %dma_start3A_164 = tpu.memref_squeeze %dma_start3A_163 : memref<1x!tpu.dma_semaphore, #tpu.memory_space<semaphore_mem>> -> memref<!tpu.dma_semaphore, #tpu.memory_space<semaphore_mem>>
        %dma_start3A_165 = arith.constant 0 : i32
        %dma_start3A_166 = tpu.memref_slice %arg6[%rem3A_96, %dma_start3A_157, %dma_start3A_165] : memref<4x2x128xi32, #tpu.memory_space<vmem>> -> memref<1x1x128xi32, #tpu.memory_space<vmem>>
        %dma_start3A_167 = tpu.memref_squeeze %dma_start3A_166 : memref<1x1x128xi32, #tpu.memory_space<vmem>> -> memref<128xi32, #tpu.memory_space<vmem>>
        %dma_start3A_168 = tpu.memref_slice %arg3[%dma_start3A_156, %mul3A_141] : memref<2x320000xi32, #tpu.memory_space<hbm>> -> memref<1x128xi32, #tpu.memory_space<hbm>>
        %dma_start3A_169 = tpu.memref_squeeze %dma_start3A_168 : memref<1x128xi32, #tpu.memory_space<hbm>> -> memref<128xi32, #tpu.memory_space<hbm>>
        tpu.enqueue_dma source(%dma_start3A_169 : memref<128xi32, #tpu.memory_space<hbm>>) target(%dma_start3A_167 : memref<128xi32, #tpu.memory_space<vmem>>) target_semaphore(%dma_start3A_164 : memref<!tpu.dma_semaphore, #tpu.memory_space<semaphore_mem>>)
      } else {
      }
      %mul3A_73 = arith.constant 32 : i32
      %mul3A_74 = arith.muli %scan3A_52, %mul3A_73 : i32
      %add3A_75 = arith.addi %add3A, %mul3A_74 : i32
      %lt3A_76 = arith.constant 1250 : i32
      %lt3A_77 = arith.cmpi slt, %add3A_75, %lt3A_76 : i32
      %convert_element_type3A_78 = arith.extui %lt3A_77 : i1 to i32
      %cond3A_79 = arith.constant 0 : i32
      %cond3A_80 = arith.cmpi ne, %convert_element_type3A_78, %cond3A_79 : i32
      scf.if %cond3A_80 {
        %rem3A = arith.constant 4 : i32
        %rem3A_94 = arith.remsi %scan3A_52, %rem3A : i32
        %dma_wait3A = arith.constant 0 : i32
        %dma_wait3A_95 = arith.constant 0 : i32
        %dma_wait3A_96 = arith.constant 0 : i32
        %dma_wait3A_97 = tpu.memref_slice %arg5[%rem3A_94, %dma_wait3A_95, %dma_wait3A_96] : memref<4x2x128xi32, #tpu.memory_space<vmem>> -> memref<1x1x128xi32, #tpu.memory_space<vmem>>
        %dma_wait3A_98 = tpu.memref_squeeze %dma_wait3A_97 : memref<1x1x128xi32, #tpu.memory_space<vmem>> -> memref<128xi32, #tpu.memory_space<vmem>>
        %dma_wait3A_99 = arith.constant 0 : i32
        %dma_wait3A_100 = tpu.memref_slice %arg3[%dma_wait3A, %dma_wait3A_99] : memref<2x320000xi32, #tpu.memory_space<hbm>> -> memref<1x128xi32, #tpu.memory_space<hbm>>
        %dma_wait3A_101 = tpu.memref_squeeze %dma_wait3A_100 : memref<1x128xi32, #tpu.memory_space<hbm>> -> memref<128xi32, #tpu.memory_space<hbm>>
        %dma_wait3A_102 = tpu.memref_slice %arg9[%rem3A_94] : memref<4x!tpu.dma_semaphore, #tpu.memory_space<semaphore_mem>> -> memref<1x!tpu.dma_semaphore, #tpu.memory_space<semaphore_mem>>
        %dma_wait3A_103 = tpu.memref_squeeze %dma_wait3A_102 : memref<1x!tpu.dma_semaphore, #tpu.memory_space<semaphore_mem>> -> memref<!tpu.dma_semaphore, #tpu.memory_space<semaphore_mem>>
        %dma_wait3A_104 = arith.constant 0 : i32
        %dma_wait3A_105 = tpu.memref_slice %arg5[%rem3A_94, %dma_wait3A_95, %dma_wait3A_104] : memref<4x2x128xi32, #tpu.memory_space<vmem>> -> memref<1x1x128xi32, #tpu.memory_space<vmem>>
        %dma_wait3A_106 = tpu.memref_squeeze %dma_wait3A_105 : memref<1x1x128xi32, #tpu.memory_space<vmem>> -> memref<128xi32, #tpu.memory_space<vmem>>
        %dma_wait3A_107 = arith.constant 0 : i32
        %dma_wait3A_108 = tpu.memref_slice %arg3[%dma_wait3A, %dma_wait3A_107] : memref<2x320000xi32, #tpu.memory_space<hbm>> -> memref<1x128xi32, #tpu.memory_space<hbm>>
        %dma_wait3A_109 = tpu.memref_squeeze %dma_wait3A_108 : memref<1x128xi32, #tpu.memory_space<hbm>> -> memref<128xi32, #tpu.memory_space<hbm>>
        tpu.wait_dma2 semaphore(%dma_wait3A_103 : memref<!tpu.dma_semaphore, #tpu.memory_space<semaphore_mem>>) src(%dma_wait3A_109 : memref<128xi32, #tpu.memory_space<hbm>>) dst(%dma_wait3A_106 : memref<128xi32, #tpu.memory_space<vmem>>)
        %dma_wait3A_110 = arith.constant 1 : i32
        %dma_wait3A_111 = arith.constant 0 : i32
        %dma_wait3A_112 = arith.constant 0 : i32
        %dma_wait3A_113 = tpu.memref_slice %arg6[%rem3A_94, %dma_wait3A_111, %dma_wait3A_112] : memref<4x2x128xi32, #tpu.memory_space<vmem>> -> memref<1x1x128xi32, #tpu.memory_space<vmem>>
        %dma_wait3A_114 = tpu.memref_squeeze %dma_wait3A_113 : memref<1x1x128xi32, #tpu.memory_space<vmem>> -> memref<128xi32, #tpu.memory_space<vmem>>
        %dma_wait3A_115 = arith.constant 0 : i32
        %dma_wait3A_116 = tpu.memref_slice %arg3[%dma_wait3A_110, %dma_wait3A_115] : memref<2x320000xi32, #tpu.memory_space<hbm>> -> memref<1x128xi32, #tpu.memory_space<hbm>>
        %dma_wait3A_117 = tpu.memref_squeeze %dma_wait3A_116 : memref<1x128xi32, #tpu.memory_space<hbm>> -> memref<128xi32, #tpu.memory_space<hbm>>
        %dma_wait3A_118 = tpu.memref_slice %arg9[%rem3A_94] : memref<4x!tpu.dma_semaphore, #tpu.memory_space<semaphore_mem>> -> memref<1x!tpu.dma_semaphore, #tpu.memory_space<semaphore_mem>>
        %dma_wait3A_119 = tpu.memref_squeeze %dma_wait3A_118 : memref<1x!tpu.dma_semaphore, #tpu.memory_space<semaphore_mem>> -> memref<!tpu.dma_semaphore, #tpu.memory_space<semaphore_mem>>
        %dma_wait3A_120 = arith.constant 0 : i32
        %dma_wait3A_121 = tpu.memref_slice %arg6[%rem3A_94, %dma_wait3A_111, %dma_wait3A_120] : memref<4x2x128xi32, #tpu.memory_space<vmem>> -> memref<1x1x128xi32, #tpu.memory_space<vmem>>
        %dma_wait3A_122 = tpu.memref_squeeze %dma_wait3A_121 : memref<1x1x128xi32, #tpu.memory_space<vmem>> -> memref<128xi32, #tpu.memory_space<vmem>>
        %dma_wait3A_123 = arith.constant 0 : i32
        %dma_wait3A_124 = tpu.memref_slice %arg3[%dma_wait3A_110, %dma_wait3A_123] : memref<2x320000xi32, #tpu.memory_space<hbm>> -> memref<1x128xi32, #tpu.memory_space<hbm>>
        %dma_wait3A_125 = tpu.memref_squeeze %dma_wait3A_124 : memref<1x128xi32, #tpu.memory_space<hbm>> -> memref<128xi32, #tpu.memory_space<hbm>>
        tpu.wait_dma2 semaphore(%dma_wait3A_119 : memref<!tpu.dma_semaphore, #tpu.memory_space<semaphore_mem>>) src(%dma_wait3A_125 : memref<128xi32, #tpu.memory_space<hbm>>) dst(%dma_wait3A_122 : memref<128xi32, #tpu.memory_space<vmem>>)
        %dma_wait3A_126 = arith.constant 0 : i32
        %dma_wait3A_127 = arith.constant 1 : i32
        %dma_wait3A_128 = arith.constant 0 : i32
        %dma_wait3A_129 = tpu.memref_slice %arg5[%rem3A_94, %dma_wait3A_127, %dma_wait3A_128] : memref<4x2x128xi32, #tpu.memory_space<vmem>> -> memref<1x1x128xi32, #tpu.memory_space<vmem>>
        %dma_wait3A_130 = tpu.memref_squeeze %dma_wait3A_129 : memref<1x1x128xi32, #tpu.memory_space<vmem>> -> memref<128xi32, #tpu.memory_space<vmem>>
        %dma_wait3A_131 = arith.constant 0 : i32
        %dma_wait3A_132 = tpu.memref_slice %arg3[%dma_wait3A_126, %dma_wait3A_131] : memref<2x320000xi32, #tpu.memory_space<hbm>> -> memref<1x128xi32, #tpu.memory_space<hbm>>
        %dma_wait3A_133 = tpu.memref_squeeze %dma_wait3A_132 : memref<1x128xi32, #tpu.memory_space<hbm>> -> memref<128xi32, #tpu.memory_space<hbm>>
        %dma_wait3A_134 = tpu.memref_slice %arg9[%rem3A_94] : memref<4x!tpu.dma_semaphore, #tpu.memory_space<semaphore_mem>> -> memref<1x!tpu.dma_semaphore, #tpu.memory_space<semaphore_mem>>
        %dma_wait3A_135 = tpu.memref_squeeze %dma_wait3A_134 : memref<1x!tpu.dma_semaphore, #tpu.memory_space<semaphore_mem>> -> memref<!tpu.dma_semaphore, #tpu.memory_space<semaphore_mem>>
        %dma_wait3A_136 = arith.constant 0 : i32
        %dma_wait3A_137 = tpu.memref_slice %arg5[%rem3A_94, %dma_wait3A_127, %dma_wait3A_136] : memref<4x2x128xi32, #tpu.memory_space<vmem>> -> memref<1x1x128xi32, #tpu.memory_space<vmem>>
        %dma_wait3A_138 = tpu.memref_squeeze %dma_wait3A_137 : memref<1x1x128xi32, #tpu.memory_space<vmem>> -> memref<128xi32, #tpu.memory_space<vmem>>
        %dma_wait3A_139 = arith.constant 0 : i32
        %dma_wait3A_140 = tpu.memref_slice %arg3[%dma_wait3A_126, %dma_wait3A_139] : memref<2x320000xi32, #tpu.memory_space<hbm>> -> memref<1x128xi32, #tpu.memory_space<hbm>>
        %dma_wait3A_141 = tpu.memref_squeeze %dma_wait3A_140 : memref<1x128xi32, #tpu.memory_space<hbm>> -> memref<128xi32, #tpu.memory_space<hbm>>
        tpu.wait_dma2 semaphore(%dma_wait3A_135 : memref<!tpu.dma_semaphore, #tpu.memory_space<semaphore_mem>>) src(%dma_wait3A_141 : memref<128xi32, #tpu.memory_space<hbm>>) dst(%dma_wait3A_138 : memref<128xi32, #tpu.memory_space<vmem>>)
        %dma_wait3A_142 = arith.constant 1 : i32
        %dma_wait3A_143 = arith.constant 1 : i32
        %dma_wait3A_144 = arith.constant 0 : i32
        %dma_wait3A_145 = tpu.memref_slice %arg6[%rem3A_94, %dma_wait3A_143, %dma_wait3A_144] : memref<4x2x128xi32, #tpu.memory_space<vmem>> -> memref<1x1x128xi32, #tpu.memory_space<vmem>>
        %dma_wait3A_146 = tpu.memref_squeeze %dma_wait3A_145 : memref<1x1x128xi32, #tpu.memory_space<vmem>> -> memref<128xi32, #tpu.memory_space<vmem>>
        %dma_wait3A_147 = arith.constant 0 : i32
        %dma_wait3A_148 = tpu.memref_slice %arg3[%dma_wait3A_142, %dma_wait3A_147] : memref<2x320000xi32, #tpu.memory_space<hbm>> -> memref<1x128xi32, #tpu.memory_space<hbm>>
        %dma_wait3A_149 = tpu.memref_squeeze %dma_wait3A_148 : memref<1x128xi32, #tpu.memory_space<hbm>> -> memref<128xi32, #tpu.memory_space<hbm>>
        %dma_wait3A_150 = tpu.memref_slice %arg9[%rem3A_94] : memref<4x!tpu.dma_semaphore, #tpu.memory_space<semaphore_mem>> -> memref<1x!tpu.dma_semaphore, #tpu.memory_space<semaphore_mem>>
        %dma_wait3A_151 = tpu.memref_squeeze %dma_wait3A_150 : memref<1x!tpu.dma_semaphore, #tpu.memory_space<semaphore_mem>> -> memref<!tpu.dma_semaphore, #tpu.memory_space<semaphore_mem>>
        %dma_wait3A_152 = arith.constant 0 : i32
        %dma_wait3A_153 = tpu.memref_slice %arg6[%rem3A_94, %dma_wait3A_143, %dma_wait3A_152] : memref<4x2x128xi32, #tpu.memory_space<vmem>> -> memref<1x1x128xi32, #tpu.memory_space<vmem>>
        %dma_wait3A_154 = tpu.memref_squeeze %dma_wait3A_153 : memref<1x1x128xi32, #tpu.memory_space<vmem>> -> memref<128xi32, #tpu.memory_space<vmem>>
        %dma_wait3A_155 = arith.constant 0 : i32
        %dma_wait3A_156 = tpu.memref_slice %arg3[%dma_wait3A_142, %dma_wait3A_155] : memref<2x320000xi32, #tpu.memory_space<hbm>> -> memref<1x128xi32, #tpu.memory_space<hbm>>
        %dma_wait3A_157 = tpu.memref_squeeze %dma_wait3A_156 : memref<1x128xi32, #tpu.memory_space<hbm>> -> memref<128xi32, #tpu.memory_space<hbm>>
        tpu.wait_dma2 semaphore(%dma_wait3A_151 : memref<!tpu.dma_semaphore, #tpu.memory_space<semaphore_mem>>) src(%dma_wait3A_157 : memref<128xi32, #tpu.memory_space<hbm>>) dst(%dma_wait3A_154 : memref<128xi32, #tpu.memory_space<vmem>>)
        %rem3A_158 = arith.constant 4 : i32
        %rem3A_159 = arith.remsi %scan3A_52, %rem3A_158 : i32
        %rem3A_160 = arith.constant 2 : i32
        %rem3A_161 = arith.remsi %scan3A_52, %rem3A_160 : i32
        %dma_start3A = arith.constant 0 : i32
        %dma_start3A_162 = arith.constant 0 : i32
        %dma_start3A_163 = arith.constant 0 : i32
        %dma_start3A_164 = arith.constant 0 : i32
        %dma_start3A_165 = tpu.memref_slice %arg7[%rem3A_161, %dma_start3A_162, %dma_start3A_163, %dma_start3A_164] : memref<2x2x128x16xf32, #tpu.memory_space<vmem>> -> memref<1x1x128x16xf32, #tpu.memory_space<vmem>>
        %dma_start3A_166 = tpu.memref_squeeze %dma_start3A_165 : memref<1x1x128x16xf32, #tpu.memory_space<vmem>> -> memref<128x16xf32, #tpu.memory_space<vmem>>
        %dma_start3A_167 = arith.constant 0 : i32
        %dma_start3A_168 = tpu.memref_slice %arg5[%rem3A_159, %dma_start3A, %dma_start3A_167] : memref<4x2x128xi32, #tpu.memory_space<vmem>> -> memref<1x1x128xi32, #tpu.memory_space<vmem>>
        %dma_start3A_169 = tpu.memref_squeeze %dma_start3A_168 : memref<1x1x128xi32, #tpu.memory_space<vmem>> -> memref<128xi32, #tpu.memory_space<vmem>>
        %dma_start3A_170 = arith.constant 0 : i32
        %dma_start3A_171 = arith.constant 0 : i32
        %dma_start3A_172 = tpu.memref_slice %arg2[%dma_start3A_170, %dma_start3A_171] : memref<10000x16xf32, #tpu.memory_space<hbm>> -> memref<10000x16xf32, #tpu.memory_space<hbm>>
        %dma_start3A_173 = tpu.memref_slice %arg10[%rem3A_161] : memref<2x!tpu.dma_semaphore, #tpu.memory_space<semaphore_mem>> -> memref<1x!tpu.dma_semaphore, #tpu.memory_space<semaphore_mem>>
        %dma_start3A_174 = tpu.memref_squeeze %dma_start3A_173 : memref<1x!tpu.dma_semaphore, #tpu.memory_space<semaphore_mem>> -> memref<!tpu.dma_semaphore, #tpu.memory_space<semaphore_mem>>
        tpu.enqueue_indirect_dma source(%dma_start3A_172 : memref<10000x16xf32, #tpu.memory_space<hbm>>) target(%dma_start3A_166 : memref<128x16xf32, #tpu.memory_space<vmem>>) offsets(%dma_start3A_169 : memref<128xi32, #tpu.memory_space<vmem>>) semaphore(%dma_start3A_174 : memref<!tpu.dma_semaphore, #tpu.memory_space<semaphore_mem>>)
        %dma_start3A_175 = arith.constant 1 : i32
        %dma_start3A_176 = arith.constant 1 : i32
        %dma_start3A_177 = arith.constant 0 : i32
        %dma_start3A_178 = arith.constant 0 : i32
        %dma_start3A_179 = tpu.memref_slice %arg7[%rem3A_161, %dma_start3A_176, %dma_start3A_177, %dma_start3A_178] : memref<2x2x128x16xf32, #tpu.memory_space<vmem>> -> memref<1x1x128x16xf32, #tpu.memory_space<vmem>>
        %dma_start3A_180 = tpu.memref_squeeze %dma_start3A_179 : memref<1x1x128x16xf32, #tpu.memory_space<vmem>> -> memref<128x16xf32, #tpu.memory_space<vmem>>
        %dma_start3A_181 = arith.constant 0 : i32
        %dma_start3A_182 = tpu.memref_slice %arg5[%rem3A_159, %dma_start3A_175, %dma_start3A_181] : memref<4x2x128xi32, #tpu.memory_space<vmem>> -> memref<1x1x128xi32, #tpu.memory_space<vmem>>
        %dma_start3A_183 = tpu.memref_squeeze %dma_start3A_182 : memref<1x1x128xi32, #tpu.memory_space<vmem>> -> memref<128xi32, #tpu.memory_space<vmem>>
        %dma_start3A_184 = arith.constant 0 : i32
        %dma_start3A_185 = arith.constant 0 : i32
        %dma_start3A_186 = tpu.memref_slice %arg2[%dma_start3A_184, %dma_start3A_185] : memref<10000x16xf32, #tpu.memory_space<hbm>> -> memref<10000x16xf32, #tpu.memory_space<hbm>>
        %dma_start3A_187 = tpu.memref_slice %arg10[%rem3A_161] : memref<2x!tpu.dma_semaphore, #tpu.memory_space<semaphore_mem>> -> memref<1x!tpu.dma_semaphore, #tpu.memory_space<semaphore_mem>>
        %dma_start3A_188 = tpu.memref_squeeze %dma_start3A_187 : memref<1x!tpu.dma_semaphore, #tpu.memory_space<semaphore_mem>> -> memref<!tpu.dma_semaphore, #tpu.memory_space<semaphore_mem>>
        tpu.enqueue_indirect_dma source(%dma_start3A_186 : memref<10000x16xf32, #tpu.memory_space<hbm>>) target(%dma_start3A_180 : memref<128x16xf32, #tpu.memory_space<vmem>>) offsets(%dma_start3A_183 : memref<128xi32, #tpu.memory_space<vmem>>) semaphore(%dma_start3A_188 : memref<!tpu.dma_semaphore, #tpu.memory_space<semaphore_mem>>)
      } else {
      }
      %ge3A_81 = arith.constant 1 : i32
      %ge3A_82 = arith.cmpi sge, %scan3A_52, %ge3A_81 : i32
      %sub3A_83 = arith.constant 1 : i32
      %sub3A_84 = arith.subi %scan3A_52, %sub3A_83 : i32
      %mul3A_85 = arith.constant 32 : i32
      %mul3A_86 = arith.muli %sub3A_84, %mul3A_85 : i32
      %add3A_87 = arith.addi %add3A, %mul3A_86 : i32
      %lt3A_88 = arith.constant 1250 : i32
      %lt3A_89 = arith.cmpi slt, %add3A_87, %lt3A_88 : i32
      %and3A_90 = arith.andi %ge3A_82, %lt3A_89 : i1
      %convert_element_type3A_91 = arith.extui %and3A_90 : i1 to i32
      %cond3A_92 = arith.constant 0 : i32
      %cond3A_93 = arith.cmpi ne, %convert_element_type3A_91, %cond3A_92 : i32
      scf.if %cond3A_93 {
        %sub3A_94 = arith.constant 1 : i32
        %sub3A_95 = arith.subi %scan3A_52, %sub3A_94 : i32
        %rem3A = arith.constant 4 : i32
        %rem3A_96 = arith.remsi %sub3A_95, %rem3A : i32
        %rem3A_97 = arith.constant 2 : i32
        %rem3A_98 = arith.remsi %sub3A_95, %rem3A_97 : i32
        %dma_wait3A = arith.constant 0 : i32
        %dma_wait3A_99 = arith.constant 0 : i32
        %dma_wait3A_100 = arith.constant 0 : i32
        %dma_wait3A_101 = arith.constant 0 : i32
        %dma_wait3A_102 = tpu.memref_slice %arg7[%rem3A_98, %dma_wait3A_99, %dma_wait3A_100, %dma_wait3A_101] : memref<2x2x128x16xf32, #tpu.memory_space<vmem>> -> memref<1x1x128x16xf32, #tpu.memory_space<vmem>>
        %dma_wait3A_103 = tpu.memref_squeeze %dma_wait3A_102 : memref<1x1x128x16xf32, #tpu.memory_space<vmem>> -> memref<128x16xf32, #tpu.memory_space<vmem>>
        %dma_wait3A_104 = arith.constant 0 : i32
        %dma_wait3A_105 = tpu.memref_slice %arg5[%rem3A_96, %dma_wait3A, %dma_wait3A_104] : memref<4x2x128xi32, #tpu.memory_space<vmem>> -> memref<1x1x128xi32, #tpu.memory_space<vmem>>
        %dma_wait3A_106 = tpu.memref_squeeze %dma_wait3A_105 : memref<1x1x128xi32, #tpu.memory_space<vmem>> -> memref<128xi32, #tpu.memory_space<vmem>>
        %dma_wait3A_107 = arith.constant 0 : i32
        %dma_wait3A_108 = arith.constant 0 : i32
        %dma_wait3A_109 = tpu.memref_slice %arg2[%dma_wait3A_107, %dma_wait3A_108] : memref<10000x16xf32, #tpu.memory_space<hbm>> -> memref<10000x16xf32, #tpu.memory_space<hbm>>
        %dma_wait3A_110 = tpu.memref_slice %arg10[%rem3A_98] : memref<2x!tpu.dma_semaphore, #tpu.memory_space<semaphore_mem>> -> memref<1x!tpu.dma_semaphore, #tpu.memory_space<semaphore_mem>>
        %dma_wait3A_111 = tpu.memref_squeeze %dma_wait3A_110 : memref<1x!tpu.dma_semaphore, #tpu.memory_space<semaphore_mem>> -> memref<!tpu.dma_semaphore, #tpu.memory_space<semaphore_mem>>
        tpu.wait_indirect_dma semaphore(%dma_wait3A_111 : memref<!tpu.dma_semaphore, #tpu.memory_space<semaphore_mem>>) src(%dma_wait3A_109 : memref<10000x16xf32, #tpu.memory_space<hbm>>) dst(%dma_wait3A_103 : memref<128x16xf32, #tpu.memory_space<vmem>>)
        %dma_wait3A_112 = arith.constant 1 : i32
        %dma_wait3A_113 = arith.constant 1 : i32
        %dma_wait3A_114 = arith.constant 0 : i32
        %dma_wait3A_115 = arith.constant 0 : i32
        %dma_wait3A_116 = tpu.memref_slice %arg7[%rem3A_98, %dma_wait3A_113, %dma_wait3A_114, %dma_wait3A_115] : memref<2x2x128x16xf32, #tpu.memory_space<vmem>> -> memref<1x1x128x16xf32, #tpu.memory_space<vmem>>
        %dma_wait3A_117 = tpu.memref_squeeze %dma_wait3A_116 : memref<1x1x128x16xf32, #tpu.memory_space<vmem>> -> memref<128x16xf32, #tpu.memory_space<vmem>>
        %dma_wait3A_118 = arith.constant 0 : i32
        %dma_wait3A_119 = tpu.memref_slice %arg5[%rem3A_96, %dma_wait3A_112, %dma_wait3A_118] : memref<4x2x128xi32, #tpu.memory_space<vmem>> -> memref<1x1x128xi32, #tpu.memory_space<vmem>>
        %dma_wait3A_120 = tpu.memref_squeeze %dma_wait3A_119 : memref<1x1x128xi32, #tpu.memory_space<vmem>> -> memref<128xi32, #tpu.memory_space<vmem>>
        %dma_wait3A_121 = arith.constant 0 : i32
        %dma_wait3A_122 = arith.constant 0 : i32
        %dma_wait3A_123 = tpu.memref_slice %arg2[%dma_wait3A_121, %dma_wait3A_122] : memref<10000x16xf32, #tpu.memory_space<hbm>> -> memref<10000x16xf32, #tpu.memory_space<hbm>>
        %dma_wait3A_124 = tpu.memref_slice %arg10[%rem3A_98] : memref<2x!tpu.dma_semaphore, #tpu.memory_space<semaphore_mem>> -> memref<1x!tpu.dma_semaphore, #tpu.memory_space<semaphore_mem>>
        %dma_wait3A_125 = tpu.memref_squeeze %dma_wait3A_124 : memref<1x!tpu.dma_semaphore, #tpu.memory_space<semaphore_mem>> -> memref<!tpu.dma_semaphore, #tpu.memory_space<semaphore_mem>>
        tpu.wait_indirect_dma semaphore(%dma_wait3A_125 : memref<!tpu.dma_semaphore, #tpu.memory_space<semaphore_mem>>) src(%dma_wait3A_123 : memref<10000x16xf32, #tpu.memory_space<hbm>>) dst(%dma_wait3A_117 : memref<128x16xf32, #tpu.memory_space<vmem>>)
        %sub3A_126 = arith.constant 1 : i32
        %sub3A_127 = arith.subi %scan3A_52, %sub3A_126 : i32
        %rem3A_128 = arith.constant 4 : i32
        %rem3A_129 = arith.remsi %sub3A_127, %rem3A_128 : i32
        %rem3A_130 = arith.constant 2 : i32
        %rem3A_131 = arith.remsi %sub3A_127, %rem3A_130 : i32
        %dma_start3A = arith.constant 0 : i32
        %dma_start3A_132 = arith.constant 0 : i32
        %dma_start3A_133 = arith.constant 0 : i32
        %dma_start3A_134 = arith.constant 0 : i32
        %dma_start3A_135 = tpu.memref_slice %arg7[%rem3A_131, %dma_start3A, %dma_start3A_133, %dma_start3A_134] : memref<2x2x128x16xf32, #tpu.memory_space<vmem>> -> memref<1x1x128x16xf32, #tpu.memory_space<vmem>>
        %dma_start3A_136 = tpu.memref_squeeze %dma_start3A_135 : memref<1x1x128x16xf32, #tpu.memory_space<vmem>> -> memref<128x16xf32, #tpu.memory_space<vmem>>
        %dma_start3A_137 = arith.constant 0 : i32
        %dma_start3A_138 = tpu.memref_slice %arg6[%rem3A_129, %dma_start3A_132, %dma_start3A_137] : memref<4x2x128xi32, #tpu.memory_space<vmem>> -> memref<1x1x128xi32, #tpu.memory_space<vmem>>
        %dma_start3A_139 = tpu.memref_squeeze %dma_start3A_138 : memref<1x1x128xi32, #tpu.memory_space<vmem>> -> memref<128xi32, #tpu.memory_space<vmem>>
        %dma_start3A_140 = arith.constant 0 : i32
        %dma_start3A_141 = arith.constant 0 : i32
        %dma_start3A_142 = tpu.memref_slice %arg8[%dma_start3A_140, %dma_start3A_141] : memref<10000x16xf32, #tpu.memory_space<vmem_shared>> -> memref<10000x16xf32, #tpu.memory_space<vmem_shared>>
        %dma_start3A_143 = tpu.memref_slice %arg11[%rem3A_131] : memref<2x!tpu.dma_semaphore, #tpu.memory_space<semaphore_mem>> -> memref<1x!tpu.dma_semaphore, #tpu.memory_space<semaphore_mem>>
        %dma_start3A_144 = tpu.memref_squeeze %dma_start3A_143 : memref<1x!tpu.dma_semaphore, #tpu.memory_space<semaphore_mem>> -> memref<!tpu.dma_semaphore, #tpu.memory_space<semaphore_mem>>
        tpu.enqueue_indirect_dma source(%dma_start3A_136 : memref<128x16xf32, #tpu.memory_space<vmem>>) target(%dma_start3A_142 : memref<10000x16xf32, #tpu.memory_space<vmem_shared>>) offsets(%dma_start3A_139 : memref<128xi32, #tpu.memory_space<vmem>>) semaphore(%dma_start3A_144 : memref<!tpu.dma_semaphore, #tpu.memory_space<semaphore_mem>>) {add = true}
        %dma_start3A_145 = arith.constant 1 : i32
        %dma_start3A_146 = arith.constant 1 : i32
        %dma_start3A_147 = arith.constant 0 : i32
        %dma_start3A_148 = arith.constant 0 : i32
        %dma_start3A_149 = tpu.memref_slice %arg7[%rem3A_131, %dma_start3A_145, %dma_start3A_147, %dma_start3A_148] : memref<2x2x128x16xf32, #tpu.memory_space<vmem>> -> memref<1x1x128x16xf32, #tpu.memory_space<vmem>>
        %dma_start3A_150 = tpu.memref_squeeze %dma_start3A_149 : memref<1x1x128x16xf32, #tpu.memory_space<vmem>> -> memref<128x16xf32, #tpu.memory_space<vmem>>
        %dma_start3A_151 = arith.constant 0 : i32
        %dma_start3A_152 = tpu.memref_slice %arg6[%rem3A_129, %dma_start3A_146, %dma_start3A_151] : memref<4x2x128xi32, #tpu.memory_space<vmem>> -> memref<1x1x128xi32, #tpu.memory_space<vmem>>
        %dma_start3A_153 = tpu.memref_squeeze %dma_start3A_152 : memref<1x1x128xi32, #tpu.memory_space<vmem>> -> memref<128xi32, #tpu.memory_space<vmem>>
        %dma_start3A_154 = arith.constant 0 : i32
        %dma_start3A_155 = arith.constant 0 : i32
        %dma_start3A_156 = tpu.memref_slice %arg8[%dma_start3A_154, %dma_start3A_155] : memref<10000x16xf32, #tpu.memory_space<vmem_shared>> -> memref<10000x16xf32, #tpu.memory_space<vmem_shared>>
        %dma_start3A_157 = tpu.memref_slice %arg11[%rem3A_131] : memref<2x!tpu.dma_semaphore, #tpu.memory_space<semaphore_mem>> -> memref<1x!tpu.dma_semaphore, #tpu.memory_space<semaphore_mem>>
        %dma_start3A_158 = tpu.memref_squeeze %dma_start3A_157 : memref<1x!tpu.dma_semaphore, #tpu.memory_space<semaphore_mem>> -> memref<!tpu.dma_semaphore, #tpu.memory_space<semaphore_mem>>
        tpu.enqueue_indirect_dma source(%dma_start3A_150 : memref<128x16xf32, #tpu.memory_space<vmem>>) target(%dma_start3A_156 : memref<10000x16xf32, #tpu.memory_space<vmem_shared>>) offsets(%dma_start3A_153 : memref<128xi32, #tpu.memory_space<vmem>>) semaphore(%dma_start3A_158 : memref<!tpu.dma_semaphore, #tpu.memory_space<semaphore_mem>>) {add = true}
      } else {
      }
    }
    %scan3A_33 = arith.constant 41 : i32
    %add3A_34 = arith.constant 1248 : i32
    %add3A_35 = arith.addi %add3A, %add3A_34 : i32
    %lt3A_36 = arith.constant 1250 : i32
    %lt3A_37 = arith.cmpi slt, %add3A_35, %lt3A_36 : i32
    %convert_element_type3A_38 = arith.extui %lt3A_37 : i1 to i32
    %cond3A_39 = arith.constant 0 : i32
    %cond3A_40 = arith.cmpi ne, %convert_element_type3A_38, %cond3A_39 : i32
    scf.if %cond3A_40 {
      %rem3A = arith.constant 39 : i32
      %rem3A_52 = arith.constant 4 : i32
      %rem3A_53 = arith.remsi %rem3A, %rem3A_52 : i32
      %rem3A_54 = arith.constant 39 : i32
      %rem3A_55 = arith.constant 2 : i32
      %rem3A_56 = arith.remsi %rem3A_54, %rem3A_55 : i32
      %dma_wait3A = arith.constant 0 : i32
      %dma_wait3A_57 = arith.constant 0 : i32
      %dma_wait3A_58 = arith.constant 0 : i32
      %dma_wait3A_59 = arith.constant 0 : i32
      %dma_wait3A_60 = tpu.memref_slice %arg7[%rem3A_56, %dma_wait3A, %dma_wait3A_58, %dma_wait3A_59] : memref<2x2x128x16xf32, #tpu.memory_space<vmem>> -> memref<1x1x128x16xf32, #tpu.memory_space<vmem>>
      %dma_wait3A_61 = tpu.memref_squeeze %dma_wait3A_60 : memref<1x1x128x16xf32, #tpu.memory_space<vmem>> -> memref<128x16xf32, #tpu.memory_space<vmem>>
      %dma_wait3A_62 = arith.constant 0 : i32
      %dma_wait3A_63 = tpu.memref_slice %arg6[%rem3A_53, %dma_wait3A_57, %dma_wait3A_62] : memref<4x2x128xi32, #tpu.memory_space<vmem>> -> memref<1x1x128xi32, #tpu.memory_space<vmem>>
      %dma_wait3A_64 = tpu.memref_squeeze %dma_wait3A_63 : memref<1x1x128xi32, #tpu.memory_space<vmem>> -> memref<128xi32, #tpu.memory_space<vmem>>
      %dma_wait3A_65 = arith.constant 0 : i32
      %dma_wait3A_66 = arith.constant 0 : i32
      %dma_wait3A_67 = tpu.memref_slice %arg8[%dma_wait3A_65, %dma_wait3A_66] : memref<10000x16xf32, #tpu.memory_space<vmem_shared>> -> memref<10000x16xf32, #tpu.memory_space<vmem_shared>>
      %dma_wait3A_68 = tpu.memref_slice %arg11[%rem3A_56] : memref<2x!tpu.dma_semaphore, #tpu.memory_space<semaphore_mem>> -> memref<1x!tpu.dma_semaphore, #tpu.memory_space<semaphore_mem>>
      %dma_wait3A_69 = tpu.memref_squeeze %dma_wait3A_68 : memref<1x!tpu.dma_semaphore, #tpu.memory_space<semaphore_mem>> -> memref<!tpu.dma_semaphore, #tpu.memory_space<semaphore_mem>>
      tpu.wait_indirect_dma semaphore(%dma_wait3A_69 : memref<!tpu.dma_semaphore, #tpu.memory_space<semaphore_mem>>) src(%dma_wait3A_61 : memref<128x16xf32, #tpu.memory_space<vmem>>) dst(%dma_wait3A_67 : memref<10000x16xf32, #tpu.memory_space<vmem_shared>>)
      %dma_wait3A_70 = arith.constant 1 : i32
      %dma_wait3A_71 = arith.constant 1 : i32
      %dma_wait3A_72 = arith.constant 0 : i32
      %dma_wait3A_73 = arith.constant 0 : i32
      %dma_wait3A_74 = tpu.memref_slice %arg7[%rem3A_56, %dma_wait3A_70, %dma_wait3A_72, %dma_wait3A_73] : memref<2x2x128x16xf32, #tpu.memory_space<vmem>> -> memref<1x1x128x16xf32, #tpu.memory_space<vmem>>
      %dma_wait3A_75 = tpu.memref_squeeze %dma_wait3A_74 : memref<1x1x128x16xf32, #tpu.memory_space<vmem>> -> memref<128x16xf32, #tpu.memory_space<vmem>>
      %dma_wait3A_76 = arith.constant 0 : i32
      %dma_wait3A_77 = tpu.memref_slice %arg6[%rem3A_53, %dma_wait3A_71, %dma_wait3A_76] : memref<4x2x128xi32, #tpu.memory_space<vmem>> -> memref<1x1x128xi32, #tpu.memory_space<vmem>>
      %dma_wait3A_78 = tpu.memref_squeeze %dma_wait3A_77 : memref<1x1x128xi32, #tpu.memory_space<vmem>> -> memref<128xi32, #tpu.memory_space<vmem>>
      %dma_wait3A_79 = arith.constant 0 : i32
      %dma_wait3A_80 = arith.constant 0 : i32
      %dma_wait3A_81 = tpu.memref_slice %arg8[%dma_wait3A_79, %dma_wait3A_80] : memref<10000x16xf32, #tpu.memory_space<vmem_shared>> -> memref<10000x16xf32, #tpu.memory_space<vmem_shared>>
      %dma_wait3A_82 = tpu.memref_slice %arg11[%rem3A_56] : memref<2x!tpu.dma_semaphore, #tpu.memory_space<semaphore_mem>> -> memref<1x!tpu.dma_semaphore, #tpu.memory_space<semaphore_mem>>
      %dma_wait3A_83 = tpu.memref_squeeze %dma_wait3A_82 : memref<1x!tpu.dma_semaphore, #tpu.memory_space<semaphore_mem>> -> memref<!tpu.dma_semaphore, #tpu.memory_space<semaphore_mem>>
      tpu.wait_indirect_dma semaphore(%dma_wait3A_83 : memref<!tpu.dma_semaphore, #tpu.memory_space<semaphore_mem>>) src(%dma_wait3A_75 : memref<128x16xf32, #tpu.memory_space<vmem>>) dst(%dma_wait3A_81 : memref<10000x16xf32, #tpu.memory_space<vmem_shared>>)
    } else {
    }
    %barrier3A_41 = arith.constant 0 : index
    tpu.barrier barrier_id(%barrier3A_41)
    %lt3A_42 = arith.constant 15 : i32
    %lt3A_43 = arith.cmpi slt, %arg1, %lt3A_42 : i32
    %convert_element_type3A_44 = arith.extui %lt3A_43 : i1 to i32
    %cond3A_45 = arith.constant 0 : i32
    %cond3A_46 = arith.cmpi ne, %convert_element_type3A_44, %cond3A_45 : i32
    scf.if %cond3A_46 {
      "tpu.region"() ({
        %run_scoped3A = tpu.sem_alloc : memref<!tpu.dma_semaphore, #tpu.memory_space<semaphore_mem>>
        %dma_start3A = arith.constant 0 : i32
        %dma_start3A_52 = tpu.memref_slice %arg4[%arg0, %mul3A_2, %dma_start3A] : memref<2x10000x16xf32, #tpu.memory_space<hbm>> -> memref<1x640x16xf32, #tpu.memory_space<hbm>>
        %dma_start3A_53 = tpu.memref_squeeze %dma_start3A_52 : memref<1x640x16xf32, #tpu.memory_space<hbm>> -> memref<640x16xf32, #tpu.memory_space<hbm>>
        %dma_start3A_54 = arith.constant 0 : i32
        %dma_start3A_55 = tpu.memref_slice %arg8[%mul3A_2, %dma_start3A_54] : memref<10000x16xf32, #tpu.memory_space<vmem_shared>> -> memref<640x16xf32, #tpu.memory_space<vmem_shared>>
        tpu.enqueue_dma source(%dma_start3A_55 : memref<640x16xf32, #tpu.memory_space<vmem_shared>>) target(%dma_start3A_53 : memref<640x16xf32, #tpu.memory_space<hbm>>) target_semaphore(%run_scoped3A : memref<!tpu.dma_semaphore, #tpu.memory_space<semaphore_mem>>)
        %dma_wait3A = arith.constant 0 : i32
        %dma_wait3A_56 = tpu.memref_slice %arg4[%arg0, %mul3A_2, %dma_wait3A] : memref<2x10000x16xf32, #tpu.memory_space<hbm>> -> memref<1x640x16xf32, #tpu.memory_space<hbm>>
        %dma_wait3A_57 = tpu.memref_squeeze %dma_wait3A_56 : memref<1x640x16xf32, #tpu.memory_space<hbm>> -> memref<640x16xf32, #tpu.memory_space<hbm>>
        %dma_wait3A_58 = arith.constant 0 : i32
        %dma_wait3A_59 = tpu.memref_slice %arg8[%mul3A_2, %dma_wait3A_58] : memref<10000x16xf32, #tpu.memory_space<vmem_shared>> -> memref<640x16xf32, #tpu.memory_space<vmem_shared>>
        tpu.wait_dma2 semaphore(%run_scoped3A : memref<!tpu.dma_semaphore, #tpu.memory_space<semaphore_mem>>) src(%dma_wait3A_59 : memref<640x16xf32, #tpu.memory_space<vmem_shared>>) dst(%dma_wait3A_57 : memref<640x16xf32, #tpu.memory_space<hbm>>)
        tpu.yield
      }) : () -> ()
    } else {
    }
    %eq3A_47 = arith.constant 15 : i32
    %eq3A_48 = arith.cmpi eq, %arg1, %eq3A_47 : i32
    %convert_element_type3A_49 = arith.extui %eq3A_48 : i1 to i32
    %cond3A_50 = arith.constant 0 : i32
    %cond3A_51 = arith.cmpi ne, %convert_element_type3A_49, %cond3A_50 : i32
    scf.if %cond3A_51 {
      "tpu.region"() ({
        %run_scoped3A = tpu.sem_alloc : memref<!tpu.dma_semaphore, #tpu.memory_space<semaphore_mem>>
        %dma_start3A = arith.constant 0 : i32
        %dma_start3A_52 = tpu.memref_slice %arg4[%arg0, %mul3A_2, %dma_start3A] : memref<2x10000x16xf32, #tpu.memory_space<hbm>> -> memref<1x400x16xf32, #tpu.memory_space<hbm>>
        %dma_start3A_53 = tpu.memref_squeeze %dma_start3A_52 : memref<1x400x16xf32, #tpu.memory_space<hbm>> -> memref<400x16xf32, #tpu.memory_space<hbm>>
        %dma_start3A_54 = arith.constant 0 : i32
        %dma_start3A_55 = tpu.memref_slice %arg8[%mul3A_2, %dma_start3A_54] : memref<10000x16xf32, #tpu.memory_space<vmem_shared>> -> memref<400x16xf32, #tpu.memory_space<vmem_shared>>
        tpu.enqueue_dma source(%dma_start3A_55 : memref<400x16xf32, #tpu.memory_space<vmem_shared>>) target(%dma_start3A_53 : memref<400x16xf32, #tpu.memory_space<hbm>>) target_semaphore(%run_scoped3A : memref<!tpu.dma_semaphore, #tpu.memory_space<semaphore_mem>>)
        %dma_wait3A = arith.constant 0 : i32
        %dma_wait3A_56 = tpu.memref_slice %arg4[%arg0, %mul3A_2, %dma_wait3A] : memref<2x10000x16xf32, #tpu.memory_space<hbm>> -> memref<1x400x16xf32, #tpu.memory_space<hbm>>
        %dma_wait3A_57 = tpu.memref_squeeze %dma_wait3A_56 : memref<1x400x16xf32, #tpu.memory_space<hbm>> -> memref<400x16xf32, #tpu.memory_space<hbm>>
        %dma_wait3A_58 = arith.constant 0 : i32
        %dma_wait3A_59 = tpu.memref_slice %arg8[%mul3A_2, %dma_wait3A_58] : memref<10000x16xf32, #tpu.memory_space<vmem_shared>> -> memref<400x16xf32, #tpu.memory_space<vmem_shared>>
        tpu.wait_dma2 semaphore(%run_scoped3A : memref<!tpu.dma_semaphore, #tpu.memory_space<semaphore_mem>>) src(%dma_wait3A_59 : memref<400x16xf32, #tpu.memory_space<vmem_shared>>) dst(%dma_wait3A_57 : memref<400x16xf32, #tpu.memory_space<hbm>>)
        tpu.yield
      }) : () -> ()
    } else {
    }
    return
  }
}

module attributes {stable_mosaic.version = 14 : i64} {
  func.func @_tc1_body(%arg0: memref<10000x128xf32, #tpu.memory_space<vmem>>, %arg1: memref<10000x4xf32, #tpu.memory_space<vmem>>, %arg2: memref<128x128xf32, #tpu.memory_space<vmem>>, %arg3: memref<10000x128xf32, #tpu.memory_space<vmem>>, %arg4: memref<10000x2xf32, #tpu.memory_space<vmem>>) attributes {dimension_semantics = [], scalar_prefetch = 0 : i64, scratch_operands = 0 : i64, tpu.core_type = #tpu.core_type<tc>} {
    %get3A = arith.constant 0 : index
    %get3A_0 = arith.constant 0 : index
    %get3A_1 = vector.load %arg1[%get3A, %get3A_0] : memref<10000x4xf32, #tpu.memory_space<vmem>>, vector<10000x4xf32>
    %slice3A = vector.extract_strided_slice %get3A_1 {offsets = [0, 0], sizes = [10000, 1], strides = [1, 1]} : vector<10000x4xf32> to vector<10000x1xf32>
    %slice3A_2 = vector.extract_strided_slice %get3A_1 {offsets = [0, 2], sizes = [10000, 1], strides = [1, 1]} : vector<10000x4xf32> to vector<10000x1xf32>
    %add3A = arith.addf %slice3A, %slice3A_2 : vector<10000x1xf32>
    %slice3A_3 = vector.extract_strided_slice %get3A_1 {offsets = [0, 1], sizes = [10000, 1], strides = [1, 1]} : vector<10000x4xf32> to vector<10000x1xf32>
    %slice3A_4 = vector.extract_strided_slice %get3A_1 {offsets = [0, 3], sizes = [10000, 1], strides = [1, 1]} : vector<10000x4xf32> to vector<10000x1xf32>
    %add3A_5 = arith.addf %slice3A_3, %slice3A_4 : vector<10000x1xf32>
    %max3A = arith.constant 1.000000e+00 : f32
    %max3A_6 = vector.broadcast %max3A : f32 to vector<10000x1xf32>
    %max3A_7 = arith.maximumf %add3A, %max3A_6 : vector<10000x1xf32>
    %rsqrt3A = math.rsqrt %max3A_7 : vector<10000x1xf32>
    %max3A_8 = arith.constant 1.000000e+00 : f32
    %max3A_9 = vector.broadcast %max3A_8 : f32 to vector<10000x1xf32>
    %max3A_10 = arith.maximumf %add3A_5, %max3A_9 : vector<10000x1xf32>
    %rsqrt3A_11 = math.rsqrt %max3A_10 : vector<10000x1xf32>
    %get3A_12 = arith.constant 0 : index
    %get3A_13 = arith.constant 0 : index
    %get3A_14 = vector.load %arg0[%get3A_12, %get3A_13] : memref<10000x128xf32, #tpu.memory_space<vmem>>, vector<10000x128xf32>
    %mul3A = vector.broadcast %rsqrt3A : vector<10000x1xf32> to vector<10000x128xf32>
    %mul3A_15 = arith.mulf %get3A_14, %mul3A : vector<10000x128xf32>
    %get3A_16 = arith.constant 0 : index
    %get3A_17 = arith.constant 0 : index
    %get3A_18 = vector.load %arg2[%get3A_16, %get3A_17] : memref<128x128xf32, #tpu.memory_space<vmem>>, vector<128x128xf32>
    %dot_general3A = arith.constant dense<0.000000e+00> : vector<10000x128xf32>
    %dot_general3A_19 = tpu.matmul %mul3A_15, %get3A_18, %dot_general3A {dimension_numbers = #tpu.dot_dimension_numbers<[1], [0], [0], [1], [0, 0, 1, 1], [], []>, transpose_lhs_hint = false} : vector<10000x128xf32>, vector<128x128xf32>, vector<10000x128xf32> -> vector<10000x128xf32>
    %swap3A = arith.constant 0 : index
    %swap3A_20 = arith.constant 0 : index
    %swap3A_21 = vector.load %arg3[%swap3A, %swap3A_20] : memref<10000x128xf32, #tpu.memory_space<vmem>>, vector<10000x128xf32>
    tpu.vector_store %arg3[%swap3A, %swap3A_20], %dot_general3A_19 {strides = array<i32>} : memref<10000x128xf32, #tpu.memory_space<vmem>>, vector<10000x128xf32>,
    %concatenate3A = tpu.concatenate %rsqrt3A, %rsqrt3A_11 in 1 : vector<10000x1xf32>, vector<10000x1xf32> -> vector<10000x2xf32>
    %swap3A_22 = arith.constant 0 : index
    %swap3A_23 = arith.constant 0 : index
    %swap3A_24 = vector.load %arg4[%swap3A_22, %swap3A_23] : memref<10000x2xf32, #tpu.memory_space<vmem>>, vector<10000x2xf32>
    tpu.vector_store %arg4[%swap3A_22, %swap3A_23], %concatenate3A {strides = array<i32>} : memref<10000x2xf32, #tpu.memory_space<vmem>>, vector<10000x2xf32>,
    return
  }
}

module attributes {stable_mosaic.version = 14 : i64} {
  func.func @_tc2_body(%arg0: memref<2x10000x128xf32, #tpu.memory_space<vmem>>, %arg1: memref<10000x2xf32, #tpu.memory_space<vmem>>, %arg2: memref<1x128xf32, #tpu.memory_space<vmem>>, %arg3: memref<128x16xf32, #tpu.memory_space<vmem>>, %arg4: memref<10000x16xf32, #tpu.memory_space<vmem>>) attributes {dimension_semantics = [], scalar_prefetch = 0 : i64, scratch_operands = 0 : i64, tpu.core_type = #tpu.core_type<tc>} {
    %get3A = arith.constant 0 : index
    %get3A_0 = arith.constant 0 : index
    %get3A_1 = vector.load %arg1[%get3A, %get3A_0] : memref<10000x2xf32, #tpu.memory_space<vmem>>, vector<10000x2xf32>
    %get3A_2 = arith.constant 0 : index
    %get3A_3 = arith.constant 0 : index
    %get3A_4 = arith.constant 0 : index
    %get3A_5 = vector.load %arg0[%get3A_2, %get3A_3, %get3A_4] : memref<2x10000x128xf32, #tpu.memory_space<vmem>>, vector<1x10000x128xf32>
    %get3A_6 = vector.shape_cast %get3A_5 : vector<1x10000x128xf32> to vector<10000x128xf32>
    %get3A_7 = arith.constant 1 : index
    %get3A_8 = arith.constant 0 : index
    %get3A_9 = arith.constant 0 : index
    %get3A_10 = vector.load %arg0[%get3A_7, %get3A_8, %get3A_9] : memref<2x10000x128xf32, #tpu.memory_space<vmem>>, vector<1x10000x128xf32>
    %get3A_11 = vector.shape_cast %get3A_10 : vector<1x10000x128xf32> to vector<10000x128xf32>
    %add3A = arith.addf %get3A_6, %get3A_11 : vector<10000x128xf32>
    %slice3A = vector.extract_strided_slice %get3A_1 {offsets = [0, 1], sizes = [10000, 1], strides = [1, 1]} : vector<10000x2xf32> to vector<10000x1xf32>
    %mul3A = vector.broadcast %slice3A : vector<10000x1xf32> to vector<10000x128xf32>
    %mul3A_12 = arith.mulf %add3A, %mul3A : vector<10000x128xf32>
    %get3A_13 = arith.constant 0 : index
    %get3A_14 = arith.constant 0 : index
    %get3A_15 = vector.load %arg2[%get3A_13, %get3A_14] : memref<1x128xf32, #tpu.memory_space<vmem>>, vector<1x128xf32>
    %add3A_16 = vector.broadcast %get3A_15 : vector<1x128xf32> to vector<10000x128xf32>
    %add3A_17 = arith.addf %mul3A_12, %add3A_16 : vector<10000x128xf32>
    %max3A = arith.constant 0.000000e+00 : f32
    %max3A_18 = vector.broadcast %max3A : f32 to vector<10000x128xf32>
    %max3A_19 = arith.maximumf %add3A_17, %max3A_18 : vector<10000x128xf32>
    %slice3A_20 = vector.extract_strided_slice %get3A_1 {offsets = [0, 0], sizes = [10000, 1], strides = [1, 1]} : vector<10000x2xf32> to vector<10000x1xf32>
    %mul3A_21 = vector.broadcast %slice3A_20 : vector<10000x1xf32> to vector<10000x128xf32>
    %mul3A_22 = arith.mulf %max3A_19, %mul3A_21 : vector<10000x128xf32>
    %get3A_23 = arith.constant 0 : index
    %get3A_24 = arith.constant 0 : index
    %get3A_25 = vector.load %arg3[%get3A_23, %get3A_24] : memref<128x16xf32, #tpu.memory_space<vmem>>, vector<128x16xf32>
    %dot_general3A = arith.constant dense<0.000000e+00> : vector<10000x16xf32>
    %dot_general3A_26 = tpu.matmul %mul3A_22, %get3A_25, %dot_general3A {dimension_numbers = #tpu.dot_dimension_numbers<[1], [0], [0], [1], [0, 0, 1, 1], [], []>, transpose_lhs_hint = false} : vector<10000x128xf32>, vector<128x16xf32>, vector<10000x16xf32> -> vector<10000x16xf32>
    %swap3A = arith.constant 0 : index
    %swap3A_27 = arith.constant 0 : index
    %swap3A_28 = vector.load %arg4[%swap3A, %swap3A_27] : memref<10000x16xf32, #tpu.memory_space<vmem>>, vector<10000x16xf32>
    tpu.vector_store %arg4[%swap3A, %swap3A_27], %dot_general3A_26 {strides = array<i32>} : memref<10000x16xf32, #tpu.memory_space<vmem>>, vector<10000x16xf32>,
    return
  }
}

module attributes {stable_mosaic.version = 14 : i64} {
  func.func @_tc3_body(%arg0: memref<2x10000x16xf32, #tpu.memory_space<vmem>>, %arg1: memref<10000x2xf32, #tpu.memory_space<vmem>>, %arg2: memref<1x2xf32, #tpu.memory_space<vmem>>, %arg3: memref<10000x2xf32, #tpu.memory_space<vmem>>) attributes {dimension_semantics = [], scalar_prefetch = 0 : i64, scratch_operands = 0 : i64, tpu.core_type = #tpu.core_type<tc>} {
    %get3A = arith.constant 0 : index
    %get3A_0 = arith.constant 0 : index
    %get3A_1 = vector.load %arg1[%get3A, %get3A_0] : memref<10000x2xf32, #tpu.memory_space<vmem>>, vector<10000x2xf32>
    %get3A_2 = arith.constant 0 : index
    %get3A_3 = arith.constant 0 : index
    %get3A_4 = arith.constant 0 : index
    %get3A_5 = vector.load %arg0[%get3A_2, %get3A_3, %get3A_4] : memref<2x10000x16xf32, #tpu.memory_space<vmem>>, vector<1x10000x16xf32>
    %get3A_6 = vector.shape_cast %get3A_5 : vector<1x10000x16xf32> to vector<10000x16xf32>
    %get3A_7 = arith.constant 1 : index
    %get3A_8 = arith.constant 0 : index
    %get3A_9 = arith.constant 0 : index
    %get3A_10 = vector.load %arg0[%get3A_7, %get3A_8, %get3A_9] : memref<2x10000x16xf32, #tpu.memory_space<vmem>>, vector<1x10000x16xf32>
    %get3A_11 = vector.shape_cast %get3A_10 : vector<1x10000x16xf32> to vector<10000x16xf32>
    %add3A = arith.addf %get3A_6, %get3A_11 : vector<10000x16xf32>
    %slice3A = vector.extract_strided_slice %get3A_1 {offsets = [0, 1], sizes = [10000, 1], strides = [1, 1]} : vector<10000x2xf32> to vector<10000x1xf32>
    %mul3A = vector.broadcast %slice3A : vector<10000x1xf32> to vector<10000x16xf32>
    %mul3A_12 = arith.mulf %add3A, %mul3A : vector<10000x16xf32>
    %slice3A_13 = vector.extract_strided_slice %mul3A_12 {offsets = [0, 0], sizes = [10000, 2], strides = [1, 1]} : vector<10000x16xf32> to vector<10000x2xf32>
    %get3A_14 = arith.constant 0 : index
    %get3A_15 = arith.constant 0 : index
    %get3A_16 = vector.load %arg2[%get3A_14, %get3A_15] : memref<1x2xf32, #tpu.memory_space<vmem>>, vector<1x2xf32>
    %add3A_17 = vector.broadcast %get3A_16 : vector<1x2xf32> to vector<10000x2xf32>
    %add3A_18 = arith.addf %slice3A_13, %add3A_17 : vector<10000x2xf32>
    %swap3A = arith.constant 0 : index
    %swap3A_19 = arith.constant 0 : index
    %swap3A_20 = vector.load %arg3[%swap3A, %swap3A_19] : memref<10000x2xf32, #tpu.memory_space<vmem>>, vector<10000x2xf32>
    tpu.vector_store %arg3[%swap3A, %swap3A_19], %add3A_18 {strides = array<i32>} : memref<10000x2xf32, #tpu.memory_space<vmem>>, vector<10000x2xf32>,
    return
  }
}

</mosaic_0001>

<sc_bundles>
// kernel: kernel.11.cloned.1.call-start
scs
__scs_entry_jumppad:
0x0: {  	(pc) =	sbr.rel $0x88, $3  }
0x1: {  	(tag) =	ssettag $0x0;
	lr =	simm.s32 $0x1  }
0x2: {  	[smem:$0x3F9B] =	sst lr;
	_ =	strace $0xD0000000  }
0x3: {  	_ = 	snop  }
0x4: {  	_ = 	snop  }
0x5: {  	_ = 	snop  }
0x6: {  	_ = 	snop  }
0x7: {  	_ = 	snop  }
__scs_overlays_trampoline_lowered:
0x8: {  	[smem:$0x3FAA] =	sst s0  }
0x9: {  	[smem:$0x3FAB] =	sst s1  }
0xa: {  	[smem:$0x3FAC] =	sst s2  }
0xb: {  	[smem:$0x3FAD] =	sst s3  }
0xc: {  	[smem:$0x3FAE] =	sst s4  }
0xd: {  	[smem:$0x3FAF] =	sst s5  }
0xe: {  	[smem:$0x3FB0] =	sst s6  }
0xf: {  	[smem:$0x3FB1] =	sst s7  }
0x10: {  	[smem:$0x3FB2] =	sst s8  }
0x11: {  	[smem:$0x3FB3] =	sst s9;
	s0 =	simm.s32 @!p0 $0x0  }
0x12: {  	s1 =	sld [smem:$0x3F99];
	s0 =	simm.s32 @p0 $0x1  }
0x13: {  	[smem:$0x3FB4] =	sst s0;
	s0 =	simm.s32 @!p1 $0x0  }
0x14: {  	s2 =	sld [smem:$0x3F98];
	s0 =	simm.s32 @p1 $0x1  }
0x15: {  	[smem:$0x3FB5] =	sst s0;
	s0 =	simm.s32 @!p2 $0x0  }
0x16: {  	s3 =	sld [smem:$0x3FDB];
	s0 =	simm.s32 @p2 $0x1  }
0x17: {  	s4 =	simm.s32 $0x1BF5;
	[smem:$0x3FB7] =	sst s0  }
0x18: {  	s0 =	sld [smem:$0x3F9A];
	_ =	swait.ge [sflag:s4], $0x0  }
0x19: {  	s7 =	sld [smem:$0x3F9B]  }
0x1a: {  	s8 =	sadd.s32 $0xFFFFE003, lr  }
0x1b: {  	s9 =	sadd.s32 $0xFFFFFEF7, lr;
	s5 =	simm.s32 $0xFFFFFFFF;
	p2 =	slt.u32 s8, $0xFFFFF086  }
0x1c: {  	p1 =	slt.u32 s9, $0xF7A;
	s5 =	simm.s32 @!p2 $0x0  }
0x1d: {  	s5 =	simm.s32 @p1 $0x1;
	p0 =	seq.s32 s7, s2  }
0x1e: {  	s7 =	smul.u32 @!p0 $0xF7A, s2;
	p2 =	seq.s32 @!p0 s5, $0x0  }
0x1f: {  	s9 =	smul.u32 $0xF7A, s1;
	s8 =	simm.s32 @!p0 $0x1BF5;
	p2 =	por !p2, p0  }
0x20: {  	[sflag:s8] =	ssyncset.s32 @!p0 $0xFFFFF086;
	s6 =	sadd.s32 @!p0 s3, s7;
	s7 =	simm.s32 @!p0 $0x108  }
0x21: {  	s3 =	sadd.s32 s3, s9;
	s6 =	sadd.s32 @!p0 $0x88, s6;
	s7 =	simm.s32 @p2 $0x1082  }
0x22: {  	[simem:s7], [sflag:s8] =	dma.local @!p0 [hbm:s6], $0xF7A  }
0x23: {  	s9 =	sor.u32 $0xD0000000, s2;
	s6 =	simm.s32 $0x108;
	_ =	swait.ge @!p0 [sflag:s8], $0x0  }
0x24: {  	s3 =	sadd.s32 $0x88, s3;
	s6 =	simm.s32 @!p1 $0x1082;
	[sflag:s4] =	ssyncset.s32 $0xFFFFF086  }
0x25: {  	[simem:s6], [sflag:s4] =	dma.local [hbm:s3], $0xF7A  }
0x26: {  	[smem:$0x3F9B] =	sst s1;
	(tag) =	ssettag s2;
	_ =	strace s9  }
0x27: {  	s1 =	sld [smem:$0x3FAB]  }
0x28: {  	s2 =	sld [smem:$0x3FAC]  }
0x29: {  	s4 =	sld [smem:$0x3FAE]  }
0x2a: {  	p0 =	seq.s32 s5, $0x0;
	s5 =	sld [smem:$0x3FAF]  }
0x2b: {  	s6 =	sld [smem:$0x3FB0]  }
0x2c: {  	s7 =	sld [smem:$0x3FB1]  }
0x2d: {  	s3 =	simm.s32 $0x108;
	s8 =	sld [smem:$0x3FB2]  }
0x2e: {  	s3 =	simm.s32 @!p0 $0x1082;
	s9 =	sld [smem:$0x3FB3]  }
0x2f: {  	lr =	sadd.s32 s0, s3;
	s0 =	sld [smem:$0x3FAA]  }
0x30: {  	s3 =	sld [smem:$0x3FAD]  }
0x31: {  	[smem:$0x3FB6] =	sst s10  }
0x32: {  	s10 =	sld [smem:$0x3FB4];
	_ =	sdelay $0x3  }
0x33: {  	p0 =	seq.s32 s10, $0x1;
	s10 =	sld [smem:$0x3FB6];
	_ =	sdelay $0x3  }
0x34: {  	[smem:$0x3FB6] =	sst s10  }
0x35: {  	s10 =	sld [smem:$0x3FB5];
	_ =	sdelay $0x3  }
0x36: {  	p1 =	seq.s32 s10, $0x1;
	s10 =	sld [smem:$0x3FB6];
	_ =	sdelay $0x3  }
0x37: {  	[smem:$0x3FB6] =	sst s10  }
0x38: {  	s10 =	sld [smem:$0x3FB7]  }
0x39: {  	_ = 	snop;
	(pc) =	sbr.ind lr, $3  }
0x3a: {  	_ = 	snop  }
0x3b: {  	_ = 	snop  }
0x3c: {  	p2 =	seq.s32 s10, $0x1;
	s10 =	sld [smem:$0x3FB6]  }
0x3d: {  	_ =	shalt  }
0x3e: {  	_ =	shalt  }
0x3f: {  	_ =	shalt  }
0x40: {  	_ =	shalt  }
0x41: {  	_ =	shalt  }
0x42: {  	_ =	shalt  }
0x43: {  	_ =	shalt  }
0x44: {  	_ =	shalt  }
0x45: {  	_ =	shalt  }
0x46: {  	_ =	shalt  }
0x47: {  	_ =	shalt  }
0x48: {  	_ =	shalt  }
0x49: {  	_ =	shalt  }
0x4a: {  	_ =	shalt  }
0x4b: {  	_ =	shalt  }
0x4c: {  	_ =	shalt  }
0x4d: {  	_ =	shalt  }
0x4e: {  	_ =	shalt  }
0x4f: {  	_ =	shalt  }
0x50: {  	_ =	shalt  }
0x51: {  	_ =	shalt  }
0x52: {  	_ =	shalt  }
0x53: {  	_ =	shalt  }
0x54: {  	_ =	shalt  }
0x55: {  	_ =	shalt  }
0x56: {  	_ =	shalt  }
0x57: {  	_ =	shalt  }
0x58: {  	_ =	shalt  }
0x59: {  	_ =	shalt  }
0x5a: {  	_ =	shalt  }
0x5b: {  	_ =	shalt  }
0x5c: {  	_ =	shalt  }
0x5d: {  	_ =	shalt  }
0x5e: {  	_ =	shalt  }
0x5f: {  	_ =	shalt  }
0x60: {  	_ =	shalt  }
0x61: {  	_ =	shalt  }
0x62: {  	_ =	shalt  }
0x63: {  	_ =	shalt  }
0x64: {  	_ =	shalt  }
0x65: {  	_ =	shalt  }
0x66: {  	_ =	shalt  }
0x67: {  	_ =	shalt  }
0x68: {  	_ =	shalt  }
0x69: {  	_ =	shalt  }
0x6a: {  	_ =	shalt  }
0x6b: {  	_ =	shalt  }
0x6c: {  	_ =	shalt  }
0x6d: {  	_ =	shalt  }
0x6e: {  	_ =	shalt  }
0x6f: {  	_ =	shalt  }
0x70: {  	_ =	shalt  }
0x71: {  	_ =	shalt  }
0x72: {  	_ =	shalt  }
0x73: {  	_ =	shalt  }
0x74: {  	_ =	shalt  }
0x75: {  	_ =	shalt  }
0x76: {  	_ =	shalt  }
0x77: {  	_ =	shalt  }
0x78: {  	_ =	shalt  }
0x79: {  	_ =	shalt  }
0x7a: {  	_ =	shalt  }
0x7b: {  	_ =	shalt  }
0x7c: {  	_ =	shalt  }
0x7d: {  	_ =	shalt  }
0x7e: {  	_ =	shalt  }
0x7f: {  	_ =	shalt  }
0x80: {  	_ =	shalt  }
0x81: {  	_ =	shalt  }
0x82: {  	_ =	shalt  }
0x83: {  	_ =	shalt  }
0x84: {  	_ =	shalt  }
0x85: {  	_ =	shalt  }
0x86: {  	_ =	shalt  }
0x87: {  	_ =	shalt  }
.Lfunc_end0:
.L_simem_size_0:
called_computation.1_lowered:
.L_overlay_start_0:
0x88: {  	s2 =	sld [smem:$0x3FD9]  }
0x89: {  	s3 =	sld [smem:$0x3FFE];
	_ =	sdelay $0x1  }
0x8a: {  	s1 =	srdreg.scid  }
0x8b: {  	s0 =	sand.u32 $0x1, s1  }
0x8c: {  	s17 =	sshll.u32 s0, $0xA;
	s2 =	sadd.s32 s3, s2  }
0x8d: {  	s2 =	sadd.s32 s2, s17  }
0x8e: {  	[smem:$0x3FC2] =	sst s2  }
0x8f: {  	_ = 	snop  }
0x90: {  	s2 =	sld [smem:$0x3FC8];
	(tm) =	ssettm $0x1  }
0x91: {  	s18 =	sld [smem:$0x3FFB];
	_ =	sdelay $0x3  }
0x92: {  	_ =	strace s18  }
0x93: {  	s3 =	sld [smem:$0x3FFC];
	_ =	sdelay $0x3  }
0x94: {  	_ =	strace s3  }
0x95: {  	s3 =	sld [smem:$0x3FFD];
	_ =	sdelay $0x3  }
0x96: {  	_ =	strace s3  }
0x97: {  	_ =	strace $0x8FFFFFFF  }
0x98: {  	s19 =	sld [smem:$0x3FDB];
	_ =	sdelay $0x1  }
0x99: {  	s4 =	simm.s32 $_scs_section_size  }
0x9a: {  	s5 =	simm.s32 $_size__tile_overlayer_lowered;
	s6 =	simm.s32 $_tile_overlayer_lowered  }
0x9b: {  	s22 =	simm.s32 $0x1BFF;
	s21 =	sshll.u32 s6, $0x1;
	s3 =	sadd.s32 s4, s19  }
0x9c: {  	s7 =	simm.s32 $0x0;
	s20 =	sshll.u32 s5, $0x1;
	s5 =	sadd.s32 s21, s3  }
0x9d: {  	[timem:s7], [sflag:s22] =	dma.local [hbm:s5], s20  }
0x9e: {  	_ =	swait.ge [sflag:s22], s20  }
0x9f: {  	s4 =	ssub.s32 $0x0, s20;
	[sflag:s22] =	ssyncset.done $0x0  }
0xa0: {  	[sflag:s22] =	ssyncadd.s32 s4;
	_ =	sdelay $0x1  }
0xa1: {  	s23 =	simm.s32 $0x1B8B  }
0xa2: {  	_ =	swait.ge [sflag:s23], $0x1  }
0xa3: {  	[sflag:s23] =	ssyncset.done $0x0  }
0xa4: {  	s25 =	simm.s32 $0x1B8E;
	s24 =	sld [smem:$0x3FFE];
	[sflag:s23] =	ssyncadd.s32 $0xFFFFFFFF  }
0xa5: {  	s26 =	simm.s32 $execute0_lowered;
	[smem:$0x3FD2] =	sst s25  }
0xa6: {  	s5 =	sshll.u32 s26, $0x1;
	_ =	strace $0x80000049;
	[dreg:$0x1] =	wrdreg $0xFFFFFFFF  }
0xa7: {  	s28 =	simm.s32 $_size_execute0_lowered;
	s3 =	sadd.s32 s3, s5;
	[dreg:$0x0] =	wrdreg $0x0  }
0xa8: {  	s5 =	sshll.u32 s28, $0x1;
	[dreg:$0x2] =	wrdreg s3  }
0xa9: {  	[dreg:$0x3] =	wrdreg s5  }
0xaa: {  	[dreg:$0x4] =	wrdreg $0xC0  }
0xab: {  	_ =	task [dreg:s7], $0x5FFFF  }
0xac: {  	[dreg:$0x1] =	wrdreg $0xFFFFFFFF  }
0xad: {  	[dreg:$0x0] =	wrdreg $0x60  }
0xae: {  	[dreg:$0x2] =	wrdreg s24  }
0xaf: {  	[dreg:$0x3] =	wrdreg s2  }
0xb0: {  	[dreg:$0x4] =	wrdreg $0x84000  }
0xb1: {  	[dreg:$0x5] =	wrdreg $0x9  }
0xb2: {  	_ =	task.clear_ibuf [dreg:s7], $0x6FFFF;
	_ =	strace $0x90000049  }
0xb3: {  	s29 =	simm.s32 $0x9;
	_ =	strace $0x8000004B  }
0xb4: {  	_ =	swait.ge [sflag:s29], $0x1  }
0xb5: {  	[sflag:s29] =	ssyncadd.s32 $0xFFFFFFFF  }
0xb6: {  	_ =	strace $0x9000004B  }
0xb7: {  	_ =	sfence  }
0xb8: {  	s30 =	sld [smem:$0x0];
	_ =	sdelay $0x2  }
0xb9: {  	s31 =	sshll.u32 s1, $0xD;
	s1 =	sshrl.u32 s1, $0x2  }
0xba: {  	s3 =	sand.u32 $0x4000, s31;
	s1 =	sadd.s32 s1, s30  }
0xbb: {  	s0 =	sor.u32 s3, s0;
	s1 =	sshll.u32 s1, $0x11  }
0xbc: {  	s0 =	sor.u32 s1, s0  }
0xbd: {  	s0 =	sadd.s32 $0x8F2B, s0  }
0xbe: {  	[sflag:s0] =	ssyncadd.remote.s32 $0x1  }
0xbf: {  	_ =	sfence.sel $0xFFFF  }
0xc0: {  	[dreg:$0x0] =	wrdreg $0xFFFFFFFF;
	(pc) =	sbr.abs _section_cstart, $3  }
0xc1: {  	[dreg:$0x1] =	wrdreg $0xFFFFFFFF  }
0xc2: {  	_ =	task.clear_ibuf [dreg:s7], $0x2FFFF;
	_ =	strace $0x9FFFFFFF  }
0xc3: {  	(tm) =	ssettm $0x7FFFFFFF  }
tec
execute0_lowered:
.L_overlay_start_1:
0x0: {  	(tag) =	ssettag $0x1  }
0x1: {  	s0 =	rddreg [dreg:$0x0]  }
0x2: {  	s3 =	rddreg [dreg:$0x1]  }
0x3: {  	s1 =	rddreg [dreg:$0x2];
	s2 =	simm.s32 $0x0  }
0x4: {  	s4 =	srdreg.scid;
	s16 =	stileid.u32;
	s29 =	simm.s32 $0x80  }
0x5: {  	s31 =	simm.s32 $0x2;
	s28 =	simm.s32 $0x5;
	[smem:$0x7FF] =	sst s2  }
0x6: {  	s6 =	sand.u32 $0x1, s4;
	s4 =	sadd.s32 $0x2400, s0;
	s8 =	sshll.u32 s16, $0x1  }
0x7: {  	s9 =	smul.u32 $0x50000, s16;
	s0 =	sadd.s32 $0x29600, s0;
	s13 =	sadd.s32 $0x10, s3  }
0x8: {  	s15 =	smul.u32 $0x14000, s16;
	s14 =	sadd.s32 $0x12C000, s1;
	p0 =	seq.s32 s16, $0xF  }
0x9: {  	p1 =	sgt.u32 s16, $0x1;
	_ =	strace $0x8000004A;
	s5 =	ssub.s32 $0x2, s6  }
0xa: {  	s11 =	sor.u32 s6, s8;
	s25 =	smul.u32 $0x138800, s6;
	s8 =	ssub.s32 $0x9C4, s8  }
0xb: {  	s12 =	sshll.u32 s11, $0x5;
	[dreg:$0x5] =	wrdreg s8;
	s30 =	ssub.s32 $0x9C4, s11  }
0xc: {  	s7 =	sshrl.u32 s5, $0x1;
	s20 =	sadd.s32 s12, s13;
	[dreg:$0x6] =	wrdreg s30  }
0xd: {  	s18 =	sshrl.u32 s9, $0x2;
	s19 =	sadd.s32 s3, s12;
	[dreg:$0x8] =	wrdreg s20  }
0xe: {  	s10 =	ssub.s32 s5, s7;
	s21 =	sadd.s32 $0x400, s19;
	[dreg:$0x7] =	wrdreg s19  }
0xf: {  	s7 =	sadd.s32 s18, s1;
	s5 =	sadd.s32 $0x410, s19;
	[dreg:$0x9] =	wrdreg s21  }
0x10: {  	s9 =	sadd.s32 s15, s25;
	s22 =	sadd.s32 $0x4000, s7;
	[dreg:$0xa] =	wrdreg s5  }
0x11: {  	s17 =	sor.u32 $0x800, s12;
	s23 =	sadd.s32 $0x8000, s7;
	[dreg:$0xb] =	wrdreg s22  }
0x12: {  	s15 =	simm.s32 $0x0;
	s24 =	sadd.s32 $0xC000, s7;
	[dreg:$0xc] =	wrdreg s23  }
0x13: {  	s26 =	sadd.s32 $0x10000, s7;
	s9 =	sshrl.u32 s9, $0x3;
	[dreg:$0xd] =	wrdreg s24  }
0x14: {  	s18 =	sadd.s32 s3, s17;
	s19 =	sor.u32 $0xC00, s12;
	[dreg:$0xe] =	wrdreg s26  }
0x15: {  	s20 =	sadd.s32 s17, s13;
	s5 =	sshrl.u32 s25, $0x3;
	[dreg:$0x10] =	wrdreg s18  }
0x16: {  	[dreg:$0x11] =	wrdreg s20;
	s21 =	sadd.s32 s19, s13;
	s22 =	sshll.u32 s16, $0x6  }
0x17: {  	s24 =	sshll.u32 s6, $0x5;
	s25 =	sadd.s32 $0x130000, s1;
	[dreg:$0x12] =	wrdreg s21  }
0x18: {  	s26 =	sor.u32 $0x80, s11;
	s8 =	sadd.s32 s0, s5;
	[dreg:$0x13] =	wrdreg s22  }
0x19: {  	s0 =	sadd.s32 s0, s9;
	s23 =	sadd.s32 s22, s3;
	[dreg:$0x15] =	wrdreg s25  }
.Ltmp0:
0x1a: {  	[dreg:$0x4] =	wrdreg s26;
	s22 =	sadd.s32 $0x134000, s1;
	(pc) =	sbr.rel .LBB2_1-.Ltmp0, $4  }
0x1b: {  	s26 =	sadd.s32 $0x138000, s1;
	[dreg:$0xf] =	wrdreg s0;
	s0 =	sadd.s32 s3, s19  }
0x1c: {  	s30 =	sadd.s32 $0x25800, s8;
	s3 =	simm.s32 $0x1;
	[dreg:$0x14] =	wrdreg s0  }
0x1d: {  	s0 =	sadd.s32 s24, s23;
	[dreg:$0x16] =	wrdreg s30;
	s24 =	smax.u32 s10, $0x1  }
0x1e: {  	v0 =	vimm.f32 $0.0e+00;
	s23 =	simm.s32 $0x400;
	s25 =	sadd.s32 $0x1010, s0;
	s0 =	simm.s32 $0x9  }
.LBB2_9:
0x1f: {  	s5 =	sshrl.u32 s14, $0x3;
	s6 =	rddreg [dreg:$0x16];
	s8 =	simm.s32 $0x1FC9  }
0x20: {  	[hbm:s6], [sflag:s8] =	dma.local [spmem:s5], $0x1900  }
0x21: {  	_ =	swait.ge [sflag:s0], $0x1900  }
0x22: {  	[sflag:s0] =	ssyncset.done $0x0  }
0x23: {  	[sflag:s0] =	ssyncadd.s32 $0xFFFFE700  }
.LBB2_10:
0x24: {  	s15 =	sadd.s32 $0x1, s15  }
0x25: {  	p2 =	sne.s32 s15, s24  }
.Ltmp1:
0x26: {  	_ = 	snop;
	(pc) =	sbr.rel @!p2 .LBB2_11-.Ltmp1, $1  }
0x27: {  	_ =	sdelay $0x3  }
.LBB2_1:
0x28: {  	s5 =	rddreg [dreg:$0x7]  }
0x29: {  	s19 =	rddreg [dreg:$0x8]  }
0x2a: {  	[tilespmem:s2], [sflag:$0x1] =	stream.linear.gather [hbm4b:s5+s2], $0x80, $0x38;
	[tilespmem:$0x1BC80] =	vst v63  }
0x2b: {  	s6 =	simm.s32 $0x200;
	s20 =	rddreg [dreg:$0x9]  }
0x2c: {  	[tilespmem:s6], [sflag:$0x1] =	stream.linear.gather [hbm4b:s19+s2], $0x80, $0x38;
	[tilespmem:$0x1BC80] =	vst v63  }
0x2d: {  	s21 =	rddreg [dreg:$0xa]  }
0x2e: {  	[tilespmem:s29], [sflag:$0x2] =	stream.linear.gather [hbm4b:s20+s2], $0x80, $0x38;
	[tilespmem:$0x1BC80] =	vst v63  }
0x2f: {  	s30 =	simm.s32 $0x280;
	s8 =	simm.s32 $0x200;
	s6 =	simm.s32 $0x0  }
0x30: {  	[tilespmem:s30], [sflag:$0x2] =	stream.linear.gather [hbm4b:s21+s2], $0x80, $0x38;
	[tilespmem:$0x1BC80] =	vst v63  }
.LBB2_2:
0x31: {  	p2 =	sne.s32 s8, $0xFE00;
	[tilespmem:s6+$0x470] =	vst v0  }
0x32: {  	[tilespmem:s6+$0x400] =	vst v0  }
0x33: {  	[tilespmem:s6+$0x410] =	vst v0  }
.Ltmp2:
0x34: {  	[tilespmem:s6+$0x420] =	vst v0;
	(pc) =	sbr.rel @p2 .LBB2_2-.Ltmp2, $4  }
0x35: {  	[tilespmem:s6+$0x430] =	vst v0  }
0x36: {  	[tilespmem:s6+$0x440] =	vst v0  }
0x37: {  	[tilespmem:s6+$0x450] =	vst v0  }
0x38: {  	[tilespmem:s6+$0x460] =	vst v0;
	s6 =	sshra.s32 s8, $0x2;
	s8 =	sadd.s32 $0x200, s8  }
0x39: {  	[tilespmem:s6+$0x470] =	vst v0  }
0x3a: {  	[tilespmem:s6+$0x400] =	vst v0  }
0x3b: {  	[tilespmem:s6+$0x410] =	vst v0  }
0x3c: {  	[tilespmem:s6+$0x420] =	vst v0  }
0x3d: {  	[tilespmem:s6+$0x430] =	vst v0  }
0x3e: {  	[tilespmem:s6+$0x440] =	vst v0  }
0x3f: {  	[tilespmem:s6+$0x450] =	vst v0  }
0x40: {  	[tilespmem:s6+$0x460] =	vst v0;
	s6 =	simm.s32 @p0 $0x400;
	s8 =	simm.s32 @p0 $0x9  }
0x41: {  	[spmem:s14] =	stream.linear.scatter @p0 [tilespmem:s6], [sflag:$0x9], $0x4000, $0x38;
	[tilespmem:$0x1BC80] =	vst v63  }
0x42: {  	_ =	swait.ge @p0 [sflag:s8], $0x4000  }
0x43: {  	[sflag:s8] =	ssyncset.done @p0 $0x0  }
0x44: {  	s5 =	rddreg [dreg:$0x15];
	[sflag:s8] =	ssyncadd.s32 @p0 $0xFFFFC000  }
0x45: {  	[spmem:s5] =	stream.linear.scatter @p0 [tilespmem:s6], [sflag:$0x9], $0x4000, $0x38;
	[tilespmem:$0x1BC80] =	vst v63  }
0x46: {  	_ =	swait.ge @p0 [sflag:s8], $0x4000  }
0x47: {  	[sflag:s8] =	ssyncset.done @p0 $0x0  }
0x48: {  	[sflag:s8] =	ssyncadd.s32 @p0 $0xFFFFC000  }
0x49: {  	[spmem:s22] =	stream.linear.scatter @p0 [tilespmem:s6], [sflag:$0x9], $0x4000, $0x38;
	[tilespmem:$0x1BC80] =	vst v63  }
0x4a: {  	_ =	swait.ge @p0 [sflag:s8], $0x4000  }
0x4b: {  	[sflag:s8] =	ssyncset.done @p0 $0x0  }
0x4c: {  	[sflag:s8] =	ssyncadd.s32 @p0 $0xFFFFC000  }
0x4d: {  	[spmem:s26] =	stream.linear.scatter @p0 [tilespmem:s6], [sflag:$0x9], $0x800, $0x38;
	[tilespmem:$0x1BC80] =	vst v63  }
0x4e: {  	_ =	swait.ge @p0 [sflag:s8], $0x800  }
0x4f: {  	[sflag:s8] =	ssyncset.done @p0 $0x0  }
0x50: {  	s6 =	simm.s32 @!p0 $0x400;
	[sflag:s8] =	ssyncadd.s32 @p0 $0xFFFFF800;
	s8 =	simm.s32 @!p0 $0x9  }
0x51: {  	[spmem:s7] =	stream.linear.scatter @!p0 [tilespmem:s6], [sflag:$0x9], $0x4000, $0x38;
	[tilespmem:$0x1BC80] =	vst v63  }
0x52: {  	_ =	swait.ge @!p0 [sflag:s8], $0x4000  }
0x53: {  	[sflag:s8] =	ssyncset.done @!p0 $0x0  }
0x54: {  	s5 =	rddreg [dreg:$0xb];
	[sflag:s8] =	ssyncadd.s32 @!p0 $0xFFFFC000  }
0x55: {  	[spmem:s5] =	stream.linear.scatter @!p0 [tilespmem:s6], [sflag:$0x9], $0x4000, $0x38;
	[tilespmem:$0x1BC80] =	vst v63  }
0x56: {  	_ =	swait.ge @!p0 [sflag:s8], $0x4000  }
0x57: {  	[sflag:s8] =	ssyncset.done @!p0 $0x0  }
0x58: {  	s5 =	rddreg [dreg:$0xc];
	[sflag:s8] =	ssyncadd.s32 @!p0 $0xFFFFC000  }
0x59: {  	[spmem:s5] =	stream.linear.scatter @!p0 [tilespmem:s6], [sflag:$0x9], $0x4000, $0x38;
	[tilespmem:$0x1BC80] =	vst v63  }
0x5a: {  	_ =	swait.ge @!p0 [sflag:s8], $0x4000  }
0x5b: {  	[sflag:s8] =	ssyncset.done @!p0 $0x0  }
0x5c: {  	s5 =	rddreg [dreg:$0xd];
	[sflag:s8] =	ssyncadd.s32 @!p0 $0xFFFFC000  }
0x5d: {  	[spmem:s5] =	stream.linear.scatter @!p0 [tilespmem:s6], [sflag:$0x9], $0x4000, $0x38;
	[tilespmem:$0x1BC80] =	vst v63  }
0x5e: {  	_ =	swait.ge @!p0 [sflag:s8], $0x4000  }
0x5f: {  	[sflag:s8] =	ssyncset.done @!p0 $0x0  }
0x60: {  	s5 =	rddreg [dreg:$0xe];
	[sflag:s8] =	ssyncadd.s32 @!p0 $0xFFFFC000  }
0x61: {  	[spmem:s5] =	stream.linear.scatter @!p0 [tilespmem:s6], [sflag:$0x9], $0x4000, $0x38;
	[tilespmem:$0x1BC80] =	vst v63  }
0x62: {  	_ =	swait.ge @!p0 [sflag:s8], $0x4000  }
0x63: {  	[sflag:s8] =	ssyncset.done @!p0 $0x0  }
0x64: {  	[sflag:s8] =	ssyncadd.s32 @!p0 $0xFFFFC000  }
0x65: {  	[bflag:$0x0] =	sbarrier.arrive $0xFFFF  }
0x66: {  	s10 =	simm.s32 $0x0;
	s12 =	simm.s32 $0x100;
	s11 =	rddreg [dreg:$0x10]  }
0x67: {  	[tilespmem:s12], [sflag:$0x3] =	stream.linear.gather [hbm4b:s11+s10], $0x80, $0x38;
	[tilespmem:$0x1BC80] =	vst v63  }
0x68: {  	s16 =	simm.s32 $0x300;
	s13 =	rddreg [dreg:$0x11]  }
0x69: {  	[tilespmem:s16], [sflag:$0x3] =	stream.linear.gather [hbm4b:s13+s10], $0x80, $0x38;
	[tilespmem:$0x1BC80] =	vst v63  }
0x6a: {  	_ =	swait.ge [sflag:s3], $0x80  }
0x6b: {  	[sflag:s3] =	ssyncset.done $0x0  }
0x6c: {  	[sflag:s3] =	ssyncadd.s32 $0xFFFFFF80  }
0x6d: {  	_ =	swait.ge [sflag:s3], $0x80  }
0x6e: {  	[sflag:s3] =	ssyncset.done $0x0  }
0x6f: {  	[sflag:s3] =	ssyncadd.s32 $0xFFFFFF80  }
0x70: {  	[tilespmem:s23], [sflag:$0x5] =	stream.indirect.gather [hbm4b:s4+s29], $0x80, s10, s29, $0xb8;
	[tilespmem:$0x1BC80] =	vst v63  }
0x71: {  	s18 =	simm.s32 $0x180;
	s17 =	rddreg [dreg:$0x14]  }
0x72: {  	[tilespmem:s18], [sflag:$0x4] =	stream.linear.gather [hbm4b:s17+s10], $0x80, $0x38;
	[tilespmem:$0x1BC80] =	vst v63  }
0x73: {  	s20 =	simm.s32 $0x380;
	s19 =	rddreg [dreg:$0x12]  }
0x74: {  	[tilespmem:s20], [sflag:$0x4] =	stream.linear.gather [hbm4b:s19+s10], $0x80, $0x38;
	[tilespmem:$0x1BC80] =	vst v63  }
0x75: {  	_ =	swait.ge [sflag:s31], $0x80  }
0x76: {  	[sflag:s31] =	ssyncset.done $0x0  }
0x77: {  	[sflag:s31] =	ssyncadd.s32 $0xFFFFFF80  }
0x78: {  	_ =	swait.ge [sflag:s31], $0x80  }
0x79: {  	[sflag:s31] =	ssyncset.done $0x0  }
0x7a: {  	s21 =	simm.s32 $0x4400;
	[sflag:s31] =	ssyncadd.s32 $0xFFFFFF80  }
0x7b: {  	[tilespmem:s21], [sflag:$0x6] =	stream.indirect.gather [hbm4b:s4+s29], $0x80, s29, s29, $0xb8;
	[tilespmem:$0x1BC80] =	vst v63  }
0x7c: {  	s6 =	simm.s32 $0x2;
	_ =	swait.ge [sflag:s28], $0x4000  }
0x7d: {  	s8 =	sand.u32 $0x1, s6;
	[sflag:s28] =	ssyncset.done $0x0  }
0x7e: {  	s9 =	simm.s32 $0x200;
	s10 =	sadd.s32 $0x7, s8;
	[sflag:s28] =	ssyncadd.s32 $0xFFFFC000  }
0x7f: {  	[spmem:s1] =	stream.indirect.scatter.add.f32 [tilespmem:s23], [sflag:$0x7], $0x80, s9, s29, $0xb8;
	[tilespmem:$0x1BC80] =	vst v63  }
0x80: {  	_ =	swait.ge [sflag:s10], $0x4000  }
0x81: {  	s13 =	simm.s32 $0x4;
	s11 =	rddreg [dreg:$0x4]  }
0x82: {  	s12 =	rddreg [dreg:$0x5];
	[sflag:s10] =	ssyncset.done $0x0;
	s11 =	sadd.s32 $0x0, s11  }
0x83: {  	[sflag:s10] =	ssyncadd.s32 $0xFFFFC000;
	p2 =	sle.u32 s12, $0x40;
	p3 =	sgt.u32 s11, $0x9C3  }
0x84: {  	s6 =	sand.u32 @!p2 $0x3, s6;
	s10 =	sand.u32 @!p3 $0x3, s13;
	s11 =	simm.s32 @!p3 $0x0  }
0x85: {  	s13 =	sadd.s32 @!p3 $0xFFFFFFF0, s25;
	s12 =	sadd.s32 @!p3 $0x1, s10;
	s10 =	sshll.u32 @!p3 s10, $0x7  }
0x86: {  	[tilespmem:s10], [sflag:s12] =	stream.linear.gather @!p3 [hbm4b:s13+s11], $0x80, $0x38;
	[tilespmem:$0x1BC80] =	vst v63  }
0x87: {  	s10 =	sor.u32 @!p3 $0x200, s10;
	s13 =	sadd.s32 @!p2 $0x1, s6  }
0x88: {  	[tilespmem:s10], [sflag:s12] =	stream.linear.gather @!p3 [hbm4b:s25+s11], $0x80, $0x38;
	[tilespmem:$0x1BC80] =	vst v63  }
0x89: {  	_ =	swait.ge @!p2 [sflag:s13], $0x80  }
0x8a: {  	[sflag:s13] =	ssyncset.done @!p2 $0x0  }
0x8b: {  	s30 =	simm.s32 $0x400;
	[sflag:s13] =	ssyncadd.s32 @!p2 $0xFFFFFF80  }
0x8c: {  	s16 =	simm.s32 $0x1;
	s6 =	sshll.u32 @!p2 s6, $0x7;
	_ =	swait.ge @!p2 [sflag:s13], $0x80  }
0x8d: {  	s11 =	sshll.u32 @!p2 s8, $0xE;
	s8 =	sadd.s32 @!p2 $0x5, s8;
	[sflag:s13] =	ssyncset.done @!p2 $0x0  }
0x8e: {  	s12 =	simm.s32 @!p2 $0x80;
	s11 =	sor.u32 @!p2 $0x400, s11;
	[sflag:s13] =	ssyncadd.s32 @!p2 $0xFFFFFF80  }
0x8f: {  	[tilespmem:s11], [sflag:s8] =	stream.indirect.gather @!p2 [hbm4b:s4+s12], $0x80, s6, s12, $0xb8;
	[tilespmem:$0x1BC80] =	vst v63  }
0x90: {  	s19 =	simm.s32 $0x5;
	s10 =	simm.s32 $0x6;
	s8 =	sadd.s32 $0x400, s25  }
0x91: {  	s6 =	simm.s32 $0x20;
	s12 =	rddreg [dreg:$0x6];
	s11 =	simm.s32 $0x3  }
.LBB2_4:
0x92: {  	p3 =	sge.u32 s6, s12  }
0x93: {  	s13 =	sand.u32 $0x1, s11;
	s12 =	smov.u32 s19;
	s16 =	sand.u32 @!p3 $0x1, s16  }
0x94: {  	s5 =	sadd.s32 $0x7, s13;
	s9 =	sand.u32 @!p3 $0x600, s9;
	s18 =	sadd.s32 @!p3 $0x5, s16  }
0x95: {  	s21 =	simm.s32 @!p3 $0x80;
	s17 =	sshll.u32 @!p3 s16, $0xE;
	_ =	swait.ge @!p3 [sflag:s18], $0x4000  }
0x96: {  	s9 =	sshrl.u32 @!p3 s9, $0x2;
	s16 =	sadd.s32 @!p3 $0x7, s16;
	[sflag:s18] =	ssyncset.done @!p3 $0x0  }
0x97: {  	s17 =	sor.u32 @!p3 $0x400, s17;
	s20 =	sor.u32 @!p3 $0x200, s9;
	[sflag:s18] =	ssyncadd.s32 @!p3 $0xFFFFC000  }
0x98: {  	[spmem:s1] =	stream.indirect.scatter.add.f32 @!p3 [tilespmem:s17], [sflag:s16], $0x80, s20, s21, $0xb8;
	[tilespmem:$0x1BC80] =	vst v63  }
0x99: {  	s19 =	smov.u32 s10;
	s10 =	sadd.s32 $0x1, s10;
	_ =	swait.ge [sflag:s5], $0x4000  }
0x9a: {  	p2 =	sne.s32 s10, $0x52;
	s21 =	sadd.s32 $0x40, s6;
	s18 =	rddreg [dreg:$0x4]  }
0x9b: {  	s20 =	rddreg [dreg:$0x5];
	[sflag:s5] =	ssyncset.done $0x0;
	s16 =	sadd.s32 s6, s18  }
0x9c: {  	[sflag:s5] =	ssyncadd.s32 $0xFFFFC000;
	p3 =	sge.u32 s21, s20;
	p4 =	sgt.u32 s16, $0x9C3  }
0x9d: {  	s11 =	sand.u32 @!p3 $0x3, s11;
	s16 =	sand.u32 @!p4 $0x3, s12;
	s18 =	simm.s32 @!p4 $0x0  }
0x9e: {  	s17 =	sadd.s32 @!p4 $0xFFFFFFF0, s8;
	s5 =	sadd.s32 @!p4 $0x1, s16;
	s16 =	sshll.u32 @!p4 s16, $0x7  }
0x9f: {  	[tilespmem:s16], [sflag:s5] =	stream.linear.gather @!p4 [hbm4b:s17+s18], $0x80, $0x38;
	[tilespmem:$0x1BC80] =	vst v63  }
0xa0: {  	s9 =	smov.u32 s30;
	s20 =	sadd.s32 @!p3 $0x1, s11;
	s16 =	sor.u32 @!p4 $0x200, s16  }
0xa1: {  	[tilespmem:s16], [sflag:s5] =	stream.linear.gather @!p4 [hbm4b:s8+s18], $0x80, $0x38;
	[tilespmem:$0x1BC80] =	vst v63  }
0xa2: {  	s30 =	sadd.s32 $0x200, s30;
	s6 =	sadd.s32 $0x20, s6;
	_ =	swait.ge @!p3 [sflag:s20], $0x80  }
0xa3: {  	s21 =	sshll.u32 @!p3 s11, $0x7;
	s11 =	sadd.s32 $0xFFFFFFFE, s19;
	[sflag:s20] =	ssyncset.done @!p3 $0x0  }
.Ltmp3:
0xa4: {  	s17 =	sshll.u32 @!p3 s13, $0xE;
	[sflag:s20] =	ssyncadd.s32 @!p3 $0xFFFFFF80;
	(pc) =	sbr.rel @p2 .LBB2_4-.Ltmp3, $4  }
0xa5: {  	s17 =	sor.u32 @!p3 $0x400, s17;
	s5 =	sadd.s32 @!p3 $0x5, s13;
	_ =	swait.ge @!p3 [sflag:s20], $0x80  }
0xa6: {  	s8 =	sadd.s32 $0x400, s8;
	s16 =	sadd.s32 $0xFFFFFFFD, s12;
	[sflag:s20] =	ssyncset.done @!p3 $0x0  }
0xa7: {  	s13 =	simm.s32 @!p3 $0x80;
	s12 =	rddreg [dreg:$0x6];
	[sflag:s20] =	ssyncadd.s32 @!p3 $0xFFFFFF80  }
0xa8: {  	[tilespmem:s17], [sflag:s5] =	stream.indirect.gather @!p3 [hbm4b:s4+s13], $0x80, s21, s13, $0xb8;
	[tilespmem:$0x1BC80] =	vst v63  }
0xa9: {  	p2 =	sge.u32 s6, s12  }
0xaa: {  	s5 =	sand.u32 $0x1, s11;
	s10 =	sand.u32 @!p2 $0x1, s16  }
0xab: {  	s21 =	sadd.s32 $0x7, s5;
	s9 =	sand.u32 @!p2 $0x600, s9;
	s13 =	sadd.s32 @!p2 $0x5, s10  }
0xac: {  	s17 =	simm.s32 @!p2 $0x80;
	s16 =	sshll.u32 @!p2 s10, $0xE;
	_ =	swait.ge @!p2 [sflag:s13], $0x4000  }
0xad: {  	s9 =	sshrl.u32 @!p2 s9, $0x2;
	s10 =	sadd.s32 @!p2 $0x7, s10;
	[sflag:s13] =	ssyncset.done @!p2 $0x0  }
0xae: {  	s16 =	sor.u32 @!p2 $0x400, s16;
	s9 =	sor.u32 @!p2 $0x200, s9;
	[sflag:s13] =	ssyncadd.s32 @!p2 $0xFFFFC000  }
0xaf: {  	[spmem:s1] =	stream.indirect.scatter.add.f32 @!p2 [tilespmem:s16], [sflag:s10], $0x80, s9, s17, $0xb8;
	[tilespmem:$0x1BC80] =	vst v63  }
0xb0: {  	_ =	swait.ge [sflag:s21], $0x4000  }
0xb1: {  	s18 =	sadd.s32 $0x40, s6;
	s16 =	rddreg [dreg:$0x4]  }
0xb2: {  	s17 =	rddreg [dreg:$0x5];
	[sflag:s21] =	ssyncset.done $0x0;
	s9 =	sadd.s32 s6, s16  }
0xb3: {  	[sflag:s21] =	ssyncadd.s32 $0xFFFFC000;
	p2 =	sge.u32 s18, s17;
	p3 =	sgt.u32 s9, $0x9C3  }
0xb4: {  	s11 =	sand.u32 @!p2 $0x3, s11;
	s12 =	sand.u32 @!p3 $0x3, s19;
	s13 =	simm.s32 @!p3 $0x0  }
0xb5: {  	s9 =	sadd.s32 @!p3 $0x1, s12;
	s10 =	sshll.u32 @!p3 s12, $0x7;
	s12 =	sadd.s32 @!p3 $0xFFFFFFF0, s8  }
0xb6: {  	[tilespmem:s10], [sflag:s9] =	stream.linear.gather @!p3 [hbm4b:s12+s13], $0x80, $0x38;
	[tilespmem:$0x1BC80] =	vst v63  }
0xb7: {  	s10 =	sor.u32 @!p3 $0x200, s10;
	s12 =	sadd.s32 @!p2 $0x1, s11  }
0xb8: {  	[tilespmem:s10], [sflag:s9] =	stream.linear.gather @!p3 [hbm4b:s8+s13], $0x80, $0x38;
	[tilespmem:$0x1BC80] =	vst v63  }
0xb9: {  	_ =	swait.ge @!p2 [sflag:s12], $0x80  }
0xba: {  	[sflag:s12] =	ssyncset.done @!p2 $0x0  }
0xbb: {  	s21 =	sadd.s32 $0x20, s6;
	[sflag:s12] =	ssyncadd.s32 @!p2 $0xFFFFFF80  }
0xbc: {  	s8 =	sshll.u32 @!p2 s5, $0xE;
	s9 =	sshll.u32 @!p2 s11, $0x7;
	_ =	swait.ge @!p2 [sflag:s12], $0x80  }
0xbd: {  	s5 =	sadd.s32 @!p2 $0x5, s5;
	s11 =	simm.s32 @!p2 $0x80;
	[sflag:s12] =	ssyncset.done @!p2 $0x0  }
0xbe: {  	s8 =	sor.u32 @!p2 $0x400, s8;
	s20 =	rddreg [dreg:$0x6];
	[sflag:s12] =	ssyncadd.s32 @!p2 $0xFFFFFF80  }
0xbf: {  	[tilespmem:s8], [sflag:s5] =	stream.indirect.gather @!p2 [hbm4b:s4+s11], $0x80, s9, s11, $0xb8;
	[tilespmem:$0x1BC80] =	vst v63  }
0xc0: {  	s5 =	sadd.s32 $0xFFFFFFFD, s19;
	p2 =	sge.u32 s21, s20  }
0xc1: {  	s5 =	sand.u32 @!p2 $0x1, s5  }
.Ltmp4:
0xc2: {  	s6 =	sand.u32 @!p2 $0x600, s30;
	s8 =	sadd.s32 @!p2 $0x5, s5;
	(pc) =	sbr.rel @p1 .LBB2_7-.Ltmp4, $4  }
0xc3: {  	s10 =	simm.s32 @!p2 $0x80;
	s9 =	sshll.u32 @!p2 s5, $0xE;
	_ =	swait.ge @!p2 [sflag:s8], $0x4000  }
0xc4: {  	s6 =	sshrl.u32 @!p2 s6, $0x2;
	s5 =	sadd.s32 @!p2 $0x7, s5;
	[sflag:s8] =	ssyncset.done @!p2 $0x0  }
0xc5: {  	s9 =	sor.u32 @!p2 $0x400, s9;
	s6 =	sor.u32 @!p2 $0x200, s6;
	[sflag:s8] =	ssyncadd.s32 @!p2 $0xFFFFC000  }
0xc6: {  	[spmem:s1] =	stream.indirect.scatter.add.f32 @!p2 [tilespmem:s9], [sflag:s5], $0x80, s6, s10, $0xb8;
	[tilespmem:$0x1BC80] =	vst v63  }
0xc7: {  	s5 =	simm.s32 $0x7  }
.Ltmp5:
0xc8: {  	_ =	swait.ge [sflag:s5], $0x4000;
	(pc) =	sbr.rel .LBB2_8-.Ltmp5, $3  }
0xc9: {  	[sflag:s5] =	ssyncset.done $0x0  }
0xca: {  	[sflag:s5] =	ssyncadd.s32 $0xFFFFC000  }
0xcb: {  	[bflag:$0x0] =	sbarrier.arrive $0xFFFF;
	_ =	sdelay $0x1  }
.LBB2_7:
.Ltmp6:
0xcc: {  	(pc) =	sbr.rel @p0 .LBB2_9-.Ltmp6, $2  }
0xcd: {  	_ =	sdelay $0x1  }
0xce: {  	[bflag:$0x0] =	sbarrier.arrive $0xFFFF;
	_ =	sdelay $0x1  }
.LBB2_8:
0xcf: {  	s5 =	rddreg [dreg:$0x13];
	s6 =	sshrl.u32 s7, $0x3  }
.Ltmp7:
0xd0: {  	s8 =	rddreg [dreg:$0xf];
	s5 =	sor.u32 $0x1C09, s5;
	(pc) =	sbr.rel .LBB2_10-.Ltmp7, $4  }
0xd1: {  	[hbm:s8], [sflag:s5] =	dma.local [spmem:s6], $0x2800  }
0xd2: {  	_ =	swait.ge [sflag:s0], $0x2800  }
0xd3: {  	[sflag:s0] =	ssyncset.done $0x0  }
0xd4: {  	[sflag:s0] =	ssyncadd.s32 $0xFFFFD800  }
.LBB2_11:
0xd5: {  	_ =	sfence.sel $0x180000  }
0xd6: {  	[bflag:$0x0] =	sbarrier.arrive $0xFFFF  }
0xd7: {  	_ =	strace $0x9000004A  }
0xd8: {  	s0 =	stileid.u32;
	[bflag:$0x2] =	sbarrier.arrive $0xFFFF  }
0xd9: {  	p0 =	sne.s32 s0, $0x0;
	s0 =	rddreg [dreg:$0x3]  }
0xda: {  	s0 =	sadd.s32 @!p0 $0x100000, s0  }
0xdb: {  	[sflag:s0] =	ssyncadd.tile.s32 @!p0 $0x1;
	_ =	shalt  }
.Lfunc_end2:
_tile_overlayer_lowered:
.L_overlay_start_2:
0xdc: {  	(tag) =	ssettag $0x2  }
0xdd: {  	s0 =	rddreg [dreg:$0x0];
	s2 =	stileid.u32  }
0xde: {  	s1 =	rddreg [dreg:$0x1];
	p0 =	sne.s32 s2, $0x0  }
0xdf: {  	s3 =	rddreg [dreg:$0x2];
	[bflag:$0x3] =	sbarrier.arrive $0xFFFF;
	s2 =	simm.s32 @!p0 $0x1C09  }
0xe0: {  	[timem:s3], [sflag:s2] =	dma.local @!p0 [hbm:s0], s1  }
0xe1: {  	s0 =	simm.s32 @!p0 $0x9  }
0xe2: {  	_ =	swait.ge @!p0 [sflag:s0], s1  }
0xe3: {  	s1 =	ssub.s32 @!p0 $0x0, s1;
	[sflag:s0] =	ssyncset.done @!p0 $0x0  }
0xe4: {  	[sflag:s0] =	ssyncadd.s32 @!p0 s1  }
0xe5: {  	[bflag:$0x3] =	sbarrier.arrive $0xFFFF  }
0xe6: {  	_ =	shalt  }

// kernel: kernel.14.cloned.1.call-start
scs
__scs_entry_jumppad:
0x0: {  	(pc) =	sbr.rel $0x88, $3  }
0x1: {  	(tag) =	ssettag $0x0;
	lr =	simm.s32 $0x1  }
0x2: {  	[smem:$0x3F9B] =	sst lr;
	_ =	strace $0xD0000000  }
0x3: {  	_ = 	snop  }
0x4: {  	_ = 	snop  }
0x5: {  	_ = 	snop  }
0x6: {  	_ = 	snop  }
0x7: {  	_ = 	snop  }
__scs_overlays_trampoline_lowered:
0x8: {  	[smem:$0x3FAA] =	sst s0  }
0x9: {  	[smem:$0x3FAB] =	sst s1  }
0xa: {  	[smem:$0x3FAC] =	sst s2  }
0xb: {  	[smem:$0x3FAD] =	sst s3  }
0xc: {  	[smem:$0x3FAE] =	sst s4  }
0xd: {  	[smem:$0x3FAF] =	sst s5  }
0xe: {  	[smem:$0x3FB0] =	sst s6  }
0xf: {  	[smem:$0x3FB1] =	sst s7  }
0x10: {  	[smem:$0x3FB2] =	sst s8  }
0x11: {  	[smem:$0x3FB3] =	sst s9;
	s0 =	simm.s32 @!p0 $0x0  }
0x12: {  	s1 =	sld [smem:$0x3F99];
	s0 =	simm.s32 @p0 $0x1  }
0x13: {  	[smem:$0x3FB4] =	sst s0;
	s0 =	simm.s32 @!p1 $0x0  }
0x14: {  	s2 =	sld [smem:$0x3F98];
	s0 =	simm.s32 @p1 $0x1  }
0x15: {  	[smem:$0x3FB5] =	sst s0;
	s0 =	simm.s32 @!p2 $0x0  }
0x16: {  	s3 =	sld [smem:$0x3FDB];
	s0 =	simm.s32 @p2 $0x1  }
0x17: {  	s4 =	simm.s32 $0x1BF5;
	[smem:$0x3FB7] =	sst s0  }
0x18: {  	s0 =	sld [smem:$0x3F9A];
	_ =	swait.ge [sflag:s4], $0x0  }
0x19: {  	s7 =	sld [smem:$0x3F9B]  }
0x1a: {  	s8 =	sadd.s32 $0xFFFFE003, lr  }
0x1b: {  	s9 =	sadd.s32 $0xFFFFFEF7, lr;
	s5 =	simm.s32 $0xFFFFFFFF;
	p2 =	slt.u32 s8, $0xFFFFF086  }
0x1c: {  	p1 =	slt.u32 s9, $0xF7A;
	s5 =	simm.s32 @!p2 $0x0  }
0x1d: {  	s5 =	simm.s32 @p1 $0x1;
	p0 =	seq.s32 s7, s2  }
0x1e: {  	s7 =	smul.u32 @!p0 $0xF7A, s2;
	p2 =	seq.s32 @!p0 s5, $0x0  }
0x1f: {  	s9 =	smul.u32 $0xF7A, s1;
	s8 =	simm.s32 @!p0 $0x1BF5;
	p2 =	por !p2, p0  }
0x20: {  	[sflag:s8] =	ssyncset.s32 @!p0 $0xFFFFF086;
	s6 =	sadd.s32 @!p0 s3, s7;
	s7 =	simm.s32 @!p0 $0x108  }
0x21: {  	s3 =	sadd.s32 s3, s9;
	s6 =	sadd.s32 @!p0 $0x88, s6;
	s7 =	simm.s32 @p2 $0x1082  }
0x22: {  	[simem:s7], [sflag:s8] =	dma.local @!p0 [hbm:s6], $0xF7A  }
0x23: {  	s9 =	sor.u32 $0xD0000000, s2;
	s6 =	simm.s32 $0x108;
	_ =	swait.ge @!p0 [sflag:s8], $0x0  }
0x24: {  	s3 =	sadd.s32 $0x88, s3;
	s6 =	simm.s32 @!p1 $0x1082;
	[sflag:s4] =	ssyncset.s32 $0xFFFFF086  }
0x25: {  	[simem:s6], [sflag:s4] =	dma.local [hbm:s3], $0xF7A  }
0x26: {  	[smem:$0x3F9B] =	sst s1;
	(tag) =	ssettag s2;
	_ =	strace s9  }
0x27: {  	s1 =	sld [smem:$0x3FAB]  }
0x28: {  	s2 =	sld [smem:$0x3FAC]  }
0x29: {  	s4 =	sld [smem:$0x3FAE]  }
0x2a: {  	p0 =	seq.s32 s5, $0x0;
	s5 =	sld [smem:$0x3FAF]  }
0x2b: {  	s6 =	sld [smem:$0x3FB0]  }
0x2c: {  	s7 =	sld [smem:$0x3FB1]  }
0x2d: {  	s3 =	simm.s32 $0x108;
	s8 =	sld [smem:$0x3FB2]  }
0x2e: {  	s3 =	simm.s32 @!p0 $0x1082;
	s9 =	sld [smem:$0x3FB3]  }
0x2f: {  	lr =	sadd.s32 s0, s3;
	s0 =	sld [smem:$0x3FAA]  }
0x30: {  	s3 =	sld [smem:$0x3FAD]  }
0x31: {  	[smem:$0x3FB6] =	sst s10  }
0x32: {  	s10 =	sld [smem:$0x3FB4];
	_ =	sdelay $0x3  }
0x33: {  	p0 =	seq.s32 s10, $0x1;
	s10 =	sld [smem:$0x3FB6];
	_ =	sdelay $0x3  }
0x34: {  	[smem:$0x3FB6] =	sst s10  }
0x35: {  	s10 =	sld [smem:$0x3FB5];
	_ =	sdelay $0x3  }
0x36: {  	p1 =	seq.s32 s10, $0x1;
	s10 =	sld [smem:$0x3FB6];
	_ =	sdelay $0x3  }
0x37: {  	[smem:$0x3FB6] =	sst s10  }
0x38: {  	s10 =	sld [smem:$0x3FB7]  }
0x39: {  	_ = 	snop;
	(pc) =	sbr.ind lr, $3  }
0x3a: {  	_ = 	snop  }
0x3b: {  	_ = 	snop  }
0x3c: {  	p2 =	seq.s32 s10, $0x1;
	s10 =	sld [smem:$0x3FB6]  }
0x3d: {  	_ =	shalt  }
0x3e: {  	_ =	shalt  }
0x3f: {  	_ =	shalt  }
0x40: {  	_ =	shalt  }
0x41: {  	_ =	shalt  }
0x42: {  	_ =	shalt  }
0x43: {  	_ =	shalt  }
0x44: {  	_ =	shalt  }
0x45: {  	_ =	shalt  }
0x46: {  	_ =	shalt  }
0x47: {  	_ =	shalt  }
0x48: {  	_ =	shalt  }
0x49: {  	_ =	shalt  }
0x4a: {  	_ =	shalt  }
0x4b: {  	_ =	shalt  }
0x4c: {  	_ =	shalt  }
0x4d: {  	_ =	shalt  }
0x4e: {  	_ =	shalt  }
0x4f: {  	_ =	shalt  }
0x50: {  	_ =	shalt  }
0x51: {  	_ =	shalt  }
0x52: {  	_ =	shalt  }
0x53: {  	_ =	shalt  }
0x54: {  	_ =	shalt  }
0x55: {  	_ =	shalt  }
0x56: {  	_ =	shalt  }
0x57: {  	_ =	shalt  }
0x58: {  	_ =	shalt  }
0x59: {  	_ =	shalt  }
0x5a: {  	_ =	shalt  }
0x5b: {  	_ =	shalt  }
0x5c: {  	_ =	shalt  }
0x5d: {  	_ =	shalt  }
0x5e: {  	_ =	shalt  }
0x5f: {  	_ =	shalt  }
0x60: {  	_ =	shalt  }
0x61: {  	_ =	shalt  }
0x62: {  	_ =	shalt  }
0x63: {  	_ =	shalt  }
0x64: {  	_ =	shalt  }
0x65: {  	_ =	shalt  }
0x66: {  	_ =	shalt  }
0x67: {  	_ =	shalt  }
0x68: {  	_ =	shalt  }
0x69: {  	_ =	shalt  }
0x6a: {  	_ =	shalt  }
0x6b: {  	_ =	shalt  }
0x6c: {  	_ =	shalt  }
0x6d: {  	_ =	shalt  }
0x6e: {  	_ =	shalt  }
0x6f: {  	_ =	shalt  }
0x70: {  	_ =	shalt  }
0x71: {  	_ =	shalt  }
0x72: {  	_ =	shalt  }
0x73: {  	_ =	shalt  }
0x74: {  	_ =	shalt  }
0x75: {  	_ =	shalt  }
0x76: {  	_ =	shalt  }
0x77: {  	_ =	shalt  }
0x78: {  	_ =	shalt  }
0x79: {  	_ =	shalt  }
0x7a: {  	_ =	shalt  }
0x7b: {  	_ =	shalt  }
0x7c: {  	_ =	shalt  }
0x7d: {  	_ =	shalt  }
0x7e: {  	_ =	shalt  }
0x7f: {  	_ =	shalt  }
0x80: {  	_ =	shalt  }
0x81: {  	_ =	shalt  }
0x82: {  	_ =	shalt  }
0x83: {  	_ =	shalt  }
0x84: {  	_ =	shalt  }
0x85: {  	_ =	shalt  }
0x86: {  	_ =	shalt  }
0x87: {  	_ =	shalt  }
.Lfunc_end0:
.L_simem_size_0:
called_computation.2_lowered:
.L_overlay_start_0:
0x88: {  	s2 =	sld [smem:$0x3FD9]  }
0x89: {  	s3 =	sld [smem:$0x3FFE];
	_ =	sdelay $0x1  }
0x8a: {  	s1 =	srdreg.scid  }
0x8b: {  	s0 =	sand.u32 $0x1, s1  }
0x8c: {  	s16 =	sshll.u32 s0, $0xA;
	s2 =	sadd.s32 s3, s2  }
0x8d: {  	s2 =	sadd.s32 s2, s16  }
0x8e: {  	[smem:$0x3FC2] =	sst s2  }
0x8f: {  	_ = 	snop  }
0x90: {  	(tm) =	ssettm $0x1  }
0x91: {  	s17 =	sld [smem:$0x3FFB];
	_ =	sdelay $0x3  }
0x92: {  	_ =	strace s17  }
0x93: {  	s2 =	sld [smem:$0x3FFC];
	_ =	sdelay $0x3  }
0x94: {  	_ =	strace s2  }
0x95: {  	s2 =	sld [smem:$0x3FFD];
	_ =	sdelay $0x3  }
0x96: {  	_ =	strace s2  }
0x97: {  	_ =	strace $0x8FFFFFFF  }
0x98: {  	s18 =	sld [smem:$0x3FDB];
	_ =	sdelay $0x1  }
0x99: {  	s19 =	simm.s32 $_scs_section_size  }
0x9a: {  	s4 =	simm.s32 $_size__tile_overlayer_lowered;
	s5 =	simm.s32 $_tile_overlayer_lowered  }
0x9b: {  	s22 =	simm.s32 $0x1BFF;
	s21 =	sshll.u32 s5, $0x1;
	s2 =	sadd.s32 s19, s18  }
0x9c: {  	s6 =	simm.s32 $0x0;
	s20 =	sshll.u32 s4, $0x1;
	s4 =	sadd.s32 s21, s2  }
0x9d: {  	[timem:s6], [sflag:s22] =	dma.local [hbm:s4], s20  }
0x9e: {  	_ =	swait.ge [sflag:s22], s20  }
0x9f: {  	s3 =	ssub.s32 $0x0, s20;
	[sflag:s22] =	ssyncset.done $0x0  }
0xa0: {  	[sflag:s22] =	ssyncadd.s32 s3;
	_ =	sdelay $0x1  }
0xa1: {  	s23 =	simm.s32 $0x1B8B  }
0xa2: {  	_ =	swait.ge [sflag:s23], $0x1  }
0xa3: {  	[sflag:s23] =	ssyncset.done $0x0  }
0xa4: {  	s25 =	simm.s32 $0x1B8E;
	s24 =	sld [smem:$0x3FFE];
	[sflag:s23] =	ssyncadd.s32 $0xFFFFFFFF  }
0xa5: {  	s26 =	simm.s32 $execute0_lowered;
	[smem:$0x3FD2] =	sst s25  }
0xa6: {  	s4 =	sshll.u32 s26, $0x1;
	_ =	strace $0x8000004C;
	[dreg:$0x1] =	wrdreg $0xFFFFFFFF  }
0xa7: {  	s28 =	simm.s32 $_size_execute0_lowered;
	s2 =	sadd.s32 s2, s4;
	[dreg:$0x0] =	wrdreg $0x0  }
0xa8: {  	s4 =	sshll.u32 s28, $0x1;
	[dreg:$0x2] =	wrdreg s2  }
0xa9: {  	[dreg:$0x3] =	wrdreg s4  }
0xaa: {  	[dreg:$0x4] =	wrdreg $0xC0  }
0xab: {  	_ =	task [dreg:s6], $0x5FFFF  }
0xac: {  	[dreg:$0x1] =	wrdreg $0xFFFFFFFF  }
0xad: {  	[dreg:$0x0] =	wrdreg $0x60  }
0xae: {  	[dreg:$0x2] =	wrdreg s24  }
0xaf: {  	[dreg:$0x3] =	wrdreg $0x28000  }
0xb0: {  	[dreg:$0x4] =	wrdreg $0x9  }
0xb1: {  	_ =	task.clear_ibuf [dreg:s6], $0x5FFFF;
	_ =	strace $0x9000004C  }
0xb2: {  	s29 =	simm.s32 $0x9;
	_ =	strace $0x8000004E  }
0xb3: {  	_ =	swait.ge [sflag:s29], $0x1  }
0xb4: {  	[sflag:s29] =	ssyncadd.s32 $0xFFFFFFFF  }
0xb5: {  	_ =	strace $0x9000004E  }
0xb6: {  	_ =	sfence  }
0xb7: {  	s30 =	sld [smem:$0x0];
	_ =	sdelay $0x2  }
0xb8: {  	s31 =	sshll.u32 s1, $0xD;
	s1 =	sshrl.u32 s1, $0x2  }
0xb9: {  	s3 =	sand.u32 $0x4000, s31;
	s1 =	sadd.s32 s1, s30  }
0xba: {  	s0 =	sor.u32 s3, s0;
	s1 =	sshll.u32 s1, $0x11  }
0xbb: {  	s0 =	sor.u32 s1, s0  }
0xbc: {  	s0 =	sadd.s32 $0x8F2B, s0  }
0xbd: {  	[sflag:s0] =	ssyncadd.remote.s32 $0x1  }
0xbe: {  	_ =	sfence.sel $0xFFFF  }
0xbf: {  	[dreg:$0x0] =	wrdreg $0xFFFFFFFF;
	(pc) =	sbr.abs _section_cstart, $3  }
0xc0: {  	[dreg:$0x1] =	wrdreg $0xFFFFFFFF  }
0xc1: {  	_ =	task.clear_ibuf [dreg:s6], $0x2FFFF;
	_ =	strace $0x9FFFFFFF  }
0xc2: {  	(tm) =	ssettm $0x7FFFFFFF  }
0xc3: {  	_ =	shalt  }
tec
execute0_lowered:
.L_overlay_start_1:
0x0: {  	(tag) =	ssettag $0x1  }
0x1: {  	s0 =	rddreg [dreg:$0x0]  }
0x2: {  	s1 =	rddreg [dreg:$0x1];
	s2 =	simm.s32 $0x0;
	s4 =	srdreg.scid  }
0x3: {  	s5 =	stileid.u32;
	s28 =	simm.s32 $0x9;
	s29 =	simm.s32 $0x0  }
0x4: {  	[smem:$0x7FF] =	sst s2;
	s3 =	sadd.s32 $0x2400, s0;
	s6 =	sand.u32 $0x1, s4  }
0x5: {  	s8 =	sshll.u32 s5, $0x1;
	s9 =	sadd.s32 $0x77800, s0;
	s11 =	smul.u32 $0xA000, s5  }
0x6: {  	s17 =	sadd.s32 $0x7400, s0;
	s0 =	sadd.s32 $0x77810, s0;
	s24 =	smul.u32 $0x2800, s5  }
0x7: {  	p1 =	seq.s32 s5, $0xF;
	p0 =	sne.s32 s5, $0x0;
	_ =	strace $0x8000004D  }
0x8: {  	s4 =	ssub.s32 $0x2, s6;
	s16 =	sor.u32 s6, s8;
	s19 =	ssub.s32 $0x4E2, s8  }
0x9: {  	s20 =	smul.u32 $0x27100, s6;
	s6 =	sshll.u32 s6, $0x5;
	s7 =	sshrl.u32 s4, $0x1  }
0xa: {  	s10 =	sshll.u32 s16, $0x5;
	s30 =	sshrl.u32 s11, $0x2;
	[dreg:$0x5] =	wrdreg s19  }
0xb: {  	s21 =	ssub.s32 $0x4E2, s16;
	s23 =	ssub.s32 s4, s7;
	s4 =	sadd.s32 s9, s10  }
0xc: {  	s12 =	sor.u32 $0x400, s10;
	s26 =	sadd.s32 s10, s0;
	[dreg:$0x6] =	wrdreg s21  }
0xd: {  	s10 =	sadd.s32 s30, s1;
	s30 =	sor.u32 $0x40, s16;
	[dreg:$0x8] =	wrdreg s26  }
0xe: {  	s19 =	sadd.s32 $0x25800, s1;
	s25 =	sadd.s32 $0x9C40, s4;
	[dreg:$0x3] =	wrdreg s30  }
0xf: {  	s8 =	sadd.s32 s24, s20;
	s31 =	sadd.s32 $0x9C50, s4;
	[dreg:$0x7] =	wrdreg s25  }
0x10: {  	s21 =	sadd.s32 $0x26800, s1;
	s0 =	sadd.s32 s12, s0;
	[dreg:$0x9] =	wrdreg s31  }
0x11: {  	s7 =	sadd.s32 s9, s12;
	s15 =	sadd.s32 $0x800, s10;
	[dreg:$0xb] =	wrdreg s0  }
0x12: {  	s18 =	sadd.s32 $0x1000, s10;
	s22 =	sadd.s32 $0x1800, s10;
	[dreg:$0xd] =	wrdreg s15  }
0x13: {  	s26 =	sshll.u32 s5, $0x6;
	s8 =	sshrl.u32 s8, $0x3;
	[dreg:$0xe] =	wrdreg s18  }
0x14: {  	s13 =	sadd.s32 $0x9C40, s7;
	s14 =	sadd.s32 $0x9C50, s7;
	[dreg:$0xf] =	wrdreg s22  }
0x15: {  	s25 =	sshrl.u32 s20, $0x3;
	[dreg:$0x10] =	wrdreg s26;
	s9 =	sadd.s32 s26, s9  }
0x16: {  	s8 =	sadd.s32 s17, s8;
	s18 =	sadd.s32 $0x2000, s10;
	[dreg:$0xa] =	wrdreg s13  }
.Ltmp0:
0x17: {  	s20 =	sadd.s32 $0x26000, s1;
	[dreg:$0xc] =	wrdreg s14;
	(pc) =	sbr.rel .LBB2_1-.Ltmp0, $4  }
0x18: {  	s0 =	sadd.s32 s17, s25;
	[dreg:$0x11] =	wrdreg s8;
	s6 =	sadd.s32 s6, s9  }
0x19: {  	s31 =	sadd.s32 s24, s1;
	[dreg:$0x4] =	wrdreg s6;
	s0 =	sadd.s32 $0x4B00, s0  }
0x1a: {  	s22 =	sadd.s32 $0x27000, s1;
	[dreg:$0x12] =	wrdreg s0;
	s0 =	sshrl.u32 s31, $0x3  }
0x1b: {  	v0 =	vimm.f32 $0.0e+00;
	s24 =	smax.u32 s23, $0x1;
	s26 =	simm.s32 $0x8;
	[dreg:$0x13] =	wrdreg s0  }
.LBB2_9:
0x1c: {  	s0 =	sshrl.u32 s19, $0x3;
	s5 =	rddreg [dreg:$0x12];
	s6 =	simm.s32 $0x1FC9  }
0x1d: {  	[hbm:s5], [sflag:s6] =	dma.local [spmem:s0], $0x320  }
0x1e: {  	_ =	swait.ge [sflag:s28], $0x320  }
0x1f: {  	[sflag:s28] =	ssyncset.done $0x0  }
0x20: {  	[sflag:s28] =	ssyncadd.s32 $0xFFFFFCE0  }
.LBB2_10:
0x21: {  	s29 =	sadd.s32 $0x1, s29  }
0x22: {  	p2 =	sne.s32 s29, s24  }
.Ltmp1:
0x23: {  	_ = 	snop;
	(pc) =	sbr.rel @!p2 .LBB2_11-.Ltmp1, $1  }
0x24: {  	_ =	sdelay $0x3  }
.LBB2_1:
0x25: {  	[tilespmem:s2], [sflag:$0x1] =	stream.linear.gather [hbm4b:s4+s2], $0x80, $0x38;
	[tilespmem:$0x4F10] =	vst v63  }
0x26: {  	s0 =	rddreg [dreg:$0x7];
	s5 =	simm.s32 $0x400  }
0x27: {  	[tilespmem:s5], [sflag:$0x1] =	stream.linear.gather [hbm4b:s0+s2], $0x80, $0x38;
	[tilespmem:$0x4F10] =	vst v63  }
0x28: {  	s11 =	rddreg [dreg:$0x8];
	s12 =	simm.s32 $0x80  }
0x29: {  	[tilespmem:s12], [sflag:$0x1] =	stream.linear.gather [hbm4b:s11+s2], $0x80, $0x38;
	[tilespmem:$0x4F10] =	vst v63  }
0x2a: {  	s13 =	rddreg [dreg:$0x9];
	s14 =	simm.s32 $0x480  }
0x2b: {  	[tilespmem:s14], [sflag:$0x1] =	stream.linear.gather [hbm4b:s13+s2], $0x80, $0x38;
	[tilespmem:$0x4F10] =	vst v63  }
0x2c: {  	s15 =	simm.s32 $0x100;
	s16 =	rddreg [dreg:$0xa]  }
0x2d: {  	[tilespmem:s15], [sflag:$0x2] =	stream.linear.gather [hbm4b:s7+s2], $0x80, $0x38;
	[tilespmem:$0x4F10] =	vst v63  }
0x2e: {  	s17 =	simm.s32 $0x500;
	s23 =	rddreg [dreg:$0xb]  }
0x2f: {  	[tilespmem:s17], [sflag:$0x2] =	stream.linear.gather [hbm4b:s16+s2], $0x80, $0x38;
	[tilespmem:$0x4F10] =	vst v63  }
0x30: {  	s25 =	simm.s32 $0x180;
	s30 =	rddreg [dreg:$0xc]  }
0x31: {  	[tilespmem:s25], [sflag:$0x2] =	stream.linear.gather [hbm4b:s23+s2], $0x80, $0x38;
	[tilespmem:$0x4F10] =	vst v63  }
0x32: {  	s31 =	simm.s32 $0x580;
	s0 =	simm.s32 $0x40;
	s5 =	simm.s32 $0x0  }
0x33: {  	[tilespmem:s31], [sflag:$0x2] =	stream.linear.gather [hbm4b:s30+s2], $0x80, $0x38;
	[tilespmem:$0x4F10] =	vst v63  }
.LBB2_2:
0x34: {  	p2 =	sne.s32 s0, $0x1FC0;
	[tilespmem:s5+$0x800] =	vst v0;
	s5 =	smov.u32 s0;
	s0 =	sadd.s32 $0x40, s0  }
.Ltmp2:
0x35: {  	(pc) =	sbr.rel @p2 .LBB2_2-.Ltmp2, $2  }
0x36: {  	_ =	sdelay $0x2  }
0x37: {  	s5 =	sshra.s32 s5, $0x2  }
0x38: {  	[tilespmem:s5+$0x800] =	vst v0;
	s0 =	simm.s32 @p1 $0x800;
	s5 =	simm.s32 @p1 $0x9  }
0x39: {  	[spmem:s19] =	stream.linear.scatter @p1 [tilespmem:s0], [sflag:$0x9], $0x800, $0x38;
	[tilespmem:$0x4F10] =	vst v63  }
0x3a: {  	_ =	swait.ge @p1 [sflag:s5], $0x800  }
0x3b: {  	[sflag:s5] =	ssyncset.done @p1 $0x0  }
0x3c: {  	[sflag:s5] =	ssyncadd.s32 @p1 $0xFFFFF800  }
0x3d: {  	[spmem:s20] =	stream.linear.scatter @p1 [tilespmem:s0], [sflag:$0x9], $0x800, $0x38;
	[tilespmem:$0x4F10] =	vst v63  }
0x3e: {  	_ =	swait.ge @p1 [sflag:s5], $0x800  }
0x3f: {  	[sflag:s5] =	ssyncset.done @p1 $0x0  }
0x40: {  	[sflag:s5] =	ssyncadd.s32 @p1 $0xFFFFF800  }
0x41: {  	[spmem:s21] =	stream.linear.scatter @p1 [tilespmem:s0], [sflag:$0x9], $0x800, $0x38;
	[tilespmem:$0x4F10] =	vst v63  }
0x42: {  	_ =	swait.ge @p1 [sflag:s5], $0x800  }
0x43: {  	[sflag:s5] =	ssyncset.done @p1 $0x0  }
0x44: {  	[sflag:s5] =	ssyncadd.s32 @p1 $0xFFFFF800  }
0x45: {  	[spmem:s22] =	stream.linear.scatter @p1 [tilespmem:s0], [sflag:$0x9], $0x100, $0x38;
	[tilespmem:$0x4F10] =	vst v63  }
0x46: {  	_ =	swait.ge @p1 [sflag:s5], $0x100  }
0x47: {  	[sflag:s5] =	ssyncset.done @p1 $0x0  }
0x48: {  	s0 =	simm.s32 @!p1 $0x800;
	[sflag:s5] =	ssyncadd.s32 @p1 $0xFFFFFF00;
	s5 =	simm.s32 @!p1 $0x9  }
0x49: {  	[spmem:s10] =	stream.linear.scatter @!p1 [tilespmem:s0], [sflag:$0x9], $0x800, $0x38;
	[tilespmem:$0x4F10] =	vst v63  }
0x4a: {  	_ =	swait.ge @!p1 [sflag:s5], $0x800  }
0x4b: {  	[sflag:s5] =	ssyncset.done @!p1 $0x0  }
0x4c: {  	s6 =	rddreg [dreg:$0xd];
	[sflag:s5] =	ssyncadd.s32 @!p1 $0xFFFFF800  }
0x4d: {  	[spmem:s6] =	stream.linear.scatter @!p1 [tilespmem:s0], [sflag:$0x9], $0x800, $0x38;
	[tilespmem:$0x4F10] =	vst v63  }
0x4e: {  	_ =	swait.ge @!p1 [sflag:s5], $0x800  }
0x4f: {  	[sflag:s5] =	ssyncset.done @!p1 $0x0  }
0x50: {  	s6 =	rddreg [dreg:$0xe];
	[sflag:s5] =	ssyncadd.s32 @!p1 $0xFFFFF800  }
0x51: {  	[spmem:s6] =	stream.linear.scatter @!p1 [tilespmem:s0], [sflag:$0x9], $0x800, $0x38;
	[tilespmem:$0x4F10] =	vst v63  }
0x52: {  	_ =	swait.ge @!p1 [sflag:s5], $0x800  }
0x53: {  	[sflag:s5] =	ssyncset.done @!p1 $0x0  }
0x54: {  	s6 =	rddreg [dreg:$0xf];
	[sflag:s5] =	ssyncadd.s32 @!p1 $0xFFFFF800  }
0x55: {  	[spmem:s6] =	stream.linear.scatter @!p1 [tilespmem:s0], [sflag:$0x9], $0x800, $0x38;
	[tilespmem:$0x4F10] =	vst v63  }
0x56: {  	_ =	swait.ge @!p1 [sflag:s5], $0x800  }
0x57: {  	[sflag:s5] =	ssyncset.done @!p1 $0x0  }
0x58: {  	[sflag:s5] =	ssyncadd.s32 @!p1 $0xFFFFF800  }
0x59: {  	[spmem:s18] =	stream.linear.scatter @!p1 [tilespmem:s0], [sflag:$0x9], $0x800, $0x38;
	[tilespmem:$0x4F10] =	vst v63  }
0x5a: {  	_ =	swait.ge @!p1 [sflag:s5], $0x800  }
0x5b: {  	p2 =	por $0x1, $0x1;
	s0 =	simm.s32 $0x0;
	[sflag:s5] =	ssyncset.done @!p1 $0x0  }
0x5c: {  	[sflag:s5] =	ssyncadd.s32 @!p1 $0xFFFFF800;
	s5 =	sand.u32 @!p2 $0x1, s0  }
0x5d: {  	[bflag:$0x0] =	sbarrier.arrive $0xFFFF;
	s5 =	sadd.s32 @!p2 $0x7, s5  }
0x5e: {  	_ =	swait.ge @!p2 [sflag:s5], $0x800  }
0x5f: {  	[sflag:s5] =	ssyncset.done @!p2 $0x0  }
0x60: {  	[sflag:s5] =	ssyncadd.s32 @!p2 $0xFFFFF800  }
0x61: {  	_ =	swait.ge @!p2 [sflag:s5], $0x800  }
0x62: {  	s25 =	rddreg [dreg:$0x3]  }
0x63: {  	s8 =	rddreg [dreg:$0x4]  }
0x64: {  	[sflag:s5] =	ssyncset.done @!p2 $0x0;
	s9 =	rddreg [dreg:$0x5];
	s6 =	sadd.s32 $0x0, s25  }
0x65: {  	[sflag:s5] =	ssyncadd.s32 @!p2 $0xFFFFF800;
	s5 =	simm.s32 $0x2;
	p3 =	sgt.u32 s6, $0x4E1  }
0x66: {  	s5 =	sand.u32 @!p3 $0x3, s5;
	s6 =	sadd.s32 @!p3 $0x0, s8;
	s8 =	simm.s32 @!p3 $0x0  }
0x67: {  	s16 =	sadd.s32 @!p3 $0x1, s5;
	s5 =	sshll.u32 @!p3 s5, $0x8;
	s17 =	sadd.s32 @!p3 $0x800, s6  }
0x68: {  	[tilespmem:s5], [sflag:s16] =	stream.linear.gather @!p3 [hbm4b:s17+s8], $0x80, $0x38;
	[tilespmem:$0x4F10] =	vst v63  }
0x69: {  	p2 =	sle.u32 s9, $0x0;
	s17 =	sadd.s32 @!p3 $0xA440, s6;
	s23 =	sor.u32 @!p3 $0x400, s5  }
0x6a: {  	[tilespmem:s23], [sflag:s16] =	stream.linear.gather @!p3 [hbm4b:s17+s8], $0x80, $0x38;
	[tilespmem:$0x4F10] =	vst v63  }
0x6b: {  	s9 =	sor.u32 @!p3 $0x80, s5;
	s17 =	sadd.s32 @!p3 $0x810, s6;
	s23 =	sand.u32 @!p2 $0x3, s0  }
0x6c: {  	[tilespmem:s9], [sflag:s16] =	stream.linear.gather @!p3 [hbm4b:s17+s8], $0x80, $0x38;
	[tilespmem:$0x4F10] =	vst v63  }
0x6d: {  	s5 =	sor.u32 @!p3 $0x480, s5;
	s6 =	sadd.s32 @!p3 $0xA450, s6;
	s9 =	sadd.s32 @!p2 $0x1, s23  }
0x6e: {  	[tilespmem:s5], [sflag:s16] =	stream.linear.gather @!p3 [hbm4b:s6+s8], $0x80, $0x38;
	[tilespmem:$0x4F10] =	vst v63  }
0x6f: {  	_ =	swait.ge @!p2 [sflag:s9], $0x80  }
0x70: {  	[sflag:s9] =	ssyncset.done @!p2 $0x0  }
0x71: {  	[sflag:s9] =	ssyncadd.s32 @!p2 $0xFFFFFF80  }
0x72: {  	_ =	swait.ge @!p2 [sflag:s9], $0x80  }
0x73: {  	[sflag:s9] =	ssyncset.done @!p2 $0x0  }
0x74: {  	[sflag:s9] =	ssyncadd.s32 @!p2 $0xFFFFFF80  }
0x75: {  	s30 =	simm.s32 $0x400;
	s31 =	simm.s32 $0x0;
	_ =	swait.ge @!p2 [sflag:s9], $0x80  }
0x76: {  	s0 =	sand.u32 @!p2 $0x1, s0;
	s17 =	simm.s32 $0x800;
	[sflag:s9] =	ssyncset.done @!p2 $0x0  }
0x77: {  	s6 =	simm.s32 $0xFFFFFF00;
	s5 =	sshll.u32 @!p2 s23, $0x8;
	[sflag:s9] =	ssyncadd.s32 @!p2 $0xFFFFFF80  }
0x78: {  	s8 =	sshll.u32 @!p2 s0, $0xC;
	p3 =	por $0x1, $0x1;
	_ =	swait.ge @!p2 [sflag:s9], $0x80  }
0x79: {  	s0 =	sadd.s32 @!p2 $0x5, s0;
	s23 =	sor.u32 @!p2 $0x800, s8;
	[sflag:s9] =	ssyncset.done @!p2 $0x0  }
0x7a: {  	s25 =	rddreg [dreg:$0x6];
	[sflag:s9] =	ssyncadd.s32 @!p2 $0xFFFFFF80;
	s9 =	simm.s32 @!p2 $0x80  }
0x7b: {  	[tilespmem:s23], [sflag:s0] =	stream.indirect.gather @!p2 [hbm4b:s3+s9], $0x10, s5, s9, $0xb8;
	[tilespmem:$0x4F10] =	vst v63  }
0x7c: {  	s16 =	sor.u32 @!p2 $0x80, s5;
	p4 =	sle.s32 @!p3 s25, $0xFFFFFFE0;
	s5 =	sadd.s32 @!p2 $0x1000, s8  }
0x7d: {  	s23 =	simm.s32 $0x20;
	s8 =	simm.s32 $0xFFFFFFFF;
	p3 =	por p4, p3  }
0x7e: {  	[tilespmem:s5], [sflag:s0] =	stream.indirect.gather @!p2 [hbm4b:s3+s9], $0x10, s16, s9, $0xb8;
	[tilespmem:$0x4F10] =	vst v63  }
0x7f: {  	s5 =	sand.u32 @!p3 $0x1, s8;
	s9 =	sand.u32 @!p3 $0x300, s6;
	s0 =	simm.s32 $0x1  }
0x80: {  	s16 =	sshll.u32 @!p3 s5, $0xC;
	s8 =	sadd.s32 @!p3 $0x5, s5;
	s6 =	sor.u32 @!p3 $0x400, s9  }
.LBB2_4:
0x81: {  	_ =	swait.ge @!p3 [sflag:s8], $0x800  }
0x82: {  	[sflag:s8] =	ssyncset.done @!p3 $0x0  }
0x83: {  	[sflag:s8] =	ssyncadd.s32 @!p3 $0xFFFFF800  }
0x84: {  	s11 =	sor.u32 @!p3 $0x800, s16;
	_ =	swait.ge @!p3 [sflag:s8], $0x800  }
0x85: {  	p4 =	slt.u32 s0, $0x2;
	s5 =	sadd.s32 @!p3 $0x7, s5;
	[sflag:s8] =	ssyncset.done @!p3 $0x0  }
0x86: {  	s14 =	simm.s32 @!p3 $0x80;
	s13 =	sand.u32 @!p4 $0x1, s0;
	[sflag:s8] =	ssyncadd.s32 @!p3 $0xFFFFF800  }
0x87: {  	[spmem:s1] =	stream.indirect.scatter.add.f32 @!p3 [tilespmem:s11], [sflag:s5], $0x10, s6, s14, $0xb8;
	[tilespmem:$0x4F10] =	vst v63  }
0x88: {  	s12 =	sadd.s32 @!p3 $0x1000, s16;
	s9 =	sor.u32 @!p3 $0x480, s9;
	s6 =	sadd.s32 @!p4 $0x7, s13  }
0x89: {  	[spmem:s1] =	stream.indirect.scatter.add.f32 @!p3 [tilespmem:s12], [sflag:s5], $0x10, s9, s14, $0xb8;
	[tilespmem:$0x4F10] =	vst v63  }
0x8a: {  	_ =	swait.ge @!p4 [sflag:s6], $0x800  }
0x8b: {  	[sflag:s6] =	ssyncset.done @!p4 $0x0  }
0x8c: {  	[sflag:s6] =	ssyncadd.s32 @!p4 $0xFFFFF800  }
0x8d: {  	_ =	swait.ge @!p4 [sflag:s6], $0x800  }
0x8e: {  	s15 =	rddreg [dreg:$0x3]  }
0x8f: {  	s16 =	smov.u32 s30;
	s8 =	rddreg [dreg:$0x4]  }
0x90: {  	[sflag:s6] =	ssyncset.done @!p4 $0x0;
	s9 =	rddreg [dreg:$0x5];
	s5 =	sadd.s32 s23, s15  }
0x91: {  	[sflag:s6] =	ssyncadd.s32 @!p4 $0xFFFFF800;
	s6 =	sadd.s32 $0x2, s0;
	p3 =	sgt.u32 s5, $0x4E1  }
0x92: {  	s5 =	sand.u32 @!p3 $0x3, s6;
	s6 =	sadd.s32 @!p3 s16, s8;
	s8 =	simm.s32 @!p3 $0x0  }
0x93: {  	s11 =	sadd.s32 @!p3 $0x1, s5;
	s5 =	sshll.u32 @!p3 s5, $0x8;
	s12 =	sadd.s32 @!p3 $0x800, s6  }
0x94: {  	[tilespmem:s5], [sflag:s11] =	stream.linear.gather @!p3 [hbm4b:s12+s8], $0x80, $0x38;
	[tilespmem:$0x4F10] =	vst v63  }
0x95: {  	p4 =	sge.u32 s23, s9;
	s13 =	sadd.s32 @!p3 $0xA440, s6;
	s12 =	sor.u32 @!p3 $0x400, s5  }
0x96: {  	[tilespmem:s12], [sflag:s11] =	stream.linear.gather @!p3 [hbm4b:s13+s8], $0x80, $0x38;
	[tilespmem:$0x4F10] =	vst v63  }
0x97: {  	s9 =	sand.u32 @!p4 $0x3, s0;
	s15 =	sadd.s32 @!p3 $0x810, s6;
	s14 =	sor.u32 @!p3 $0x80, s5  }
0x98: {  	[tilespmem:s14], [sflag:s11] =	stream.linear.gather @!p3 [hbm4b:s15+s8], $0x80, $0x38;
	[tilespmem:$0x4F10] =	vst v63  }
0x99: {  	s6 =	sadd.s32 @!p3 $0xA450, s6;
	s5 =	sor.u32 @!p3 $0x480, s5;
	s13 =	sadd.s32 @!p4 $0x1, s9  }
0x9a: {  	[tilespmem:s5], [sflag:s11] =	stream.linear.gather @!p3 [hbm4b:s6+s8], $0x80, $0x38;
	[tilespmem:$0x4F10] =	vst v63  }
0x9b: {  	_ =	swait.ge @!p4 [sflag:s13], $0x80  }
0x9c: {  	[sflag:s13] =	ssyncset.done @!p4 $0x0  }
0x9d: {  	[sflag:s13] =	ssyncadd.s32 @!p4 $0xFFFFFF80  }
0x9e: {  	_ =	swait.ge @!p4 [sflag:s13], $0x80  }
0x9f: {  	s30 =	smov.u32 s17;
	[sflag:s13] =	ssyncset.done @!p4 $0x0  }
0xa0: {  	s25 =	smov.u32 s31;
	s17 =	sadd.s32 $0x400, s17;
	[sflag:s13] =	ssyncadd.s32 @!p4 $0xFFFFFF80  }
0xa1: {  	s31 =	sadd.s32 $0x100, s31;
	p2 =	sne.s32 s17, $0xA400;
	_ =	swait.ge @!p4 [sflag:s13], $0x80  }
0xa2: {  	s12 =	sand.u32 @!p4 $0x1, s0;
	s9 =	sshll.u32 @!p4 s9, $0x8;
	[sflag:s13] =	ssyncset.done @!p4 $0x0  }
0xa3: {  	s14 =	sshll.u32 @!p4 s12, $0xC;
	s12 =	sadd.s32 @!p4 $0x5, s12;
	[sflag:s13] =	ssyncadd.s32 @!p4 $0xFFFFFF80  }
0xa4: {  	s11 =	sor.u32 @!p4 $0x80, s9;
	s5 =	sor.u32 @!p4 $0x800, s14;
	_ =	swait.ge @!p4 [sflag:s13], $0x80  }
0xa5: {  	s6 =	sadd.s32 $0xFFFFFFE0, s23;
	p3 =	seq.s32 s16, $0x0;
	[sflag:s13] =	ssyncset.done @!p4 $0x0  }
0xa6: {  	s8 =	rddreg [dreg:$0x6];
	[sflag:s13] =	ssyncadd.s32 @!p4 $0xFFFFFF80;
	s13 =	simm.s32 @!p4 $0x80  }
0xa7: {  	[tilespmem:s5], [sflag:s12] =	stream.indirect.gather @!p4 [hbm4b:s3+s13], $0x10, s9, s13, $0xb8;
	[tilespmem:$0x4F10] =	vst v63  }
.Ltmp3:
0xa8: {  	s14 =	sadd.s32 @!p4 $0x1000, s14;
	p5 =	sge.s32 @!p3 s6, s8;
	(pc) =	sbr.rel @p2 .LBB2_4-.Ltmp3, $4  }
0xa9: {  	s23 =	sadd.s32 $0x20, s23;
	s5 =	sadd.s32 $0xFFFFFFFF, s0;
	p3 =	por p5, p3  }
0xaa: {  	s0 =	sadd.s32 $0x1, s0;
	s5 =	sand.u32 @!p3 $0x1, s5;
	s9 =	sand.u32 @!p3 $0x300, s25  }
0xab: {  	s16 =	sshll.u32 @!p3 s5, $0xC;
	s8 =	sadd.s32 @!p3 $0x5, s5;
	s6 =	sor.u32 @!p3 $0x400, s9  }
0xac: {  	[tilespmem:s14], [sflag:s12] =	stream.indirect.gather @!p4 [hbm4b:s3+s13], $0x10, s11, s13, $0xb8;
	[tilespmem:$0x4F10] =	vst v63  }
0xad: {  	_ =	swait.ge @!p3 [sflag:s8], $0x800  }
0xae: {  	[sflag:s8] =	ssyncset.done @!p3 $0x0  }
0xaf: {  	[sflag:s8] =	ssyncadd.s32 @!p3 $0xFFFFF800  }
0xb0: {  	p2 =	slt.u32 s0, $0x2;
	_ =	swait.ge @!p3 [sflag:s8], $0x800  }
0xb1: {  	s11 =	sor.u32 @!p3 $0x800, s16;
	s5 =	sadd.s32 @!p3 $0x7, s5;
	[sflag:s8] =	ssyncset.done @!p3 $0x0  }
0xb2: {  	s13 =	simm.s32 @!p3 $0x80;
	s12 =	sand.u32 @!p2 $0x1, s0;
	[sflag:s8] =	ssyncadd.s32 @!p3 $0xFFFFF800  }
0xb3: {  	[spmem:s1] =	stream.indirect.scatter.add.f32 @!p3 [tilespmem:s11], [sflag:s5], $0x10, s6, s13, $0xb8;
	[tilespmem:$0x4F10] =	vst v63  }
0xb4: {  	s8 =	sor.u32 @!p3 $0x480, s9;
	s9 =	sadd.s32 @!p2 $0x7, s12;
	s6 =	sadd.s32 @!p3 $0x1000, s16  }
0xb5: {  	[spmem:s1] =	stream.indirect.scatter.add.f32 @!p3 [tilespmem:s6], [sflag:s5], $0x10, s8, s13, $0xb8;
	[tilespmem:$0x4F10] =	vst v63  }
0xb6: {  	_ =	swait.ge @!p2 [sflag:s9], $0x800  }
0xb7: {  	[sflag:s9] =	ssyncset.done @!p2 $0x0  }
0xb8: {  	[sflag:s9] =	ssyncadd.s32 @!p2 $0xFFFFF800  }
0xb9: {  	_ =	swait.ge @!p2 [sflag:s9], $0x800  }
0xba: {  	s17 =	rddreg [dreg:$0x3]  }
0xbb: {  	s6 =	rddreg [dreg:$0x4]  }
0xbc: {  	[sflag:s9] =	ssyncset.done @!p2 $0x0;
	s25 =	rddreg [dreg:$0x5];
	s5 =	sadd.s32 s23, s17  }
0xbd: {  	[sflag:s9] =	ssyncadd.s32 @!p2 $0xFFFFF800;
	s9 =	sadd.s32 $0x2, s0;
	p3 =	sgt.u32 s5, $0x4E1  }
0xbe: {  	s5 =	sand.u32 @!p3 $0x3, s9;
	s6 =	sadd.s32 @!p3 s30, s6;
	s9 =	simm.s32 @!p3 $0x0  }
0xbf: {  	s11 =	sadd.s32 @!p3 $0x1, s5;
	s5 =	sshll.u32 @!p3 s5, $0x8;
	s12 =	sadd.s32 @!p3 $0x800, s6  }
0xc0: {  	[tilespmem:s5], [sflag:s11] =	stream.linear.gather @!p3 [hbm4b:s12+s9], $0x80, $0x38;
	[tilespmem:$0x4F10] =	vst v63  }
0xc1: {  	p2 =	sge.u32 s23, s25;
	s12 =	sadd.s32 @!p3 $0xA440, s6;
	s13 =	sor.u32 @!p3 $0x400, s5  }
0xc2: {  	[tilespmem:s13], [sflag:s11] =	stream.linear.gather @!p3 [hbm4b:s12+s9], $0x80, $0x38;
	[tilespmem:$0x4F10] =	vst v63  }
0xc3: {  	s8 =	sor.u32 @!p3 $0x80, s5;
	s12 =	sadd.s32 @!p3 $0x810, s6;
	s13 =	sand.u32 @!p2 $0x3, s0  }
0xc4: {  	[tilespmem:s8], [sflag:s11] =	stream.linear.gather @!p3 [hbm4b:s12+s9], $0x80, $0x38;
	[tilespmem:$0x4F10] =	vst v63  }
0xc5: {  	s5 =	sor.u32 @!p3 $0x480, s5;
	s6 =	sadd.s32 @!p3 $0xA450, s6;
	s8 =	sadd.s32 @!p2 $0x1, s13  }
0xc6: {  	[tilespmem:s5], [sflag:s11] =	stream.linear.gather @!p3 [hbm4b:s6+s9], $0x80, $0x38;
	[tilespmem:$0x4F10] =	vst v63  }
0xc7: {  	_ =	swait.ge @!p2 [sflag:s8], $0x80  }
0xc8: {  	[sflag:s8] =	ssyncset.done @!p2 $0x0  }
0xc9: {  	[sflag:s8] =	ssyncadd.s32 @!p2 $0xFFFFFF80  }
0xca: {  	_ =	swait.ge @!p2 [sflag:s8], $0x80  }
0xcb: {  	[sflag:s8] =	ssyncset.done @!p2 $0x0  }
0xcc: {  	[sflag:s8] =	ssyncadd.s32 @!p2 $0xFFFFFF80  }
0xcd: {  	_ =	swait.ge @!p2 [sflag:s8], $0x80  }
0xce: {  	s12 =	sadd.s32 $0xFFFFFFE0, s23;
	s5 =	sand.u32 @!p2 $0x1, s0;
	[sflag:s8] =	ssyncset.done @!p2 $0x0  }
0xcf: {  	s6 =	sshll.u32 @!p2 s13, $0x8;
	p3 =	seq.s32 s30, $0x0;
	[sflag:s8] =	ssyncadd.s32 @!p2 $0xFFFFFF80  }
0xd0: {  	s9 =	sshll.u32 @!p2 s5, $0xC;
	s5 =	sadd.s32 @!p2 $0x5, s5;
	_ =	swait.ge @!p2 [sflag:s8], $0x80  }
0xd1: {  	s11 =	sor.u32 @!p2 $0x800, s9;
	[sflag:s8] =	ssyncset.done @!p2 $0x0;
	s13 =	rddreg [dreg:$0x6]  }
0xd2: {  	[sflag:s8] =	ssyncadd.s32 @!p2 $0xFFFFFF80;
	s8 =	simm.s32 @!p2 $0x80;
	p4 =	sge.s32 @!p3 s12, s13  }
0xd3: {  	[tilespmem:s11], [sflag:s5] =	stream.indirect.gather @!p2 [hbm4b:s3+s8], $0x10, s6, s8, $0xb8;
	[tilespmem:$0x4F10] =	vst v63  }
0xd4: {  	s0 =	sadd.s32 $0xFFFFFFFF, s0;
	p3 =	por p4, p3  }
0xd5: {  	s0 =	sand.u32 @!p3 $0x1, s0  }
0xd6: {  	s9 =	sadd.s32 @!p2 $0x1000, s9;
	s6 =	sor.u32 @!p2 $0x80, s6;
	s11 =	sadd.s32 @!p3 $0x5, s0  }
0xd7: {  	[tilespmem:s9], [sflag:s5] =	stream.indirect.gather @!p2 [hbm4b:s3+s8], $0x10, s6, s8, $0xb8;
	[tilespmem:$0x4F10] =	vst v63  }
0xd8: {  	_ =	swait.ge @!p3 [sflag:s11], $0x800  }
0xd9: {  	[sflag:s11] =	ssyncset.done @!p3 $0x0  }
0xda: {  	s12 =	simm.s32 @!p3 $0x80;
	[sflag:s11] =	ssyncadd.s32 @!p3 $0xFFFFF800  }
0xdb: {  	s5 =	sand.u32 @!p3 $0x300, s31;
	s6 =	sshll.u32 @!p3 s0, $0xC;
	_ =	swait.ge @!p3 [sflag:s11], $0x800  }
.Ltmp4:
0xdc: {  	s0 =	sadd.s32 @!p3 $0x7, s0;
	[sflag:s11] =	ssyncset.done @!p3 $0x0;
	(pc) =	sbr.rel @!p0 .LBB2_6-.Ltmp4, $4  }
0xdd: {  	s8 =	sor.u32 @!p3 $0x400, s5;
	s9 =	sor.u32 @!p3 $0x800, s6;
	[sflag:s11] =	ssyncadd.s32 @!p3 $0xFFFFF800  }
0xde: {  	[spmem:s1] =	stream.indirect.scatter.add.f32 @!p3 [tilespmem:s9], [sflag:s0], $0x10, s8, s12, $0xb8;
	[tilespmem:$0x4F10] =	vst v63  }
0xdf: {  	s6 =	sadd.s32 @!p3 $0x1000, s6;
	s5 =	sor.u32 @!p3 $0x480, s5  }
0xe0: {  	[spmem:s1] =	stream.indirect.scatter.add.f32 @!p3 [tilespmem:s6], [sflag:s0], $0x10, s5, s12, $0xb8;
	[tilespmem:$0x4F10] =	vst v63  }
.Ltmp5:
0xe1: {  	(pc) =	sbr.rel @p1 .LBB2_9-.Ltmp5, $4  }
.Ltmp6:
0xe2: {  	(pc) =	sbr.rel @!p1 .LBB2_8-.Ltmp6, $4  }
0xe3: {  	_ = 	snop  }
0xe4: {  	[bflag:$0x0] =	sbarrier.arrive $0xFFFF  }
0xe5: {  	_ = 	snop  }
0xe6: {  	_ = 	snop  }
.LBB2_6:
0xe7: {  	_ =	swait.ge [sflag:s26], $0x800  }
0xe8: {  	[sflag:s26] =	ssyncset.done $0x0  }
0xe9: {  	[sflag:s26] =	ssyncadd.s32 $0xFFFFF800  }
0xea: {  	_ =	swait.ge [sflag:s26], $0x800  }
0xeb: {  	[sflag:s26] =	ssyncset.done $0x0  }
0xec: {  	[sflag:s26] =	ssyncadd.s32 $0xFFFFF800  }
0xed: {  	[bflag:$0x0] =	sbarrier.arrive $0xFFFF  }
.LBB2_8:
0xee: {  	s0 =	rddreg [dreg:$0x10]  }
0xef: {  	s5 =	rddreg [dreg:$0x11]  }
.Ltmp7:
0xf0: {  	s6 =	rddreg [dreg:$0x13];
	s0 =	sor.u32 $0x1C09, s0;
	(pc) =	sbr.rel .LBB2_10-.Ltmp7, $4  }
0xf1: {  	[hbm:s5], [sflag:s0] =	dma.local [spmem:s6], $0x500  }
0xf2: {  	_ =	swait.ge [sflag:s28], $0x500  }
0xf3: {  	[sflag:s28] =	ssyncset.done $0x0  }
0xf4: {  	[sflag:s28] =	ssyncadd.s32 $0xFFFFFB00  }
.LBB2_11:
0xf5: {  	_ =	sfence.sel $0x180000  }
0xf6: {  	[bflag:$0x0] =	sbarrier.arrive $0xFFFF  }
0xf7: {  	_ =	strace $0x9000004D  }
0xf8: {  	[bflag:$0x2] =	sbarrier.arrive $0xFFFF  }
0xf9: {  	s0 =	rddreg [dreg:$0x2]  }
0xfa: {  	s0 =	sadd.s32 @!p0 $0x100000, s0  }
0xfb: {  	[sflag:s0] =	ssyncadd.tile.s32 @!p0 $0x1;
	_ =	shalt  }
.Lfunc_end2:
_tile_overlayer_lowered:
.L_overlay_start_2:
0xfc: {  	(tag) =	ssettag $0x2  }
0xfd: {  	s0 =	rddreg [dreg:$0x0];
	s2 =	stileid.u32  }
0xfe: {  	s1 =	rddreg [dreg:$0x1];
	p0 =	sne.s32 s2, $0x0  }
0xff: {  	s3 =	rddreg [dreg:$0x2];
	[bflag:$0x3] =	sbarrier.arrive $0xFFFF;
	s2 =	simm.s32 @!p0 $0x1C09  }
0x100: {  	[timem:s3], [sflag:s2] =	dma.local @!p0 [hbm:s0], s1  }
0x101: {  	s0 =	simm.s32 @!p0 $0x9  }
0x102: {  	_ =	swait.ge @!p0 [sflag:s0], s1  }
0x103: {  	s1 =	ssub.s32 @!p0 $0x0, s1;
	[sflag:s0] =	ssyncset.done @!p0 $0x0  }
0x104: {  	[sflag:s0] =	ssyncadd.s32 @!p0 s1  }
0x105: {  	[bflag:$0x3] =	sbarrier.arrive $0xFFFF  }
0x106: {  	_ =	shalt  }

// kernel: kernel.8.cloned.1.call-start
scs
__scs_entry_jumppad:
0x0: {  	(pc) =	sbr.rel $0x88, $3  }
0x1: {  	(tag) =	ssettag $0x0;
	lr =	simm.s32 $0x1  }
0x2: {  	[smem:$0x3F9B] =	sst lr;
	_ =	strace $0xD0000000  }
0x3: {  	_ = 	snop  }
0x4: {  	_ = 	snop  }
0x5: {  	_ = 	snop  }
0x6: {  	_ = 	snop  }
0x7: {  	_ = 	snop  }
__scs_overlays_trampoline_lowered:
0x8: {  	[smem:$0x3FAA] =	sst s0  }
0x9: {  	[smem:$0x3FAB] =	sst s1  }
0xa: {  	[smem:$0x3FAC] =	sst s2  }
0xb: {  	[smem:$0x3FAD] =	sst s3  }
0xc: {  	[smem:$0x3FAE] =	sst s4  }
0xd: {  	[smem:$0x3FAF] =	sst s5  }
0xe: {  	[smem:$0x3FB0] =	sst s6  }
0xf: {  	[smem:$0x3FB1] =	sst s7  }
0x10: {  	[smem:$0x3FB2] =	sst s8  }
0x11: {  	[smem:$0x3FB3] =	sst s9;
	s0 =	simm.s32 @!p0 $0x0  }
0x12: {  	s1 =	sld [smem:$0x3F99];
	s0 =	simm.s32 @p0 $0x1  }
0x13: {  	[smem:$0x3FB4] =	sst s0;
	s0 =	simm.s32 @!p1 $0x0  }
0x14: {  	s2 =	sld [smem:$0x3F98];
	s0 =	simm.s32 @p1 $0x1  }
0x15: {  	[smem:$0x3FB5] =	sst s0;
	s0 =	simm.s32 @!p2 $0x0  }
0x16: {  	s3 =	sld [smem:$0x3FDB];
	s0 =	simm.s32 @p2 $0x1  }
0x17: {  	s4 =	simm.s32 $0x1BF5;
	[smem:$0x3FB7] =	sst s0  }
0x18: {  	s0 =	sld [smem:$0x3F9A];
	_ =	swait.ge [sflag:s4], $0x0  }
0x19: {  	s7 =	sld [smem:$0x3F9B]  }
0x1a: {  	s8 =	sadd.s32 $0xFFFFE003, lr  }
0x1b: {  	s9 =	sadd.s32 $0xFFFFFEF7, lr;
	s5 =	simm.s32 $0xFFFFFFFF;
	p2 =	slt.u32 s8, $0xFFFFF086  }
0x1c: {  	p1 =	slt.u32 s9, $0xF7A;
	s5 =	simm.s32 @!p2 $0x0  }
0x1d: {  	s5 =	simm.s32 @p1 $0x1;
	p0 =	seq.s32 s7, s2  }
0x1e: {  	s7 =	smul.u32 @!p0 $0xF7A, s2;
	p2 =	seq.s32 @!p0 s5, $0x0  }
0x1f: {  	s9 =	smul.u32 $0xF7A, s1;
	s8 =	simm.s32 @!p0 $0x1BF5;
	p2 =	por !p2, p0  }
0x20: {  	[sflag:s8] =	ssyncset.s32 @!p0 $0xFFFFF086;
	s6 =	sadd.s32 @!p0 s3, s7;
	s7 =	simm.s32 @!p0 $0x108  }
0x21: {  	s3 =	sadd.s32 s3, s9;
	s6 =	sadd.s32 @!p0 $0x88, s6;
	s7 =	simm.s32 @p2 $0x1082  }
0x22: {  	[simem:s7], [sflag:s8] =	dma.local @!p0 [hbm:s6], $0xF7A  }
0x23: {  	s9 =	sor.u32 $0xD0000000, s2;
	s6 =	simm.s32 $0x108;
	_ =	swait.ge @!p0 [sflag:s8], $0x0  }
0x24: {  	s3 =	sadd.s32 $0x88, s3;
	s6 =	simm.s32 @!p1 $0x1082;
	[sflag:s4] =	ssyncset.s32 $0xFFFFF086  }
0x25: {  	[simem:s6], [sflag:s4] =	dma.local [hbm:s3], $0xF7A  }
0x26: {  	[smem:$0x3F9B] =	sst s1;
	(tag) =	ssettag s2;
	_ =	strace s9  }
0x27: {  	s1 =	sld [smem:$0x3FAB]  }
0x28: {  	s2 =	sld [smem:$0x3FAC]  }
0x29: {  	s4 =	sld [smem:$0x3FAE]  }
0x2a: {  	p0 =	seq.s32 s5, $0x0;
	s5 =	sld [smem:$0x3FAF]  }
0x2b: {  	s6 =	sld [smem:$0x3FB0]  }
0x2c: {  	s7 =	sld [smem:$0x3FB1]  }
0x2d: {  	s3 =	simm.s32 $0x108;
	s8 =	sld [smem:$0x3FB2]  }
0x2e: {  	s3 =	simm.s32 @!p0 $0x1082;
	s9 =	sld [smem:$0x3FB3]  }
0x2f: {  	lr =	sadd.s32 s0, s3;
	s0 =	sld [smem:$0x3FAA]  }
0x30: {  	s3 =	sld [smem:$0x3FAD]  }
0x31: {  	[smem:$0x3FB6] =	sst s10  }
0x32: {  	s10 =	sld [smem:$0x3FB4];
	_ =	sdelay $0x3  }
0x33: {  	p0 =	seq.s32 s10, $0x1;
	s10 =	sld [smem:$0x3FB6];
	_ =	sdelay $0x3  }
0x34: {  	[smem:$0x3FB6] =	sst s10  }
0x35: {  	s10 =	sld [smem:$0x3FB5];
	_ =	sdelay $0x3  }
0x36: {  	p1 =	seq.s32 s10, $0x1;
	s10 =	sld [smem:$0x3FB6];
	_ =	sdelay $0x3  }
0x37: {  	[smem:$0x3FB6] =	sst s10  }
0x38: {  	s10 =	sld [smem:$0x3FB7]  }
0x39: {  	_ = 	snop;
	(pc) =	sbr.ind lr, $3  }
0x3a: {  	_ = 	snop  }
0x3b: {  	_ = 	snop  }
0x3c: {  	p2 =	seq.s32 s10, $0x1;
	s10 =	sld [smem:$0x3FB6]  }
0x3d: {  	_ =	shalt  }
0x3e: {  	_ =	shalt  }
0x3f: {  	_ =	shalt  }
0x40: {  	_ =	shalt  }
0x41: {  	_ =	shalt  }
0x42: {  	_ =	shalt  }
0x43: {  	_ =	shalt  }
0x44: {  	_ =	shalt  }
0x45: {  	_ =	shalt  }
0x46: {  	_ =	shalt  }
0x47: {  	_ =	shalt  }
0x48: {  	_ =	shalt  }
0x49: {  	_ =	shalt  }
0x4a: {  	_ =	shalt  }
0x4b: {  	_ =	shalt  }
0x4c: {  	_ =	shalt  }
0x4d: {  	_ =	shalt  }
0x4e: {  	_ =	shalt  }
0x4f: {  	_ =	shalt  }
0x50: {  	_ =	shalt  }
0x51: {  	_ =	shalt  }
0x52: {  	_ =	shalt  }
0x53: {  	_ =	shalt  }
0x54: {  	_ =	shalt  }
0x55: {  	_ =	shalt  }
0x56: {  	_ =	shalt  }
0x57: {  	_ =	shalt  }
0x58: {  	_ =	shalt  }
0x59: {  	_ =	shalt  }
0x5a: {  	_ =	shalt  }
0x5b: {  	_ =	shalt  }
0x5c: {  	_ =	shalt  }
0x5d: {  	_ =	shalt  }
0x5e: {  	_ =	shalt  }
0x5f: {  	_ =	shalt  }
0x60: {  	_ =	shalt  }
0x61: {  	_ =	shalt  }
0x62: {  	_ =	shalt  }
0x63: {  	_ =	shalt  }
0x64: {  	_ =	shalt  }
0x65: {  	_ =	shalt  }
0x66: {  	_ =	shalt  }
0x67: {  	_ =	shalt  }
0x68: {  	_ =	shalt  }
0x69: {  	_ =	shalt  }
0x6a: {  	_ =	shalt  }
0x6b: {  	_ =	shalt  }
0x6c: {  	_ =	shalt  }
0x6d: {  	_ =	shalt  }
0x6e: {  	_ =	shalt  }
0x6f: {  	_ =	shalt  }
0x70: {  	_ =	shalt  }
0x71: {  	_ =	shalt  }
0x72: {  	_ =	shalt  }
0x73: {  	_ =	shalt  }
0x74: {  	_ =	shalt  }
0x75: {  	_ =	shalt  }
0x76: {  	_ =	shalt  }
0x77: {  	_ =	shalt  }
0x78: {  	_ =	shalt  }
0x79: {  	_ =	shalt  }
0x7a: {  	_ =	shalt  }
0x7b: {  	_ =	shalt  }
0x7c: {  	_ =	shalt  }
0x7d: {  	_ =	shalt  }
0x7e: {  	_ =	shalt  }
0x7f: {  	_ =	shalt  }
0x80: {  	_ =	shalt  }
0x81: {  	_ =	shalt  }
0x82: {  	_ =	shalt  }
0x83: {  	_ =	shalt  }
0x84: {  	_ =	shalt  }
0x85: {  	_ =	shalt  }
0x86: {  	_ =	shalt  }
0x87: {  	_ =	shalt  }
.Lfunc_end0:
.L_simem_size_0:
called_computation_lowered:
.L_overlay_start_0:
0x88: {  	s2 =	sld [smem:$0x3FD9]  }
0x89: {  	s3 =	sld [smem:$0x3FFE];
	_ =	sdelay $0x1  }
0x8a: {  	s1 =	srdreg.scid  }
0x8b: {  	s0 =	sand.u32 $0x1, s1  }
0x8c: {  	s17 =	sshll.u32 s0, $0xA;
	s2 =	sadd.s32 s3, s2  }
0x8d: {  	s2 =	sadd.s32 s2, s17  }
0x8e: {  	[smem:$0x3FC2] =	sst s2  }
0x8f: {  	_ = 	snop  }
0x90: {  	s2 =	sld [smem:$0x3FC8];
	(tm) =	ssettm $0x1  }
0x91: {  	s18 =	sld [smem:$0x3FFB];
	_ =	sdelay $0x3  }
0x92: {  	_ =	strace s18  }
0x93: {  	s3 =	sld [smem:$0x3FFC];
	_ =	sdelay $0x3  }
0x94: {  	_ =	strace s3  }
0x95: {  	s3 =	sld [smem:$0x3FFD];
	_ =	sdelay $0x3  }
0x96: {  	_ =	strace s3  }
0x97: {  	_ =	strace $0x8FFFFFFF  }
0x98: {  	s19 =	sld [smem:$0x3FDB];
	_ =	sdelay $0x1  }
0x99: {  	s4 =	simm.s32 $_scs_section_size  }
0x9a: {  	s5 =	simm.s32 $_size__tile_overlayer_lowered;
	s6 =	simm.s32 $_tile_overlayer_lowered  }
0x9b: {  	s22 =	simm.s32 $0x1BFF;
	s21 =	sshll.u32 s6, $0x1;
	s3 =	sadd.s32 s4, s19  }
0x9c: {  	s7 =	simm.s32 $0x0;
	s20 =	sshll.u32 s5, $0x1;
	s5 =	sadd.s32 s21, s3  }
0x9d: {  	[timem:s7], [sflag:s22] =	dma.local [hbm:s5], s20  }
0x9e: {  	_ =	swait.ge [sflag:s22], s20  }
0x9f: {  	s4 =	ssub.s32 $0x0, s20;
	[sflag:s22] =	ssyncset.done $0x0  }
0xa0: {  	[sflag:s22] =	ssyncadd.s32 s4;
	_ =	sdelay $0x1  }
0xa1: {  	s23 =	simm.s32 $0x1B8B  }
0xa2: {  	_ =	swait.ge [sflag:s23], $0x1  }
0xa3: {  	[sflag:s23] =	ssyncset.done $0x0  }
0xa4: {  	s25 =	simm.s32 $0x1B8E;
	s24 =	sld [smem:$0x3FFE];
	[sflag:s23] =	ssyncadd.s32 $0xFFFFFFFF  }
0xa5: {  	s26 =	simm.s32 $execute0_lowered;
	[smem:$0x3FD2] =	sst s25  }
0xa6: {  	s5 =	sshll.u32 s26, $0x1;
	_ =	strace $0x80000046;
	[dreg:$0x1] =	wrdreg $0xFFFFFFFF  }
0xa7: {  	s28 =	simm.s32 $_size_execute0_lowered;
	s3 =	sadd.s32 s3, s5;
	[dreg:$0x0] =	wrdreg $0x0  }
0xa8: {  	s5 =	sshll.u32 s28, $0x1;
	[dreg:$0x2] =	wrdreg s3  }
0xa9: {  	[dreg:$0x3] =	wrdreg s5  }
0xaa: {  	[dreg:$0x4] =	wrdreg $0xC0  }
0xab: {  	_ =	task [dreg:s7], $0x5FFFF  }
0xac: {  	[dreg:$0x1] =	wrdreg $0xFFFFFFFF  }
0xad: {  	[dreg:$0x0] =	wrdreg $0x60  }
0xae: {  	[dreg:$0x2] =	wrdreg s2  }
0xaf: {  	[dreg:$0x3] =	wrdreg s24  }
0xb0: {  	[dreg:$0x4] =	wrdreg $0x5000  }
0xb1: {  	[dreg:$0x5] =	wrdreg $0x7780  }
0xb2: {  	[dreg:$0x6] =	wrdreg $0x9  }
0xb3: {  	_ =	task.clear_ibuf [dreg:s7], $0x7FFFF;
	_ =	strace $0x90000046  }
0xb4: {  	s29 =	simm.s32 $0x9;
	_ =	strace $0x80000048  }
0xb5: {  	_ =	swait.ge [sflag:s29], $0x1  }
0xb6: {  	[sflag:s29] =	ssyncadd.s32 $0xFFFFFFFF  }
0xb7: {  	_ =	strace $0x90000048  }
0xb8: {  	_ =	sfence  }
0xb9: {  	s30 =	sld [smem:$0x0];
	_ =	sdelay $0x2  }
0xba: {  	s31 =	sshll.u32 s1, $0xD;
	s1 =	sshrl.u32 s1, $0x2  }
0xbb: {  	s3 =	sand.u32 $0x4000, s31;
	s1 =	sadd.s32 s1, s30  }
0xbc: {  	s0 =	sor.u32 s3, s0;
	s1 =	sshll.u32 s1, $0x11  }
0xbd: {  	s0 =	sor.u32 s1, s0  }
0xbe: {  	s0 =	sadd.s32 $0x8F2B, s0  }
0xbf: {  	[sflag:s0] =	ssyncadd.remote.s32 $0x1  }
0xc0: {  	_ =	sfence.sel $0xFFFF  }
0xc1: {  	[dreg:$0x0] =	wrdreg $0xFFFFFFFF;
	(pc) =	sbr.abs _section_cstart, $3  }
0xc2: {  	[dreg:$0x1] =	wrdreg $0xFFFFFFFF  }
0xc3: {  	_ =	task.clear_ibuf [dreg:s7], $0x2FFFF;
	_ =	strace $0x9FFFFFFF  }
0xc4: {  	(tm) =	ssettm $0x7FFFFFFF  }
0xc5: {  	_ =	shalt  }
tec
execute0_lowered:
.L_overlay_start_1:
0x0: {  	(tag) =	ssettag $0x1  }
0x1: {  	s0 =	rddreg [dreg:$0x0]  }
0x2: {  	s4 =	rddreg [dreg:$0x1]  }
0x3: {  	s1 =	rddreg [dreg:$0x2]  }
0x4: {  	s2 =	rddreg [dreg:$0x3]  }
0x5: {  	s3 =	simm.s32 $0x0;
	s5 =	srdreg.scid;
	s12 =	stileid.u32  }
0x6: {  	[smem:$0x7FF] =	sst s3;
	s5 =	sand.u32 $0x1, s5;
	s8 =	smul.u32 $0x280, s12  }
0x7: {  	s9 =	sshll.u32 s12, $0x1;
	s20 =	sadd.s32 $0x2580, s1;
	s21 =	sadd.s32 $0x2580, s2  }
0x8: {  	s22 =	sadd.s32 $0x2600, s1;
	s24 =	sshll.u32 s12, $0x6;
	s25 =	sadd.s32 $0x2600, s2  }
0x9: {  	p0 =	slt.u32 s12, $0x2;
	_ =	strace $0x80000047;
	[dreg:$0xf] =	wrdreg s20  }
0xa: {  	p1 =	seq.s32 s12, $0xF;
	s28 =	sadd.s32 $0x2680, s2;
	[dreg:$0x10] =	wrdreg s21  }
0xb: {  	s29 =	sadd.s32 $0x2700, s1;
	s30 =	sadd.s32 $0x2700, s2;
	[dreg:$0x11] =	wrdreg s22  }
0xc: {  	s6 =	smul.u32 $0x9E0, s5;
	s7 =	ssub.s32 $0x2, s5;
	[dreg:$0x12] =	wrdreg s25  }
0xd: {  	s20 =	ssub.s32 $0x9C4, s9;
	p2 =	sne.s32 @p0 s12, $0x0;
	s11 =	sshrl.u32 s7, $0x1  }
0xe: {  	s10 =	sadd.s32 s8, s1;
	s13 =	sadd.s32 s8, s2;
	s14 =	sadd.s32 $0x80, s8  }
0xf: {  	s17 =	sadd.s32 $0x180, s8;
	p2 =	por p2, !p0;
	[dreg:$0x5] =	wrdreg s10  }
0x10: {  	s4 =	sadd.s32 s6, s4;
	[dreg:$0x6] =	wrdreg s13;
	s13 =	sadd.s32 s14, s1  }
0x11: {  	s6 =	ssub.s32 s7, s11;
	s10 =	sadd.s32 s14, s2;
	[dreg:$0x7] =	wrdreg s13  }
0x12: {  	s11 =	sadd.s32 $0x100, s8;
	s18 =	sadd.s32 s17, s1;
	[dreg:$0x8] =	wrdreg s10  }
0x13: {  	s7 =	sor.u32 s5, s9;
	s15 =	sadd.s32 s11, s1;
	[dreg:$0xb] =	wrdreg s18  }
0x14: {  	s8 =	sadd.s32 $0x200, s8;
	s16 =	sadd.s32 s11, s2;
	[dreg:$0x9] =	wrdreg s15  }
0x15: {  	s5 =	sshll.u32 s5, $0x5;
	s10 =	sadd.s32 s17, s2;
	[dreg:$0xa] =	wrdreg s16  }
0x16: {  	s19 =	sadd.s32 s8, s1;
	s8 =	sadd.s32 s8, s2;
	[dreg:$0xc] =	wrdreg s10  }
0x17: {  	s23 =	sshll.u32 s7, $0x5;
	s26 =	sadd.s32 $0x2400, s4;
	[dreg:$0xd] =	wrdreg s19  }
0x18: {  	s22 =	sadd.s32 $0x2410, s4;
	s25 =	sor.u32 $0x40, s7;
	[dreg:$0xe] =	wrdreg s8  }
0x19: {  	s18 =	sadd.s32 s0, s23;
	s0 =	sadd.s32 s24, s0;
	[dreg:$0x13] =	wrdreg s26  }
0x1a: {  	s23 =	smax.u32 s6, $0x1;
	s26 =	sadd.s32 $0x2680, s1;
	s6 =	simm.s32 $0x0  }
0x1b: {  	s0 =	sadd.s32 s5, s0;
	s31 =	sadd.s32 $0x10, s18;
	s4 =	sadd.s32 $0x410, s18  }
0x1c: {  	v0 =	vimm.f32 $1.000000000e+00;
	v1 =	vimm.f32 $0.0e+00;
	s5 =	simm.s32 $0x6;
	s24 =	sadd.s32 $0x810, s0;
	s0 =	sadd.s32 $0x400, s18  }
.LBB2_1:
0x1d: {  	[tilespmem:$0x400] =	vst v0  }
0x1e: {  	[tilespmem:$0x480] =	vst v1  }
0x1f: {  	[tilespmem:$0x410] =	vst v0  }
0x20: {  	[tilespmem:$0x490] =	vst v1  }
0x21: {  	[tilespmem:$0x420] =	vst v0  }
0x22: {  	[tilespmem:$0x4A0] =	vst v1  }
0x23: {  	[tilespmem:$0x430] =	vst v0  }
0x24: {  	[tilespmem:$0x4B0] =	vst v1  }
0x25: {  	[tilespmem:$0x440] =	vst v0  }
0x26: {  	[tilespmem:$0x4C0] =	vst v1  }
0x27: {  	[tilespmem:$0x450] =	vst v0  }
0x28: {  	[tilespmem:$0x4D0] =	vst v1  }
0x29: {  	[tilespmem:$0x460] =	vst v0  }
0x2a: {  	[tilespmem:$0x4E0] =	vst v1  }
0x2b: {  	[tilespmem:$0x470] =	vst v0  }
0x2c: {  	[tilespmem:$0x4F0] =	vst v1;
	s7 =	simm.s32 @p1 $0x480;
	s8 =	rddreg [dreg:$0xf]  }
0x2d: {  	[spmem:s8] =	stream.linear.scatter @p1 [tilespmem:s7], [sflag:$0x7], $0x80, $0x38;
	[tilespmem:$0x9F0] =	vst v63  }
0x2e: {  	s8 =	simm.s32 @p1 $0x7  }
0x2f: {  	_ =	swait.ge @p1 [sflag:s8], $0x80  }
0x30: {  	[sflag:s8] =	ssyncset.done @p1 $0x0  }
0x31: {  	s9 =	rddreg [dreg:$0x10];
	[sflag:s8] =	ssyncadd.s32 @p1 $0xFFFFFF80  }
0x32: {  	[spmem:s9] =	stream.linear.scatter @p1 [tilespmem:s7], [sflag:$0x7], $0x80, $0x38;
	[tilespmem:$0x9F0] =	vst v63  }
0x33: {  	_ =	swait.ge @p1 [sflag:s8], $0x80  }
0x34: {  	[sflag:s8] =	ssyncset.done @p1 $0x0  }
0x35: {  	s9 =	rddreg [dreg:$0x11];
	[sflag:s8] =	ssyncadd.s32 @p1 $0xFFFFFF80  }
0x36: {  	[spmem:s9] =	stream.linear.scatter @p1 [tilespmem:s7], [sflag:$0x7], $0x80, $0x38;
	[tilespmem:$0x9F0] =	vst v63  }
0x37: {  	_ =	swait.ge @p1 [sflag:s8], $0x80  }
0x38: {  	[sflag:s8] =	ssyncset.done @p1 $0x0  }
0x39: {  	s9 =	rddreg [dreg:$0x12];
	[sflag:s8] =	ssyncadd.s32 @p1 $0xFFFFFF80  }
0x3a: {  	[spmem:s9] =	stream.linear.scatter @p1 [tilespmem:s7], [sflag:$0x7], $0x80, $0x38;
	[tilespmem:$0x9F0] =	vst v63  }
0x3b: {  	_ =	swait.ge @p1 [sflag:s8], $0x80  }
0x3c: {  	[sflag:s8] =	ssyncset.done @p1 $0x0  }
0x3d: {  	[sflag:s8] =	ssyncadd.s32 @p1 $0xFFFFFF80  }
0x3e: {  	[spmem:s26] =	stream.linear.scatter @p1 [tilespmem:s7], [sflag:$0x7], $0x80, $0x38;
	[tilespmem:$0x9F0] =	vst v63  }
0x3f: {  	_ =	swait.ge @p1 [sflag:s8], $0x80  }
0x40: {  	[sflag:s8] =	ssyncset.done @p1 $0x0  }
0x41: {  	[sflag:s8] =	ssyncadd.s32 @p1 $0xFFFFFF80  }
0x42: {  	[spmem:s28] =	stream.linear.scatter @p1 [tilespmem:s7], [sflag:$0x7], $0x80, $0x38;
	[tilespmem:$0x9F0] =	vst v63  }
0x43: {  	_ =	swait.ge @p1 [sflag:s8], $0x80  }
0x44: {  	[sflag:s8] =	ssyncset.done @p1 $0x0  }
0x45: {  	[sflag:s8] =	ssyncadd.s32 @p1 $0xFFFFFF80  }
0x46: {  	[spmem:s29] =	stream.linear.scatter @p1 [tilespmem:s7], [sflag:$0x7], $0x10, $0x38;
	[tilespmem:$0x9F0] =	vst v63  }
0x47: {  	_ =	swait.ge @p1 [sflag:s8], $0x10  }
0x48: {  	[sflag:s8] =	ssyncset.done @p1 $0x0  }
0x49: {  	[sflag:s8] =	ssyncadd.s32 @p1 $0xFFFFFFF0  }
0x4a: {  	[spmem:s30] =	stream.linear.scatter @p1 [tilespmem:s7], [sflag:$0x7], $0x10, $0x38;
	[tilespmem:$0x9F0] =	vst v63  }
0x4b: {  	_ =	swait.ge @p1 [sflag:s8], $0x10  }
0x4c: {  	[sflag:s8] =	ssyncset.done @p1 $0x0  }
0x4d: {  	s7 =	simm.s32 @!p1 $0x480;
	[sflag:s8] =	ssyncadd.s32 @p1 $0xFFFFFFF0;
	s8 =	rddreg [dreg:$0x5]  }
0x4e: {  	[spmem:s8] =	stream.linear.scatter @!p1 [tilespmem:s7], [sflag:$0x7], $0x80, $0x38;
	[tilespmem:$0x9F0] =	vst v63  }
0x4f: {  	s8 =	simm.s32 @!p1 $0x7  }
0x50: {  	_ =	swait.ge @!p1 [sflag:s8], $0x80  }
0x51: {  	[sflag:s8] =	ssyncset.done @!p1 $0x0  }
0x52: {  	s9 =	rddreg [dreg:$0x6];
	[sflag:s8] =	ssyncadd.s32 @!p1 $0xFFFFFF80  }
0x53: {  	[spmem:s9] =	stream.linear.scatter @!p1 [tilespmem:s7], [sflag:$0x7], $0x80, $0x38;
	[tilespmem:$0x9F0] =	vst v63  }
0x54: {  	_ =	swait.ge @!p1 [sflag:s8], $0x80  }
0x55: {  	[sflag:s8] =	ssyncset.done @!p1 $0x0  }
0x56: {  	s9 =	rddreg [dreg:$0x7];
	[sflag:s8] =	ssyncadd.s32 @!p1 $0xFFFFFF80  }
0x57: {  	[spmem:s9] =	stream.linear.scatter @!p1 [tilespmem:s7], [sflag:$0x7], $0x80, $0x38;
	[tilespmem:$0x9F0] =	vst v63  }
0x58: {  	_ =	swait.ge @!p1 [sflag:s8], $0x80  }
0x59: {  	[sflag:s8] =	ssyncset.done @!p1 $0x0  }
0x5a: {  	s9 =	rddreg [dreg:$0x8];
	[sflag:s8] =	ssyncadd.s32 @!p1 $0xFFFFFF80  }
0x5b: {  	[spmem:s9] =	stream.linear.scatter @!p1 [tilespmem:s7], [sflag:$0x7], $0x80, $0x38;
	[tilespmem:$0x9F0] =	vst v63  }
0x5c: {  	_ =	swait.ge @!p1 [sflag:s8], $0x80  }
0x5d: {  	[sflag:s8] =	ssyncset.done @!p1 $0x0  }
0x5e: {  	s9 =	rddreg [dreg:$0x9];
	[sflag:s8] =	ssyncadd.s32 @!p1 $0xFFFFFF80  }
0x5f: {  	[spmem:s9] =	stream.linear.scatter @!p1 [tilespmem:s7], [sflag:$0x7], $0x80, $0x38;
	[tilespmem:$0x9F0] =	vst v63  }
0x60: {  	_ =	swait.ge @!p1 [sflag:s8], $0x80  }
0x61: {  	[sflag:s8] =	ssyncset.done @!p1 $0x0  }
0x62: {  	s9 =	rddreg [dreg:$0xa];
	[sflag:s8] =	ssyncadd.s32 @!p1 $0xFFFFFF80  }
0x63: {  	[spmem:s9] =	stream.linear.scatter @!p1 [tilespmem:s7], [sflag:$0x7], $0x80, $0x38;
	[tilespmem:$0x9F0] =	vst v63  }
0x64: {  	_ =	swait.ge @!p1 [sflag:s8], $0x80  }
0x65: {  	[sflag:s8] =	ssyncset.done @!p1 $0x0  }
0x66: {  	s9 =	rddreg [dreg:$0xb];
	[sflag:s8] =	ssyncadd.s32 @!p1 $0xFFFFFF80  }
0x67: {  	[spmem:s9] =	stream.linear.scatter @!p1 [tilespmem:s7], [sflag:$0x7], $0x80, $0x38;
	[tilespmem:$0x9F0] =	vst v63  }
0x68: {  	_ =	swait.ge @!p1 [sflag:s8], $0x80  }
0x69: {  	[sflag:s8] =	ssyncset.done @!p1 $0x0  }
0x6a: {  	s9 =	rddreg [dreg:$0xc];
	[sflag:s8] =	ssyncadd.s32 @!p1 $0xFFFFFF80  }
0x6b: {  	[spmem:s9] =	stream.linear.scatter @!p1 [tilespmem:s7], [sflag:$0x7], $0x80, $0x38;
	[tilespmem:$0x9F0] =	vst v63  }
0x6c: {  	_ =	swait.ge @!p1 [sflag:s8], $0x80  }
0x6d: {  	[sflag:s8] =	ssyncset.done @!p1 $0x0  }
0x6e: {  	s9 =	rddreg [dreg:$0xd];
	[sflag:s8] =	ssyncadd.s32 @!p1 $0xFFFFFF80  }
0x6f: {  	[spmem:s9] =	stream.linear.scatter @!p1 [tilespmem:s7], [sflag:$0x7], $0x80, $0x38;
	[tilespmem:$0x9F0] =	vst v63  }
0x70: {  	_ =	swait.ge @!p1 [sflag:s8], $0x80  }
0x71: {  	[sflag:s8] =	ssyncset.done @!p1 $0x0  }
0x72: {  	s9 =	rddreg [dreg:$0xe];
	[sflag:s8] =	ssyncadd.s32 @!p1 $0xFFFFFF80  }
0x73: {  	[spmem:s9] =	stream.linear.scatter @!p1 [tilespmem:s7], [sflag:$0x7], $0x80, $0x38;
	[tilespmem:$0x9F0] =	vst v63  }
0x74: {  	_ =	swait.ge @!p1 [sflag:s8], $0x80  }
0x75: {  	[sflag:s8] =	ssyncset.done @!p1 $0x0  }
0x76: {  	[sflag:s8] =	ssyncadd.s32 @!p1 $0xFFFFFF80  }
0x77: {  	[bflag:$0x0] =	sbarrier.arrive $0xFFFF  }
0x78: {  	[tilespmem:s3], [sflag:$0x1] =	stream.linear.gather [hbm4b:s18+s3], $0x80, $0x38;
	[tilespmem:$0x9F0] =	vst v63  }
0x79: {  	s16 =	simm.s32 $0x200;
	p4 =	por $0x1, $0x1  }
0x7a: {  	[tilespmem:s16], [sflag:$0x1] =	stream.linear.gather [hbm4b:s31+s3], $0x80, $0x38;
	[tilespmem:$0x9F0] =	vst v63  }
0x7b: {  	s17 =	simm.s32 $0x80;
	s7 =	sand.u32 @!p4 $0x1, s3  }
0x7c: {  	[tilespmem:s17], [sflag:$0x2] =	stream.linear.gather [hbm4b:s0+s3], $0x80, $0x38;
	[tilespmem:$0x9F0] =	vst v63  }
0x7d: {  	s19 =	simm.s32 $0x280;
	s7 =	sadd.s32 @!p4 $0x5, s7  }
0x7e: {  	[tilespmem:s19], [sflag:$0x2] =	stream.linear.gather [hbm4b:s4+s3], $0x80, $0x38;
	[tilespmem:$0x9F0] =	vst v63  }
0x7f: {  	s21 =	sadd.s32 $0x0, s25;
	_ =	swait.ge @!p4 [sflag:s7], $0x80  }
0x80: {  	p3 =	sle.u32 s20, $0x0;
	p5 =	sgt.u32 s21, $0x9C3;
	[sflag:s7] =	ssyncset.done @!p4 $0x0  }
0x81: {  	s10 =	sand.u32 @!p3 $0x3, s3;
	s8 =	simm.s32 $0x2;
	[sflag:s7] =	ssyncadd.s32 @!p4 $0xFFFFFF80  }
0x82: {  	s14 =	simm.s32 @!p3 $0x400;
	s8 =	sand.u32 @!p5 $0x3, s8;
	_ =	swait.ge @!p4 [sflag:s7], $0x80  }
0x83: {  	s9 =	sadd.s32 @!p5 $0xFFFFFFF0, s24;
	s12 =	sadd.s32 @!p5 $0x1, s8;
	[sflag:s7] =	ssyncset.done @!p4 $0x0  }
0x84: {  	s8 =	sshll.u32 @!p5 s8, $0x7;
	[sflag:s7] =	ssyncadd.s32 @!p4 $0xFFFFFF80;
	s7 =	simm.s32 @!p5 $0x0  }
0x85: {  	[tilespmem:s8], [sflag:s12] =	stream.linear.gather @!p5 [hbm4b:s9+s7], $0x80, $0x38;
	[tilespmem:$0x9F0] =	vst v63  }
0x86: {  	s15 =	simm.s32 @!p3 $0x80;
	s11 =	sadd.s32 @!p3 $0x1, s10;
	s8 =	sor.u32 @!p5 $0x200, s8  }
0x87: {  	[tilespmem:s8], [sflag:s12] =	stream.linear.gather @!p5 [hbm4b:s24+s7], $0x80, $0x38;
	[tilespmem:$0x9F0] =	vst v63  }
0x88: {  	p4 =	por $0x1, $0x1;
	s9 =	simm.s32 $0x2;
	_ =	swait.ge @!p3 [sflag:s11], $0x80  }
0x89: {  	s7 =	simm.s32 $0x1;
	s12 =	sshll.u32 @!p3 s10, $0x7;
	[sflag:s11] =	ssyncset.done @!p3 $0x0  }
0x8a: {  	s10 =	sand.u32 @!p3 $0x1, s3;
	s8 =	sadd.s32 $0x400, s24;
	[sflag:s11] =	ssyncadd.s32 @!p3 $0xFFFFFF80  }
0x8b: {  	s13 =	sor.u32 @!p3 $0x200, s12;
	s16 =	sand.u32 @!p4 $0x1, s7;
	_ =	swait.ge @!p3 [sflag:s11], $0x80  }
0x8c: {  	s17 =	sadd.s32 @!p3 $0x5, s10;
	s10 =	simm.s32 $0x0;
	[sflag:s11] =	ssyncset.done @!p3 $0x0  }
.LBB2_2:
0x8d: {  	[sflag:s11] =	ssyncadd.s32 @!p3 $0xFFFFFF80  }
0x8e: {  	s10 =	sadd.s32 $0x20, s10;
	s19 =	smov.u32 s9;
	s9 =	sadd.s32 $0x1, s9  }
0x8f: {  	[spmem:s1] =	stream.indirect.scatter.add.f32 @!p3 [tilespmem:s14], [sflag:s17], $0x1, s12, s15, $0xb8;
	[tilespmem:$0x9F0] =	vst v63  }
0x90: {  	s11 =	sadd.s32 @!p4 $0x5, s16;
	p5 =	sne.s32 s9, $0x4F  }
0x91: {  	[spmem:s2] =	stream.indirect.scatter.add.f32 @!p3 [tilespmem:s14], [sflag:s17], $0x1, s13, s15, $0xb8;
	[tilespmem:$0x9F0] =	vst v63  }
0x92: {  	s12 =	sadd.s32 $0x2, s7;
	_ =	swait.ge @!p4 [sflag:s11], $0x80  }
0x93: {  	s13 =	sadd.s32 s10, s25;
	p3 =	sge.u32 s10, s20;
	[sflag:s11] =	ssyncset.done @!p4 $0x0  }
0x94: {  	p6 =	sgt.u32 s13, $0x9C3;
	s13 =	sand.u32 @!p3 $0x3, s7;
	[sflag:s11] =	ssyncadd.s32 @!p4 $0xFFFFFF80  }
0x95: {  	s12 =	sand.u32 @!p6 $0x3, s12;
	s14 =	sadd.s32 @!p6 $0xFFFFFFF0, s8;
	_ =	swait.ge @!p4 [sflag:s11], $0x80  }
0x96: {  	s15 =	sadd.s32 @!p6 $0x1, s12;
	s12 =	sshll.u32 @!p6 s12, $0x7;
	[sflag:s11] =	ssyncset.done @!p4 $0x0  }
0x97: {  	s16 =	simm.s32 @!p6 $0x0;
	s17 =	sor.u32 @!p6 $0x200, s12;
	[sflag:s11] =	ssyncadd.s32 @!p4 $0xFFFFFF80  }
0x98: {  	[tilespmem:s12], [sflag:s15] =	stream.linear.gather @!p6 [hbm4b:s14+s16], $0x80, $0x38;
	[tilespmem:$0x9F0] =	vst v63  }
0x99: {  	s21 =	sand.u32 @!p3 $0x1, s7;
	s11 =	sadd.s32 @!p3 $0x1, s13;
	s12 =	sshll.u32 @!p3 s13, $0x7  }
0x9a: {  	[tilespmem:s17], [sflag:s15] =	stream.linear.gather @!p6 [hbm4b:s8+s16], $0x80, $0x38;
	[tilespmem:$0x9F0] =	vst v63  }
.Ltmp0:
0x9b: {  	s13 =	sor.u32 @!p3 $0x200, s12;
	_ =	swait.ge @!p3 [sflag:s11], $0x80;
	(pc) =	sbr.rel @p5 .LBB2_2-.Ltmp0, $4  }
0x9c: {  	s7 =	smov.u32 s19;
	[sflag:s11] =	ssyncset.done @!p3 $0x0  }
0x9d: {  	s14 =	simm.s32 @!p3 $0x400;
	s8 =	sadd.s32 $0x400, s8;
	[sflag:s11] =	ssyncadd.s32 @!p3 $0xFFFFFF80  }
0x9e: {  	p4 =	slt.u32 s7, $0x2;
	s15 =	simm.s32 @!p3 $0x80;
	_ =	swait.ge @!p3 [sflag:s11], $0x80  }
0x9f: {  	s16 =	sand.u32 @!p4 $0x1, s7;
	s17 =	sadd.s32 @!p3 $0x5, s21;
	[sflag:s11] =	ssyncset.done @!p3 $0x0  }
0xa0: {  	[sflag:s11] =	ssyncadd.s32 @!p3 $0xFFFFFF80  }
0xa1: {  	[spmem:s1] =	stream.indirect.scatter.add.f32 @!p3 [tilespmem:s14], [sflag:s17], $0x1, s12, s15, $0xb8;
	[tilespmem:$0x9F0] =	vst v63  }
0xa2: {  	s9 =	sadd.s32 @!p4 $0x5, s16  }
0xa3: {  	[spmem:s2] =	stream.indirect.scatter.add.f32 @!p3 [tilespmem:s14], [sflag:s17], $0x1, s13, s15, $0xb8;
	[tilespmem:$0x9F0] =	vst v63  }
0xa4: {  	s10 =	sadd.s32 $0x20, s10;
	_ =	swait.ge @!p4 [sflag:s9], $0x80  }
0xa5: {  	s11 =	sadd.s32 $0x2, s7;
	s21 =	sadd.s32 s10, s25;
	[sflag:s9] =	ssyncset.done @!p4 $0x0  }
0xa6: {  	p5 =	sgt.u32 s21, $0x9C3;
	p3 =	sge.u32 s10, s20;
	[sflag:s9] =	ssyncadd.s32 @!p4 $0xFFFFFF80  }
0xa7: {  	s11 =	sand.u32 @!p5 $0x3, s11;
	s12 =	sadd.s32 @!p5 $0xFFFFFFF0, s8;
	_ =	swait.ge @!p4 [sflag:s9], $0x80  }
0xa8: {  	s10 =	sand.u32 @!p3 $0x3, s7;
	s13 =	sadd.s32 @!p5 $0x1, s11;
	[sflag:s9] =	ssyncset.done @!p4 $0x0  }
0xa9: {  	s11 =	sshll.u32 @!p5 s11, $0x7;
	[sflag:s9] =	ssyncadd.s32 @!p4 $0xFFFFFF80;
	s9 =	simm.s32 @!p5 $0x0  }
0xaa: {  	[tilespmem:s11], [sflag:s13] =	stream.linear.gather @!p5 [hbm4b:s12+s9], $0x80, $0x38;
	[tilespmem:$0x9F0] =	vst v63  }
0xab: {  	s11 =	sor.u32 @!p5 $0x200, s11;
	s12 =	sadd.s32 @!p3 $0x1, s10  }
0xac: {  	[tilespmem:s11], [sflag:s13] =	stream.linear.gather @!p5 [hbm4b:s8+s9], $0x80, $0x38;
	[tilespmem:$0x9F0] =	vst v63  }
0xad: {  	_ =	swait.ge @!p3 [sflag:s12], $0x80  }
0xae: {  	[sflag:s12] =	ssyncset.done @!p3 $0x0  }
0xaf: {  	[sflag:s12] =	ssyncadd.s32 @!p3 $0xFFFFFF80  }
0xb0: {  	s7 =	sand.u32 @!p3 $0x1, s7;
	_ =	swait.ge @!p3 [sflag:s12], $0x80  }
0xb1: {  	s7 =	sadd.s32 @!p3 $0x5, s7;
	s8 =	sshll.u32 @!p3 s10, $0x7;
	[sflag:s12] =	ssyncset.done @!p3 $0x0  }
0xb2: {  	s9 =	simm.s32 @!p3 $0x400;
	s10 =	simm.s32 @!p3 $0x80;
	[sflag:s12] =	ssyncadd.s32 @!p3 $0xFFFFFF80  }
0xb3: {  	[spmem:s1] =	stream.indirect.scatter.add.f32 @!p3 [tilespmem:s9], [sflag:s7], $0x1, s8, s10, $0xb8;
	[tilespmem:$0x9F0] =	vst v63  }
0xb4: {  	s8 =	sor.u32 @!p3 $0x200, s8  }
0xb5: {  	[spmem:s2] =	stream.indirect.scatter.add.f32 @!p3 [tilespmem:s9], [sflag:s7], $0x1, s8, s10, $0xb8;
	[tilespmem:$0x9F0] =	vst v63  }
0xb6: {  	_ =	swait.ge [sflag:s5], $0x80  }
0xb7: {  	[sflag:s5] =	ssyncset.done $0x0  }
0xb8: {  	[sflag:s5] =	ssyncadd.s32 $0xFFFFFF80  }
0xb9: {  	_ =	swait.ge [sflag:s5], $0x80  }
0xba: {  	[sflag:s5] =	ssyncset.done $0x0  }
0xbb: {  	s7 =	simm.s32 @p0 $0x5;
	[sflag:s5] =	ssyncadd.s32 $0xFFFFFF80  }
0xbc: {  	_ =	swait.ge @p0 [sflag:s7], $0x80  }
0xbd: {  	[sflag:s7] =	ssyncset.done @p0 $0x0  }
0xbe: {  	[sflag:s7] =	ssyncadd.s32 @p0 $0xFFFFFF80  }
0xbf: {  	_ =	swait.ge @p0 [sflag:s7], $0x80  }
0xc0: {  	[sflag:s7] =	ssyncset.done @p0 $0x0  }
0xc1: {  	s11 =	simm.s32 @!p2 $0x1C07;
	[sflag:s7] =	ssyncadd.s32 @p0 $0xFFFFFF80  }
0xc2: {  	s8 =	simm.s32 @!p2 $0x1;
	s9 =	simm.s32 @!p2 $0x20;
	[bflag:$0x0] =	sbarrier.arrive @p0 $0xFFFF  }
0xc3: {  	s10 =	simm.s32 @!p2 $0x10;
	s7 =	sshrl.u32 @!p2 s1, $0x3;
	s12 =	rddreg [dreg:$0x13]  }
0xc4: {  	[hbm:s12@s9], [sflag:s11] =	dma.strided @!p2 [spmem:s7@s10], $0x4F0, s8, $0x10   }
0xc5: {  	s7 =	simm.s32 @!p2 $0x7  }
0xc6: {  	_ =	swait.ge @!p2 [sflag:s7], $0x4F0  }
0xc7: {  	s6 =	sadd.s32 $0x1, s6;
	[sflag:s7] =	ssyncset.done @!p2 $0x0  }
0xc8: {  	p3 =	sne.s32 s6, s23;
	s12 =	sshrl.u32 @!p2 s2, $0x3;
	[sflag:s7] =	ssyncadd.s32 @!p2 $0xFFFFFB10  }
0xc9: {  	[hbm:s22@s9], [sflag:s11] =	dma.strided @!p2 [spmem:s12@s10], $0x4F0, s8, $0x10   }
.Ltmp1:
0xca: {  	_ =	swait.ge @!p2 [sflag:s7], $0x4F0;
	(pc) =	sbr.rel @p3 .LBB2_1-.Ltmp1, $3  }
0xcb: {  	[sflag:s7] =	ssyncset.done @!p2 $0x0  }
0xcc: {  	[sflag:s7] =	ssyncadd.s32 @!p2 $0xFFFFFB10  }
0xcd: {  	[bflag:$0x0] =	sbarrier.arrive @!p0 $0xFFFF;
	_ =	sdelay $0x1  }
0xce: {  	_ =	sfence.sel $0x180000  }
0xcf: {  	[bflag:$0x0] =	sbarrier.arrive $0xFFFF  }
0xd0: {  	_ =	strace $0x90000047  }
0xd1: {  	s0 =	stileid.u32;
	[bflag:$0x2] =	sbarrier.arrive $0xFFFF  }
0xd2: {  	p0 =	sne.s32 s0, $0x0;
	s0 =	rddreg [dreg:$0x4]  }
0xd3: {  	s0 =	sadd.s32 @!p0 $0x100000, s0  }
0xd4: {  	[sflag:s0] =	ssyncadd.tile.s32 @!p0 $0x1;
	_ =	shalt  }
.Lfunc_end2:
_tile_overlayer_lowered:
.L_overlay_start_2:
0xd5: {  	(tag) =	ssettag $0x2  }
0xd6: {  	s0 =	rddreg [dreg:$0x0];
	s2 =	stileid.u32  }
0xd7: {  	s1 =	rddreg [dreg:$0x1];
	p0 =	sne.s32 s2, $0x0  }
0xd8: {  	s3 =	rddreg [dreg:$0x2];
	[bflag:$0x3] =	sbarrier.arrive $0xFFFF;
	s2 =	simm.s32 @!p0 $0x1C07  }
0xd9: {  	[timem:s3], [sflag:s2] =	dma.local @!p0 [hbm:s0], s1  }
0xda: {  	s0 =	simm.s32 @!p0 $0x7  }
0xdb: {  	_ =	swait.ge @!p0 [sflag:s0], s1  }
0xdc: {  	s1 =	ssub.s32 @!p0 $0x0, s1;
	[sflag:s0] =	ssyncset.done @!p0 $0x0  }
0xdd: {  	[sflag:s0] =	ssyncadd.s32 @!p0 s1  }
0xde: {  	[bflag:$0x3] =	sbarrier.arrive $0xFFFF  }
0xdf: {  	_ =	shalt  }

</sc_bundles>
